<compile_context>
chip_gen: v7x
topology: tpu7x:2x2x1
jax: 0.10.2.dev20260603
libtpu: 0.0.44.dev20260713+nightly
codegen_flags: <defaults>
</compile_context>

<pallas_src>
import dataclasses
import functools
import jax
import jax.numpy as jnp
from jax import lax
from jax.experimental import pallas as pl
from jax.experimental.pallas import tpu as pltpu
from jax.experimental.pallas import tpu_sc as plsc

KNB = 16
HIDD = 128
EDGED = HIDD * 2 + 3
NCHUNK = 512
LANES = 16
NC, NS = 2, 16
NW = NC * NS



def _chunkmin_kernel(xyzb_ref, xyzt_ref, m_ref, d2_ref):
    R = xyzb_ref.shape[0]
    x0 = xyzb_ref[:, 0:1]
    x1 = xyzb_ref[:, 1:2]
    x2 = xyzb_ref[:, 2:3]
    sqr = (x0 * x0 + x1 * x1) + x2 * x2
    y0 = xyzt_ref[0:1, :]
    y1 = xyzt_ref[1:2, :]
    y2 = xyzt_ref[2:3, :]
    sqc = (y0 * y0 + y1 * y1) + y2 * y2
    xb = xyzb_ref[...].astype(jnp.bfloat16)
    yb = xyzt_ref[...].astype(jnp.bfloat16)
    p = jnp.dot(xb, yb, preferred_element_type=jnp.float32)
    d2 = (sqr + sqc) - 2.0 * p
    d2_ref[...] = d2
    m_ref[...] = jnp.min(d2.reshape(R, LANES, NCHUNK), axis=1)


def _chunk_mins(xyz2, xyzt, interpret=False):
    N = xyz2.shape[0]
    R = 256
    return pl.pallas_call(
        _chunkmin_kernel,
        grid=(N // R,),
        in_specs=[
            pl.BlockSpec((R, 3), lambda i: (i, 0)),
            pl.BlockSpec((3, N), lambda i: (0, 0)),
        ],
        out_specs=[
            pl.BlockSpec((R, NCHUNK), lambda i: (i, 0)),
            pl.BlockSpec((R, N), lambda i: (i, 0)),
        ],
        out_shape=[
            jax.ShapeDtypeStruct((N, NCHUNK), jnp.float32),
            jax.ShapeDtypeStruct((N, N), jnp.float32),
        ],
        interpret=interpret,
    )(xyz2, xyzt)



def _merge_sorted(ak, av, bk, bv):
    bk2 = lax.rev(bk, (0,))
    bv2 = lax.rev(bv, (0,))
    take_b = bk2 < ak
    mk = jnp.where(take_b, bk2, ak)
    mv = jnp.where(take_b, bv2, av)
    return plsc.sort_key_val(mk, mv)


def _tree_top16(leaves):
    while len(leaves) > 1:
        nxt = []
        for i in range(0, len(leaves) - 1, 2):
            nxt.append(_merge_sorted(*leaves[i], *leaves[i + 1]))
        if len(leaves) % 2:
            nxt.append(leaves[-1])
        leaves = nxt
    return leaves[0]


def _splat(vec, j):
    dnums = lax.GatherDimensionNumbers(
        offset_dims=(), collapsed_slice_dims=(0,), start_index_map=(0,))
    idxvec = jnp.full((LANES, 1), j, jnp.int32)
    return lax.gather(vec, idxvec, dnums, slice_sizes=(1,),
                      mode=lax.GatherScatterMode.PROMISE_IN_BOUNDS)


def _topk_sc(m, d2, xs, ys, zs):
    N = m.shape[0]
    rows_per = N // NW
    mesh = plsc.VectorSubcoreMesh(core_axis_name="core",
                                  subcore_axis_name="subcore")

    cp = pltpu.CompilerParams()
    if "needs_layout_passes" in pltpu.CompilerParams.__dataclass_fields__:
        cp = dataclasses.replace(cp, needs_layout_passes=False)

    @functools.partial(
        pl.kernel,
        out_type=(jax.ShapeDtypeStruct((N, KNB), jnp.int32),
                  jax.ShapeDtypeStruct((N, 3 * KNB), jnp.float32)),
        mesh=mesh,
        compiler_params=cp,
        scratch_types=[
            pltpu.VMEM((16, NCHUNK), jnp.float32),
            pltpu.VMEM((N,), jnp.float32),
            pltpu.VMEM((N,), jnp.float32),
            pltpu.VMEM((N,), jnp.float32),
            pltpu.VMEM((N,), jnp.float32),
            pltpu.VMEM((N,), jnp.float32),
            pltpu.VMEM((rows_per, KNB), jnp.int32),
            pltpu.VMEM((rows_per, 3 * KNB), jnp.float32),
            pltpu.SemaphoreType.DMA,
            pltpu.SemaphoreType.DMA,
        ],
    )
    def k(m_hbm, d2_hbm, xs_hbm, ys_hbm, zs_hbm, idx_hbm, dxyz_hbm,
          m_v, row_a, row_b, xs_v, ys_v, zs_v, idx_v, dxyz_v, sem_a, sem_b):
        wid = lax.axis_index("subcore") * NC + lax.axis_index("core")
        base = wid * rows_per
        pltpu.sync_copy(xs_hbm, xs_v)
        pltpu.sync_copy(ys_hbm, ys_v)
        pltpu.sync_copy(zs_hbm, zs_v)
        iota = lax.iota(jnp.int32, LANES)

        def process(gl, buf):
            leaves = []
            for c in range(NCHUNK // LANES):
                v = m_v[gl % 16, pl.ds(c * LANES, LANES)]
                leaves.append(plsc.sort_key_val(v, c * LANES + iota))
            rk, rv = _tree_top16(leaves)
            leaves = []
            for j in range(KNB):
                cj = _splat(rv, j)
                cols = cj + NCHUNK * iota
                d2v = plsc.load_gather(buf, [cols])
                leaves.append(plsc.sort_key_val(d2v, cols))
            fk, fv = _tree_top16(leaves)
            idx_v[gl, :] = fv
            r = base + gl
            rfull = jnp.full((LANES,), r, jnp.int32)
            cx = plsc.load_gather(xs_v, [rfull])
            cy = plsc.load_gather(ys_v, [rfull])
            cz = plsc.load_gather(zs_v, [rfull])
            gx = plsc.load_gather(xs_v, [fv])
            gy = plsc.load_gather(ys_v, [fv])
            gz = plsc.load_gather(zs_v, [fv])
            dxyz_v[gl, pl.ds(0, LANES)] = gx - cx
            dxyz_v[gl, pl.ds(LANES, LANES)] = gy - cy
            dxyz_v[gl, pl.ds(2 * LANES, LANES)] = gz - cz

        @pl.loop(0, rows_per // 16)
        def _(t):
            pltpu.sync_copy(m_hbm.at[pl.ds(base + t * 16, 16)], m_v)
            pltpu.async_copy(d2_hbm.at[base + t * 16], row_a, sem_a)

            @pl.loop(0, 8)
            def _(p):
                g0 = t * 16 + 2 * p
                r0 = base + g0
                pltpu.make_async_copy(d2_hbm.at[r0], row_a, sem_a).wait()
                pltpu.async_copy(d2_hbm.at[r0 + 1], row_b, sem_b)
                process(g0, row_a)
                pltpu.make_async_copy(d2_hbm.at[r0 + 1], row_b, sem_b).wait()

                @pl.when(2 * p + 2 < 16)
                def _():
                    pltpu.async_copy(d2_hbm.at[r0 + 2], row_a, sem_a)

                process(g0 + 1, row_b)

        pltpu.sync_copy(idx_v, idx_hbm.at[pl.ds(base, rows_per)])
        pltpu.sync_copy(dxyz_v, dxyz_hbm.at[pl.ds(base, rows_per)])

    return k(m, d2, xs, ys, zs)



def _gather_sc(table, idx_flat):
    NE = idx_flat.shape[0]
    D = table.shape[1]
    W = 128
    mesh = plsc.VectorSubcoreMesh(core_axis_name="core",
                                  subcore_axis_name="subcore")
    idx2 = idx_flat.reshape(1, NE)

    @functools.partial(
        pl.kernel,
        out_type=jax.ShapeDtypeStruct((NE, D), table.dtype),
        mesh=mesh,
    )
    def k(tab_hbm, i_hbm, o_hbm):
        def body(i_vmem, o_vmem):
            pltpu.sync_copy(tab_hbm.at[i_vmem.at[0]], o_vmem)

        pltpu.emit_pipeline(
            body,
            grid=(NE // W,),
            in_specs=[pl.BlockSpec((1, W), lambda i: (0, i))],
            out_specs=[pl.BlockSpec((W, D), lambda i: (i, 0))],
            core_axis_name=("core", "subcore"),
            dimension_semantics=(pltpu.PARALLEL,),
        )(i_hbm, o_hbm)

    return k(table, idx2)



def _mlp_kernel(h_ref, dxyz_ref, neigh_ref, wac_ref, wan_ref, wax_ref,
                ba1_ref, wa2_ref, wmc_ref, wmn_ref, wmx_ref, bm1_ref,
                wm2t_ref, bm2_ref, out_ref):
    R = h_ref.shape[0]
    E = R * KNB
    f32 = jnp.float32
    c_h = h_ref[...]
    n_h = neigh_ref[...]
    dr = dxyz_ref[...]
    dxyz = [dr[:, d:d + 1] for d in range(3)]

    pa = jnp.dot(c_h, wac_ref[...], preferred_element_type=f32)
    a_pre = (jnp.broadcast_to(pa[:, None, :], (R, KNB, EDGED)).reshape(E, EDGED)
             + jnp.dot(n_h, wan_ref[...], preferred_element_type=f32)
             + ba1_ref[...])
    for d in range(3):
        a_pre = a_pre + dxyz[d] * wax_ref[d:d + 1, :]
    a = jnp.maximum(a_pre, 0.0)
    scores = jnp.sum(a * wa2_ref[...], axis=1).reshape(R, KNB)
    smax = jnp.max(scores, axis=1, keepdims=True)
    sexp = jnp.exp(scores - smax)
    alpha = sexp / jnp.sum(sexp, axis=1, keepdims=True)

    pm = jnp.dot(c_h, wmc_ref[...], preferred_element_type=f32)
    m_pre = (jnp.broadcast_to(pm[:, None, :], (R, KNB, HIDD)).reshape(E, HIDD)
             + jnp.dot(n_h, wmn_ref[...], preferred_element_type=f32)
             + bm1_ref[...])
    for d in range(3):
        m_pre = m_pre + dxyz[d] * wmx_ref[d:d + 1, :]
    m = jnp.maximum(m_pre, 0.0)
    msg_flat = jnp.dot(m, wm2t_ref[...], preferred_element_type=f32) + bm2_ref[...]
    wmsg = msg_flat * alpha.reshape(E, 1)
    msg = jnp.sum(wmsg.reshape(R, KNB, HIDD), axis=1)
    out_ref[...] = c_h + msg


def _edge_mlp(h2, dxyz, neigh, W_a1, b_a1, W_a2, b_a2, W_m1, b_m1, W_m2,
              b_m2, interpret=False):
    N = h2.shape[0]
    R = 256
    grid = (N // R,)
    wac = (W_a1[:, :HIDD] - W_a1[:, HIDD:2 * HIDD]).T
    wan = W_a1[:, HIDD:2 * HIDD].T
    wax = W_a1[:, 2 * HIDD:].T
    wmc = (W_m1[:, :HIDD] - W_m1[:, HIDD:2 * HIDD]).T
    wmn = W_m1[:, HIDD:2 * HIDD].T
    wmx = W_m1[:, 2 * HIDD:].T
    wm2t = W_m2.T
    full = lambda shape: pl.BlockSpec(shape, lambda i: (0, 0))
    return pl.pallas_call(
        _mlp_kernel,
        grid=grid,
        in_specs=[
            pl.BlockSpec((R, HIDD), lambda i: (i, 0)),
            pl.BlockSpec((R * KNB, 3), lambda i: (i, 0)),
            pl.BlockSpec((R * KNB, HIDD), lambda i: (i, 0)),
            full((HIDD, EDGED)),
            full((HIDD, EDGED)),
            full((3, EDGED)),
            full((1, EDGED)),
            full((1, EDGED)),
            full((HIDD, HIDD)),
            full((HIDD, HIDD)),
            full((3, HIDD)),
            full((1, HIDD)),
            full((HIDD, HIDD)),
            full((1, HIDD)),
        ],
        out_specs=pl.BlockSpec((R, HIDD), lambda i: (i, 0)),
        out_shape=jax.ShapeDtypeStruct((N, HIDD), jnp.float32),
        interpret=interpret,
    )(h2, dxyz, neigh, wac, wan, wax, b_a1.reshape(1, EDGED), W_a2,
      wmc, wmn, wmx, b_m1.reshape(1, HIDD), wm2t, b_m2.reshape(1, HIDD))



def kernel(xyz, h, W_a1, b_a1, W_a2, b_a2, W_m1, b_m1, W_m2, b_m2):
    B, N, C = h.shape
    xyz2 = xyz[0]
    h2 = h[0]
    xyzt = xyz2.T

    m, d2 = _chunk_mins(xyz2, xyzt)
    idx, dxyz = _topk_sc(m, d2, xyzt[0], xyzt[1], xyzt[2])
    neigh = _gather_sc(h2, idx.reshape(-1))
    dxyz_e = dxyz.reshape(N, 3, KNB).transpose(0, 2, 1).reshape(N * KNB, 3)

    out = _edge_mlp(h2, dxyz_e, neigh, W_a1, b_a1, W_a2, b_a2,
                    W_m1, b_m1, W_m2, b_m2)
    return out[None]

# --- scband reference (transcript-rebuilt; emitter-appended) ---
"""Pipeline reference for scband-graph-topo-layer-22110491640201 (READ-ONLY COPY).

The authoritative reference and input builder live on the scoring server;
editing this copy changes nothing except your own understanding.
"""

import jax, jax.numpy as jnp
import numpy as np

K = 16
HID = 128
EDGE = HID * 2 + 3


def setup_inputs(seed: int = 0) -> dict:
    key = jax.random.key(seed)
    ks = jax.random.split(key, 8)
    B, N = 1, 8192
    s = 0.05
    xyz = jax.random.normal(ks[0], (B, N, 3), dtype=jnp.float32)
    h = jax.random.normal(ks[1], (B, N, HID), dtype=jnp.float32)
    W_a1 = jax.random.normal(ks[2], (EDGE, EDGE), dtype=jnp.float32) * s
    b_a1 = jnp.zeros((EDGE,), dtype=jnp.float32)
    W_a2 = jax.random.normal(ks[3], (1, EDGE), dtype=jnp.float32) * s
    b_a2 = jnp.zeros((1,), dtype=jnp.float32)
    W_m1 = jax.random.normal(ks[4], (HID, EDGE), dtype=jnp.float32) * s
    b_m1 = jnp.zeros((HID,), dtype=jnp.float32)
    W_m2 = jax.random.normal(ks[5], (HID, HID), dtype=jnp.float32) * s
    b_m2 = jnp.zeros((HID,), dtype=jnp.float32)
    return {"xyz": xyz, "h": h, "W_a1": W_a1, "b_a1": b_a1, "W_a2": W_a2, "b_a2": b_a2, "W_m1": W_m1, "b_m1": b_m1, "W_m2": W_m2, "b_m2": b_m2}


def reference(xyz, h, W_a1, b_a1, W_a2, b_a2, W_m1, b_m1, W_m2, b_m2):
    B, N, C = h.shape
    # kNN graph on xyz: squared pairwise distances, then top-k smallest
    sq = jnp.sum(xyz * xyz, axis=-1)  # (B, N)
    d2 = sq[:, :, None] + sq[:, None, :] - 2.0 * jnp.einsum('bnd,bmd->bnm', xyz, xyz)  # (B, N, N)
    idx = jax.lax.top_k(-d2, K)[1]  # (B, N, K) int32 neighbor indices
    gather = jax.vmap(lambda arr, ii: jnp.take(arr, ii, axis=0))
    neigh_h = gather(h, idx)        # (B, N, K, C)
    neigh_xyz = gather(xyz, idx)    # (B, N, K, 3)
    center_h = jnp.broadcast_to(h[:, :, None, :], (B, N, K, C))
    center_xyz = jnp.broadcast_to(xyz[:, :, None, :], (B, N, K, 3))
    edge_feat = jnp.concatenate([center_h, neigh_h - center_h, neigh_xyz - center_xyz], axis=-1)  # (B,N,K,EDGE)
    a = jax.nn.relu(edge_feat @ W_a1.T + b_a1)
    scores = (a @ W_a2.T + b_a2)[..., 0]  # (B, N, K)
    alpha = jax.nn.softmax(scores, axis=-1)
    m = jax.nn.relu(edge_feat @ W_m1.T + b_m1)
    msg_flat = m @ W_m2.T + b_m2  # (B, N, K, C)
    msg = jnp.sum(alpha[..., None] * msg_flat, axis=2)  # (B, N, C)
    return h + msg

if __name__ == "__main__":
    import jax
    _d = setup_inputs()
    print(jax.jit(kernel)(*tuple(_d.values())))

</pallas_src>

<mosaic_0001>
#map = affine_map<(d0, d1) -> (0, 0)>
#map1 = affine_map<(d0, d1) -> (0)>
module attributes {stable_mosaic.version = 14 : i64} {
  func.func @k(%arg0: i32, %arg1: i32, %arg2: memref<8192x512xf32, #tpu.memory_space<hbm>>, %arg3: memref<8192x8192xf32, #tpu.memory_space<hbm>>, %arg4: memref<8192xf32, #tpu.memory_space<hbm>>, %arg5: memref<8192xf32, #tpu.memory_space<hbm>>, %arg6: memref<8192xf32, #tpu.memory_space<hbm>>, %arg7: memref<8192x16xi32, #tpu.memory_space<hbm>>, %arg8: memref<8192x48xf32, #tpu.memory_space<hbm>>, %arg9: memref<16x512xf32, #tpu.memory_space<vmem>>, %arg10: memref<8192xf32, #tpu.memory_space<vmem>>, %arg11: memref<8192xf32, #tpu.memory_space<vmem>>, %arg12: memref<8192xf32, #tpu.memory_space<vmem>>, %arg13: memref<8192xf32, #tpu.memory_space<vmem>>, %arg14: memref<8192xf32, #tpu.memory_space<vmem>>, %arg15: memref<256x16xi32, #tpu.memory_space<vmem>>, %arg16: memref<256x48xf32, #tpu.memory_space<vmem>>, %arg17: memref<!tpu.dma_semaphore, #tpu.memory_space<semaphore_mem>>, %arg18: memref<!tpu.dma_semaphore, #tpu.memory_space<semaphore_mem>>) attributes {dimension_semantics = [#tpu.dimension_semantics<core_parallel>, #tpu.dimension_semantics<subcore_parallel>], iteration_bounds = array<i64: 2, 16>, scalar_prefetch = 0 : i64, scratch_operands = 10 : i64, tpu.core_type = #tpu.core_type<sc_vector_subcore>, window_params = [{transform_indices = #map}, {transform_indices = #map}, {transform_indices = #map1}, {transform_indices = #map1}, {transform_indices = #map1}, {transform_indices = #map}, {transform_indices = #map}]} {
    %mul3A = arith.constant 2 : i32
    %mul3A_0 = arith.muli %arg1, %mul3A : i32
    %add3A = arith.addi %mul3A_0, %arg0 : i32
    %mul3A_1 = arith.constant 256 : i32
    %mul3A_2 = arith.muli %add3A, %mul3A_1 : i32
    "tpu.region"() ({
      %run_scoped3A = tpu.sem_alloc : memref<!tpu.dma_semaphore, #tpu.memory_space<semaphore_mem>>
      tpu.enqueue_dma source(%arg4 : memref<8192xf32, #tpu.memory_space<hbm>>) target(%arg12 : memref<8192xf32, #tpu.memory_space<vmem>>) target_semaphore(%run_scoped3A : memref<!tpu.dma_semaphore, #tpu.memory_space<semaphore_mem>>)
      tpu.wait_dma2 semaphore(%run_scoped3A : memref<!tpu.dma_semaphore, #tpu.memory_space<semaphore_mem>>) src(%arg4 : memref<8192xf32, #tpu.memory_space<hbm>>) dst(%arg12 : memref<8192xf32, #tpu.memory_space<vmem>>)
      tpu.yield
    }) : () -> ()
    "tpu.region"() ({
      %run_scoped3A = tpu.sem_alloc : memref<!tpu.dma_semaphore, #tpu.memory_space<semaphore_mem>>
      tpu.enqueue_dma source(%arg5 : memref<8192xf32, #tpu.memory_space<hbm>>) target(%arg13 : memref<8192xf32, #tpu.memory_space<vmem>>) target_semaphore(%run_scoped3A : memref<!tpu.dma_semaphore, #tpu.memory_space<semaphore_mem>>)
      tpu.wait_dma2 semaphore(%run_scoped3A : memref<!tpu.dma_semaphore, #tpu.memory_space<semaphore_mem>>) src(%arg5 : memref<8192xf32, #tpu.memory_space<hbm>>) dst(%arg13 : memref<8192xf32, #tpu.memory_space<vmem>>)
      tpu.yield
    }) : () -> ()
    "tpu.region"() ({
      %run_scoped3A = tpu.sem_alloc : memref<!tpu.dma_semaphore, #tpu.memory_space<semaphore_mem>>
      tpu.enqueue_dma source(%arg6 : memref<8192xf32, #tpu.memory_space<hbm>>) target(%arg14 : memref<8192xf32, #tpu.memory_space<vmem>>) target_semaphore(%run_scoped3A : memref<!tpu.dma_semaphore, #tpu.memory_space<semaphore_mem>>)
      tpu.wait_dma2 semaphore(%run_scoped3A : memref<!tpu.dma_semaphore, #tpu.memory_space<semaphore_mem>>) src(%arg6 : memref<8192xf32, #tpu.memory_space<hbm>>) dst(%arg14 : memref<8192xf32, #tpu.memory_space<vmem>>)
      tpu.yield
    }) : () -> ()
    %iota3A = tpu.iota {dimensions = array<i32: 0>} : vector<16xi32>
    %scan3A = arith.constant 0 : i32
    %scan3A_3 = arith.constant 16 : i32
    %scan3A_4 = arith.addi %scan3A, %scan3A_3 : i32
    %scan3A_5 = arith.constant 1 : i32
    scf.for %scan3A_7 = %scan3A to %scan3A_4 step %scan3A_5  : i32 {
      %mul3A_8 = arith.constant 1 : i32
      %mul3A_9 = arith.muli %scan3A_7, %mul3A_8 : i32
      %add3A_10 = arith.constant 0 : i32
      %add3A_11 = arith.addi %add3A_10, %mul3A_9 : i32
      %mul3A_12 = arith.constant 16 : i32
      %mul3A_13 = arith.muli %add3A_11, %mul3A_12 : i32
      %add3A_14 = arith.addi %mul3A_2, %mul3A_13 : i32
      "tpu.region"() ({
        %run_scoped3A = tpu.sem_alloc : memref<!tpu.dma_semaphore, #tpu.memory_space<semaphore_mem>>
        %dma_start3A_28 = arith.constant 0 : i32
        %dma_start3A_29 = tpu.memref_slice %arg2[%add3A_14, %dma_start3A_28] : memref<8192x512xf32, #tpu.memory_space<hbm>> -> memref<16x512xf32, #tpu.memory_space<hbm>>
        %dma_start3A_30 = arith.constant 0 : i32
        %dma_start3A_31 = tpu.memref_slice %arg2[%add3A_14, %dma_start3A_30] : memref<8192x512xf32, #tpu.memory_space<hbm>> -> memref<16x512xf32, #tpu.memory_space<hbm>>
        tpu.enqueue_dma source(%dma_start3A_31 : memref<16x512xf32, #tpu.memory_space<hbm>>) target(%arg9 : memref<16x512xf32, #tpu.memory_space<vmem>>) target_semaphore(%run_scoped3A : memref<!tpu.dma_semaphore, #tpu.memory_space<semaphore_mem>>)
        %dma_wait3A = arith.constant 0 : i32
        %dma_wait3A_32 = tpu.memref_slice %arg2[%add3A_14, %dma_wait3A] : memref<8192x512xf32, #tpu.memory_space<hbm>> -> memref<16x512xf32, #tpu.memory_space<hbm>>
        %dma_wait3A_33 = arith.constant 0 : i32
        %dma_wait3A_34 = tpu.memref_slice %arg2[%add3A_14, %dma_wait3A_33] : memref<8192x512xf32, #tpu.memory_space<hbm>> -> memref<16x512xf32, #tpu.memory_space<hbm>>
        tpu.wait_dma2 semaphore(%run_scoped3A : memref<!tpu.dma_semaphore, #tpu.memory_space<semaphore_mem>>) src(%dma_wait3A_34 : memref<16x512xf32, #tpu.memory_space<hbm>>) dst(%arg9 : memref<16x512xf32, #tpu.memory_space<vmem>>)
        tpu.yield
      }) : () -> ()
      %mul3A_15 = arith.constant 16 : i32
      %mul3A_16 = arith.muli %add3A_11, %mul3A_15 : i32
      %add3A_17 = arith.addi %mul3A_2, %mul3A_16 : i32
      %dma_start3A = arith.constant 0 : i32
      %dma_start3A_18 = tpu.memref_slice %arg3[%add3A_17, %dma_start3A] : memref<8192x8192xf32, #tpu.memory_space<hbm>> -> memref<1x8192xf32, #tpu.memory_space<hbm>>
      %dma_start3A_19 = tpu.memref_squeeze %dma_start3A_18 : memref<1x8192xf32, #tpu.memory_space<hbm>> -> memref<8192xf32, #tpu.memory_space<hbm>>
      %dma_start3A_20 = arith.constant 0 : i32
      %dma_start3A_21 = tpu.memref_slice %arg3[%add3A_17, %dma_start3A_20] : memref<8192x8192xf32, #tpu.memory_space<hbm>> -> memref<1x8192xf32, #tpu.memory_space<hbm>>
      %dma_start3A_22 = tpu.memref_squeeze %dma_start3A_21 : memref<1x8192xf32, #tpu.memory_space<hbm>> -> memref<8192xf32, #tpu.memory_space<hbm>>
      tpu.enqueue_dma source(%dma_start3A_22 : memref<8192xf32, #tpu.memory_space<hbm>>) target(%arg10 : memref<8192xf32, #tpu.memory_space<vmem>>) target_semaphore(%arg17 : memref<!tpu.dma_semaphore, #tpu.memory_space<semaphore_mem>>)
      %scan3A_23 = arith.constant 0 : i32
      %scan3A_24 = arith.constant 8 : i32
      %scan3A_25 = arith.addi %scan3A_23, %scan3A_24 : i32
      %scan3A_26 = arith.constant 1 : i32
      scf.for %scan3A_28 = %scan3A_23 to %scan3A_25 step %scan3A_26  : i32 {
        %mul3A_29 = arith.constant 1 : i32
        %mul3A_30 = arith.muli %scan3A_28, %mul3A_29 : i32
        %add3A_31 = arith.constant 0 : i32
        %add3A_32 = arith.addi %add3A_31, %mul3A_30 : i32
        %mul3A_33 = arith.constant 16 : i32
        %mul3A_34 = arith.muli %add3A_11, %mul3A_33 : i32
        %mul3A_35 = arith.constant 2 : i32
        %mul3A_36 = arith.muli %mul3A_35, %add3A_32 : i32
        %add3A_37 = arith.addi %mul3A_34, %mul3A_36 : i32
        %add3A_38 = arith.addi %mul3A_2, %add3A_37 : i32
        %dma_wait3A = arith.constant 0 : i32
        %dma_wait3A_39 = tpu.memref_slice %arg3[%add3A_38, %dma_wait3A] : memref<8192x8192xf32, #tpu.memory_space<hbm>> -> memref<1x8192xf32, #tpu.memory_space<hbm>>
        %dma_wait3A_40 = tpu.memref_squeeze %dma_wait3A_39 : memref<1x8192xf32, #tpu.memory_space<hbm>> -> memref<8192xf32, #tpu.memory_space<hbm>>
        %dma_wait3A_41 = arith.constant 0 : i32
        %dma_wait3A_42 = tpu.memref_slice %arg3[%add3A_38, %dma_wait3A_41] : memref<8192x8192xf32, #tpu.memory_space<hbm>> -> memref<1x8192xf32, #tpu.memory_space<hbm>>
        %dma_wait3A_43 = tpu.memref_squeeze %dma_wait3A_42 : memref<1x8192xf32, #tpu.memory_space<hbm>> -> memref<8192xf32, #tpu.memory_space<hbm>>
        tpu.wait_dma2 semaphore(%arg17 : memref<!tpu.dma_semaphore, #tpu.memory_space<semaphore_mem>>) src(%dma_wait3A_43 : memref<8192xf32, #tpu.memory_space<hbm>>) dst(%arg10 : memref<8192xf32, #tpu.memory_space<vmem>>)
        %add3A_44 = arith.constant 1 : i32
        %add3A_45 = arith.addi %add3A_38, %add3A_44 : i32
        %dma_start3A_46 = arith.constant 0 : i32
        %dma_start3A_47 = tpu.memref_slice %arg3[%add3A_45, %dma_start3A_46] : memref<8192x8192xf32, #tpu.memory_space<hbm>> -> memref<1x8192xf32, #tpu.memory_space<hbm>>
        %dma_start3A_48 = tpu.memref_squeeze %dma_start3A_47 : memref<1x8192xf32, #tpu.memory_space<hbm>> -> memref<8192xf32, #tpu.memory_space<hbm>>
        %dma_start3A_49 = arith.constant 0 : i32
        %dma_start3A_50 = tpu.memref_slice %arg3[%add3A_45, %dma_start3A_49] : memref<8192x8192xf32, #tpu.memory_space<hbm>> -> memref<1x8192xf32, #tpu.memory_space<hbm>>
        %dma_start3A_51 = tpu.memref_squeeze %dma_start3A_50 : memref<1x8192xf32, #tpu.memory_space<hbm>> -> memref<8192xf32, #tpu.memory_space<hbm>>
        tpu.enqueue_dma source(%dma_start3A_51 : memref<8192xf32, #tpu.memory_space<hbm>>) target(%arg11 : memref<8192xf32, #tpu.memory_space<vmem>>) target_semaphore(%arg18 : memref<!tpu.dma_semaphore, #tpu.memory_space<semaphore_mem>>)
        %jit3A = arith.constant 16 : i32
        %eq3A = arith.constant 0 : i32
        %eq3A_52 = arith.cmpi eq, %jit3A, %eq3A : i32
        %jit3A_53 = arith.constant 1 : i32
        %select_n3A = arith.select %eq3A_52, %jit3A_53, %jit3A : i32
        %rem3A = arith.remsi %add3A_37, %select_n3A : i32
        %ne3A = arith.constant 0 : i32
        %ne3A_54 = arith.cmpi ne, %rem3A, %ne3A : i32
        %lt3A = arith.constant 0 : i32
        %lt3A_55 = arith.cmpi slt, %rem3A, %lt3A : i32
        %lt3A_56 = arith.constant 0 : i32
        %lt3A_57 = arith.cmpi slt, %select_n3A, %lt3A_56 : i32
        %ne3A_58 = arith.xori %lt3A_55, %lt3A_57 : i1
        %and3A = arith.andi %ne3A_58, %ne3A_54 : i1
        %add3A_59 = arith.addi %rem3A, %select_n3A : i32
        %select_n3A_60 = arith.select %and3A, %add3A_59, %rem3A : i32
        %get3A = arith.index_cast %select_n3A_60 : i32 to index
        %get3A_61 = arith.constant 0 : index
        %get3A_62 = tpu.vector_load %arg9[%get3A, %get3A_61] {strides = array<i32>} : memref<16x512xf32, #tpu.memory_space<vmem>>, vector<16xf32>,
        %add3A_63 = arith.constant 0 : i32
        %add3A_64 = vector.broadcast %add3A_63 : i32 to vector<16xi32>
        %add3A_65 = arith.addi %add3A_64, %iota3A : vector<16xi32>
        %masked_sort3A = arith.constant dense<true> : vector<16xi1>
        %masked_sort3A_66, %masked_sort3A_67, %masked_sort3A_68 = tpu.sort %get3A_62, %add3A_65 masked %masked_sort3A : (vector<16xf32>, vector<16xi32>, vector<16xi1>) -> (vector<16xi1>, vector<16xf32>, vector<16xi32>)
        %jit3A_69 = arith.constant 16 : i32
        %eq3A_70 = arith.constant 0 : i32
        %eq3A_71 = arith.cmpi eq, %jit3A_69, %eq3A_70 : i32
        %jit3A_72 = arith.constant 1 : i32
        %select_n3A_73 = arith.select %eq3A_71, %jit3A_72, %jit3A_69 : i32
        %rem3A_74 = arith.remsi %add3A_37, %select_n3A_73 : i32
        %ne3A_75 = arith.constant 0 : i32
        %ne3A_76 = arith.cmpi ne, %rem3A_74, %ne3A_75 : i32
        %lt3A_77 = arith.constant 0 : i32
        %lt3A_78 = arith.cmpi slt, %rem3A_74, %lt3A_77 : i32
        %lt3A_79 = arith.constant 0 : i32
        %lt3A_80 = arith.cmpi slt, %select_n3A_73, %lt3A_79 : i32
        %ne3A_81 = arith.xori %lt3A_78, %lt3A_80 : i1
        %and3A_82 = arith.andi %ne3A_81, %ne3A_76 : i1
        %add3A_83 = arith.addi %rem3A_74, %select_n3A_73 : i32
        %select_n3A_84 = arith.select %and3A_82, %add3A_83, %rem3A_74 : i32
        %get3A_85 = arith.index_cast %select_n3A_84 : i32 to index
        %get3A_86 = arith.constant 16 : index
        %get3A_87 = tpu.vector_load %arg9[%get3A_85, %get3A_86] {strides = array<i32>} : memref<16x512xf32, #tpu.memory_space<vmem>>, vector<16xf32>,
        %add3A_88 = arith.constant 16 : i32
        %add3A_89 = vector.broadcast %add3A_88 : i32 to vector<16xi32>
        %add3A_90 = arith.addi %add3A_89, %iota3A : vector<16xi32>
        %masked_sort3A_91 = arith.constant dense<true> : vector<16xi1>
        %masked_sort3A_92, %masked_sort3A_93, %masked_sort3A_94 = tpu.sort %get3A_87, %add3A_90 masked %masked_sort3A_91 : (vector<16xf32>, vector<16xi32>, vector<16xi1>) -> (vector<16xi1>, vector<16xf32>, vector<16xi32>)
        %jit3A_95 = arith.constant 16 : i32
        %eq3A_96 = arith.constant 0 : i32
        %eq3A_97 = arith.cmpi eq, %jit3A_95, %eq3A_96 : i32
        %jit3A_98 = arith.constant 1 : i32
        %select_n3A_99 = arith.select %eq3A_97, %jit3A_98, %jit3A_95 : i32
        %rem3A_100 = arith.remsi %add3A_37, %select_n3A_99 : i32
        %ne3A_101 = arith.constant 0 : i32
        %ne3A_102 = arith.cmpi ne, %rem3A_100, %ne3A_101 : i32
        %lt3A_103 = arith.constant 0 : i32
        %lt3A_104 = arith.cmpi slt, %rem3A_100, %lt3A_103 : i32
        %lt3A_105 = arith.constant 0 : i32
        %lt3A_106 = arith.cmpi slt, %select_n3A_99, %lt3A_105 : i32
        %ne3A_107 = arith.xori %lt3A_104, %lt3A_106 : i1
        %and3A_108 = arith.andi %ne3A_107, %ne3A_102 : i1
        %add3A_109 = arith.addi %rem3A_100, %select_n3A_99 : i32
        %select_n3A_110 = arith.select %and3A_108, %add3A_109, %rem3A_100 : i32
        %get3A_111 = arith.index_cast %select_n3A_110 : i32 to index
        %get3A_112 = arith.constant 32 : index
        %get3A_113 = tpu.vector_load %arg9[%get3A_111, %get3A_112] {strides = array<i32>} : memref<16x512xf32, #tpu.memory_space<vmem>>, vector<16xf32>,
        %add3A_114 = arith.constant 32 : i32
        %add3A_115 = vector.broadcast %add3A_114 : i32 to vector<16xi32>
        %add3A_116 = arith.addi %add3A_115, %iota3A : vector<16xi32>
        %masked_sort3A_117 = arith.constant dense<true> : vector<16xi1>
        %masked_sort3A_118, %masked_sort3A_119, %masked_sort3A_120 = tpu.sort %get3A_113, %add3A_116 masked %masked_sort3A_117 : (vector<16xf32>, vector<16xi32>, vector<16xi1>) -> (vector<16xi1>, vector<16xf32>, vector<16xi32>)
        %jit3A_121 = arith.constant 16 : i32
        %eq3A_122 = arith.constant 0 : i32
        %eq3A_123 = arith.cmpi eq, %jit3A_121, %eq3A_122 : i32
        %jit3A_124 = arith.constant 1 : i32
        %select_n3A_125 = arith.select %eq3A_123, %jit3A_124, %jit3A_121 : i32
        %rem3A_126 = arith.remsi %add3A_37, %select_n3A_125 : i32
        %ne3A_127 = arith.constant 0 : i32
        %ne3A_128 = arith.cmpi ne, %rem3A_126, %ne3A_127 : i32
        %lt3A_129 = arith.constant 0 : i32
        %lt3A_130 = arith.cmpi slt, %rem3A_126, %lt3A_129 : i32
        %lt3A_131 = arith.constant 0 : i32
        %lt3A_132 = arith.cmpi slt, %select_n3A_125, %lt3A_131 : i32
        %ne3A_133 = arith.xori %lt3A_130, %lt3A_132 : i1
        %and3A_134 = arith.andi %ne3A_133, %ne3A_128 : i1
        %add3A_135 = arith.addi %rem3A_126, %select_n3A_125 : i32
        %select_n3A_136 = arith.select %and3A_134, %add3A_135, %rem3A_126 : i32
        %get3A_137 = arith.index_cast %select_n3A_136 : i32 to index
        %get3A_138 = arith.constant 48 : index
        %get3A_139 = tpu.vector_load %arg9[%get3A_137, %get3A_138] {strides = array<i32>} : memref<16x512xf32, #tpu.memory_space<vmem>>, vector<16xf32>,
        %add3A_140 = arith.constant 48 : i32
        %add3A_141 = vector.broadcast %add3A_140 : i32 to vector<16xi32>
        %add3A_142 = arith.addi %add3A_141, %iota3A : vector<16xi32>
        %masked_sort3A_143 = arith.constant dense<true> : vector<16xi1>
        %masked_sort3A_144, %masked_sort3A_145, %masked_sort3A_146 = tpu.sort %get3A_139, %add3A_142 masked %masked_sort3A_143 : (vector<16xf32>, vector<16xi32>, vector<16xi1>) -> (vector<16xi1>, vector<16xf32>, vector<16xi32>)
        %jit3A_147 = arith.constant 16 : i32
        %eq3A_148 = arith.constant 0 : i32
        %eq3A_149 = arith.cmpi eq, %jit3A_147, %eq3A_148 : i32
        %jit3A_150 = arith.constant 1 : i32
        %select_n3A_151 = arith.select %eq3A_149, %jit3A_150, %jit3A_147 : i32
        %rem3A_152 = arith.remsi %add3A_37, %select_n3A_151 : i32
        %ne3A_153 = arith.constant 0 : i32
        %ne3A_154 = arith.cmpi ne, %rem3A_152, %ne3A_153 : i32
        %lt3A_155 = arith.constant 0 : i32
        %lt3A_156 = arith.cmpi slt, %rem3A_152, %lt3A_155 : i32
        %lt3A_157 = arith.constant 0 : i32
        %lt3A_158 = arith.cmpi slt, %select_n3A_151, %lt3A_157 : i32
        %ne3A_159 = arith.xori %lt3A_156, %lt3A_158 : i1
        %and3A_160 = arith.andi %ne3A_159, %ne3A_154 : i1
        %add3A_161 = arith.addi %rem3A_152, %select_n3A_151 : i32
        %select_n3A_162 = arith.select %and3A_160, %add3A_161, %rem3A_152 : i32
        %get3A_163 = arith.index_cast %select_n3A_162 : i32 to index
        %get3A_164 = arith.constant 64 : index
        %get3A_165 = tpu.vector_load %arg9[%get3A_163, %get3A_164] {strides = array<i32>} : memref<16x512xf32, #tpu.memory_space<vmem>>, vector<16xf32>,
        %add3A_166 = arith.constant 64 : i32
        %add3A_167 = vector.broadcast %add3A_166 : i32 to vector<16xi32>
        %add3A_168 = arith.addi %add3A_167, %iota3A : vector<16xi32>
        %masked_sort3A_169 = arith.constant dense<true> : vector<16xi1>
        %masked_sort3A_170, %masked_sort3A_171, %masked_sort3A_172 = tpu.sort %get3A_165, %add3A_168 masked %masked_sort3A_169 : (vector<16xf32>, vector<16xi32>, vector<16xi1>) -> (vector<16xi1>, vector<16xf32>, vector<16xi32>)
        %jit3A_173 = arith.constant 16 : i32
        %eq3A_174 = arith.constant 0 : i32
        %eq3A_175 = arith.cmpi eq, %jit3A_173, %eq3A_174 : i32
        %jit3A_176 = arith.constant 1 : i32
        %select_n3A_177 = arith.select %eq3A_175, %jit3A_176, %jit3A_173 : i32
        %rem3A_178 = arith.remsi %add3A_37, %select_n3A_177 : i32
        %ne3A_179 = arith.constant 0 : i32
        %ne3A_180 = arith.cmpi ne, %rem3A_178, %ne3A_179 : i32
        %lt3A_181 = arith.constant 0 : i32
        %lt3A_182 = arith.cmpi slt, %rem3A_178, %lt3A_181 : i32
        %lt3A_183 = arith.constant 0 : i32
        %lt3A_184 = arith.cmpi slt, %select_n3A_177, %lt3A_183 : i32
        %ne3A_185 = arith.xori %lt3A_182, %lt3A_184 : i1
        %and3A_186 = arith.andi %ne3A_185, %ne3A_180 : i1
        %add3A_187 = arith.addi %rem3A_178, %select_n3A_177 : i32
        %select_n3A_188 = arith.select %and3A_186, %add3A_187, %rem3A_178 : i32
        %get3A_189 = arith.index_cast %select_n3A_188 : i32 to index
        %get3A_190 = arith.constant 80 : index
        %get3A_191 = tpu.vector_load %arg9[%get3A_189, %get3A_190] {strides = array<i32>} : memref<16x512xf32, #tpu.memory_space<vmem>>, vector<16xf32>,
        %add3A_192 = arith.constant 80 : i32
        %add3A_193 = vector.broadcast %add3A_192 : i32 to vector<16xi32>
        %add3A_194 = arith.addi %add3A_193, %iota3A : vector<16xi32>
        %masked_sort3A_195 = arith.constant dense<true> : vector<16xi1>
        %masked_sort3A_196, %masked_sort3A_197, %masked_sort3A_198 = tpu.sort %get3A_191, %add3A_194 masked %masked_sort3A_195 : (vector<16xf32>, vector<16xi32>, vector<16xi1>) -> (vector<16xi1>, vector<16xf32>, vector<16xi32>)
        %jit3A_199 = arith.constant 16 : i32
        %eq3A_200 = arith.constant 0 : i32
        %eq3A_201 = arith.cmpi eq, %jit3A_199, %eq3A_200 : i32
        %jit3A_202 = arith.constant 1 : i32
        %select_n3A_203 = arith.select %eq3A_201, %jit3A_202, %jit3A_199 : i32
        %rem3A_204 = arith.remsi %add3A_37, %select_n3A_203 : i32
        %ne3A_205 = arith.constant 0 : i32
        %ne3A_206 = arith.cmpi ne, %rem3A_204, %ne3A_205 : i32
        %lt3A_207 = arith.constant 0 : i32
        %lt3A_208 = arith.cmpi slt, %rem3A_204, %lt3A_207 : i32
        %lt3A_209 = arith.constant 0 : i32
        %lt3A_210 = arith.cmpi slt, %select_n3A_203, %lt3A_209 : i32
        %ne3A_211 = arith.xori %lt3A_208, %lt3A_210 : i1
        %and3A_212 = arith.andi %ne3A_211, %ne3A_206 : i1
        %add3A_213 = arith.addi %rem3A_204, %select_n3A_203 : i32
        %select_n3A_214 = arith.select %and3A_212, %add3A_213, %rem3A_204 : i32
        %get3A_215 = arith.index_cast %select_n3A_214 : i32 to index
        %get3A_216 = arith.constant 96 : index
        %get3A_217 = tpu.vector_load %arg9[%get3A_215, %get3A_216] {strides = array<i32>} : memref<16x512xf32, #tpu.memory_space<vmem>>, vector<16xf32>,
        %add3A_218 = arith.constant 96 : i32
        %add3A_219 = vector.broadcast %add3A_218 : i32 to vector<16xi32>
        %add3A_220 = arith.addi %add3A_219, %iota3A : vector<16xi32>
        %masked_sort3A_221 = arith.constant dense<true> : vector<16xi1>
        %masked_sort3A_222, %masked_sort3A_223, %masked_sort3A_224 = tpu.sort %get3A_217, %add3A_220 masked %masked_sort3A_221 : (vector<16xf32>, vector<16xi32>, vector<16xi1>) -> (vector<16xi1>, vector<16xf32>, vector<16xi32>)
        %jit3A_225 = arith.constant 16 : i32
        %eq3A_226 = arith.constant 0 : i32
        %eq3A_227 = arith.cmpi eq, %jit3A_225, %eq3A_226 : i32
        %jit3A_228 = arith.constant 1 : i32
        %select_n3A_229 = arith.select %eq3A_227, %jit3A_228, %jit3A_225 : i32
        %rem3A_230 = arith.remsi %add3A_37, %select_n3A_229 : i32
        %ne3A_231 = arith.constant 0 : i32
        %ne3A_232 = arith.cmpi ne, %rem3A_230, %ne3A_231 : i32
        %lt3A_233 = arith.constant 0 : i32
        %lt3A_234 = arith.cmpi slt, %rem3A_230, %lt3A_233 : i32
        %lt3A_235 = arith.constant 0 : i32
        %lt3A_236 = arith.cmpi slt, %select_n3A_229, %lt3A_235 : i32
        %ne3A_237 = arith.xori %lt3A_234, %lt3A_236 : i1
        %and3A_238 = arith.andi %ne3A_237, %ne3A_232 : i1
        %add3A_239 = arith.addi %rem3A_230, %select_n3A_229 : i32
        %select_n3A_240 = arith.select %and3A_238, %add3A_239, %rem3A_230 : i32
        %get3A_241 = arith.index_cast %select_n3A_240 : i32 to index
        %get3A_242 = arith.constant 112 : index
        %get3A_243 = tpu.vector_load %arg9[%get3A_241, %get3A_242] {strides = array<i32>} : memref<16x512xf32, #tpu.memory_space<vmem>>, vector<16xf32>,
        %add3A_244 = arith.constant 112 : i32
        %add3A_245 = vector.broadcast %add3A_244 : i32 to vector<16xi32>
        %add3A_246 = arith.addi %add3A_245, %iota3A : vector<16xi32>
        %masked_sort3A_247 = arith.constant dense<true> : vector<16xi1>
        %masked_sort3A_248, %masked_sort3A_249, %masked_sort3A_250 = tpu.sort %get3A_243, %add3A_246 masked %masked_sort3A_247 : (vector<16xf32>, vector<16xi32>, vector<16xi1>) -> (vector<16xi1>, vector<16xf32>, vector<16xi32>)
        %jit3A_251 = arith.constant 16 : i32
        %eq3A_252 = arith.constant 0 : i32
        %eq3A_253 = arith.cmpi eq, %jit3A_251, %eq3A_252 : i32
        %jit3A_254 = arith.constant 1 : i32
        %select_n3A_255 = arith.select %eq3A_253, %jit3A_254, %jit3A_251 : i32
        %rem3A_256 = arith.remsi %add3A_37, %select_n3A_255 : i32
        %ne3A_257 = arith.constant 0 : i32
        %ne3A_258 = arith.cmpi ne, %rem3A_256, %ne3A_257 : i32
        %lt3A_259 = arith.constant 0 : i32
        %lt3A_260 = arith.cmpi slt, %rem3A_256, %lt3A_259 : i32
        %lt3A_261 = arith.constant 0 : i32
        %lt3A_262 = arith.cmpi slt, %select_n3A_255, %lt3A_261 : i32
        %ne3A_263 = arith.xori %lt3A_260, %lt3A_262 : i1
        %and3A_264 = arith.andi %ne3A_263, %ne3A_258 : i1
        %add3A_265 = arith.addi %rem3A_256, %select_n3A_255 : i32
        %select_n3A_266 = arith.select %and3A_264, %add3A_265, %rem3A_256 : i32
        %get3A_267 = arith.index_cast %select_n3A_266 : i32 to index
        %get3A_268 = arith.constant 128 : index
        %get3A_269 = tpu.vector_load %arg9[%get3A_267, %get3A_268] {strides = array<i32>} : memref<16x512xf32, #tpu.memory_space<vmem>>, vector<16xf32>,
        %add3A_270 = arith.constant 128 : i32
        %add3A_271 = vector.broadcast %add3A_270 : i32 to vector<16xi32>
        %add3A_272 = arith.addi %add3A_271, %iota3A : vector<16xi32>
        %masked_sort3A_273 = arith.constant dense<true> : vector<16xi1>
        %masked_sort3A_274, %masked_sort3A_275, %masked_sort3A_276 = tpu.sort %get3A_269, %add3A_272 masked %masked_sort3A_273 : (vector<16xf32>, vector<16xi32>, vector<16xi1>) -> (vector<16xi1>, vector<16xf32>, vector<16xi32>)
        %jit3A_277 = arith.constant 16 : i32
        %eq3A_278 = arith.constant 0 : i32
        %eq3A_279 = arith.cmpi eq, %jit3A_277, %eq3A_278 : i32
        %jit3A_280 = arith.constant 1 : i32
        %select_n3A_281 = arith.select %eq3A_279, %jit3A_280, %jit3A_277 : i32
        %rem3A_282 = arith.remsi %add3A_37, %select_n3A_281 : i32
        %ne3A_283 = arith.constant 0 : i32
        %ne3A_284 = arith.cmpi ne, %rem3A_282, %ne3A_283 : i32
        %lt3A_285 = arith.constant 0 : i32
        %lt3A_286 = arith.cmpi slt, %rem3A_282, %lt3A_285 : i32
        %lt3A_287 = arith.constant 0 : i32
        %lt3A_288 = arith.cmpi slt, %select_n3A_281, %lt3A_287 : i32
        %ne3A_289 = arith.xori %lt3A_286, %lt3A_288 : i1
        %and3A_290 = arith.andi %ne3A_289, %ne3A_284 : i1
        %add3A_291 = arith.addi %rem3A_282, %select_n3A_281 : i32
        %select_n3A_292 = arith.select %and3A_290, %add3A_291, %rem3A_282 : i32
        %get3A_293 = arith.index_cast %select_n3A_292 : i32 to index
        %get3A_294 = arith.constant 144 : index
        %get3A_295 = tpu.vector_load %arg9[%get3A_293, %get3A_294] {strides = array<i32>} : memref<16x512xf32, #tpu.memory_space<vmem>>, vector<16xf32>,
        %add3A_296 = arith.constant 144 : i32
        %add3A_297 = vector.broadcast %add3A_296 : i32 to vector<16xi32>
        %add3A_298 = arith.addi %add3A_297, %iota3A : vector<16xi32>
        %masked_sort3A_299 = arith.constant dense<true> : vector<16xi1>
        %masked_sort3A_300, %masked_sort3A_301, %masked_sort3A_302 = tpu.sort %get3A_295, %add3A_298 masked %masked_sort3A_299 : (vector<16xf32>, vector<16xi32>, vector<16xi1>) -> (vector<16xi1>, vector<16xf32>, vector<16xi32>)
        %jit3A_303 = arith.constant 16 : i32
        %eq3A_304 = arith.constant 0 : i32
        %eq3A_305 = arith.cmpi eq, %jit3A_303, %eq3A_304 : i32
        %jit3A_306 = arith.constant 1 : i32
        %select_n3A_307 = arith.select %eq3A_305, %jit3A_306, %jit3A_303 : i32
        %rem3A_308 = arith.remsi %add3A_37, %select_n3A_307 : i32
        %ne3A_309 = arith.constant 0 : i32
        %ne3A_310 = arith.cmpi ne, %rem3A_308, %ne3A_309 : i32
        %lt3A_311 = arith.constant 0 : i32
        %lt3A_312 = arith.cmpi slt, %rem3A_308, %lt3A_311 : i32
        %lt3A_313 = arith.constant 0 : i32
        %lt3A_314 = arith.cmpi slt, %select_n3A_307, %lt3A_313 : i32
        %ne3A_315 = arith.xori %lt3A_312, %lt3A_314 : i1
        %and3A_316 = arith.andi %ne3A_315, %ne3A_310 : i1
        %add3A_317 = arith.addi %rem3A_308, %select_n3A_307 : i32
        %select_n3A_318 = arith.select %and3A_316, %add3A_317, %rem3A_308 : i32
        %get3A_319 = arith.index_cast %select_n3A_318 : i32 to index
        %get3A_320 = arith.constant 160 : index
        %get3A_321 = tpu.vector_load %arg9[%get3A_319, %get3A_320] {strides = array<i32>} : memref<16x512xf32, #tpu.memory_space<vmem>>, vector<16xf32>,
        %add3A_322 = arith.constant 160 : i32
        %add3A_323 = vector.broadcast %add3A_322 : i32 to vector<16xi32>
        %add3A_324 = arith.addi %add3A_323, %iota3A : vector<16xi32>
        %masked_sort3A_325 = arith.constant dense<true> : vector<16xi1>
        %masked_sort3A_326, %masked_sort3A_327, %masked_sort3A_328 = tpu.sort %get3A_321, %add3A_324 masked %masked_sort3A_325 : (vector<16xf32>, vector<16xi32>, vector<16xi1>) -> (vector<16xi1>, vector<16xf32>, vector<16xi32>)
        %jit3A_329 = arith.constant 16 : i32
        %eq3A_330 = arith.constant 0 : i32
        %eq3A_331 = arith.cmpi eq, %jit3A_329, %eq3A_330 : i32
        %jit3A_332 = arith.constant 1 : i32
        %select_n3A_333 = arith.select %eq3A_331, %jit3A_332, %jit3A_329 : i32
        %rem3A_334 = arith.remsi %add3A_37, %select_n3A_333 : i32
        %ne3A_335 = arith.constant 0 : i32
        %ne3A_336 = arith.cmpi ne, %rem3A_334, %ne3A_335 : i32
        %lt3A_337 = arith.constant 0 : i32
        %lt3A_338 = arith.cmpi slt, %rem3A_334, %lt3A_337 : i32
        %lt3A_339 = arith.constant 0 : i32
        %lt3A_340 = arith.cmpi slt, %select_n3A_333, %lt3A_339 : i32
        %ne3A_341 = arith.xori %lt3A_338, %lt3A_340 : i1
        %and3A_342 = arith.andi %ne3A_341, %ne3A_336 : i1
        %add3A_343 = arith.addi %rem3A_334, %select_n3A_333 : i32
        %select_n3A_344 = arith.select %and3A_342, %add3A_343, %rem3A_334 : i32
        %get3A_345 = arith.index_cast %select_n3A_344 : i32 to index
        %get3A_346 = arith.constant 176 : index
        %get3A_347 = tpu.vector_load %arg9[%get3A_345, %get3A_346] {strides = array<i32>} : memref<16x512xf32, #tpu.memory_space<vmem>>, vector<16xf32>,
        %add3A_348 = arith.constant 176 : i32
        %add3A_349 = vector.broadcast %add3A_348 : i32 to vector<16xi32>
        %add3A_350 = arith.addi %add3A_349, %iota3A : vector<16xi32>
        %masked_sort3A_351 = arith.constant dense<true> : vector<16xi1>
        %masked_sort3A_352, %masked_sort3A_353, %masked_sort3A_354 = tpu.sort %get3A_347, %add3A_350 masked %masked_sort3A_351 : (vector<16xf32>, vector<16xi32>, vector<16xi1>) -> (vector<16xi1>, vector<16xf32>, vector<16xi32>)
        %jit3A_355 = arith.constant 16 : i32
        %eq3A_356 = arith.constant 0 : i32
        %eq3A_357 = arith.cmpi eq, %jit3A_355, %eq3A_356 : i32
        %jit3A_358 = arith.constant 1 : i32
        %select_n3A_359 = arith.select %eq3A_357, %jit3A_358, %jit3A_355 : i32
        %rem3A_360 = arith.remsi %add3A_37, %select_n3A_359 : i32
        %ne3A_361 = arith.constant 0 : i32
        %ne3A_362 = arith.cmpi ne, %rem3A_360, %ne3A_361 : i32
        %lt3A_363 = arith.constant 0 : i32
        %lt3A_364 = arith.cmpi slt, %rem3A_360, %lt3A_363 : i32
        %lt3A_365 = arith.constant 0 : i32
        %lt3A_366 = arith.cmpi slt, %select_n3A_359, %lt3A_365 : i32
        %ne3A_367 = arith.xori %lt3A_364, %lt3A_366 : i1
        %and3A_368 = arith.andi %ne3A_367, %ne3A_362 : i1
        %add3A_369 = arith.addi %rem3A_360, %select_n3A_359 : i32
        %select_n3A_370 = arith.select %and3A_368, %add3A_369, %rem3A_360 : i32
        %get3A_371 = arith.index_cast %select_n3A_370 : i32 to index
        %get3A_372 = arith.constant 192 : index
        %get3A_373 = tpu.vector_load %arg9[%get3A_371, %get3A_372] {strides = array<i32>} : memref<16x512xf32, #tpu.memory_space<vmem>>, vector<16xf32>,
        %add3A_374 = arith.constant 192 : i32
        %add3A_375 = vector.broadcast %add3A_374 : i32 to vector<16xi32>
        %add3A_376 = arith.addi %add3A_375, %iota3A : vector<16xi32>
        %masked_sort3A_377 = arith.constant dense<true> : vector<16xi1>
        %masked_sort3A_378, %masked_sort3A_379, %masked_sort3A_380 = tpu.sort %get3A_373, %add3A_376 masked %masked_sort3A_377 : (vector<16xf32>, vector<16xi32>, vector<16xi1>) -> (vector<16xi1>, vector<16xf32>, vector<16xi32>)
        %jit3A_381 = arith.constant 16 : i32
        %eq3A_382 = arith.constant 0 : i32
        %eq3A_383 = arith.cmpi eq, %jit3A_381, %eq3A_382 : i32
        %jit3A_384 = arith.constant 1 : i32
        %select_n3A_385 = arith.select %eq3A_383, %jit3A_384, %jit3A_381 : i32
        %rem3A_386 = arith.remsi %add3A_37, %select_n3A_385 : i32
        %ne3A_387 = arith.constant 0 : i32
        %ne3A_388 = arith.cmpi ne, %rem3A_386, %ne3A_387 : i32
        %lt3A_389 = arith.constant 0 : i32
        %lt3A_390 = arith.cmpi slt, %rem3A_386, %lt3A_389 : i32
        %lt3A_391 = arith.constant 0 : i32
        %lt3A_392 = arith.cmpi slt, %select_n3A_385, %lt3A_391 : i32
        %ne3A_393 = arith.xori %lt3A_390, %lt3A_392 : i1
        %and3A_394 = arith.andi %ne3A_393, %ne3A_388 : i1
        %add3A_395 = arith.addi %rem3A_386, %select_n3A_385 : i32
        %select_n3A_396 = arith.select %and3A_394, %add3A_395, %rem3A_386 : i32
        %get3A_397 = arith.index_cast %select_n3A_396 : i32 to index
        %get3A_398 = arith.constant 208 : index
        %get3A_399 = tpu.vector_load %arg9[%get3A_397, %get3A_398] {strides = array<i32>} : memref<16x512xf32, #tpu.memory_space<vmem>>, vector<16xf32>,
        %add3A_400 = arith.constant 208 : i32
        %add3A_401 = vector.broadcast %add3A_400 : i32 to vector<16xi32>
        %add3A_402 = arith.addi %add3A_401, %iota3A : vector<16xi32>
        %masked_sort3A_403 = arith.constant dense<true> : vector<16xi1>
        %masked_sort3A_404, %masked_sort3A_405, %masked_sort3A_406 = tpu.sort %get3A_399, %add3A_402 masked %masked_sort3A_403 : (vector<16xf32>, vector<16xi32>, vector<16xi1>) -> (vector<16xi1>, vector<16xf32>, vector<16xi32>)
        %jit3A_407 = arith.constant 16 : i32
        %eq3A_408 = arith.constant 0 : i32
        %eq3A_409 = arith.cmpi eq, %jit3A_407, %eq3A_408 : i32
        %jit3A_410 = arith.constant 1 : i32
        %select_n3A_411 = arith.select %eq3A_409, %jit3A_410, %jit3A_407 : i32
        %rem3A_412 = arith.remsi %add3A_37, %select_n3A_411 : i32
        %ne3A_413 = arith.constant 0 : i32
        %ne3A_414 = arith.cmpi ne, %rem3A_412, %ne3A_413 : i32
        %lt3A_415 = arith.constant 0 : i32
        %lt3A_416 = arith.cmpi slt, %rem3A_412, %lt3A_415 : i32
        %lt3A_417 = arith.constant 0 : i32
        %lt3A_418 = arith.cmpi slt, %select_n3A_411, %lt3A_417 : i32
        %ne3A_419 = arith.xori %lt3A_416, %lt3A_418 : i1
        %and3A_420 = arith.andi %ne3A_419, %ne3A_414 : i1
        %add3A_421 = arith.addi %rem3A_412, %select_n3A_411 : i32
        %select_n3A_422 = arith.select %and3A_420, %add3A_421, %rem3A_412 : i32
        %get3A_423 = arith.index_cast %select_n3A_422 : i32 to index
        %get3A_424 = arith.constant 224 : index
        %get3A_425 = tpu.vector_load %arg9[%get3A_423, %get3A_424] {strides = array<i32>} : memref<16x512xf32, #tpu.memory_space<vmem>>, vector<16xf32>,
        %add3A_426 = arith.constant 224 : i32
        %add3A_427 = vector.broadcast %add3A_426 : i32 to vector<16xi32>
        %add3A_428 = arith.addi %add3A_427, %iota3A : vector<16xi32>
        %masked_sort3A_429 = arith.constant dense<true> : vector<16xi1>
        %masked_sort3A_430, %masked_sort3A_431, %masked_sort3A_432 = tpu.sort %get3A_425, %add3A_428 masked %masked_sort3A_429 : (vector<16xf32>, vector<16xi32>, vector<16xi1>) -> (vector<16xi1>, vector<16xf32>, vector<16xi32>)
        %jit3A_433 = arith.constant 16 : i32
        %eq3A_434 = arith.constant 0 : i32
        %eq3A_435 = arith.cmpi eq, %jit3A_433, %eq3A_434 : i32
        %jit3A_436 = arith.constant 1 : i32
        %select_n3A_437 = arith.select %eq3A_435, %jit3A_436, %jit3A_433 : i32
        %rem3A_438 = arith.remsi %add3A_37, %select_n3A_437 : i32
        %ne3A_439 = arith.constant 0 : i32
        %ne3A_440 = arith.cmpi ne, %rem3A_438, %ne3A_439 : i32
        %lt3A_441 = arith.constant 0 : i32
        %lt3A_442 = arith.cmpi slt, %rem3A_438, %lt3A_441 : i32
        %lt3A_443 = arith.constant 0 : i32
        %lt3A_444 = arith.cmpi slt, %select_n3A_437, %lt3A_443 : i32
        %ne3A_445 = arith.xori %lt3A_442, %lt3A_444 : i1
        %and3A_446 = arith.andi %ne3A_445, %ne3A_440 : i1
        %add3A_447 = arith.addi %rem3A_438, %select_n3A_437 : i32
        %select_n3A_448 = arith.select %and3A_446, %add3A_447, %rem3A_438 : i32
        %get3A_449 = arith.index_cast %select_n3A_448 : i32 to index
        %get3A_450 = arith.constant 240 : index
        %get3A_451 = tpu.vector_load %arg9[%get3A_449, %get3A_450] {strides = array<i32>} : memref<16x512xf32, #tpu.memory_space<vmem>>, vector<16xf32>,
        %add3A_452 = arith.constant 240 : i32
        %add3A_453 = vector.broadcast %add3A_452 : i32 to vector<16xi32>
        %add3A_454 = arith.addi %add3A_453, %iota3A : vector<16xi32>
        %masked_sort3A_455 = arith.constant dense<true> : vector<16xi1>
        %masked_sort3A_456, %masked_sort3A_457, %masked_sort3A_458 = tpu.sort %get3A_451, %add3A_454 masked %masked_sort3A_455 : (vector<16xf32>, vector<16xi32>, vector<16xi1>) -> (vector<16xi1>, vector<16xf32>, vector<16xi32>)
        %jit3A_459 = arith.constant 16 : i32
        %eq3A_460 = arith.constant 0 : i32
        %eq3A_461 = arith.cmpi eq, %jit3A_459, %eq3A_460 : i32
        %jit3A_462 = arith.constant 1 : i32
        %select_n3A_463 = arith.select %eq3A_461, %jit3A_462, %jit3A_459 : i32
        %rem3A_464 = arith.remsi %add3A_37, %select_n3A_463 : i32
        %ne3A_465 = arith.constant 0 : i32
        %ne3A_466 = arith.cmpi ne, %rem3A_464, %ne3A_465 : i32
        %lt3A_467 = arith.constant 0 : i32
        %lt3A_468 = arith.cmpi slt, %rem3A_464, %lt3A_467 : i32
        %lt3A_469 = arith.constant 0 : i32
        %lt3A_470 = arith.cmpi slt, %select_n3A_463, %lt3A_469 : i32
        %ne3A_471 = arith.xori %lt3A_468, %lt3A_470 : i1
        %and3A_472 = arith.andi %ne3A_471, %ne3A_466 : i1
        %add3A_473 = arith.addi %rem3A_464, %select_n3A_463 : i32
        %select_n3A_474 = arith.select %and3A_472, %add3A_473, %rem3A_464 : i32
        %get3A_475 = arith.index_cast %select_n3A_474 : i32 to index
        %get3A_476 = arith.constant 256 : index
        %get3A_477 = tpu.vector_load %arg9[%get3A_475, %get3A_476] {strides = array<i32>} : memref<16x512xf32, #tpu.memory_space<vmem>>, vector<16xf32>,
        %add3A_478 = arith.constant 256 : i32
        %add3A_479 = vector.broadcast %add3A_478 : i32 to vector<16xi32>
        %add3A_480 = arith.addi %add3A_479, %iota3A : vector<16xi32>
        %masked_sort3A_481 = arith.constant dense<true> : vector<16xi1>
        %masked_sort3A_482, %masked_sort3A_483, %masked_sort3A_484 = tpu.sort %get3A_477, %add3A_480 masked %masked_sort3A_481 : (vector<16xf32>, vector<16xi32>, vector<16xi1>) -> (vector<16xi1>, vector<16xf32>, vector<16xi32>)
        %jit3A_485 = arith.constant 16 : i32
        %eq3A_486 = arith.constant 0 : i32
        %eq3A_487 = arith.cmpi eq, %jit3A_485, %eq3A_486 : i32
        %jit3A_488 = arith.constant 1 : i32
        %select_n3A_489 = arith.select %eq3A_487, %jit3A_488, %jit3A_485 : i32
        %rem3A_490 = arith.remsi %add3A_37, %select_n3A_489 : i32
        %ne3A_491 = arith.constant 0 : i32
        %ne3A_492 = arith.cmpi ne, %rem3A_490, %ne3A_491 : i32
        %lt3A_493 = arith.constant 0 : i32
        %lt3A_494 = arith.cmpi slt, %rem3A_490, %lt3A_493 : i32
        %lt3A_495 = arith.constant 0 : i32
        %lt3A_496 = arith.cmpi slt, %select_n3A_489, %lt3A_495 : i32
        %ne3A_497 = arith.xori %lt3A_494, %lt3A_496 : i1
        %and3A_498 = arith.andi %ne3A_497, %ne3A_492 : i1
        %add3A_499 = arith.addi %rem3A_490, %select_n3A_489 : i32
        %select_n3A_500 = arith.select %and3A_498, %add3A_499, %rem3A_490 : i32
        %get3A_501 = arith.index_cast %select_n3A_500 : i32 to index
        %get3A_502 = arith.constant 272 : index
        %get3A_503 = tpu.vector_load %arg9[%get3A_501, %get3A_502] {strides = array<i32>} : memref<16x512xf32, #tpu.memory_space<vmem>>, vector<16xf32>,
        %add3A_504 = arith.constant 272 : i32
        %add3A_505 = vector.broadcast %add3A_504 : i32 to vector<16xi32>
        %add3A_506 = arith.addi %add3A_505, %iota3A : vector<16xi32>
        %masked_sort3A_507 = arith.constant dense<true> : vector<16xi1>
        %masked_sort3A_508, %masked_sort3A_509, %masked_sort3A_510 = tpu.sort %get3A_503, %add3A_506 masked %masked_sort3A_507 : (vector<16xf32>, vector<16xi32>, vector<16xi1>) -> (vector<16xi1>, vector<16xf32>, vector<16xi32>)
        %jit3A_511 = arith.constant 16 : i32
        %eq3A_512 = arith.constant 0 : i32
        %eq3A_513 = arith.cmpi eq, %jit3A_511, %eq3A_512 : i32
        %jit3A_514 = arith.constant 1 : i32
        %select_n3A_515 = arith.select %eq3A_513, %jit3A_514, %jit3A_511 : i32
        %rem3A_516 = arith.remsi %add3A_37, %select_n3A_515 : i32
        %ne3A_517 = arith.constant 0 : i32
        %ne3A_518 = arith.cmpi ne, %rem3A_516, %ne3A_517 : i32
        %lt3A_519 = arith.constant 0 : i32
        %lt3A_520 = arith.cmpi slt, %rem3A_516, %lt3A_519 : i32
        %lt3A_521 = arith.constant 0 : i32
        %lt3A_522 = arith.cmpi slt, %select_n3A_515, %lt3A_521 : i32
        %ne3A_523 = arith.xori %lt3A_520, %lt3A_522 : i1
        %and3A_524 = arith.andi %ne3A_523, %ne3A_518 : i1
        %add3A_525 = arith.addi %rem3A_516, %select_n3A_515 : i32
        %select_n3A_526 = arith.select %and3A_524, %add3A_525, %rem3A_516 : i32
        %get3A_527 = arith.index_cast %select_n3A_526 : i32 to index
        %get3A_528 = arith.constant 288 : index
        %get3A_529 = tpu.vector_load %arg9[%get3A_527, %get3A_528] {strides = array<i32>} : memref<16x512xf32, #tpu.memory_space<vmem>>, vector<16xf32>,
        %add3A_530 = arith.constant 288 : i32
        %add3A_531 = vector.broadcast %add3A_530 : i32 to vector<16xi32>
        %add3A_532 = arith.addi %add3A_531, %iota3A : vector<16xi32>
        %masked_sort3A_533 = arith.constant dense<true> : vector<16xi1>
        %masked_sort3A_534, %masked_sort3A_535, %masked_sort3A_536 = tpu.sort %get3A_529, %add3A_532 masked %masked_sort3A_533 : (vector<16xf32>, vector<16xi32>, vector<16xi1>) -> (vector<16xi1>, vector<16xf32>, vector<16xi32>)
        %jit3A_537 = arith.constant 16 : i32
        %eq3A_538 = arith.constant 0 : i32
        %eq3A_539 = arith.cmpi eq, %jit3A_537, %eq3A_538 : i32
        %jit3A_540 = arith.constant 1 : i32
        %select_n3A_541 = arith.select %eq3A_539, %jit3A_540, %jit3A_537 : i32
        %rem3A_542 = arith.remsi %add3A_37, %select_n3A_541 : i32
        %ne3A_543 = arith.constant 0 : i32
        %ne3A_544 = arith.cmpi ne, %rem3A_542, %ne3A_543 : i32
        %lt3A_545 = arith.constant 0 : i32
        %lt3A_546 = arith.cmpi slt, %rem3A_542, %lt3A_545 : i32
        %lt3A_547 = arith.constant 0 : i32
        %lt3A_548 = arith.cmpi slt, %select_n3A_541, %lt3A_547 : i32
        %ne3A_549 = arith.xori %lt3A_546, %lt3A_548 : i1
        %and3A_550 = arith.andi %ne3A_549, %ne3A_544 : i1
        %add3A_551 = arith.addi %rem3A_542, %select_n3A_541 : i32
        %select_n3A_552 = arith.select %and3A_550, %add3A_551, %rem3A_542 : i32
        %get3A_553 = arith.index_cast %select_n3A_552 : i32 to index
        %get3A_554 = arith.constant 304 : index
        %get3A_555 = tpu.vector_load %arg9[%get3A_553, %get3A_554] {strides = array<i32>} : memref<16x512xf32, #tpu.memory_space<vmem>>, vector<16xf32>,
        %add3A_556 = arith.constant 304 : i32
        %add3A_557 = vector.broadcast %add3A_556 : i32 to vector<16xi32>
        %add3A_558 = arith.addi %add3A_557, %iota3A : vector<16xi32>
        %masked_sort3A_559 = arith.constant dense<true> : vector<16xi1>
        %masked_sort3A_560, %masked_sort3A_561, %masked_sort3A_562 = tpu.sort %get3A_555, %add3A_558 masked %masked_sort3A_559 : (vector<16xf32>, vector<16xi32>, vector<16xi1>) -> (vector<16xi1>, vector<16xf32>, vector<16xi32>)
        %jit3A_563 = arith.constant 16 : i32
        %eq3A_564 = arith.constant 0 : i32
        %eq3A_565 = arith.cmpi eq, %jit3A_563, %eq3A_564 : i32
        %jit3A_566 = arith.constant 1 : i32
        %select_n3A_567 = arith.select %eq3A_565, %jit3A_566, %jit3A_563 : i32
        %rem3A_568 = arith.remsi %add3A_37, %select_n3A_567 : i32
        %ne3A_569 = arith.constant 0 : i32
        %ne3A_570 = arith.cmpi ne, %rem3A_568, %ne3A_569 : i32
        %lt3A_571 = arith.constant 0 : i32
        %lt3A_572 = arith.cmpi slt, %rem3A_568, %lt3A_571 : i32
        %lt3A_573 = arith.constant 0 : i32
        %lt3A_574 = arith.cmpi slt, %select_n3A_567, %lt3A_573 : i32
        %ne3A_575 = arith.xori %lt3A_572, %lt3A_574 : i1
        %and3A_576 = arith.andi %ne3A_575, %ne3A_570 : i1
        %add3A_577 = arith.addi %rem3A_568, %select_n3A_567 : i32
        %select_n3A_578 = arith.select %and3A_576, %add3A_577, %rem3A_568 : i32
        %get3A_579 = arith.index_cast %select_n3A_578 : i32 to index
        %get3A_580 = arith.constant 320 : index
        %get3A_581 = tpu.vector_load %arg9[%get3A_579, %get3A_580] {strides = array<i32>} : memref<16x512xf32, #tpu.memory_space<vmem>>, vector<16xf32>,
        %add3A_582 = arith.constant 320 : i32
        %add3A_583 = vector.broadcast %add3A_582 : i32 to vector<16xi32>
        %add3A_584 = arith.addi %add3A_583, %iota3A : vector<16xi32>
        %masked_sort3A_585 = arith.constant dense<true> : vector<16xi1>
        %masked_sort3A_586, %masked_sort3A_587, %masked_sort3A_588 = tpu.sort %get3A_581, %add3A_584 masked %masked_sort3A_585 : (vector<16xf32>, vector<16xi32>, vector<16xi1>) -> (vector<16xi1>, vector<16xf32>, vector<16xi32>)
        %jit3A_589 = arith.constant 16 : i32
        %eq3A_590 = arith.constant 0 : i32
        %eq3A_591 = arith.cmpi eq, %jit3A_589, %eq3A_590 : i32
        %jit3A_592 = arith.constant 1 : i32
        %select_n3A_593 = arith.select %eq3A_591, %jit3A_592, %jit3A_589 : i32
        %rem3A_594 = arith.remsi %add3A_37, %select_n3A_593 : i32
        %ne3A_595 = arith.constant 0 : i32
        %ne3A_596 = arith.cmpi ne, %rem3A_594, %ne3A_595 : i32
        %lt3A_597 = arith.constant 0 : i32
        %lt3A_598 = arith.cmpi slt, %rem3A_594, %lt3A_597 : i32
        %lt3A_599 = arith.constant 0 : i32
        %lt3A_600 = arith.cmpi slt, %select_n3A_593, %lt3A_599 : i32
        %ne3A_601 = arith.xori %lt3A_598, %lt3A_600 : i1
        %and3A_602 = arith.andi %ne3A_601, %ne3A_596 : i1
        %add3A_603 = arith.addi %rem3A_594, %select_n3A_593 : i32
        %select_n3A_604 = arith.select %and3A_602, %add3A_603, %rem3A_594 : i32
        %get3A_605 = arith.index_cast %select_n3A_604 : i32 to index
        %get3A_606 = arith.constant 336 : index
        %get3A_607 = tpu.vector_load %arg9[%get3A_605, %get3A_606] {strides = array<i32>} : memref<16x512xf32, #tpu.memory_space<vmem>>, vector<16xf32>,
        %add3A_608 = arith.constant 336 : i32
        %add3A_609 = vector.broadcast %add3A_608 : i32 to vector<16xi32>
        %add3A_610 = arith.addi %add3A_609, %iota3A : vector<16xi32>
        %masked_sort3A_611 = arith.constant dense<true> : vector<16xi1>
        %masked_sort3A_612, %masked_sort3A_613, %masked_sort3A_614 = tpu.sort %get3A_607, %add3A_610 masked %masked_sort3A_611 : (vector<16xf32>, vector<16xi32>, vector<16xi1>) -> (vector<16xi1>, vector<16xf32>, vector<16xi32>)
        %jit3A_615 = arith.constant 16 : i32
        %eq3A_616 = arith.constant 0 : i32
        %eq3A_617 = arith.cmpi eq, %jit3A_615, %eq3A_616 : i32
        %jit3A_618 = arith.constant 1 : i32
        %select_n3A_619 = arith.select %eq3A_617, %jit3A_618, %jit3A_615 : i32
        %rem3A_620 = arith.remsi %add3A_37, %select_n3A_619 : i32
        %ne3A_621 = arith.constant 0 : i32
        %ne3A_622 = arith.cmpi ne, %rem3A_620, %ne3A_621 : i32
        %lt3A_623 = arith.constant 0 : i32
        %lt3A_624 = arith.cmpi slt, %rem3A_620, %lt3A_623 : i32
        %lt3A_625 = arith.constant 0 : i32
        %lt3A_626 = arith.cmpi slt, %select_n3A_619, %lt3A_625 : i32
        %ne3A_627 = arith.xori %lt3A_624, %lt3A_626 : i1
        %and3A_628 = arith.andi %ne3A_627, %ne3A_622 : i1
        %add3A_629 = arith.addi %rem3A_620, %select_n3A_619 : i32
        %select_n3A_630 = arith.select %and3A_628, %add3A_629, %rem3A_620 : i32
        %get3A_631 = arith.index_cast %select_n3A_630 : i32 to index
        %get3A_632 = arith.constant 352 : index
        %get3A_633 = tpu.vector_load %arg9[%get3A_631, %get3A_632] {strides = array<i32>} : memref<16x512xf32, #tpu.memory_space<vmem>>, vector<16xf32>,
        %add3A_634 = arith.constant 352 : i32
        %add3A_635 = vector.broadcast %add3A_634 : i32 to vector<16xi32>
        %add3A_636 = arith.addi %add3A_635, %iota3A : vector<16xi32>
        %masked_sort3A_637 = arith.constant dense<true> : vector<16xi1>
        %masked_sort3A_638, %masked_sort3A_639, %masked_sort3A_640 = tpu.sort %get3A_633, %add3A_636 masked %masked_sort3A_637 : (vector<16xf32>, vector<16xi32>, vector<16xi1>) -> (vector<16xi1>, vector<16xf32>, vector<16xi32>)
        %jit3A_641 = arith.constant 16 : i32
        %eq3A_642 = arith.constant 0 : i32
        %eq3A_643 = arith.cmpi eq, %jit3A_641, %eq3A_642 : i32
        %jit3A_644 = arith.constant 1 : i32
        %select_n3A_645 = arith.select %eq3A_643, %jit3A_644, %jit3A_641 : i32
        %rem3A_646 = arith.remsi %add3A_37, %select_n3A_645 : i32
        %ne3A_647 = arith.constant 0 : i32
        %ne3A_648 = arith.cmpi ne, %rem3A_646, %ne3A_647 : i32
        %lt3A_649 = arith.constant 0 : i32
        %lt3A_650 = arith.cmpi slt, %rem3A_646, %lt3A_649 : i32
        %lt3A_651 = arith.constant 0 : i32
        %lt3A_652 = arith.cmpi slt, %select_n3A_645, %lt3A_651 : i32
        %ne3A_653 = arith.xori %lt3A_650, %lt3A_652 : i1
        %and3A_654 = arith.andi %ne3A_653, %ne3A_648 : i1
        %add3A_655 = arith.addi %rem3A_646, %select_n3A_645 : i32
        %select_n3A_656 = arith.select %and3A_654, %add3A_655, %rem3A_646 : i32
        %get3A_657 = arith.index_cast %select_n3A_656 : i32 to index
        %get3A_658 = arith.constant 368 : index
        %get3A_659 = tpu.vector_load %arg9[%get3A_657, %get3A_658] {strides = array<i32>} : memref<16x512xf32, #tpu.memory_space<vmem>>, vector<16xf32>,
        %add3A_660 = arith.constant 368 : i32
        %add3A_661 = vector.broadcast %add3A_660 : i32 to vector<16xi32>
        %add3A_662 = arith.addi %add3A_661, %iota3A : vector<16xi32>
        %masked_sort3A_663 = arith.constant dense<true> : vector<16xi1>
        %masked_sort3A_664, %masked_sort3A_665, %masked_sort3A_666 = tpu.sort %get3A_659, %add3A_662 masked %masked_sort3A_663 : (vector<16xf32>, vector<16xi32>, vector<16xi1>) -> (vector<16xi1>, vector<16xf32>, vector<16xi32>)
        %jit3A_667 = arith.constant 16 : i32
        %eq3A_668 = arith.constant 0 : i32
        %eq3A_669 = arith.cmpi eq, %jit3A_667, %eq3A_668 : i32
        %jit3A_670 = arith.constant 1 : i32
        %select_n3A_671 = arith.select %eq3A_669, %jit3A_670, %jit3A_667 : i32
        %rem3A_672 = arith.remsi %add3A_37, %select_n3A_671 : i32
        %ne3A_673 = arith.constant 0 : i32
        %ne3A_674 = arith.cmpi ne, %rem3A_672, %ne3A_673 : i32
        %lt3A_675 = arith.constant 0 : i32
        %lt3A_676 = arith.cmpi slt, %rem3A_672, %lt3A_675 : i32
        %lt3A_677 = arith.constant 0 : i32
        %lt3A_678 = arith.cmpi slt, %select_n3A_671, %lt3A_677 : i32
        %ne3A_679 = arith.xori %lt3A_676, %lt3A_678 : i1
        %and3A_680 = arith.andi %ne3A_679, %ne3A_674 : i1
        %add3A_681 = arith.addi %rem3A_672, %select_n3A_671 : i32
        %select_n3A_682 = arith.select %and3A_680, %add3A_681, %rem3A_672 : i32
        %get3A_683 = arith.index_cast %select_n3A_682 : i32 to index
        %get3A_684 = arith.constant 384 : index
        %get3A_685 = tpu.vector_load %arg9[%get3A_683, %get3A_684] {strides = array<i32>} : memref<16x512xf32, #tpu.memory_space<vmem>>, vector<16xf32>,
        %add3A_686 = arith.constant 384 : i32
        %add3A_687 = vector.broadcast %add3A_686 : i32 to vector<16xi32>
        %add3A_688 = arith.addi %add3A_687, %iota3A : vector<16xi32>
        %masked_sort3A_689 = arith.constant dense<true> : vector<16xi1>
        %masked_sort3A_690, %masked_sort3A_691, %masked_sort3A_692 = tpu.sort %get3A_685, %add3A_688 masked %masked_sort3A_689 : (vector<16xf32>, vector<16xi32>, vector<16xi1>) -> (vector<16xi1>, vector<16xf32>, vector<16xi32>)
        %jit3A_693 = arith.constant 16 : i32
        %eq3A_694 = arith.constant 0 : i32
        %eq3A_695 = arith.cmpi eq, %jit3A_693, %eq3A_694 : i32
        %jit3A_696 = arith.constant 1 : i32
        %select_n3A_697 = arith.select %eq3A_695, %jit3A_696, %jit3A_693 : i32
        %rem3A_698 = arith.remsi %add3A_37, %select_n3A_697 : i32
        %ne3A_699 = arith.constant 0 : i32
        %ne3A_700 = arith.cmpi ne, %rem3A_698, %ne3A_699 : i32
        %lt3A_701 = arith.constant 0 : i32
        %lt3A_702 = arith.cmpi slt, %rem3A_698, %lt3A_701 : i32
        %lt3A_703 = arith.constant 0 : i32
        %lt3A_704 = arith.cmpi slt, %select_n3A_697, %lt3A_703 : i32
        %ne3A_705 = arith.xori %lt3A_702, %lt3A_704 : i1
        %and3A_706 = arith.andi %ne3A_705, %ne3A_700 : i1
        %add3A_707 = arith.addi %rem3A_698, %select_n3A_697 : i32
        %select_n3A_708 = arith.select %and3A_706, %add3A_707, %rem3A_698 : i32
        %get3A_709 = arith.index_cast %select_n3A_708 : i32 to index
        %get3A_710 = arith.constant 400 : index
        %get3A_711 = tpu.vector_load %arg9[%get3A_709, %get3A_710] {strides = array<i32>} : memref<16x512xf32, #tpu.memory_space<vmem>>, vector<16xf32>,
        %add3A_712 = arith.constant 400 : i32
        %add3A_713 = vector.broadcast %add3A_712 : i32 to vector<16xi32>
        %add3A_714 = arith.addi %add3A_713, %iota3A : vector<16xi32>
        %masked_sort3A_715 = arith.constant dense<true> : vector<16xi1>
        %masked_sort3A_716, %masked_sort3A_717, %masked_sort3A_718 = tpu.sort %get3A_711, %add3A_714 masked %masked_sort3A_715 : (vector<16xf32>, vector<16xi32>, vector<16xi1>) -> (vector<16xi1>, vector<16xf32>, vector<16xi32>)
        %jit3A_719 = arith.constant 16 : i32
        %eq3A_720 = arith.constant 0 : i32
        %eq3A_721 = arith.cmpi eq, %jit3A_719, %eq3A_720 : i32
        %jit3A_722 = arith.constant 1 : i32
        %select_n3A_723 = arith.select %eq3A_721, %jit3A_722, %jit3A_719 : i32
        %rem3A_724 = arith.remsi %add3A_37, %select_n3A_723 : i32
        %ne3A_725 = arith.constant 0 : i32
        %ne3A_726 = arith.cmpi ne, %rem3A_724, %ne3A_725 : i32
        %lt3A_727 = arith.constant 0 : i32
        %lt3A_728 = arith.cmpi slt, %rem3A_724, %lt3A_727 : i32
        %lt3A_729 = arith.constant 0 : i32
        %lt3A_730 = arith.cmpi slt, %select_n3A_723, %lt3A_729 : i32
        %ne3A_731 = arith.xori %lt3A_728, %lt3A_730 : i1
        %and3A_732 = arith.andi %ne3A_731, %ne3A_726 : i1
        %add3A_733 = arith.addi %rem3A_724, %select_n3A_723 : i32
        %select_n3A_734 = arith.select %and3A_732, %add3A_733, %rem3A_724 : i32
        %get3A_735 = arith.index_cast %select_n3A_734 : i32 to index
        %get3A_736 = arith.constant 416 : index
        %get3A_737 = tpu.vector_load %arg9[%get3A_735, %get3A_736] {strides = array<i32>} : memref<16x512xf32, #tpu.memory_space<vmem>>, vector<16xf32>,
        %add3A_738 = arith.constant 416 : i32
        %add3A_739 = vector.broadcast %add3A_738 : i32 to vector<16xi32>
        %add3A_740 = arith.addi %add3A_739, %iota3A : vector<16xi32>
        %masked_sort3A_741 = arith.constant dense<true> : vector<16xi1>
        %masked_sort3A_742, %masked_sort3A_743, %masked_sort3A_744 = tpu.sort %get3A_737, %add3A_740 masked %masked_sort3A_741 : (vector<16xf32>, vector<16xi32>, vector<16xi1>) -> (vector<16xi1>, vector<16xf32>, vector<16xi32>)
        %jit3A_745 = arith.constant 16 : i32
        %eq3A_746 = arith.constant 0 : i32
        %eq3A_747 = arith.cmpi eq, %jit3A_745, %eq3A_746 : i32
        %jit3A_748 = arith.constant 1 : i32
        %select_n3A_749 = arith.select %eq3A_747, %jit3A_748, %jit3A_745 : i32
        %rem3A_750 = arith.remsi %add3A_37, %select_n3A_749 : i32
        %ne3A_751 = arith.constant 0 : i32
        %ne3A_752 = arith.cmpi ne, %rem3A_750, %ne3A_751 : i32
        %lt3A_753 = arith.constant 0 : i32
        %lt3A_754 = arith.cmpi slt, %rem3A_750, %lt3A_753 : i32
        %lt3A_755 = arith.constant 0 : i32
        %lt3A_756 = arith.cmpi slt, %select_n3A_749, %lt3A_755 : i32
        %ne3A_757 = arith.xori %lt3A_754, %lt3A_756 : i1
        %and3A_758 = arith.andi %ne3A_757, %ne3A_752 : i1
        %add3A_759 = arith.addi %rem3A_750, %select_n3A_749 : i32
        %select_n3A_760 = arith.select %and3A_758, %add3A_759, %rem3A_750 : i32
        %get3A_761 = arith.index_cast %select_n3A_760 : i32 to index
        %get3A_762 = arith.constant 432 : index
        %get3A_763 = tpu.vector_load %arg9[%get3A_761, %get3A_762] {strides = array<i32>} : memref<16x512xf32, #tpu.memory_space<vmem>>, vector<16xf32>,
        %add3A_764 = arith.constant 432 : i32
        %add3A_765 = vector.broadcast %add3A_764 : i32 to vector<16xi32>
        %add3A_766 = arith.addi %add3A_765, %iota3A : vector<16xi32>
        %masked_sort3A_767 = arith.constant dense<true> : vector<16xi1>
        %masked_sort3A_768, %masked_sort3A_769, %masked_sort3A_770 = tpu.sort %get3A_763, %add3A_766 masked %masked_sort3A_767 : (vector<16xf32>, vector<16xi32>, vector<16xi1>) -> (vector<16xi1>, vector<16xf32>, vector<16xi32>)
        %jit3A_771 = arith.constant 16 : i32
        %eq3A_772 = arith.constant 0 : i32
        %eq3A_773 = arith.cmpi eq, %jit3A_771, %eq3A_772 : i32
        %jit3A_774 = arith.constant 1 : i32
        %select_n3A_775 = arith.select %eq3A_773, %jit3A_774, %jit3A_771 : i32
        %rem3A_776 = arith.remsi %add3A_37, %select_n3A_775 : i32
        %ne3A_777 = arith.constant 0 : i32
        %ne3A_778 = arith.cmpi ne, %rem3A_776, %ne3A_777 : i32
        %lt3A_779 = arith.constant 0 : i32
        %lt3A_780 = arith.cmpi slt, %rem3A_776, %lt3A_779 : i32
        %lt3A_781 = arith.constant 0 : i32
        %lt3A_782 = arith.cmpi slt, %select_n3A_775, %lt3A_781 : i32
        %ne3A_783 = arith.xori %lt3A_780, %lt3A_782 : i1
        %and3A_784 = arith.andi %ne3A_783, %ne3A_778 : i1
        %add3A_785 = arith.addi %rem3A_776, %select_n3A_775 : i32
        %select_n3A_786 = arith.select %and3A_784, %add3A_785, %rem3A_776 : i32
        %get3A_787 = arith.index_cast %select_n3A_786 : i32 to index
        %get3A_788 = arith.constant 448 : index
        %get3A_789 = tpu.vector_load %arg9[%get3A_787, %get3A_788] {strides = array<i32>} : memref<16x512xf32, #tpu.memory_space<vmem>>, vector<16xf32>,
        %add3A_790 = arith.constant 448 : i32
        %add3A_791 = vector.broadcast %add3A_790 : i32 to vector<16xi32>
        %add3A_792 = arith.addi %add3A_791, %iota3A : vector<16xi32>
        %masked_sort3A_793 = arith.constant dense<true> : vector<16xi1>
        %masked_sort3A_794, %masked_sort3A_795, %masked_sort3A_796 = tpu.sort %get3A_789, %add3A_792 masked %masked_sort3A_793 : (vector<16xf32>, vector<16xi32>, vector<16xi1>) -> (vector<16xi1>, vector<16xf32>, vector<16xi32>)
        %jit3A_797 = arith.constant 16 : i32
        %eq3A_798 = arith.constant 0 : i32
        %eq3A_799 = arith.cmpi eq, %jit3A_797, %eq3A_798 : i32
        %jit3A_800 = arith.constant 1 : i32
        %select_n3A_801 = arith.select %eq3A_799, %jit3A_800, %jit3A_797 : i32
        %rem3A_802 = arith.remsi %add3A_37, %select_n3A_801 : i32
        %ne3A_803 = arith.constant 0 : i32
        %ne3A_804 = arith.cmpi ne, %rem3A_802, %ne3A_803 : i32
        %lt3A_805 = arith.constant 0 : i32
        %lt3A_806 = arith.cmpi slt, %rem3A_802, %lt3A_805 : i32
        %lt3A_807 = arith.constant 0 : i32
        %lt3A_808 = arith.cmpi slt, %select_n3A_801, %lt3A_807 : i32
        %ne3A_809 = arith.xori %lt3A_806, %lt3A_808 : i1
        %and3A_810 = arith.andi %ne3A_809, %ne3A_804 : i1
        %add3A_811 = arith.addi %rem3A_802, %select_n3A_801 : i32
        %select_n3A_812 = arith.select %and3A_810, %add3A_811, %rem3A_802 : i32
        %get3A_813 = arith.index_cast %select_n3A_812 : i32 to index
        %get3A_814 = arith.constant 464 : index
        %get3A_815 = tpu.vector_load %arg9[%get3A_813, %get3A_814] {strides = array<i32>} : memref<16x512xf32, #tpu.memory_space<vmem>>, vector<16xf32>,
        %add3A_816 = arith.constant 464 : i32
        %add3A_817 = vector.broadcast %add3A_816 : i32 to vector<16xi32>
        %add3A_818 = arith.addi %add3A_817, %iota3A : vector<16xi32>
        %masked_sort3A_819 = arith.constant dense<true> : vector<16xi1>
        %masked_sort3A_820, %masked_sort3A_821, %masked_sort3A_822 = tpu.sort %get3A_815, %add3A_818 masked %masked_sort3A_819 : (vector<16xf32>, vector<16xi32>, vector<16xi1>) -> (vector<16xi1>, vector<16xf32>, vector<16xi32>)
        %jit3A_823 = arith.constant 16 : i32
        %eq3A_824 = arith.constant 0 : i32
        %eq3A_825 = arith.cmpi eq, %jit3A_823, %eq3A_824 : i32
        %jit3A_826 = arith.constant 1 : i32
        %select_n3A_827 = arith.select %eq3A_825, %jit3A_826, %jit3A_823 : i32
        %rem3A_828 = arith.remsi %add3A_37, %select_n3A_827 : i32
        %ne3A_829 = arith.constant 0 : i32
        %ne3A_830 = arith.cmpi ne, %rem3A_828, %ne3A_829 : i32
        %lt3A_831 = arith.constant 0 : i32
        %lt3A_832 = arith.cmpi slt, %rem3A_828, %lt3A_831 : i32
        %lt3A_833 = arith.constant 0 : i32
        %lt3A_834 = arith.cmpi slt, %select_n3A_827, %lt3A_833 : i32
        %ne3A_835 = arith.xori %lt3A_832, %lt3A_834 : i1
        %and3A_836 = arith.andi %ne3A_835, %ne3A_830 : i1
        %add3A_837 = arith.addi %rem3A_828, %select_n3A_827 : i32
        %select_n3A_838 = arith.select %and3A_836, %add3A_837, %rem3A_828 : i32
        %get3A_839 = arith.index_cast %select_n3A_838 : i32 to index
        %get3A_840 = arith.constant 480 : index
        %get3A_841 = tpu.vector_load %arg9[%get3A_839, %get3A_840] {strides = array<i32>} : memref<16x512xf32, #tpu.memory_space<vmem>>, vector<16xf32>,
        %add3A_842 = arith.constant 480 : i32
        %add3A_843 = vector.broadcast %add3A_842 : i32 to vector<16xi32>
        %add3A_844 = arith.addi %add3A_843, %iota3A : vector<16xi32>
        %masked_sort3A_845 = arith.constant dense<true> : vector<16xi1>
        %masked_sort3A_846, %masked_sort3A_847, %masked_sort3A_848 = tpu.sort %get3A_841, %add3A_844 masked %masked_sort3A_845 : (vector<16xf32>, vector<16xi32>, vector<16xi1>) -> (vector<16xi1>, vector<16xf32>, vector<16xi32>)
        %jit3A_849 = arith.constant 16 : i32
        %eq3A_850 = arith.constant 0 : i32
        %eq3A_851 = arith.cmpi eq, %jit3A_849, %eq3A_850 : i32
        %jit3A_852 = arith.constant 1 : i32
        %select_n3A_853 = arith.select %eq3A_851, %jit3A_852, %jit3A_849 : i32
        %rem3A_854 = arith.remsi %add3A_37, %select_n3A_853 : i32
        %ne3A_855 = arith.constant 0 : i32
        %ne3A_856 = arith.cmpi ne, %rem3A_854, %ne3A_855 : i32
        %lt3A_857 = arith.constant 0 : i32
        %lt3A_858 = arith.cmpi slt, %rem3A_854, %lt3A_857 : i32
        %lt3A_859 = arith.constant 0 : i32
        %lt3A_860 = arith.cmpi slt, %select_n3A_853, %lt3A_859 : i32
        %ne3A_861 = arith.xori %lt3A_858, %lt3A_860 : i1
        %and3A_862 = arith.andi %ne3A_861, %ne3A_856 : i1
        %add3A_863 = arith.addi %rem3A_854, %select_n3A_853 : i32
        %select_n3A_864 = arith.select %and3A_862, %add3A_863, %rem3A_854 : i32
        %get3A_865 = arith.index_cast %select_n3A_864 : i32 to index
        %get3A_866 = arith.constant 496 : index
        %get3A_867 = tpu.vector_load %arg9[%get3A_865, %get3A_866] {strides = array<i32>} : memref<16x512xf32, #tpu.memory_space<vmem>>, vector<16xf32>,
        %add3A_868 = arith.constant 496 : i32
        %add3A_869 = vector.broadcast %add3A_868 : i32 to vector<16xi32>
        %add3A_870 = arith.addi %add3A_869, %iota3A : vector<16xi32>
        %masked_sort3A_871 = arith.constant dense<true> : vector<16xi1>
        %masked_sort3A_872, %masked_sort3A_873, %masked_sort3A_874 = tpu.sort %get3A_867, %add3A_870 masked %masked_sort3A_871 : (vector<16xf32>, vector<16xi32>, vector<16xi1>) -> (vector<16xi1>, vector<16xf32>, vector<16xi32>)
        %rev3A = arith.constant 15 : i32
        %rev3A_875 = vector.broadcast %rev3A : i32 to vector<16xi32>
        %rev3A_876 = tpu.iota {dimensions = array<i32: 0>} : vector<16xi32>
        %rev3A_877 = arith.subi %rev3A_875, %rev3A_876 : vector<16xi32>
        %rev3A_878 = tpu.dynamic_gather %masked_sort3A_93[%rev3A_877] in [0] : vector<16xf32>, vector<16xi32> -> vector<16xf32>
        %rev3A_879 = arith.constant 15 : i32
        %rev3A_880 = vector.broadcast %rev3A_879 : i32 to vector<16xi32>
        %rev3A_881 = tpu.iota {dimensions = array<i32: 0>} : vector<16xi32>
        %rev3A_882 = arith.subi %rev3A_880, %rev3A_881 : vector<16xi32>
        %rev3A_883 = tpu.dynamic_gather %masked_sort3A_94[%rev3A_882] in [0] : vector<16xi32>, vector<16xi32> -> vector<16xi32>
        %lt3A_884 = arith.cmpf olt, %rev3A_878, %masked_sort3A_67 : vector<16xf32>
        %select_n3A_885 = arith.select %lt3A_884, %rev3A_878, %masked_sort3A_67 : vector<16xi1>, vector<16xf32>
        %select_n3A_886 = arith.select %lt3A_884, %rev3A_883, %masked_sort3A_68 : vector<16xi1>, vector<16xi32>
        %masked_sort3A_887 = arith.constant dense<true> : vector<16xi1>
        %masked_sort3A_888, %masked_sort3A_889, %masked_sort3A_890 = tpu.sort %select_n3A_885, %select_n3A_886 masked %masked_sort3A_887 : (vector<16xf32>, vector<16xi32>, vector<16xi1>) -> (vector<16xi1>, vector<16xf32>, vector<16xi32>)
        %rev3A_891 = arith.constant 15 : i32
        %rev3A_892 = vector.broadcast %rev3A_891 : i32 to vector<16xi32>
        %rev3A_893 = tpu.iota {dimensions = array<i32: 0>} : vector<16xi32>
        %rev3A_894 = arith.subi %rev3A_892, %rev3A_893 : vector<16xi32>
        %rev3A_895 = tpu.dynamic_gather %masked_sort3A_145[%rev3A_894] in [0] : vector<16xf32>, vector<16xi32> -> vector<16xf32>
        %rev3A_896 = arith.constant 15 : i32
        %rev3A_897 = vector.broadcast %rev3A_896 : i32 to vector<16xi32>
        %rev3A_898 = tpu.iota {dimensions = array<i32: 0>} : vector<16xi32>
        %rev3A_899 = arith.subi %rev3A_897, %rev3A_898 : vector<16xi32>
        %rev3A_900 = tpu.dynamic_gather %masked_sort3A_146[%rev3A_899] in [0] : vector<16xi32>, vector<16xi32> -> vector<16xi32>
        %lt3A_901 = arith.cmpf olt, %rev3A_895, %masked_sort3A_119 : vector<16xf32>
        %select_n3A_902 = arith.select %lt3A_901, %rev3A_895, %masked_sort3A_119 : vector<16xi1>, vector<16xf32>
        %select_n3A_903 = arith.select %lt3A_901, %rev3A_900, %masked_sort3A_120 : vector<16xi1>, vector<16xi32>
        %masked_sort3A_904 = arith.constant dense<true> : vector<16xi1>
        %masked_sort3A_905, %masked_sort3A_906, %masked_sort3A_907 = tpu.sort %select_n3A_902, %select_n3A_903 masked %masked_sort3A_904 : (vector<16xf32>, vector<16xi32>, vector<16xi1>) -> (vector<16xi1>, vector<16xf32>, vector<16xi32>)
        %rev3A_908 = arith.constant 15 : i32
        %rev3A_909 = vector.broadcast %rev3A_908 : i32 to vector<16xi32>
        %rev3A_910 = tpu.iota {dimensions = array<i32: 0>} : vector<16xi32>
        %rev3A_911 = arith.subi %rev3A_909, %rev3A_910 : vector<16xi32>
        %rev3A_912 = tpu.dynamic_gather %masked_sort3A_197[%rev3A_911] in [0] : vector<16xf32>, vector<16xi32> -> vector<16xf32>
        %rev3A_913 = arith.constant 15 : i32
        %rev3A_914 = vector.broadcast %rev3A_913 : i32 to vector<16xi32>
        %rev3A_915 = tpu.iota {dimensions = array<i32: 0>} : vector<16xi32>
        %rev3A_916 = arith.subi %rev3A_914, %rev3A_915 : vector<16xi32>
        %rev3A_917 = tpu.dynamic_gather %masked_sort3A_198[%rev3A_916] in [0] : vector<16xi32>, vector<16xi32> -> vector<16xi32>
        %lt3A_918 = arith.cmpf olt, %rev3A_912, %masked_sort3A_171 : vector<16xf32>
        %select_n3A_919 = arith.select %lt3A_918, %rev3A_912, %masked_sort3A_171 : vector<16xi1>, vector<16xf32>
        %select_n3A_920 = arith.select %lt3A_918, %rev3A_917, %masked_sort3A_172 : vector<16xi1>, vector<16xi32>
        %masked_sort3A_921 = arith.constant dense<true> : vector<16xi1>
        %masked_sort3A_922, %masked_sort3A_923, %masked_sort3A_924 = tpu.sort %select_n3A_919, %select_n3A_920 masked %masked_sort3A_921 : (vector<16xf32>, vector<16xi32>, vector<16xi1>) -> (vector<16xi1>, vector<16xf32>, vector<16xi32>)
        %rev3A_925 = arith.constant 15 : i32
        %rev3A_926 = vector.broadcast %rev3A_925 : i32 to vector<16xi32>
        %rev3A_927 = tpu.iota {dimensions = array<i32: 0>} : vector<16xi32>
        %rev3A_928 = arith.subi %rev3A_926, %rev3A_927 : vector<16xi32>
        %rev3A_929 = tpu.dynamic_gather %masked_sort3A_249[%rev3A_928] in [0] : vector<16xf32>, vector<16xi32> -> vector<16xf32>
        %rev3A_930 = arith.constant 15 : i32
        %rev3A_931 = vector.broadcast %rev3A_930 : i32 to vector<16xi32>
        %rev3A_932 = tpu.iota {dimensions = array<i32: 0>} : vector<16xi32>
        %rev3A_933 = arith.subi %rev3A_931, %rev3A_932 : vector<16xi32>
        %rev3A_934 = tpu.dynamic_gather %masked_sort3A_250[%rev3A_933] in [0] : vector<16xi32>, vector<16xi32> -> vector<16xi32>
        %lt3A_935 = arith.cmpf olt, %rev3A_929, %masked_sort3A_223 : vector<16xf32>
        %select_n3A_936 = arith.select %lt3A_935, %rev3A_929, %masked_sort3A_223 : vector<16xi1>, vector<16xf32>
        %select_n3A_937 = arith.select %lt3A_935, %rev3A_934, %masked_sort3A_224 : vector<16xi1>, vector<16xi32>
        %masked_sort3A_938 = arith.constant dense<true> : vector<16xi1>
        %masked_sort3A_939, %masked_sort3A_940, %masked_sort3A_941 = tpu.sort %select_n3A_936, %select_n3A_937 masked %masked_sort3A_938 : (vector<16xf32>, vector<16xi32>, vector<16xi1>) -> (vector<16xi1>, vector<16xf32>, vector<16xi32>)
        %rev3A_942 = arith.constant 15 : i32
        %rev3A_943 = vector.broadcast %rev3A_942 : i32 to vector<16xi32>
        %rev3A_944 = tpu.iota {dimensions = array<i32: 0>} : vector<16xi32>
        %rev3A_945 = arith.subi %rev3A_943, %rev3A_944 : vector<16xi32>
        %rev3A_946 = tpu.dynamic_gather %masked_sort3A_301[%rev3A_945] in [0] : vector<16xf32>, vector<16xi32> -> vector<16xf32>
        %rev3A_947 = arith.constant 15 : i32
        %rev3A_948 = vector.broadcast %rev3A_947 : i32 to vector<16xi32>
        %rev3A_949 = tpu.iota {dimensions = array<i32: 0>} : vector<16xi32>
        %rev3A_950 = arith.subi %rev3A_948, %rev3A_949 : vector<16xi32>
        %rev3A_951 = tpu.dynamic_gather %masked_sort3A_302[%rev3A_950] in [0] : vector<16xi32>, vector<16xi32> -> vector<16xi32>
        %lt3A_952 = arith.cmpf olt, %rev3A_946, %masked_sort3A_275 : vector<16xf32>
        %select_n3A_953 = arith.select %lt3A_952, %rev3A_946, %masked_sort3A_275 : vector<16xi1>, vector<16xf32>
        %select_n3A_954 = arith.select %lt3A_952, %rev3A_951, %masked_sort3A_276 : vector<16xi1>, vector<16xi32>
        %masked_sort3A_955 = arith.constant dense<true> : vector<16xi1>
        %masked_sort3A_956, %masked_sort3A_957, %masked_sort3A_958 = tpu.sort %select_n3A_953, %select_n3A_954 masked %masked_sort3A_955 : (vector<16xf32>, vector<16xi32>, vector<16xi1>) -> (vector<16xi1>, vector<16xf32>, vector<16xi32>)
        %rev3A_959 = arith.constant 15 : i32
        %rev3A_960 = vector.broadcast %rev3A_959 : i32 to vector<16xi32>
        %rev3A_961 = tpu.iota {dimensions = array<i32: 0>} : vector<16xi32>
        %rev3A_962 = arith.subi %rev3A_960, %rev3A_961 : vector<16xi32>
        %rev3A_963 = tpu.dynamic_gather %masked_sort3A_353[%rev3A_962] in [0] : vector<16xf32>, vector<16xi32> -> vector<16xf32>
        %rev3A_964 = arith.constant 15 : i32
        %rev3A_965 = vector.broadcast %rev3A_964 : i32 to vector<16xi32>
        %rev3A_966 = tpu.iota {dimensions = array<i32: 0>} : vector<16xi32>
        %rev3A_967 = arith.subi %rev3A_965, %rev3A_966 : vector<16xi32>
        %rev3A_968 = tpu.dynamic_gather %masked_sort3A_354[%rev3A_967] in [0] : vector<16xi32>, vector<16xi32> -> vector<16xi32>
        %lt3A_969 = arith.cmpf olt, %rev3A_963, %masked_sort3A_327 : vector<16xf32>
        %select_n3A_970 = arith.select %lt3A_969, %rev3A_963, %masked_sort3A_327 : vector<16xi1>, vector<16xf32>
        %select_n3A_971 = arith.select %lt3A_969, %rev3A_968, %masked_sort3A_328 : vector<16xi1>, vector<16xi32>
        %masked_sort3A_972 = arith.constant dense<true> : vector<16xi1>
        %masked_sort3A_973, %masked_sort3A_974, %masked_sort3A_975 = tpu.sort %select_n3A_970, %select_n3A_971 masked %masked_sort3A_972 : (vector<16xf32>, vector<16xi32>, vector<16xi1>) -> (vector<16xi1>, vector<16xf32>, vector<16xi32>)
        %rev3A_976 = arith.constant 15 : i32
        %rev3A_977 = vector.broadcast %rev3A_976 : i32 to vector<16xi32>
        %rev3A_978 = tpu.iota {dimensions = array<i32: 0>} : vector<16xi32>
        %rev3A_979 = arith.subi %rev3A_977, %rev3A_978 : vector<16xi32>
        %rev3A_980 = tpu.dynamic_gather %masked_sort3A_405[%rev3A_979] in [0] : vector<16xf32>, vector<16xi32> -> vector<16xf32>
        %rev3A_981 = arith.constant 15 : i32
        %rev3A_982 = vector.broadcast %rev3A_981 : i32 to vector<16xi32>
        %rev3A_983 = tpu.iota {dimensions = array<i32: 0>} : vector<16xi32>
        %rev3A_984 = arith.subi %rev3A_982, %rev3A_983 : vector<16xi32>
        %rev3A_985 = tpu.dynamic_gather %masked_sort3A_406[%rev3A_984] in [0] : vector<16xi32>, vector<16xi32> -> vector<16xi32>
        %lt3A_986 = arith.cmpf olt, %rev3A_980, %masked_sort3A_379 : vector<16xf32>
        %select_n3A_987 = arith.select %lt3A_986, %rev3A_980, %masked_sort3A_379 : vector<16xi1>, vector<16xf32>
        %select_n3A_988 = arith.select %lt3A_986, %rev3A_985, %masked_sort3A_380 : vector<16xi1>, vector<16xi32>
        %masked_sort3A_989 = arith.constant dense<true> : vector<16xi1>
        %masked_sort3A_990, %masked_sort3A_991, %masked_sort3A_992 = tpu.sort %select_n3A_987, %select_n3A_988 masked %masked_sort3A_989 : (vector<16xf32>, vector<16xi32>, vector<16xi1>) -> (vector<16xi1>, vector<16xf32>, vector<16xi32>)
        %rev3A_993 = arith.constant 15 : i32
        %rev3A_994 = vector.broadcast %rev3A_993 : i32 to vector<16xi32>
        %rev3A_995 = tpu.iota {dimensions = array<i32: 0>} : vector<16xi32>
        %rev3A_996 = arith.subi %rev3A_994, %rev3A_995 : vector<16xi32>
        %rev3A_997 = tpu.dynamic_gather %masked_sort3A_457[%rev3A_996] in [0] : vector<16xf32>, vector<16xi32> -> vector<16xf32>
        %rev3A_998 = arith.constant 15 : i32
        %rev3A_999 = vector.broadcast %rev3A_998 : i32 to vector<16xi32>
        %rev3A_1000 = tpu.iota {dimensions = array<i32: 0>} : vector<16xi32>
        %rev3A_1001 = arith.subi %rev3A_999, %rev3A_1000 : vector<16xi32>
        %rev3A_1002 = tpu.dynamic_gather %masked_sort3A_458[%rev3A_1001] in [0] : vector<16xi32>, vector<16xi32> -> vector<16xi32>
        %lt3A_1003 = arith.cmpf olt, %rev3A_997, %masked_sort3A_431 : vector<16xf32>
        %select_n3A_1004 = arith.select %lt3A_1003, %rev3A_997, %masked_sort3A_431 : vector<16xi1>, vector<16xf32>
        %select_n3A_1005 = arith.select %lt3A_1003, %rev3A_1002, %masked_sort3A_432 : vector<16xi1>, vector<16xi32>
        %masked_sort3A_1006 = arith.constant dense<true> : vector<16xi1>
        %masked_sort3A_1007, %masked_sort3A_1008, %masked_sort3A_1009 = tpu.sort %select_n3A_1004, %select_n3A_1005 masked %masked_sort3A_1006 : (vector<16xf32>, vector<16xi32>, vector<16xi1>) -> (vector<16xi1>, vector<16xf32>, vector<16xi32>)
        %rev3A_1010 = arith.constant 15 : i32
        %rev3A_1011 = vector.broadcast %rev3A_1010 : i32 to vector<16xi32>
        %rev3A_1012 = tpu.iota {dimensions = array<i32: 0>} : vector<16xi32>
        %rev3A_1013 = arith.subi %rev3A_1011, %rev3A_1012 : vector<16xi32>
        %rev3A_1014 = tpu.dynamic_gather %masked_sort3A_509[%rev3A_1013] in [0] : vector<16xf32>, vector<16xi32> -> vector<16xf32>
        %rev3A_1015 = arith.constant 15 : i32
        %rev3A_1016 = vector.broadcast %rev3A_1015 : i32 to vector<16xi32>
        %rev3A_1017 = tpu.iota {dimensions = array<i32: 0>} : vector<16xi32>
        %rev3A_1018 = arith.subi %rev3A_1016, %rev3A_1017 : vector<16xi32>
        %rev3A_1019 = tpu.dynamic_gather %masked_sort3A_510[%rev3A_1018] in [0] : vector<16xi32>, vector<16xi32> -> vector<16xi32>
        %lt3A_1020 = arith.cmpf olt, %rev3A_1014, %masked_sort3A_483 : vector<16xf32>
        %select_n3A_1021 = arith.select %lt3A_1020, %rev3A_1014, %masked_sort3A_483 : vector<16xi1>, vector<16xf32>
        %select_n3A_1022 = arith.select %lt3A_1020, %rev3A_1019, %masked_sort3A_484 : vector<16xi1>, vector<16xi32>
        %masked_sort3A_1023 = arith.constant dense<true> : vector<16xi1>
        %masked_sort3A_1024, %masked_sort3A_1025, %masked_sort3A_1026 = tpu.sort %select_n3A_1021, %select_n3A_1022 masked %masked_sort3A_1023 : (vector<16xf32>, vector<16xi32>, vector<16xi1>) -> (vector<16xi1>, vector<16xf32>, vector<16xi32>)
        %rev3A_1027 = arith.constant 15 : i32
        %rev3A_1028 = vector.broadcast %rev3A_1027 : i32 to vector<16xi32>
        %rev3A_1029 = tpu.iota {dimensions = array<i32: 0>} : vector<16xi32>
        %rev3A_1030 = arith.subi %rev3A_1028, %rev3A_1029 : vector<16xi32>
        %rev3A_1031 = tpu.dynamic_gather %masked_sort3A_561[%rev3A_1030] in [0] : vector<16xf32>, vector<16xi32> -> vector<16xf32>
        %rev3A_1032 = arith.constant 15 : i32
        %rev3A_1033 = vector.broadcast %rev3A_1032 : i32 to vector<16xi32>
        %rev3A_1034 = tpu.iota {dimensions = array<i32: 0>} : vector<16xi32>
        %rev3A_1035 = arith.subi %rev3A_1033, %rev3A_1034 : vector<16xi32>
        %rev3A_1036 = tpu.dynamic_gather %masked_sort3A_562[%rev3A_1035] in [0] : vector<16xi32>, vector<16xi32> -> vector<16xi32>
        %lt3A_1037 = arith.cmpf olt, %rev3A_1031, %masked_sort3A_535 : vector<16xf32>
        %select_n3A_1038 = arith.select %lt3A_1037, %rev3A_1031, %masked_sort3A_535 : vector<16xi1>, vector<16xf32>
        %select_n3A_1039 = arith.select %lt3A_1037, %rev3A_1036, %masked_sort3A_536 : vector<16xi1>, vector<16xi32>
        %masked_sort3A_1040 = arith.constant dense<true> : vector<16xi1>
        %masked_sort3A_1041, %masked_sort3A_1042, %masked_sort3A_1043 = tpu.sort %select_n3A_1038, %select_n3A_1039 masked %masked_sort3A_1040 : (vector<16xf32>, vector<16xi32>, vector<16xi1>) -> (vector<16xi1>, vector<16xf32>, vector<16xi32>)
        %rev3A_1044 = arith.constant 15 : i32
        %rev3A_1045 = vector.broadcast %rev3A_1044 : i32 to vector<16xi32>
        %rev3A_1046 = tpu.iota {dimensions = array<i32: 0>} : vector<16xi32>
        %rev3A_1047 = arith.subi %rev3A_1045, %rev3A_1046 : vector<16xi32>
        %rev3A_1048 = tpu.dynamic_gather %masked_sort3A_613[%rev3A_1047] in [0] : vector<16xf32>, vector<16xi32> -> vector<16xf32>
        %rev3A_1049 = arith.constant 15 : i32
        %rev3A_1050 = vector.broadcast %rev3A_1049 : i32 to vector<16xi32>
        %rev3A_1051 = tpu.iota {dimensions = array<i32: 0>} : vector<16xi32>
        %rev3A_1052 = arith.subi %rev3A_1050, %rev3A_1051 : vector<16xi32>
        %rev3A_1053 = tpu.dynamic_gather %masked_sort3A_614[%rev3A_1052] in [0] : vector<16xi32>, vector<16xi32> -> vector<16xi32>
        %lt3A_1054 = arith.cmpf olt, %rev3A_1048, %masked_sort3A_587 : vector<16xf32>
        %select_n3A_1055 = arith.select %lt3A_1054, %rev3A_1048, %masked_sort3A_587 : vector<16xi1>, vector<16xf32>
        %select_n3A_1056 = arith.select %lt3A_1054, %rev3A_1053, %masked_sort3A_588 : vector<16xi1>, vector<16xi32>
        %masked_sort3A_1057 = arith.constant dense<true> : vector<16xi1>
        %masked_sort3A_1058, %masked_sort3A_1059, %masked_sort3A_1060 = tpu.sort %select_n3A_1055, %select_n3A_1056 masked %masked_sort3A_1057 : (vector<16xf32>, vector<16xi32>, vector<16xi1>) -> (vector<16xi1>, vector<16xf32>, vector<16xi32>)
        %rev3A_1061 = arith.constant 15 : i32
        %rev3A_1062 = vector.broadcast %rev3A_1061 : i32 to vector<16xi32>
        %rev3A_1063 = tpu.iota {dimensions = array<i32: 0>} : vector<16xi32>
        %rev3A_1064 = arith.subi %rev3A_1062, %rev3A_1063 : vector<16xi32>
        %rev3A_1065 = tpu.dynamic_gather %masked_sort3A_665[%rev3A_1064] in [0] : vector<16xf32>, vector<16xi32> -> vector<16xf32>
        %rev3A_1066 = arith.constant 15 : i32
        %rev3A_1067 = vector.broadcast %rev3A_1066 : i32 to vector<16xi32>
        %rev3A_1068 = tpu.iota {dimensions = array<i32: 0>} : vector<16xi32>
        %rev3A_1069 = arith.subi %rev3A_1067, %rev3A_1068 : vector<16xi32>
        %rev3A_1070 = tpu.dynamic_gather %masked_sort3A_666[%rev3A_1069] in [0] : vector<16xi32>, vector<16xi32> -> vector<16xi32>
        %lt3A_1071 = arith.cmpf olt, %rev3A_1065, %masked_sort3A_639 : vector<16xf32>
        %select_n3A_1072 = arith.select %lt3A_1071, %rev3A_1065, %masked_sort3A_639 : vector<16xi1>, vector<16xf32>
        %select_n3A_1073 = arith.select %lt3A_1071, %rev3A_1070, %masked_sort3A_640 : vector<16xi1>, vector<16xi32>
        %masked_sort3A_1074 = arith.constant dense<true> : vector<16xi1>
        %masked_sort3A_1075, %masked_sort3A_1076, %masked_sort3A_1077 = tpu.sort %select_n3A_1072, %select_n3A_1073 masked %masked_sort3A_1074 : (vector<16xf32>, vector<16xi32>, vector<16xi1>) -> (vector<16xi1>, vector<16xf32>, vector<16xi32>)
        %rev3A_1078 = arith.constant 15 : i32
        %rev3A_1079 = vector.broadcast %rev3A_1078 : i32 to vector<16xi32>
        %rev3A_1080 = tpu.iota {dimensions = array<i32: 0>} : vector<16xi32>
        %rev3A_1081 = arith.subi %rev3A_1079, %rev3A_1080 : vector<16xi32>
        %rev3A_1082 = tpu.dynamic_gather %masked_sort3A_717[%rev3A_1081] in [0] : vector<16xf32>, vector<16xi32> -> vector<16xf32>
        %rev3A_1083 = arith.constant 15 : i32
        %rev3A_1084 = vector.broadcast %rev3A_1083 : i32 to vector<16xi32>
        %rev3A_1085 = tpu.iota {dimensions = array<i32: 0>} : vector<16xi32>
        %rev3A_1086 = arith.subi %rev3A_1084, %rev3A_1085 : vector<16xi32>
        %rev3A_1087 = tpu.dynamic_gather %masked_sort3A_718[%rev3A_1086] in [0] : vector<16xi32>, vector<16xi32> -> vector<16xi32>
        %lt3A_1088 = arith.cmpf olt, %rev3A_1082, %masked_sort3A_691 : vector<16xf32>
        %select_n3A_1089 = arith.select %lt3A_1088, %rev3A_1082, %masked_sort3A_691 : vector<16xi1>, vector<16xf32>
        %select_n3A_1090 = arith.select %lt3A_1088, %rev3A_1087, %masked_sort3A_692 : vector<16xi1>, vector<16xi32>
        %masked_sort3A_1091 = arith.constant dense<true> : vector<16xi1>
        %masked_sort3A_1092, %masked_sort3A_1093, %masked_sort3A_1094 = tpu.sort %select_n3A_1089, %select_n3A_1090 masked %masked_sort3A_1091 : (vector<16xf32>, vector<16xi32>, vector<16xi1>) -> (vector<16xi1>, vector<16xf32>, vector<16xi32>)
        %rev3A_1095 = arith.constant 15 : i32
        %rev3A_1096 = vector.broadcast %rev3A_1095 : i32 to vector<16xi32>
        %rev3A_1097 = tpu.iota {dimensions = array<i32: 0>} : vector<16xi32>
        %rev3A_1098 = arith.subi %rev3A_1096, %rev3A_1097 : vector<16xi32>
        %rev3A_1099 = tpu.dynamic_gather %masked_sort3A_769[%rev3A_1098] in [0] : vector<16xf32>, vector<16xi32> -> vector<16xf32>
        %rev3A_1100 = arith.constant 15 : i32
        %rev3A_1101 = vector.broadcast %rev3A_1100 : i32 to vector<16xi32>
        %rev3A_1102 = tpu.iota {dimensions = array<i32: 0>} : vector<16xi32>
        %rev3A_1103 = arith.subi %rev3A_1101, %rev3A_1102 : vector<16xi32>
        %rev3A_1104 = tpu.dynamic_gather %masked_sort3A_770[%rev3A_1103] in [0] : vector<16xi32>, vector<16xi32> -> vector<16xi32>
        %lt3A_1105 = arith.cmpf olt, %rev3A_1099, %masked_sort3A_743 : vector<16xf32>
        %select_n3A_1106 = arith.select %lt3A_1105, %rev3A_1099, %masked_sort3A_743 : vector<16xi1>, vector<16xf32>
        %select_n3A_1107 = arith.select %lt3A_1105, %rev3A_1104, %masked_sort3A_744 : vector<16xi1>, vector<16xi32>
        %masked_sort3A_1108 = arith.constant dense<true> : vector<16xi1>
        %masked_sort3A_1109, %masked_sort3A_1110, %masked_sort3A_1111 = tpu.sort %select_n3A_1106, %select_n3A_1107 masked %masked_sort3A_1108 : (vector<16xf32>, vector<16xi32>, vector<16xi1>) -> (vector<16xi1>, vector<16xf32>, vector<16xi32>)
        %rev3A_1112 = arith.constant 15 : i32
        %rev3A_1113 = vector.broadcast %rev3A_1112 : i32 to vector<16xi32>
        %rev3A_1114 = tpu.iota {dimensions = array<i32: 0>} : vector<16xi32>
        %rev3A_1115 = arith.subi %rev3A_1113, %rev3A_1114 : vector<16xi32>
        %rev3A_1116 = tpu.dynamic_gather %masked_sort3A_821[%rev3A_1115] in [0] : vector<16xf32>, vector<16xi32> -> vector<16xf32>
        %rev3A_1117 = arith.constant 15 : i32
        %rev3A_1118 = vector.broadcast %rev3A_1117 : i32 to vector<16xi32>
        %rev3A_1119 = tpu.iota {dimensions = array<i32: 0>} : vector<16xi32>
        %rev3A_1120 = arith.subi %rev3A_1118, %rev3A_1119 : vector<16xi32>
        %rev3A_1121 = tpu.dynamic_gather %masked_sort3A_822[%rev3A_1120] in [0] : vector<16xi32>, vector<16xi32> -> vector<16xi32>
        %lt3A_1122 = arith.cmpf olt, %rev3A_1116, %masked_sort3A_795 : vector<16xf32>
        %select_n3A_1123 = arith.select %lt3A_1122, %rev3A_1116, %masked_sort3A_795 : vector<16xi1>, vector<16xf32>
        %select_n3A_1124 = arith.select %lt3A_1122, %rev3A_1121, %masked_sort3A_796 : vector<16xi1>, vector<16xi32>
        %masked_sort3A_1125 = arith.constant dense<true> : vector<16xi1>
        %masked_sort3A_1126, %masked_sort3A_1127, %masked_sort3A_1128 = tpu.sort %select_n3A_1123, %select_n3A_1124 masked %masked_sort3A_1125 : (vector<16xf32>, vector<16xi32>, vector<16xi1>) -> (vector<16xi1>, vector<16xf32>, vector<16xi32>)
        %rev3A_1129 = arith.constant 15 : i32
        %rev3A_1130 = vector.broadcast %rev3A_1129 : i32 to vector<16xi32>
        %rev3A_1131 = tpu.iota {dimensions = array<i32: 0>} : vector<16xi32>
        %rev3A_1132 = arith.subi %rev3A_1130, %rev3A_1131 : vector<16xi32>
        %rev3A_1133 = tpu.dynamic_gather %masked_sort3A_873[%rev3A_1132] in [0] : vector<16xf32>, vector<16xi32> -> vector<16xf32>
        %rev3A_1134 = arith.constant 15 : i32
        %rev3A_1135 = vector.broadcast %rev3A_1134 : i32 to vector<16xi32>
        %rev3A_1136 = tpu.iota {dimensions = array<i32: 0>} : vector<16xi32>
        %rev3A_1137 = arith.subi %rev3A_1135, %rev3A_1136 : vector<16xi32>
        %rev3A_1138 = tpu.dynamic_gather %masked_sort3A_874[%rev3A_1137] in [0] : vector<16xi32>, vector<16xi32> -> vector<16xi32>
        %lt3A_1139 = arith.cmpf olt, %rev3A_1133, %masked_sort3A_847 : vector<16xf32>
        %select_n3A_1140 = arith.select %lt3A_1139, %rev3A_1133, %masked_sort3A_847 : vector<16xi1>, vector<16xf32>
        %select_n3A_1141 = arith.select %lt3A_1139, %rev3A_1138, %masked_sort3A_848 : vector<16xi1>, vector<16xi32>
        %masked_sort3A_1142 = arith.constant dense<true> : vector<16xi1>
        %masked_sort3A_1143, %masked_sort3A_1144, %masked_sort3A_1145 = tpu.sort %select_n3A_1140, %select_n3A_1141 masked %masked_sort3A_1142 : (vector<16xf32>, vector<16xi32>, vector<16xi1>) -> (vector<16xi1>, vector<16xf32>, vector<16xi32>)
        %rev3A_1146 = arith.constant 15 : i32
        %rev3A_1147 = vector.broadcast %rev3A_1146 : i32 to vector<16xi32>
        %rev3A_1148 = tpu.iota {dimensions = array<i32: 0>} : vector<16xi32>
        %rev3A_1149 = arith.subi %rev3A_1147, %rev3A_1148 : vector<16xi32>
        %rev3A_1150 = tpu.dynamic_gather %masked_sort3A_906[%rev3A_1149] in [0] : vector<16xf32>, vector<16xi32> -> vector<16xf32>
        %rev3A_1151 = arith.constant 15 : i32
        %rev3A_1152 = vector.broadcast %rev3A_1151 : i32 to vector<16xi32>
        %rev3A_1153 = tpu.iota {dimensions = array<i32: 0>} : vector<16xi32>
        %rev3A_1154 = arith.subi %rev3A_1152, %rev3A_1153 : vector<16xi32>
        %rev3A_1155 = tpu.dynamic_gather %masked_sort3A_907[%rev3A_1154] in [0] : vector<16xi32>, vector<16xi32> -> vector<16xi32>
        %lt3A_1156 = arith.cmpf olt, %rev3A_1150, %masked_sort3A_889 : vector<16xf32>
        %select_n3A_1157 = arith.select %lt3A_1156, %rev3A_1150, %masked_sort3A_889 : vector<16xi1>, vector<16xf32>
        %select_n3A_1158 = arith.select %lt3A_1156, %rev3A_1155, %masked_sort3A_890 : vector<16xi1>, vector<16xi32>
        %masked_sort3A_1159 = arith.constant dense<true> : vector<16xi1>
        %masked_sort3A_1160, %masked_sort3A_1161, %masked_sort3A_1162 = tpu.sort %select_n3A_1157, %select_n3A_1158 masked %masked_sort3A_1159 : (vector<16xf32>, vector<16xi32>, vector<16xi1>) -> (vector<16xi1>, vector<16xf32>, vector<16xi32>)
        %rev3A_1163 = arith.constant 15 : i32
        %rev3A_1164 = vector.broadcast %rev3A_1163 : i32 to vector<16xi32>
        %rev3A_1165 = tpu.iota {dimensions = array<i32: 0>} : vector<16xi32>
        %rev3A_1166 = arith.subi %rev3A_1164, %rev3A_1165 : vector<16xi32>
        %rev3A_1167 = tpu.dynamic_gather %masked_sort3A_940[%rev3A_1166] in [0] : vector<16xf32>, vector<16xi32> -> vector<16xf32>
        %rev3A_1168 = arith.constant 15 : i32
        %rev3A_1169 = vector.broadcast %rev3A_1168 : i32 to vector<16xi32>
        %rev3A_1170 = tpu.iota {dimensions = array<i32: 0>} : vector<16xi32>
        %rev3A_1171 = arith.subi %rev3A_1169, %rev3A_1170 : vector<16xi32>
        %rev3A_1172 = tpu.dynamic_gather %masked_sort3A_941[%rev3A_1171] in [0] : vector<16xi32>, vector<16xi32> -> vector<16xi32>
        %lt3A_1173 = arith.cmpf olt, %rev3A_1167, %masked_sort3A_923 : vector<16xf32>
        %select_n3A_1174 = arith.select %lt3A_1173, %rev3A_1167, %masked_sort3A_923 : vector<16xi1>, vector<16xf32>
        %select_n3A_1175 = arith.select %lt3A_1173, %rev3A_1172, %masked_sort3A_924 : vector<16xi1>, vector<16xi32>
        %masked_sort3A_1176 = arith.constant dense<true> : vector<16xi1>
        %masked_sort3A_1177, %masked_sort3A_1178, %masked_sort3A_1179 = tpu.sort %select_n3A_1174, %select_n3A_1175 masked %masked_sort3A_1176 : (vector<16xf32>, vector<16xi32>, vector<16xi1>) -> (vector<16xi1>, vector<16xf32>, vector<16xi32>)
        %rev3A_1180 = arith.constant 15 : i32
        %rev3A_1181 = vector.broadcast %rev3A_1180 : i32 to vector<16xi32>
        %rev3A_1182 = tpu.iota {dimensions = array<i32: 0>} : vector<16xi32>
        %rev3A_1183 = arith.subi %rev3A_1181, %rev3A_1182 : vector<16xi32>
        %rev3A_1184 = tpu.dynamic_gather %masked_sort3A_974[%rev3A_1183] in [0] : vector<16xf32>, vector<16xi32> -> vector<16xf32>
        %rev3A_1185 = arith.constant 15 : i32
        %rev3A_1186 = vector.broadcast %rev3A_1185 : i32 to vector<16xi32>
        %rev3A_1187 = tpu.iota {dimensions = array<i32: 0>} : vector<16xi32>
        %rev3A_1188 = arith.subi %rev3A_1186, %rev3A_1187 : vector<16xi32>
        %rev3A_1189 = tpu.dynamic_gather %masked_sort3A_975[%rev3A_1188] in [0] : vector<16xi32>, vector<16xi32> -> vector<16xi32>
        %lt3A_1190 = arith.cmpf olt, %rev3A_1184, %masked_sort3A_957 : vector<16xf32>
        %select_n3A_1191 = arith.select %lt3A_1190, %rev3A_1184, %masked_sort3A_957 : vector<16xi1>, vector<16xf32>
        %select_n3A_1192 = arith.select %lt3A_1190, %rev3A_1189, %masked_sort3A_958 : vector<16xi1>, vector<16xi32>
        %masked_sort3A_1193 = arith.constant dense<true> : vector<16xi1>
        %masked_sort3A_1194, %masked_sort3A_1195, %masked_sort3A_1196 = tpu.sort %select_n3A_1191, %select_n3A_1192 masked %masked_sort3A_1193 : (vector<16xf32>, vector<16xi32>, vector<16xi1>) -> (vector<16xi1>, vector<16xf32>, vector<16xi32>)
        %rev3A_1197 = arith.constant 15 : i32
        %rev3A_1198 = vector.broadcast %rev3A_1197 : i32 to vector<16xi32>
        %rev3A_1199 = tpu.iota {dimensions = array<i32: 0>} : vector<16xi32>
        %rev3A_1200 = arith.subi %rev3A_1198, %rev3A_1199 : vector<16xi32>
        %rev3A_1201 = tpu.dynamic_gather %masked_sort3A_1008[%rev3A_1200] in [0] : vector<16xf32>, vector<16xi32> -> vector<16xf32>
        %rev3A_1202 = arith.constant 15 : i32
        %rev3A_1203 = vector.broadcast %rev3A_1202 : i32 to vector<16xi32>
        %rev3A_1204 = tpu.iota {dimensions = array<i32: 0>} : vector<16xi32>
        %rev3A_1205 = arith.subi %rev3A_1203, %rev3A_1204 : vector<16xi32>
        %rev3A_1206 = tpu.dynamic_gather %masked_sort3A_1009[%rev3A_1205] in [0] : vector<16xi32>, vector<16xi32> -> vector<16xi32>
        %lt3A_1207 = arith.cmpf olt, %rev3A_1201, %masked_sort3A_991 : vector<16xf32>
        %select_n3A_1208 = arith.select %lt3A_1207, %rev3A_1201, %masked_sort3A_991 : vector<16xi1>, vector<16xf32>
        %select_n3A_1209 = arith.select %lt3A_1207, %rev3A_1206, %masked_sort3A_992 : vector<16xi1>, vector<16xi32>
        %masked_sort3A_1210 = arith.constant dense<true> : vector<16xi1>
        %masked_sort3A_1211, %masked_sort3A_1212, %masked_sort3A_1213 = tpu.sort %select_n3A_1208, %select_n3A_1209 masked %masked_sort3A_1210 : (vector<16xf32>, vector<16xi32>, vector<16xi1>) -> (vector<16xi1>, vector<16xf32>, vector<16xi32>)
        %rev3A_1214 = arith.constant 15 : i32
        %rev3A_1215 = vector.broadcast %rev3A_1214 : i32 to vector<16xi32>
        %rev3A_1216 = tpu.iota {dimensions = array<i32: 0>} : vector<16xi32>
        %rev3A_1217 = arith.subi %rev3A_1215, %rev3A_1216 : vector<16xi32>
        %rev3A_1218 = tpu.dynamic_gather %masked_sort3A_1042[%rev3A_1217] in [0] : vector<16xf32>, vector<16xi32> -> vector<16xf32>
        %rev3A_1219 = arith.constant 15 : i32
        %rev3A_1220 = vector.broadcast %rev3A_1219 : i32 to vector<16xi32>
        %rev3A_1221 = tpu.iota {dimensions = array<i32: 0>} : vector<16xi32>
        %rev3A_1222 = arith.subi %rev3A_1220, %rev3A_1221 : vector<16xi32>
        %rev3A_1223 = tpu.dynamic_gather %masked_sort3A_1043[%rev3A_1222] in [0] : vector<16xi32>, vector<16xi32> -> vector<16xi32>
        %lt3A_1224 = arith.cmpf olt, %rev3A_1218, %masked_sort3A_1025 : vector<16xf32>
        %select_n3A_1225 = arith.select %lt3A_1224, %rev3A_1218, %masked_sort3A_1025 : vector<16xi1>, vector<16xf32>
        %select_n3A_1226 = arith.select %lt3A_1224, %rev3A_1223, %masked_sort3A_1026 : vector<16xi1>, vector<16xi32>
        %masked_sort3A_1227 = arith.constant dense<true> : vector<16xi1>
        %masked_sort3A_1228, %masked_sort3A_1229, %masked_sort3A_1230 = tpu.sort %select_n3A_1225, %select_n3A_1226 masked %masked_sort3A_1227 : (vector<16xf32>, vector<16xi32>, vector<16xi1>) -> (vector<16xi1>, vector<16xf32>, vector<16xi32>)
        %rev3A_1231 = arith.constant 15 : i32
        %rev3A_1232 = vector.broadcast %rev3A_1231 : i32 to vector<16xi32>
        %rev3A_1233 = tpu.iota {dimensions = array<i32: 0>} : vector<16xi32>
        %rev3A_1234 = arith.subi %rev3A_1232, %rev3A_1233 : vector<16xi32>
        %rev3A_1235 = tpu.dynamic_gather %masked_sort3A_1076[%rev3A_1234] in [0] : vector<16xf32>, vector<16xi32> -> vector<16xf32>
        %rev3A_1236 = arith.constant 15 : i32
        %rev3A_1237 = vector.broadcast %rev3A_1236 : i32 to vector<16xi32>
        %rev3A_1238 = tpu.iota {dimensions = array<i32: 0>} : vector<16xi32>
        %rev3A_1239 = arith.subi %rev3A_1237, %rev3A_1238 : vector<16xi32>
        %rev3A_1240 = tpu.dynamic_gather %masked_sort3A_1077[%rev3A_1239] in [0] : vector<16xi32>, vector<16xi32> -> vector<16xi32>
        %lt3A_1241 = arith.cmpf olt, %rev3A_1235, %masked_sort3A_1059 : vector<16xf32>
        %select_n3A_1242 = arith.select %lt3A_1241, %rev3A_1235, %masked_sort3A_1059 : vector<16xi1>, vector<16xf32>
        %select_n3A_1243 = arith.select %lt3A_1241, %rev3A_1240, %masked_sort3A_1060 : vector<16xi1>, vector<16xi32>
        %masked_sort3A_1244 = arith.constant dense<true> : vector<16xi1>
        %masked_sort3A_1245, %masked_sort3A_1246, %masked_sort3A_1247 = tpu.sort %select_n3A_1242, %select_n3A_1243 masked %masked_sort3A_1244 : (vector<16xf32>, vector<16xi32>, vector<16xi1>) -> (vector<16xi1>, vector<16xf32>, vector<16xi32>)
        %rev3A_1248 = arith.constant 15 : i32
        %rev3A_1249 = vector.broadcast %rev3A_1248 : i32 to vector<16xi32>
        %rev3A_1250 = tpu.iota {dimensions = array<i32: 0>} : vector<16xi32>
        %rev3A_1251 = arith.subi %rev3A_1249, %rev3A_1250 : vector<16xi32>
        %rev3A_1252 = tpu.dynamic_gather %masked_sort3A_1110[%rev3A_1251] in [0] : vector<16xf32>, vector<16xi32> -> vector<16xf32>
        %rev3A_1253 = arith.constant 15 : i32
        %rev3A_1254 = vector.broadcast %rev3A_1253 : i32 to vector<16xi32>
        %rev3A_1255 = tpu.iota {dimensions = array<i32: 0>} : vector<16xi32>
        %rev3A_1256 = arith.subi %rev3A_1254, %rev3A_1255 : vector<16xi32>
        %rev3A_1257 = tpu.dynamic_gather %masked_sort3A_1111[%rev3A_1256] in [0] : vector<16xi32>, vector<16xi32> -> vector<16xi32>
        %lt3A_1258 = arith.cmpf olt, %rev3A_1252, %masked_sort3A_1093 : vector<16xf32>
        %select_n3A_1259 = arith.select %lt3A_1258, %rev3A_1252, %masked_sort3A_1093 : vector<16xi1>, vector<16xf32>
        %select_n3A_1260 = arith.select %lt3A_1258, %rev3A_1257, %masked_sort3A_1094 : vector<16xi1>, vector<16xi32>
        %masked_sort3A_1261 = arith.constant dense<true> : vector<16xi1>
        %masked_sort3A_1262, %masked_sort3A_1263, %masked_sort3A_1264 = tpu.sort %select_n3A_1259, %select_n3A_1260 masked %masked_sort3A_1261 : (vector<16xf32>, vector<16xi32>, vector<16xi1>) -> (vector<16xi1>, vector<16xf32>, vector<16xi32>)
        %rev3A_1265 = arith.constant 15 : i32
        %rev3A_1266 = vector.broadcast %rev3A_1265 : i32 to vector<16xi32>
        %rev3A_1267 = tpu.iota {dimensions = array<i32: 0>} : vector<16xi32>
        %rev3A_1268 = arith.subi %rev3A_1266, %rev3A_1267 : vector<16xi32>
        %rev3A_1269 = tpu.dynamic_gather %masked_sort3A_1144[%rev3A_1268] in [0] : vector<16xf32>, vector<16xi32> -> vector<16xf32>
        %rev3A_1270 = arith.constant 15 : i32
        %rev3A_1271 = vector.broadcast %rev3A_1270 : i32 to vector<16xi32>
        %rev3A_1272 = tpu.iota {dimensions = array<i32: 0>} : vector<16xi32>
        %rev3A_1273 = arith.subi %rev3A_1271, %rev3A_1272 : vector<16xi32>
        %rev3A_1274 = tpu.dynamic_gather %masked_sort3A_1145[%rev3A_1273] in [0] : vector<16xi32>, vector<16xi32> -> vector<16xi32>
        %lt3A_1275 = arith.cmpf olt, %rev3A_1269, %masked_sort3A_1127 : vector<16xf32>
        %select_n3A_1276 = arith.select %lt3A_1275, %rev3A_1269, %masked_sort3A_1127 : vector<16xi1>, vector<16xf32>
        %select_n3A_1277 = arith.select %lt3A_1275, %rev3A_1274, %masked_sort3A_1128 : vector<16xi1>, vector<16xi32>
        %masked_sort3A_1278 = arith.constant dense<true> : vector<16xi1>
        %masked_sort3A_1279, %masked_sort3A_1280, %masked_sort3A_1281 = tpu.sort %select_n3A_1276, %select_n3A_1277 masked %masked_sort3A_1278 : (vector<16xf32>, vector<16xi32>, vector<16xi1>) -> (vector<16xi1>, vector<16xf32>, vector<16xi32>)
        %rev3A_1282 = arith.constant 15 : i32
        %rev3A_1283 = vector.broadcast %rev3A_1282 : i32 to vector<16xi32>
        %rev3A_1284 = tpu.iota {dimensions = array<i32: 0>} : vector<16xi32>
        %rev3A_1285 = arith.subi %rev3A_1283, %rev3A_1284 : vector<16xi32>
        %rev3A_1286 = tpu.dynamic_gather %masked_sort3A_1178[%rev3A_1285] in [0] : vector<16xf32>, vector<16xi32> -> vector<16xf32>
        %rev3A_1287 = arith.constant 15 : i32
        %rev3A_1288 = vector.broadcast %rev3A_1287 : i32 to vector<16xi32>
        %rev3A_1289 = tpu.iota {dimensions = array<i32: 0>} : vector<16xi32>
        %rev3A_1290 = arith.subi %rev3A_1288, %rev3A_1289 : vector<16xi32>
        %rev3A_1291 = tpu.dynamic_gather %masked_sort3A_1179[%rev3A_1290] in [0] : vector<16xi32>, vector<16xi32> -> vector<16xi32>
        %lt3A_1292 = arith.cmpf olt, %rev3A_1286, %masked_sort3A_1161 : vector<16xf32>
        %select_n3A_1293 = arith.select %lt3A_1292, %rev3A_1286, %masked_sort3A_1161 : vector<16xi1>, vector<16xf32>
        %select_n3A_1294 = arith.select %lt3A_1292, %rev3A_1291, %masked_sort3A_1162 : vector<16xi1>, vector<16xi32>
        %masked_sort3A_1295 = arith.constant dense<true> : vector<16xi1>
        %masked_sort3A_1296, %masked_sort3A_1297, %masked_sort3A_1298 = tpu.sort %select_n3A_1293, %select_n3A_1294 masked %masked_sort3A_1295 : (vector<16xf32>, vector<16xi32>, vector<16xi1>) -> (vector<16xi1>, vector<16xf32>, vector<16xi32>)
        %rev3A_1299 = arith.constant 15 : i32
        %rev3A_1300 = vector.broadcast %rev3A_1299 : i32 to vector<16xi32>
        %rev3A_1301 = tpu.iota {dimensions = array<i32: 0>} : vector<16xi32>
        %rev3A_1302 = arith.subi %rev3A_1300, %rev3A_1301 : vector<16xi32>
        %rev3A_1303 = tpu.dynamic_gather %masked_sort3A_1212[%rev3A_1302] in [0] : vector<16xf32>, vector<16xi32> -> vector<16xf32>
        %rev3A_1304 = arith.constant 15 : i32
        %rev3A_1305 = vector.broadcast %rev3A_1304 : i32 to vector<16xi32>
        %rev3A_1306 = tpu.iota {dimensions = array<i32: 0>} : vector<16xi32>
        %rev3A_1307 = arith.subi %rev3A_1305, %rev3A_1306 : vector<16xi32>
        %rev3A_1308 = tpu.dynamic_gather %masked_sort3A_1213[%rev3A_1307] in [0] : vector<16xi32>, vector<16xi32> -> vector<16xi32>
        %lt3A_1309 = arith.cmpf olt, %rev3A_1303, %masked_sort3A_1195 : vector<16xf32>
        %select_n3A_1310 = arith.select %lt3A_1309, %rev3A_1303, %masked_sort3A_1195 : vector<16xi1>, vector<16xf32>
        %select_n3A_1311 = arith.select %lt3A_1309, %rev3A_1308, %masked_sort3A_1196 : vector<16xi1>, vector<16xi32>
        %masked_sort3A_1312 = arith.constant dense<true> : vector<16xi1>
        %masked_sort3A_1313, %masked_sort3A_1314, %masked_sort3A_1315 = tpu.sort %select_n3A_1310, %select_n3A_1311 masked %masked_sort3A_1312 : (vector<16xf32>, vector<16xi32>, vector<16xi1>) -> (vector<16xi1>, vector<16xf32>, vector<16xi32>)
        %rev3A_1316 = arith.constant 15 : i32
        %rev3A_1317 = vector.broadcast %rev3A_1316 : i32 to vector<16xi32>
        %rev3A_1318 = tpu.iota {dimensions = array<i32: 0>} : vector<16xi32>
        %rev3A_1319 = arith.subi %rev3A_1317, %rev3A_1318 : vector<16xi32>
        %rev3A_1320 = tpu.dynamic_gather %masked_sort3A_1246[%rev3A_1319] in [0] : vector<16xf32>, vector<16xi32> -> vector<16xf32>
        %rev3A_1321 = arith.constant 15 : i32
        %rev3A_1322 = vector.broadcast %rev3A_1321 : i32 to vector<16xi32>
        %rev3A_1323 = tpu.iota {dimensions = array<i32: 0>} : vector<16xi32>
        %rev3A_1324 = arith.subi %rev3A_1322, %rev3A_1323 : vector<16xi32>
        %rev3A_1325 = tpu.dynamic_gather %masked_sort3A_1247[%rev3A_1324] in [0] : vector<16xi32>, vector<16xi32> -> vector<16xi32>
        %lt3A_1326 = arith.cmpf olt, %rev3A_1320, %masked_sort3A_1229 : vector<16xf32>
        %select_n3A_1327 = arith.select %lt3A_1326, %rev3A_1320, %masked_sort3A_1229 : vector<16xi1>, vector<16xf32>
        %select_n3A_1328 = arith.select %lt3A_1326, %rev3A_1325, %masked_sort3A_1230 : vector<16xi1>, vector<16xi32>
        %masked_sort3A_1329 = arith.constant dense<true> : vector<16xi1>
        %masked_sort3A_1330, %masked_sort3A_1331, %masked_sort3A_1332 = tpu.sort %select_n3A_1327, %select_n3A_1328 masked %masked_sort3A_1329 : (vector<16xf32>, vector<16xi32>, vector<16xi1>) -> (vector<16xi1>, vector<16xf32>, vector<16xi32>)
        %rev3A_1333 = arith.constant 15 : i32
        %rev3A_1334 = vector.broadcast %rev3A_1333 : i32 to vector<16xi32>
        %rev3A_1335 = tpu.iota {dimensions = array<i32: 0>} : vector<16xi32>
        %rev3A_1336 = arith.subi %rev3A_1334, %rev3A_1335 : vector<16xi32>
        %rev3A_1337 = tpu.dynamic_gather %masked_sort3A_1280[%rev3A_1336] in [0] : vector<16xf32>, vector<16xi32> -> vector<16xf32>
        %rev3A_1338 = arith.constant 15 : i32
        %rev3A_1339 = vector.broadcast %rev3A_1338 : i32 to vector<16xi32>
        %rev3A_1340 = tpu.iota {dimensions = array<i32: 0>} : vector<16xi32>
        %rev3A_1341 = arith.subi %rev3A_1339, %rev3A_1340 : vector<16xi32>
        %rev3A_1342 = tpu.dynamic_gather %masked_sort3A_1281[%rev3A_1341] in [0] : vector<16xi32>, vector<16xi32> -> vector<16xi32>
        %lt3A_1343 = arith.cmpf olt, %rev3A_1337, %masked_sort3A_1263 : vector<16xf32>
        %select_n3A_1344 = arith.select %lt3A_1343, %rev3A_1337, %masked_sort3A_1263 : vector<16xi1>, vector<16xf32>
        %select_n3A_1345 = arith.select %lt3A_1343, %rev3A_1342, %masked_sort3A_1264 : vector<16xi1>, vector<16xi32>
        %masked_sort3A_1346 = arith.constant dense<true> : vector<16xi1>
        %masked_sort3A_1347, %masked_sort3A_1348, %masked_sort3A_1349 = tpu.sort %select_n3A_1344, %select_n3A_1345 masked %masked_sort3A_1346 : (vector<16xf32>, vector<16xi32>, vector<16xi1>) -> (vector<16xi1>, vector<16xf32>, vector<16xi32>)
        %rev3A_1350 = arith.constant 15 : i32
        %rev3A_1351 = vector.broadcast %rev3A_1350 : i32 to vector<16xi32>
        %rev3A_1352 = tpu.iota {dimensions = array<i32: 0>} : vector<16xi32>
        %rev3A_1353 = arith.subi %rev3A_1351, %rev3A_1352 : vector<16xi32>
        %rev3A_1354 = tpu.dynamic_gather %masked_sort3A_1314[%rev3A_1353] in [0] : vector<16xf32>, vector<16xi32> -> vector<16xf32>
        %rev3A_1355 = arith.constant 15 : i32
        %rev3A_1356 = vector.broadcast %rev3A_1355 : i32 to vector<16xi32>
        %rev3A_1357 = tpu.iota {dimensions = array<i32: 0>} : vector<16xi32>
        %rev3A_1358 = arith.subi %rev3A_1356, %rev3A_1357 : vector<16xi32>
        %rev3A_1359 = tpu.dynamic_gather %masked_sort3A_1315[%rev3A_1358] in [0] : vector<16xi32>, vector<16xi32> -> vector<16xi32>
        %lt3A_1360 = arith.cmpf olt, %rev3A_1354, %masked_sort3A_1297 : vector<16xf32>
        %select_n3A_1361 = arith.select %lt3A_1360, %rev3A_1354, %masked_sort3A_1297 : vector<16xi1>, vector<16xf32>
        %select_n3A_1362 = arith.select %lt3A_1360, %rev3A_1359, %masked_sort3A_1298 : vector<16xi1>, vector<16xi32>
        %masked_sort3A_1363 = arith.constant dense<true> : vector<16xi1>
        %masked_sort3A_1364, %masked_sort3A_1365, %masked_sort3A_1366 = tpu.sort %select_n3A_1361, %select_n3A_1362 masked %masked_sort3A_1363 : (vector<16xf32>, vector<16xi32>, vector<16xi1>) -> (vector<16xi1>, vector<16xf32>, vector<16xi32>)
        %rev3A_1367 = arith.constant 15 : i32
        %rev3A_1368 = vector.broadcast %rev3A_1367 : i32 to vector<16xi32>
        %rev3A_1369 = tpu.iota {dimensions = array<i32: 0>} : vector<16xi32>
        %rev3A_1370 = arith.subi %rev3A_1368, %rev3A_1369 : vector<16xi32>
        %rev3A_1371 = tpu.dynamic_gather %masked_sort3A_1348[%rev3A_1370] in [0] : vector<16xf32>, vector<16xi32> -> vector<16xf32>
        %rev3A_1372 = arith.constant 15 : i32
        %rev3A_1373 = vector.broadcast %rev3A_1372 : i32 to vector<16xi32>
        %rev3A_1374 = tpu.iota {dimensions = array<i32: 0>} : vector<16xi32>
        %rev3A_1375 = arith.subi %rev3A_1373, %rev3A_1374 : vector<16xi32>
        %rev3A_1376 = tpu.dynamic_gather %masked_sort3A_1349[%rev3A_1375] in [0] : vector<16xi32>, vector<16xi32> -> vector<16xi32>
        %lt3A_1377 = arith.cmpf olt, %rev3A_1371, %masked_sort3A_1331 : vector<16xf32>
        %select_n3A_1378 = arith.select %lt3A_1377, %rev3A_1371, %masked_sort3A_1331 : vector<16xi1>, vector<16xf32>
        %select_n3A_1379 = arith.select %lt3A_1377, %rev3A_1376, %masked_sort3A_1332 : vector<16xi1>, vector<16xi32>
        %masked_sort3A_1380 = arith.constant dense<true> : vector<16xi1>
        %masked_sort3A_1381, %masked_sort3A_1382, %masked_sort3A_1383 = tpu.sort %select_n3A_1378, %select_n3A_1379 masked %masked_sort3A_1380 : (vector<16xf32>, vector<16xi32>, vector<16xi1>) -> (vector<16xi1>, vector<16xf32>, vector<16xi32>)
        %rev3A_1384 = arith.constant 15 : i32
        %rev3A_1385 = vector.broadcast %rev3A_1384 : i32 to vector<16xi32>
        %rev3A_1386 = tpu.iota {dimensions = array<i32: 0>} : vector<16xi32>
        %rev3A_1387 = arith.subi %rev3A_1385, %rev3A_1386 : vector<16xi32>
        %rev3A_1388 = tpu.dynamic_gather %masked_sort3A_1382[%rev3A_1387] in [0] : vector<16xf32>, vector<16xi32> -> vector<16xf32>
        %rev3A_1389 = arith.constant 15 : i32
        %rev3A_1390 = vector.broadcast %rev3A_1389 : i32 to vector<16xi32>
        %rev3A_1391 = tpu.iota {dimensions = array<i32: 0>} : vector<16xi32>
        %rev3A_1392 = arith.subi %rev3A_1390, %rev3A_1391 : vector<16xi32>
        %rev3A_1393 = tpu.dynamic_gather %masked_sort3A_1383[%rev3A_1392] in [0] : vector<16xi32>, vector<16xi32> -> vector<16xi32>
        %lt3A_1394 = arith.cmpf olt, %rev3A_1388, %masked_sort3A_1365 : vector<16xf32>
        %select_n3A_1395 = arith.select %lt3A_1394, %rev3A_1388, %masked_sort3A_1365 : vector<16xi1>, vector<16xf32>
        %select_n3A_1396 = arith.select %lt3A_1394, %rev3A_1393, %masked_sort3A_1366 : vector<16xi1>, vector<16xi32>
        %masked_sort3A_1397 = arith.constant dense<true> : vector<16xi1>
        %masked_sort3A_1398, %masked_sort3A_1399, %masked_sort3A_1400 = tpu.sort %select_n3A_1395, %select_n3A_1396 masked %masked_sort3A_1397 : (vector<16xf32>, vector<16xi32>, vector<16xi1>) -> (vector<16xi1>, vector<16xf32>, vector<16xi32>)
        %broadcast_in_dim3A = arith.constant 0 : i32
        %broadcast_in_dim3A_1401 = vector.broadcast %broadcast_in_dim3A : i32 to vector<16x1xi32>
        %gather3A = vector.shape_cast %broadcast_in_dim3A_1401 : vector<16x1xi32> to vector<16xi32>
        %gather3A_1402 = tpu.dynamic_gather %masked_sort3A_1400[%gather3A] in [0] : vector<16xi32>, vector<16xi32> -> vector<16xi32>
        %mul3A_1403 = arith.constant 512 : i32
        %mul3A_1404 = vector.broadcast %mul3A_1403 : i32 to vector<16xi32>
        %mul3A_1405 = arith.muli %mul3A_1404, %iota3A : vector<16xi32>
        %add3A_1406 = arith.addi %gather3A_1402, %mul3A_1405 : vector<16xi32>
        %gather3A_1407 = tpu.vector_load_idx %arg10[%add3A_1406] : memref<8192xf32, #tpu.memory_space<vmem>>[vector<16xi32>], vector<16xf32>,
        %masked_sort3A_1408 = arith.constant dense<true> : vector<16xi1>
        %masked_sort3A_1409, %masked_sort3A_1410, %masked_sort3A_1411 = tpu.sort %gather3A_1407, %add3A_1406 masked %masked_sort3A_1408 : (vector<16xf32>, vector<16xi32>, vector<16xi1>) -> (vector<16xi1>, vector<16xf32>, vector<16xi32>)
        %broadcast_in_dim3A_1412 = arith.constant 1 : i32
        %broadcast_in_dim3A_1413 = vector.broadcast %broadcast_in_dim3A_1412 : i32 to vector<16x1xi32>
        %gather3A_1414 = vector.shape_cast %broadcast_in_dim3A_1413 : vector<16x1xi32> to vector<16xi32>
        %gather3A_1415 = tpu.dynamic_gather %masked_sort3A_1400[%gather3A_1414] in [0] : vector<16xi32>, vector<16xi32> -> vector<16xi32>
        %mul3A_1416 = arith.constant 512 : i32
        %mul3A_1417 = vector.broadcast %mul3A_1416 : i32 to vector<16xi32>
        %mul3A_1418 = arith.muli %mul3A_1417, %iota3A : vector<16xi32>
        %add3A_1419 = arith.addi %gather3A_1415, %mul3A_1418 : vector<16xi32>
        %gather3A_1420 = tpu.vector_load_idx %arg10[%add3A_1419] : memref<8192xf32, #tpu.memory_space<vmem>>[vector<16xi32>], vector<16xf32>,
        %masked_sort3A_1421 = arith.constant dense<true> : vector<16xi1>
        %masked_sort3A_1422, %masked_sort3A_1423, %masked_sort3A_1424 = tpu.sort %gather3A_1420, %add3A_1419 masked %masked_sort3A_1421 : (vector<16xf32>, vector<16xi32>, vector<16xi1>) -> (vector<16xi1>, vector<16xf32>, vector<16xi32>)
        %broadcast_in_dim3A_1425 = arith.constant 2 : i32
        %broadcast_in_dim3A_1426 = vector.broadcast %broadcast_in_dim3A_1425 : i32 to vector<16x1xi32>
        %gather3A_1427 = vector.shape_cast %broadcast_in_dim3A_1426 : vector<16x1xi32> to vector<16xi32>
        %gather3A_1428 = tpu.dynamic_gather %masked_sort3A_1400[%gather3A_1427] in [0] : vector<16xi32>, vector<16xi32> -> vector<16xi32>
        %mul3A_1429 = arith.constant 512 : i32
        %mul3A_1430 = vector.broadcast %mul3A_1429 : i32 to vector<16xi32>
        %mul3A_1431 = arith.muli %mul3A_1430, %iota3A : vector<16xi32>
        %add3A_1432 = arith.addi %gather3A_1428, %mul3A_1431 : vector<16xi32>
        %gather3A_1433 = tpu.vector_load_idx %arg10[%add3A_1432] : memref<8192xf32, #tpu.memory_space<vmem>>[vector<16xi32>], vector<16xf32>,
        %masked_sort3A_1434 = arith.constant dense<true> : vector<16xi1>
        %masked_sort3A_1435, %masked_sort3A_1436, %masked_sort3A_1437 = tpu.sort %gather3A_1433, %add3A_1432 masked %masked_sort3A_1434 : (vector<16xf32>, vector<16xi32>, vector<16xi1>) -> (vector<16xi1>, vector<16xf32>, vector<16xi32>)
        %broadcast_in_dim3A_1438 = arith.constant 3 : i32
        %broadcast_in_dim3A_1439 = vector.broadcast %broadcast_in_dim3A_1438 : i32 to vector<16x1xi32>
        %gather3A_1440 = vector.shape_cast %broadcast_in_dim3A_1439 : vector<16x1xi32> to vector<16xi32>
        %gather3A_1441 = tpu.dynamic_gather %masked_sort3A_1400[%gather3A_1440] in [0] : vector<16xi32>, vector<16xi32> -> vector<16xi32>
        %mul3A_1442 = arith.constant 512 : i32
        %mul3A_1443 = vector.broadcast %mul3A_1442 : i32 to vector<16xi32>
        %mul3A_1444 = arith.muli %mul3A_1443, %iota3A : vector<16xi32>
        %add3A_1445 = arith.addi %gather3A_1441, %mul3A_1444 : vector<16xi32>
        %gather3A_1446 = tpu.vector_load_idx %arg10[%add3A_1445] : memref<8192xf32, #tpu.memory_space<vmem>>[vector<16xi32>], vector<16xf32>,
        %masked_sort3A_1447 = arith.constant dense<true> : vector<16xi1>
        %masked_sort3A_1448, %masked_sort3A_1449, %masked_sort3A_1450 = tpu.sort %gather3A_1446, %add3A_1445 masked %masked_sort3A_1447 : (vector<16xf32>, vector<16xi32>, vector<16xi1>) -> (vector<16xi1>, vector<16xf32>, vector<16xi32>)
        %broadcast_in_dim3A_1451 = arith.constant 4 : i32
        %broadcast_in_dim3A_1452 = vector.broadcast %broadcast_in_dim3A_1451 : i32 to vector<16x1xi32>
        %gather3A_1453 = vector.shape_cast %broadcast_in_dim3A_1452 : vector<16x1xi32> to vector<16xi32>
        %gather3A_1454 = tpu.dynamic_gather %masked_sort3A_1400[%gather3A_1453] in [0] : vector<16xi32>, vector<16xi32> -> vector<16xi32>
        %mul3A_1455 = arith.constant 512 : i32
        %mul3A_1456 = vector.broadcast %mul3A_1455 : i32 to vector<16xi32>
        %mul3A_1457 = arith.muli %mul3A_1456, %iota3A : vector<16xi32>
        %add3A_1458 = arith.addi %gather3A_1454, %mul3A_1457 : vector<16xi32>
        %gather3A_1459 = tpu.vector_load_idx %arg10[%add3A_1458] : memref<8192xf32, #tpu.memory_space<vmem>>[vector<16xi32>], vector<16xf32>,
        %masked_sort3A_1460 = arith.constant dense<true> : vector<16xi1>
        %masked_sort3A_1461, %masked_sort3A_1462, %masked_sort3A_1463 = tpu.sort %gather3A_1459, %add3A_1458 masked %masked_sort3A_1460 : (vector<16xf32>, vector<16xi32>, vector<16xi1>) -> (vector<16xi1>, vector<16xf32>, vector<16xi32>)
        %broadcast_in_dim3A_1464 = arith.constant 5 : i32
        %broadcast_in_dim3A_1465 = vector.broadcast %broadcast_in_dim3A_1464 : i32 to vector<16x1xi32>
        %gather3A_1466 = vector.shape_cast %broadcast_in_dim3A_1465 : vector<16x1xi32> to vector<16xi32>
        %gather3A_1467 = tpu.dynamic_gather %masked_sort3A_1400[%gather3A_1466] in [0] : vector<16xi32>, vector<16xi32> -> vector<16xi32>
        %mul3A_1468 = arith.constant 512 : i32
        %mul3A_1469 = vector.broadcast %mul3A_1468 : i32 to vector<16xi32>
        %mul3A_1470 = arith.muli %mul3A_1469, %iota3A : vector<16xi32>
        %add3A_1471 = arith.addi %gather3A_1467, %mul3A_1470 : vector<16xi32>
        %gather3A_1472 = tpu.vector_load_idx %arg10[%add3A_1471] : memref<8192xf32, #tpu.memory_space<vmem>>[vector<16xi32>], vector<16xf32>,
        %masked_sort3A_1473 = arith.constant dense<true> : vector<16xi1>
        %masked_sort3A_1474, %masked_sort3A_1475, %masked_sort3A_1476 = tpu.sort %gather3A_1472, %add3A_1471 masked %masked_sort3A_1473 : (vector<16xf32>, vector<16xi32>, vector<16xi1>) -> (vector<16xi1>, vector<16xf32>, vector<16xi32>)
        %broadcast_in_dim3A_1477 = arith.constant 6 : i32
        %broadcast_in_dim3A_1478 = vector.broadcast %broadcast_in_dim3A_1477 : i32 to vector<16x1xi32>
        %gather3A_1479 = vector.shape_cast %broadcast_in_dim3A_1478 : vector<16x1xi32> to vector<16xi32>
        %gather3A_1480 = tpu.dynamic_gather %masked_sort3A_1400[%gather3A_1479] in [0] : vector<16xi32>, vector<16xi32> -> vector<16xi32>
        %mul3A_1481 = arith.constant 512 : i32
        %mul3A_1482 = vector.broadcast %mul3A_1481 : i32 to vector<16xi32>
        %mul3A_1483 = arith.muli %mul3A_1482, %iota3A : vector<16xi32>
        %add3A_1484 = arith.addi %gather3A_1480, %mul3A_1483 : vector<16xi32>
        %gather3A_1485 = tpu.vector_load_idx %arg10[%add3A_1484] : memref<8192xf32, #tpu.memory_space<vmem>>[vector<16xi32>], vector<16xf32>,
        %masked_sort3A_1486 = arith.constant dense<true> : vector<16xi1>
        %masked_sort3A_1487, %masked_sort3A_1488, %masked_sort3A_1489 = tpu.sort %gather3A_1485, %add3A_1484 masked %masked_sort3A_1486 : (vector<16xf32>, vector<16xi32>, vector<16xi1>) -> (vector<16xi1>, vector<16xf32>, vector<16xi32>)
        %broadcast_in_dim3A_1490 = arith.constant 7 : i32
        %broadcast_in_dim3A_1491 = vector.broadcast %broadcast_in_dim3A_1490 : i32 to vector<16x1xi32>
        %gather3A_1492 = vector.shape_cast %broadcast_in_dim3A_1491 : vector<16x1xi32> to vector<16xi32>
        %gather3A_1493 = tpu.dynamic_gather %masked_sort3A_1400[%gather3A_1492] in [0] : vector<16xi32>, vector<16xi32> -> vector<16xi32>
        %mul3A_1494 = arith.constant 512 : i32
        %mul3A_1495 = vector.broadcast %mul3A_1494 : i32 to vector<16xi32>
        %mul3A_1496 = arith.muli %mul3A_1495, %iota3A : vector<16xi32>
        %add3A_1497 = arith.addi %gather3A_1493, %mul3A_1496 : vector<16xi32>
        %gather3A_1498 = tpu.vector_load_idx %arg10[%add3A_1497] : memref<8192xf32, #tpu.memory_space<vmem>>[vector<16xi32>], vector<16xf32>,
        %masked_sort3A_1499 = arith.constant dense<true> : vector<16xi1>
        %masked_sort3A_1500, %masked_sort3A_1501, %masked_sort3A_1502 = tpu.sort %gather3A_1498, %add3A_1497 masked %masked_sort3A_1499 : (vector<16xf32>, vector<16xi32>, vector<16xi1>) -> (vector<16xi1>, vector<16xf32>, vector<16xi32>)
        %broadcast_in_dim3A_1503 = arith.constant 8 : i32
        %broadcast_in_dim3A_1504 = vector.broadcast %broadcast_in_dim3A_1503 : i32 to vector<16x1xi32>
        %gather3A_1505 = vector.shape_cast %broadcast_in_dim3A_1504 : vector<16x1xi32> to vector<16xi32>
        %gather3A_1506 = tpu.dynamic_gather %masked_sort3A_1400[%gather3A_1505] in [0] : vector<16xi32>, vector<16xi32> -> vector<16xi32>
        %mul3A_1507 = arith.constant 512 : i32
        %mul3A_1508 = vector.broadcast %mul3A_1507 : i32 to vector<16xi32>
        %mul3A_1509 = arith.muli %mul3A_1508, %iota3A : vector<16xi32>
        %add3A_1510 = arith.addi %gather3A_1506, %mul3A_1509 : vector<16xi32>
        %gather3A_1511 = tpu.vector_load_idx %arg10[%add3A_1510] : memref<8192xf32, #tpu.memory_space<vmem>>[vector<16xi32>], vector<16xf32>,
        %masked_sort3A_1512 = arith.constant dense<true> : vector<16xi1>
        %masked_sort3A_1513, %masked_sort3A_1514, %masked_sort3A_1515 = tpu.sort %gather3A_1511, %add3A_1510 masked %masked_sort3A_1512 : (vector<16xf32>, vector<16xi32>, vector<16xi1>) -> (vector<16xi1>, vector<16xf32>, vector<16xi32>)
        %broadcast_in_dim3A_1516 = arith.constant 9 : i32
        %broadcast_in_dim3A_1517 = vector.broadcast %broadcast_in_dim3A_1516 : i32 to vector<16x1xi32>
        %gather3A_1518 = vector.shape_cast %broadcast_in_dim3A_1517 : vector<16x1xi32> to vector<16xi32>
        %gather3A_1519 = tpu.dynamic_gather %masked_sort3A_1400[%gather3A_1518] in [0] : vector<16xi32>, vector<16xi32> -> vector<16xi32>
        %mul3A_1520 = arith.constant 512 : i32
        %mul3A_1521 = vector.broadcast %mul3A_1520 : i32 to vector<16xi32>
        %mul3A_1522 = arith.muli %mul3A_1521, %iota3A : vector<16xi32>
        %add3A_1523 = arith.addi %gather3A_1519, %mul3A_1522 : vector<16xi32>
        %gather3A_1524 = tpu.vector_load_idx %arg10[%add3A_1523] : memref<8192xf32, #tpu.memory_space<vmem>>[vector<16xi32>], vector<16xf32>,
        %masked_sort3A_1525 = arith.constant dense<true> : vector<16xi1>
        %masked_sort3A_1526, %masked_sort3A_1527, %masked_sort3A_1528 = tpu.sort %gather3A_1524, %add3A_1523 masked %masked_sort3A_1525 : (vector<16xf32>, vector<16xi32>, vector<16xi1>) -> (vector<16xi1>, vector<16xf32>, vector<16xi32>)
        %broadcast_in_dim3A_1529 = arith.constant 10 : i32
        %broadcast_in_dim3A_1530 = vector.broadcast %broadcast_in_dim3A_1529 : i32 to vector<16x1xi32>
        %gather3A_1531 = vector.shape_cast %broadcast_in_dim3A_1530 : vector<16x1xi32> to vector<16xi32>
        %gather3A_1532 = tpu.dynamic_gather %masked_sort3A_1400[%gather3A_1531] in [0] : vector<16xi32>, vector<16xi32> -> vector<16xi32>
        %mul3A_1533 = arith.constant 512 : i32
        %mul3A_1534 = vector.broadcast %mul3A_1533 : i32 to vector<16xi32>
        %mul3A_1535 = arith.muli %mul3A_1534, %iota3A : vector<16xi32>
        %add3A_1536 = arith.addi %gather3A_1532, %mul3A_1535 : vector<16xi32>
        %gather3A_1537 = tpu.vector_load_idx %arg10[%add3A_1536] : memref<8192xf32, #tpu.memory_space<vmem>>[vector<16xi32>], vector<16xf32>,
        %masked_sort3A_1538 = arith.constant dense<true> : vector<16xi1>
        %masked_sort3A_1539, %masked_sort3A_1540, %masked_sort3A_1541 = tpu.sort %gather3A_1537, %add3A_1536 masked %masked_sort3A_1538 : (vector<16xf32>, vector<16xi32>, vector<16xi1>) -> (vector<16xi1>, vector<16xf32>, vector<16xi32>)
        %broadcast_in_dim3A_1542 = arith.constant 11 : i32
        %broadcast_in_dim3A_1543 = vector.broadcast %broadcast_in_dim3A_1542 : i32 to vector<16x1xi32>
        %gather3A_1544 = vector.shape_cast %broadcast_in_dim3A_1543 : vector<16x1xi32> to vector<16xi32>
        %gather3A_1545 = tpu.dynamic_gather %masked_sort3A_1400[%gather3A_1544] in [0] : vector<16xi32>, vector<16xi32> -> vector<16xi32>
        %mul3A_1546 = arith.constant 512 : i32
        %mul3A_1547 = vector.broadcast %mul3A_1546 : i32 to vector<16xi32>
        %mul3A_1548 = arith.muli %mul3A_1547, %iota3A : vector<16xi32>
        %add3A_1549 = arith.addi %gather3A_1545, %mul3A_1548 : vector<16xi32>
        %gather3A_1550 = tpu.vector_load_idx %arg10[%add3A_1549] : memref<8192xf32, #tpu.memory_space<vmem>>[vector<16xi32>], vector<16xf32>,
        %masked_sort3A_1551 = arith.constant dense<true> : vector<16xi1>
        %masked_sort3A_1552, %masked_sort3A_1553, %masked_sort3A_1554 = tpu.sort %gather3A_1550, %add3A_1549 masked %masked_sort3A_1551 : (vector<16xf32>, vector<16xi32>, vector<16xi1>) -> (vector<16xi1>, vector<16xf32>, vector<16xi32>)
        %broadcast_in_dim3A_1555 = arith.constant 12 : i32
        %broadcast_in_dim3A_1556 = vector.broadcast %broadcast_in_dim3A_1555 : i32 to vector<16x1xi32>
        %gather3A_1557 = vector.shape_cast %broadcast_in_dim3A_1556 : vector<16x1xi32> to vector<16xi32>
        %gather3A_1558 = tpu.dynamic_gather %masked_sort3A_1400[%gather3A_1557] in [0] : vector<16xi32>, vector<16xi32> -> vector<16xi32>
        %mul3A_1559 = arith.constant 512 : i32
        %mul3A_1560 = vector.broadcast %mul3A_1559 : i32 to vector<16xi32>
        %mul3A_1561 = arith.muli %mul3A_1560, %iota3A : vector<16xi32>
        %add3A_1562 = arith.addi %gather3A_1558, %mul3A_1561 : vector<16xi32>
        %gather3A_1563 = tpu.vector_load_idx %arg10[%add3A_1562] : memref<8192xf32, #tpu.memory_space<vmem>>[vector<16xi32>], vector<16xf32>,
        %masked_sort3A_1564 = arith.constant dense<true> : vector<16xi1>
        %masked_sort3A_1565, %masked_sort3A_1566, %masked_sort3A_1567 = tpu.sort %gather3A_1563, %add3A_1562 masked %masked_sort3A_1564 : (vector<16xf32>, vector<16xi32>, vector<16xi1>) -> (vector<16xi1>, vector<16xf32>, vector<16xi32>)
        %broadcast_in_dim3A_1568 = arith.constant 13 : i32
        %broadcast_in_dim3A_1569 = vector.broadcast %broadcast_in_dim3A_1568 : i32 to vector<16x1xi32>
        %gather3A_1570 = vector.shape_cast %broadcast_in_dim3A_1569 : vector<16x1xi32> to vector<16xi32>
        %gather3A_1571 = tpu.dynamic_gather %masked_sort3A_1400[%gather3A_1570] in [0] : vector<16xi32>, vector<16xi32> -> vector<16xi32>
        %mul3A_1572 = arith.constant 512 : i32
        %mul3A_1573 = vector.broadcast %mul3A_1572 : i32 to vector<16xi32>
        %mul3A_1574 = arith.muli %mul3A_1573, %iota3A : vector<16xi32>
        %add3A_1575 = arith.addi %gather3A_1571, %mul3A_1574 : vector<16xi32>
        %gather3A_1576 = tpu.vector_load_idx %arg10[%add3A_1575] : memref<8192xf32, #tpu.memory_space<vmem>>[vector<16xi32>], vector<16xf32>,
        %masked_sort3A_1577 = arith.constant dense<true> : vector<16xi1>
        %masked_sort3A_1578, %masked_sort3A_1579, %masked_sort3A_1580 = tpu.sort %gather3A_1576, %add3A_1575 masked %masked_sort3A_1577 : (vector<16xf32>, vector<16xi32>, vector<16xi1>) -> (vector<16xi1>, vector<16xf32>, vector<16xi32>)
        %broadcast_in_dim3A_1581 = arith.constant 14 : i32
        %broadcast_in_dim3A_1582 = vector.broadcast %broadcast_in_dim3A_1581 : i32 to vector<16x1xi32>
        %gather3A_1583 = vector.shape_cast %broadcast_in_dim3A_1582 : vector<16x1xi32> to vector<16xi32>
        %gather3A_1584 = tpu.dynamic_gather %masked_sort3A_1400[%gather3A_1583] in [0] : vector<16xi32>, vector<16xi32> -> vector<16xi32>
        %mul3A_1585 = arith.constant 512 : i32
        %mul3A_1586 = vector.broadcast %mul3A_1585 : i32 to vector<16xi32>
        %mul3A_1587 = arith.muli %mul3A_1586, %iota3A : vector<16xi32>
        %add3A_1588 = arith.addi %gather3A_1584, %mul3A_1587 : vector<16xi32>
        %gather3A_1589 = tpu.vector_load_idx %arg10[%add3A_1588] : memref<8192xf32, #tpu.memory_space<vmem>>[vector<16xi32>], vector<16xf32>,
        %masked_sort3A_1590 = arith.constant dense<true> : vector<16xi1>
        %masked_sort3A_1591, %masked_sort3A_1592, %masked_sort3A_1593 = tpu.sort %gather3A_1589, %add3A_1588 masked %masked_sort3A_1590 : (vector<16xf32>, vector<16xi32>, vector<16xi1>) -> (vector<16xi1>, vector<16xf32>, vector<16xi32>)
        %broadcast_in_dim3A_1594 = arith.constant 15 : i32
        %broadcast_in_dim3A_1595 = vector.broadcast %broadcast_in_dim3A_1594 : i32 to vector<16x1xi32>
        %gather3A_1596 = vector.shape_cast %broadcast_in_dim3A_1595 : vector<16x1xi32> to vector<16xi32>
        %gather3A_1597 = tpu.dynamic_gather %masked_sort3A_1400[%gather3A_1596] in [0] : vector<16xi32>, vector<16xi32> -> vector<16xi32>
        %mul3A_1598 = arith.constant 512 : i32
        %mul3A_1599 = vector.broadcast %mul3A_1598 : i32 to vector<16xi32>
        %mul3A_1600 = arith.muli %mul3A_1599, %iota3A : vector<16xi32>
        %add3A_1601 = arith.addi %gather3A_1597, %mul3A_1600 : vector<16xi32>
        %gather3A_1602 = tpu.vector_load_idx %arg10[%add3A_1601] : memref<8192xf32, #tpu.memory_space<vmem>>[vector<16xi32>], vector<16xf32>,
        %masked_sort3A_1603 = arith.constant dense<true> : vector<16xi1>
        %masked_sort3A_1604, %masked_sort3A_1605, %masked_sort3A_1606 = tpu.sort %gather3A_1602, %add3A_1601 masked %masked_sort3A_1603 : (vector<16xf32>, vector<16xi32>, vector<16xi1>) -> (vector<16xi1>, vector<16xf32>, vector<16xi32>)
        %rev3A_1607 = arith.constant 15 : i32
        %rev3A_1608 = vector.broadcast %rev3A_1607 : i32 to vector<16xi32>
        %rev3A_1609 = tpu.iota {dimensions = array<i32: 0>} : vector<16xi32>
        %rev3A_1610 = arith.subi %rev3A_1608, %rev3A_1609 : vector<16xi32>
        %rev3A_1611 = tpu.dynamic_gather %masked_sort3A_1423[%rev3A_1610] in [0] : vector<16xf32>, vector<16xi32> -> vector<16xf32>
        %rev3A_1612 = arith.constant 15 : i32
        %rev3A_1613 = vector.broadcast %rev3A_1612 : i32 to vector<16xi32>
        %rev3A_1614 = tpu.iota {dimensions = array<i32: 0>} : vector<16xi32>
        %rev3A_1615 = arith.subi %rev3A_1613, %rev3A_1614 : vector<16xi32>
        %rev3A_1616 = tpu.dynamic_gather %masked_sort3A_1424[%rev3A_1615] in [0] : vector<16xi32>, vector<16xi32> -> vector<16xi32>
        %lt3A_1617 = arith.cmpf olt, %rev3A_1611, %masked_sort3A_1410 : vector<16xf32>
        %select_n3A_1618 = arith.select %lt3A_1617, %rev3A_1611, %masked_sort3A_1410 : vector<16xi1>, vector<16xf32>
        %select_n3A_1619 = arith.select %lt3A_1617, %rev3A_1616, %masked_sort3A_1411 : vector<16xi1>, vector<16xi32>
        %masked_sort3A_1620 = arith.constant dense<true> : vector<16xi1>
        %masked_sort3A_1621, %masked_sort3A_1622, %masked_sort3A_1623 = tpu.sort %select_n3A_1618, %select_n3A_1619 masked %masked_sort3A_1620 : (vector<16xf32>, vector<16xi32>, vector<16xi1>) -> (vector<16xi1>, vector<16xf32>, vector<16xi32>)
        %rev3A_1624 = arith.constant 15 : i32
        %rev3A_1625 = vector.broadcast %rev3A_1624 : i32 to vector<16xi32>
        %rev3A_1626 = tpu.iota {dimensions = array<i32: 0>} : vector<16xi32>
        %rev3A_1627 = arith.subi %rev3A_1625, %rev3A_1626 : vector<16xi32>
        %rev3A_1628 = tpu.dynamic_gather %masked_sort3A_1449[%rev3A_1627] in [0] : vector<16xf32>, vector<16xi32> -> vector<16xf32>
        %rev3A_1629 = arith.constant 15 : i32
        %rev3A_1630 = vector.broadcast %rev3A_1629 : i32 to vector<16xi32>
        %rev3A_1631 = tpu.iota {dimensions = array<i32: 0>} : vector<16xi32>
        %rev3A_1632 = arith.subi %rev3A_1630, %rev3A_1631 : vector<16xi32>
        %rev3A_1633 = tpu.dynamic_gather %masked_sort3A_1450[%rev3A_1632] in [0] : vector<16xi32>, vector<16xi32> -> vector<16xi32>
        %lt3A_1634 = arith.cmpf olt, %rev3A_1628, %masked_sort3A_1436 : vector<16xf32>
        %select_n3A_1635 = arith.select %lt3A_1634, %rev3A_1628, %masked_sort3A_1436 : vector<16xi1>, vector<16xf32>
        %select_n3A_1636 = arith.select %lt3A_1634, %rev3A_1633, %masked_sort3A_1437 : vector<16xi1>, vector<16xi32>
        %masked_sort3A_1637 = arith.constant dense<true> : vector<16xi1>
        %masked_sort3A_1638, %masked_sort3A_1639, %masked_sort3A_1640 = tpu.sort %select_n3A_1635, %select_n3A_1636 masked %masked_sort3A_1637 : (vector<16xf32>, vector<16xi32>, vector<16xi1>) -> (vector<16xi1>, vector<16xf32>, vector<16xi32>)
        %rev3A_1641 = arith.constant 15 : i32
        %rev3A_1642 = vector.broadcast %rev3A_1641 : i32 to vector<16xi32>
        %rev3A_1643 = tpu.iota {dimensions = array<i32: 0>} : vector<16xi32>
        %rev3A_1644 = arith.subi %rev3A_1642, %rev3A_1643 : vector<16xi32>
        %rev3A_1645 = tpu.dynamic_gather %masked_sort3A_1475[%rev3A_1644] in [0] : vector<16xf32>, vector<16xi32> -> vector<16xf32>
        %rev3A_1646 = arith.constant 15 : i32
        %rev3A_1647 = vector.broadcast %rev3A_1646 : i32 to vector<16xi32>
        %rev3A_1648 = tpu.iota {dimensions = array<i32: 0>} : vector<16xi32>
        %rev3A_1649 = arith.subi %rev3A_1647, %rev3A_1648 : vector<16xi32>
        %rev3A_1650 = tpu.dynamic_gather %masked_sort3A_1476[%rev3A_1649] in [0] : vector<16xi32>, vector<16xi32> -> vector<16xi32>
        %lt3A_1651 = arith.cmpf olt, %rev3A_1645, %masked_sort3A_1462 : vector<16xf32>
        %select_n3A_1652 = arith.select %lt3A_1651, %rev3A_1645, %masked_sort3A_1462 : vector<16xi1>, vector<16xf32>
        %select_n3A_1653 = arith.select %lt3A_1651, %rev3A_1650, %masked_sort3A_1463 : vector<16xi1>, vector<16xi32>
        %masked_sort3A_1654 = arith.constant dense<true> : vector<16xi1>
        %masked_sort3A_1655, %masked_sort3A_1656, %masked_sort3A_1657 = tpu.sort %select_n3A_1652, %select_n3A_1653 masked %masked_sort3A_1654 : (vector<16xf32>, vector<16xi32>, vector<16xi1>) -> (vector<16xi1>, vector<16xf32>, vector<16xi32>)
        %rev3A_1658 = arith.constant 15 : i32
        %rev3A_1659 = vector.broadcast %rev3A_1658 : i32 to vector<16xi32>
        %rev3A_1660 = tpu.iota {dimensions = array<i32: 0>} : vector<16xi32>
        %rev3A_1661 = arith.subi %rev3A_1659, %rev3A_1660 : vector<16xi32>
        %rev3A_1662 = tpu.dynamic_gather %masked_sort3A_1501[%rev3A_1661] in [0] : vector<16xf32>, vector<16xi32> -> vector<16xf32>
        %rev3A_1663 = arith.constant 15 : i32
        %rev3A_1664 = vector.broadcast %rev3A_1663 : i32 to vector<16xi32>
        %rev3A_1665 = tpu.iota {dimensions = array<i32: 0>} : vector<16xi32>
        %rev3A_1666 = arith.subi %rev3A_1664, %rev3A_1665 : vector<16xi32>
        %rev3A_1667 = tpu.dynamic_gather %masked_sort3A_1502[%rev3A_1666] in [0] : vector<16xi32>, vector<16xi32> -> vector<16xi32>
        %lt3A_1668 = arith.cmpf olt, %rev3A_1662, %masked_sort3A_1488 : vector<16xf32>
        %select_n3A_1669 = arith.select %lt3A_1668, %rev3A_1662, %masked_sort3A_1488 : vector<16xi1>, vector<16xf32>
        %select_n3A_1670 = arith.select %lt3A_1668, %rev3A_1667, %masked_sort3A_1489 : vector<16xi1>, vector<16xi32>
        %masked_sort3A_1671 = arith.constant dense<true> : vector<16xi1>
        %masked_sort3A_1672, %masked_sort3A_1673, %masked_sort3A_1674 = tpu.sort %select_n3A_1669, %select_n3A_1670 masked %masked_sort3A_1671 : (vector<16xf32>, vector<16xi32>, vector<16xi1>) -> (vector<16xi1>, vector<16xf32>, vector<16xi32>)
        %rev3A_1675 = arith.constant 15 : i32
        %rev3A_1676 = vector.broadcast %rev3A_1675 : i32 to vector<16xi32>
        %rev3A_1677 = tpu.iota {dimensions = array<i32: 0>} : vector<16xi32>
        %rev3A_1678 = arith.subi %rev3A_1676, %rev3A_1677 : vector<16xi32>
        %rev3A_1679 = tpu.dynamic_gather %masked_sort3A_1527[%rev3A_1678] in [0] : vector<16xf32>, vector<16xi32> -> vector<16xf32>
        %rev3A_1680 = arith.constant 15 : i32
        %rev3A_1681 = vector.broadcast %rev3A_1680 : i32 to vector<16xi32>
        %rev3A_1682 = tpu.iota {dimensions = array<i32: 0>} : vector<16xi32>
        %rev3A_1683 = arith.subi %rev3A_1681, %rev3A_1682 : vector<16xi32>
        %rev3A_1684 = tpu.dynamic_gather %masked_sort3A_1528[%rev3A_1683] in [0] : vector<16xi32>, vector<16xi32> -> vector<16xi32>
        %lt3A_1685 = arith.cmpf olt, %rev3A_1679, %masked_sort3A_1514 : vector<16xf32>
        %select_n3A_1686 = arith.select %lt3A_1685, %rev3A_1679, %masked_sort3A_1514 : vector<16xi1>, vector<16xf32>
        %select_n3A_1687 = arith.select %lt3A_1685, %rev3A_1684, %masked_sort3A_1515 : vector<16xi1>, vector<16xi32>
        %masked_sort3A_1688 = arith.constant dense<true> : vector<16xi1>
        %masked_sort3A_1689, %masked_sort3A_1690, %masked_sort3A_1691 = tpu.sort %select_n3A_1686, %select_n3A_1687 masked %masked_sort3A_1688 : (vector<16xf32>, vector<16xi32>, vector<16xi1>) -> (vector<16xi1>, vector<16xf32>, vector<16xi32>)
        %rev3A_1692 = arith.constant 15 : i32
        %rev3A_1693 = vector.broadcast %rev3A_1692 : i32 to vector<16xi32>
        %rev3A_1694 = tpu.iota {dimensions = array<i32: 0>} : vector<16xi32>
        %rev3A_1695 = arith.subi %rev3A_1693, %rev3A_1694 : vector<16xi32>
        %rev3A_1696 = tpu.dynamic_gather %masked_sort3A_1553[%rev3A_1695] in [0] : vector<16xf32>, vector<16xi32> -> vector<16xf32>
        %rev3A_1697 = arith.constant 15 : i32
        %rev3A_1698 = vector.broadcast %rev3A_1697 : i32 to vector<16xi32>
        %rev3A_1699 = tpu.iota {dimensions = array<i32: 0>} : vector<16xi32>
        %rev3A_1700 = arith.subi %rev3A_1698, %rev3A_1699 : vector<16xi32>
        %rev3A_1701 = tpu.dynamic_gather %masked_sort3A_1554[%rev3A_1700] in [0] : vector<16xi32>, vector<16xi32> -> vector<16xi32>
        %lt3A_1702 = arith.cmpf olt, %rev3A_1696, %masked_sort3A_1540 : vector<16xf32>
        %select_n3A_1703 = arith.select %lt3A_1702, %rev3A_1696, %masked_sort3A_1540 : vector<16xi1>, vector<16xf32>
        %select_n3A_1704 = arith.select %lt3A_1702, %rev3A_1701, %masked_sort3A_1541 : vector<16xi1>, vector<16xi32>
        %masked_sort3A_1705 = arith.constant dense<true> : vector<16xi1>
        %masked_sort3A_1706, %masked_sort3A_1707, %masked_sort3A_1708 = tpu.sort %select_n3A_1703, %select_n3A_1704 masked %masked_sort3A_1705 : (vector<16xf32>, vector<16xi32>, vector<16xi1>) -> (vector<16xi1>, vector<16xf32>, vector<16xi32>)
        %rev3A_1709 = arith.constant 15 : i32
        %rev3A_1710 = vector.broadcast %rev3A_1709 : i32 to vector<16xi32>
        %rev3A_1711 = tpu.iota {dimensions = array<i32: 0>} : vector<16xi32>
        %rev3A_1712 = arith.subi %rev3A_1710, %rev3A_1711 : vector<16xi32>
        %rev3A_1713 = tpu.dynamic_gather %masked_sort3A_1579[%rev3A_1712] in [0] : vector<16xf32>, vector<16xi32> -> vector<16xf32>
        %rev3A_1714 = arith.constant 15 : i32
        %rev3A_1715 = vector.broadcast %rev3A_1714 : i32 to vector<16xi32>
        %rev3A_1716 = tpu.iota {dimensions = array<i32: 0>} : vector<16xi32>
        %rev3A_1717 = arith.subi %rev3A_1715, %rev3A_1716 : vector<16xi32>
        %rev3A_1718 = tpu.dynamic_gather %masked_sort3A_1580[%rev3A_1717] in [0] : vector<16xi32>, vector<16xi32> -> vector<16xi32>
        %lt3A_1719 = arith.cmpf olt, %rev3A_1713, %masked_sort3A_1566 : vector<16xf32>
        %select_n3A_1720 = arith.select %lt3A_1719, %rev3A_1713, %masked_sort3A_1566 : vector<16xi1>, vector<16xf32>
        %select_n3A_1721 = arith.select %lt3A_1719, %rev3A_1718, %masked_sort3A_1567 : vector<16xi1>, vector<16xi32>
        %masked_sort3A_1722 = arith.constant dense<true> : vector<16xi1>
        %masked_sort3A_1723, %masked_sort3A_1724, %masked_sort3A_1725 = tpu.sort %select_n3A_1720, %select_n3A_1721 masked %masked_sort3A_1722 : (vector<16xf32>, vector<16xi32>, vector<16xi1>) -> (vector<16xi1>, vector<16xf32>, vector<16xi32>)
        %rev3A_1726 = arith.constant 15 : i32
        %rev3A_1727 = vector.broadcast %rev3A_1726 : i32 to vector<16xi32>
        %rev3A_1728 = tpu.iota {dimensions = array<i32: 0>} : vector<16xi32>
        %rev3A_1729 = arith.subi %rev3A_1727, %rev3A_1728 : vector<16xi32>
        %rev3A_1730 = tpu.dynamic_gather %masked_sort3A_1605[%rev3A_1729] in [0] : vector<16xf32>, vector<16xi32> -> vector<16xf32>
        %rev3A_1731 = arith.constant 15 : i32
        %rev3A_1732 = vector.broadcast %rev3A_1731 : i32 to vector<16xi32>
        %rev3A_1733 = tpu.iota {dimensions = array<i32: 0>} : vector<16xi32>
        %rev3A_1734 = arith.subi %rev3A_1732, %rev3A_1733 : vector<16xi32>
        %rev3A_1735 = tpu.dynamic_gather %masked_sort3A_1606[%rev3A_1734] in [0] : vector<16xi32>, vector<16xi32> -> vector<16xi32>
        %lt3A_1736 = arith.cmpf olt, %rev3A_1730, %masked_sort3A_1592 : vector<16xf32>
        %select_n3A_1737 = arith.select %lt3A_1736, %rev3A_1730, %masked_sort3A_1592 : vector<16xi1>, vector<16xf32>
        %select_n3A_1738 = arith.select %lt3A_1736, %rev3A_1735, %masked_sort3A_1593 : vector<16xi1>, vector<16xi32>
        %masked_sort3A_1739 = arith.constant dense<true> : vector<16xi1>
        %masked_sort3A_1740, %masked_sort3A_1741, %masked_sort3A_1742 = tpu.sort %select_n3A_1737, %select_n3A_1738 masked %masked_sort3A_1739 : (vector<16xf32>, vector<16xi32>, vector<16xi1>) -> (vector<16xi1>, vector<16xf32>, vector<16xi32>)
        %rev3A_1743 = arith.constant 15 : i32
        %rev3A_1744 = vector.broadcast %rev3A_1743 : i32 to vector<16xi32>
        %rev3A_1745 = tpu.iota {dimensions = array<i32: 0>} : vector<16xi32>
        %rev3A_1746 = arith.subi %rev3A_1744, %rev3A_1745 : vector<16xi32>
        %rev3A_1747 = tpu.dynamic_gather %masked_sort3A_1639[%rev3A_1746] in [0] : vector<16xf32>, vector<16xi32> -> vector<16xf32>
        %rev3A_1748 = arith.constant 15 : i32
        %rev3A_1749 = vector.broadcast %rev3A_1748 : i32 to vector<16xi32>
        %rev3A_1750 = tpu.iota {dimensions = array<i32: 0>} : vector<16xi32>
        %rev3A_1751 = arith.subi %rev3A_1749, %rev3A_1750 : vector<16xi32>
        %rev3A_1752 = tpu.dynamic_gather %masked_sort3A_1640[%rev3A_1751] in [0] : vector<16xi32>, vector<16xi32> -> vector<16xi32>
        %lt3A_1753 = arith.cmpf olt, %rev3A_1747, %masked_sort3A_1622 : vector<16xf32>
        %select_n3A_1754 = arith.select %lt3A_1753, %rev3A_1747, %masked_sort3A_1622 : vector<16xi1>, vector<16xf32>
        %select_n3A_1755 = arith.select %lt3A_1753, %rev3A_1752, %masked_sort3A_1623 : vector<16xi1>, vector<16xi32>
        %masked_sort3A_1756 = arith.constant dense<true> : vector<16xi1>
        %masked_sort3A_1757, %masked_sort3A_1758, %masked_sort3A_1759 = tpu.sort %select_n3A_1754, %select_n3A_1755 masked %masked_sort3A_1756 : (vector<16xf32>, vector<16xi32>, vector<16xi1>) -> (vector<16xi1>, vector<16xf32>, vector<16xi32>)
        %rev3A_1760 = arith.constant 15 : i32
        %rev3A_1761 = vector.broadcast %rev3A_1760 : i32 to vector<16xi32>
        %rev3A_1762 = tpu.iota {dimensions = array<i32: 0>} : vector<16xi32>
        %rev3A_1763 = arith.subi %rev3A_1761, %rev3A_1762 : vector<16xi32>
        %rev3A_1764 = tpu.dynamic_gather %masked_sort3A_1673[%rev3A_1763] in [0] : vector<16xf32>, vector<16xi32> -> vector<16xf32>
        %rev3A_1765 = arith.constant 15 : i32
        %rev3A_1766 = vector.broadcast %rev3A_1765 : i32 to vector<16xi32>
        %rev3A_1767 = tpu.iota {dimensions = array<i32: 0>} : vector<16xi32>
        %rev3A_1768 = arith.subi %rev3A_1766, %rev3A_1767 : vector<16xi32>
        %rev3A_1769 = tpu.dynamic_gather %masked_sort3A_1674[%rev3A_1768] in [0] : vector<16xi32>, vector<16xi32> -> vector<16xi32>
        %lt3A_1770 = arith.cmpf olt, %rev3A_1764, %masked_sort3A_1656 : vector<16xf32>
        %select_n3A_1771 = arith.select %lt3A_1770, %rev3A_1764, %masked_sort3A_1656 : vector<16xi1>, vector<16xf32>
        %select_n3A_1772 = arith.select %lt3A_1770, %rev3A_1769, %masked_sort3A_1657 : vector<16xi1>, vector<16xi32>
        %masked_sort3A_1773 = arith.constant dense<true> : vector<16xi1>
        %masked_sort3A_1774, %masked_sort3A_1775, %masked_sort3A_1776 = tpu.sort %select_n3A_1771, %select_n3A_1772 masked %masked_sort3A_1773 : (vector<16xf32>, vector<16xi32>, vector<16xi1>) -> (vector<16xi1>, vector<16xf32>, vector<16xi32>)
        %rev3A_1777 = arith.constant 15 : i32
        %rev3A_1778 = vector.broadcast %rev3A_1777 : i32 to vector<16xi32>
        %rev3A_1779 = tpu.iota {dimensions = array<i32: 0>} : vector<16xi32>
        %rev3A_1780 = arith.subi %rev3A_1778, %rev3A_1779 : vector<16xi32>
        %rev3A_1781 = tpu.dynamic_gather %masked_sort3A_1707[%rev3A_1780] in [0] : vector<16xf32>, vector<16xi32> -> vector<16xf32>
        %rev3A_1782 = arith.constant 15 : i32
        %rev3A_1783 = vector.broadcast %rev3A_1782 : i32 to vector<16xi32>
        %rev3A_1784 = tpu.iota {dimensions = array<i32: 0>} : vector<16xi32>
        %rev3A_1785 = arith.subi %rev3A_1783, %rev3A_1784 : vector<16xi32>
        %rev3A_1786 = tpu.dynamic_gather %masked_sort3A_1708[%rev3A_1785] in [0] : vector<16xi32>, vector<16xi32> -> vector<16xi32>
        %lt3A_1787 = arith.cmpf olt, %rev3A_1781, %masked_sort3A_1690 : vector<16xf32>
        %select_n3A_1788 = arith.select %lt3A_1787, %rev3A_1781, %masked_sort3A_1690 : vector<16xi1>, vector<16xf32>
        %select_n3A_1789 = arith.select %lt3A_1787, %rev3A_1786, %masked_sort3A_1691 : vector<16xi1>, vector<16xi32>
        %masked_sort3A_1790 = arith.constant dense<true> : vector<16xi1>
        %masked_sort3A_1791, %masked_sort3A_1792, %masked_sort3A_1793 = tpu.sort %select_n3A_1788, %select_n3A_1789 masked %masked_sort3A_1790 : (vector<16xf32>, vector<16xi32>, vector<16xi1>) -> (vector<16xi1>, vector<16xf32>, vector<16xi32>)
        %rev3A_1794 = arith.constant 15 : i32
        %rev3A_1795 = vector.broadcast %rev3A_1794 : i32 to vector<16xi32>
        %rev3A_1796 = tpu.iota {dimensions = array<i32: 0>} : vector<16xi32>
        %rev3A_1797 = arith.subi %rev3A_1795, %rev3A_1796 : vector<16xi32>
        %rev3A_1798 = tpu.dynamic_gather %masked_sort3A_1741[%rev3A_1797] in [0] : vector<16xf32>, vector<16xi32> -> vector<16xf32>
        %rev3A_1799 = arith.constant 15 : i32
        %rev3A_1800 = vector.broadcast %rev3A_1799 : i32 to vector<16xi32>
        %rev3A_1801 = tpu.iota {dimensions = array<i32: 0>} : vector<16xi32>
        %rev3A_1802 = arith.subi %rev3A_1800, %rev3A_1801 : vector<16xi32>
        %rev3A_1803 = tpu.dynamic_gather %masked_sort3A_1742[%rev3A_1802] in [0] : vector<16xi32>, vector<16xi32> -> vector<16xi32>
        %lt3A_1804 = arith.cmpf olt, %rev3A_1798, %masked_sort3A_1724 : vector<16xf32>
        %select_n3A_1805 = arith.select %lt3A_1804, %rev3A_1798, %masked_sort3A_1724 : vector<16xi1>, vector<16xf32>
        %select_n3A_1806 = arith.select %lt3A_1804, %rev3A_1803, %masked_sort3A_1725 : vector<16xi1>, vector<16xi32>
        %masked_sort3A_1807 = arith.constant dense<true> : vector<16xi1>
        %masked_sort3A_1808, %masked_sort3A_1809, %masked_sort3A_1810 = tpu.sort %select_n3A_1805, %select_n3A_1806 masked %masked_sort3A_1807 : (vector<16xf32>, vector<16xi32>, vector<16xi1>) -> (vector<16xi1>, vector<16xf32>, vector<16xi32>)
        %rev3A_1811 = arith.constant 15 : i32
        %rev3A_1812 = vector.broadcast %rev3A_1811 : i32 to vector<16xi32>
        %rev3A_1813 = tpu.iota {dimensions = array<i32: 0>} : vector<16xi32>
        %rev3A_1814 = arith.subi %rev3A_1812, %rev3A_1813 : vector<16xi32>
        %rev3A_1815 = tpu.dynamic_gather %masked_sort3A_1775[%rev3A_1814] in [0] : vector<16xf32>, vector<16xi32> -> vector<16xf32>
        %rev3A_1816 = arith.constant 15 : i32
        %rev3A_1817 = vector.broadcast %rev3A_1816 : i32 to vector<16xi32>
        %rev3A_1818 = tpu.iota {dimensions = array<i32: 0>} : vector<16xi32>
        %rev3A_1819 = arith.subi %rev3A_1817, %rev3A_1818 : vector<16xi32>
        %rev3A_1820 = tpu.dynamic_gather %masked_sort3A_1776[%rev3A_1819] in [0] : vector<16xi32>, vector<16xi32> -> vector<16xi32>
        %lt3A_1821 = arith.cmpf olt, %rev3A_1815, %masked_sort3A_1758 : vector<16xf32>
        %select_n3A_1822 = arith.select %lt3A_1821, %rev3A_1815, %masked_sort3A_1758 : vector<16xi1>, vector<16xf32>
        %select_n3A_1823 = arith.select %lt3A_1821, %rev3A_1820, %masked_sort3A_1759 : vector<16xi1>, vector<16xi32>
        %masked_sort3A_1824 = arith.constant dense<true> : vector<16xi1>
        %masked_sort3A_1825, %masked_sort3A_1826, %masked_sort3A_1827 = tpu.sort %select_n3A_1822, %select_n3A_1823 masked %masked_sort3A_1824 : (vector<16xf32>, vector<16xi32>, vector<16xi1>) -> (vector<16xi1>, vector<16xf32>, vector<16xi32>)
        %rev3A_1828 = arith.constant 15 : i32
        %rev3A_1829 = vector.broadcast %rev3A_1828 : i32 to vector<16xi32>
        %rev3A_1830 = tpu.iota {dimensions = array<i32: 0>} : vector<16xi32>
        %rev3A_1831 = arith.subi %rev3A_1829, %rev3A_1830 : vector<16xi32>
        %rev3A_1832 = tpu.dynamic_gather %masked_sort3A_1809[%rev3A_1831] in [0] : vector<16xf32>, vector<16xi32> -> vector<16xf32>
        %rev3A_1833 = arith.constant 15 : i32
        %rev3A_1834 = vector.broadcast %rev3A_1833 : i32 to vector<16xi32>
        %rev3A_1835 = tpu.iota {dimensions = array<i32: 0>} : vector<16xi32>
        %rev3A_1836 = arith.subi %rev3A_1834, %rev3A_1835 : vector<16xi32>
        %rev3A_1837 = tpu.dynamic_gather %masked_sort3A_1810[%rev3A_1836] in [0] : vector<16xi32>, vector<16xi32> -> vector<16xi32>
        %lt3A_1838 = arith.cmpf olt, %rev3A_1832, %masked_sort3A_1792 : vector<16xf32>
        %select_n3A_1839 = arith.select %lt3A_1838, %rev3A_1832, %masked_sort3A_1792 : vector<16xi1>, vector<16xf32>
        %select_n3A_1840 = arith.select %lt3A_1838, %rev3A_1837, %masked_sort3A_1793 : vector<16xi1>, vector<16xi32>
        %masked_sort3A_1841 = arith.constant dense<true> : vector<16xi1>
        %masked_sort3A_1842, %masked_sort3A_1843, %masked_sort3A_1844 = tpu.sort %select_n3A_1839, %select_n3A_1840 masked %masked_sort3A_1841 : (vector<16xf32>, vector<16xi32>, vector<16xi1>) -> (vector<16xi1>, vector<16xf32>, vector<16xi32>)
        %rev3A_1845 = arith.constant 15 : i32
        %rev3A_1846 = vector.broadcast %rev3A_1845 : i32 to vector<16xi32>
        %rev3A_1847 = tpu.iota {dimensions = array<i32: 0>} : vector<16xi32>
        %rev3A_1848 = arith.subi %rev3A_1846, %rev3A_1847 : vector<16xi32>
        %rev3A_1849 = tpu.dynamic_gather %masked_sort3A_1843[%rev3A_1848] in [0] : vector<16xf32>, vector<16xi32> -> vector<16xf32>
        %rev3A_1850 = arith.constant 15 : i32
        %rev3A_1851 = vector.broadcast %rev3A_1850 : i32 to vector<16xi32>
        %rev3A_1852 = tpu.iota {dimensions = array<i32: 0>} : vector<16xi32>
        %rev3A_1853 = arith.subi %rev3A_1851, %rev3A_1852 : vector<16xi32>
        %rev3A_1854 = tpu.dynamic_gather %masked_sort3A_1844[%rev3A_1853] in [0] : vector<16xi32>, vector<16xi32> -> vector<16xi32>
        %lt3A_1855 = arith.cmpf olt, %rev3A_1849, %masked_sort3A_1826 : vector<16xf32>
        %select_n3A_1856 = arith.select %lt3A_1855, %rev3A_1849, %masked_sort3A_1826 : vector<16xi1>, vector<16xf32>
        %select_n3A_1857 = arith.select %lt3A_1855, %rev3A_1854, %masked_sort3A_1827 : vector<16xi1>, vector<16xi32>
        %masked_sort3A_1858 = arith.constant dense<true> : vector<16xi1>
        %masked_sort3A_1859, %masked_sort3A_1860, %masked_sort3A_1861 = tpu.sort %select_n3A_1856, %select_n3A_1857 masked %masked_sort3A_1858 : (vector<16xf32>, vector<16xi32>, vector<16xi1>) -> (vector<16xi1>, vector<16xf32>, vector<16xi32>)
        %swap3A = arith.index_cast %add3A_37 : i32 to index
        %swap3A_1862 = arith.constant 0 : index
        %swap3A_1863 = tpu.vector_load %arg15[%swap3A, %swap3A_1862] {strides = array<i32>} : memref<256x16xi32, #tpu.memory_space<vmem>>, vector<16xi32>,
        tpu.vector_store %arg15[%swap3A, %swap3A_1862], %masked_sort3A_1861 {strides = array<i32>} : memref<256x16xi32, #tpu.memory_space<vmem>>, vector<16xi32>,
        %add3A_1864 = arith.addi %mul3A_2, %add3A_37 : i32
        %broadcast_in_dim3A_1865 = vector.broadcast %add3A_1864 : i32 to vector<16xi32>
        %gather3A_1866 = tpu.vector_load_idx %arg12[%broadcast_in_dim3A_1865] : memref<8192xf32, #tpu.memory_space<vmem>>[vector<16xi32>], vector<16xf32>,
        %gather3A_1867 = tpu.vector_load_idx %arg13[%broadcast_in_dim3A_1865] : memref<8192xf32, #tpu.memory_space<vmem>>[vector<16xi32>], vector<16xf32>,
        %gather3A_1868 = tpu.vector_load_idx %arg14[%broadcast_in_dim3A_1865] : memref<8192xf32, #tpu.memory_space<vmem>>[vector<16xi32>], vector<16xf32>,
        %gather3A_1869 = tpu.vector_load_idx %arg12[%masked_sort3A_1861] : memref<8192xf32, #tpu.memory_space<vmem>>[vector<16xi32>], vector<16xf32>,
        %gather3A_1870 = tpu.vector_load_idx %arg13[%masked_sort3A_1861] : memref<8192xf32, #tpu.memory_space<vmem>>[vector<16xi32>], vector<16xf32>,
        %gather3A_1871 = tpu.vector_load_idx %arg14[%masked_sort3A_1861] : memref<8192xf32, #tpu.memory_space<vmem>>[vector<16xi32>], vector<16xf32>,
        %sub3A = arith.subf %gather3A_1869, %gather3A_1866 : vector<16xf32>
        %swap3A_1872 = arith.index_cast %add3A_37 : i32 to index
        %swap3A_1873 = arith.constant 0 : index
        %swap3A_1874 = tpu.vector_load %arg16[%swap3A_1872, %swap3A_1873] {strides = array<i32>} : memref<256x48xf32, #tpu.memory_space<vmem>>, vector<16xf32>,
        tpu.vector_store %arg16[%swap3A_1872, %swap3A_1873], %sub3A {strides = array<i32>} : memref<256x48xf32, #tpu.memory_space<vmem>>, vector<16xf32>,
        %sub3A_1875 = arith.subf %gather3A_1870, %gather3A_1867 : vector<16xf32>
        %swap3A_1876 = arith.index_cast %add3A_37 : i32 to index
        %swap3A_1877 = arith.constant 16 : index
        %swap3A_1878 = tpu.vector_load %arg16[%swap3A_1876, %swap3A_1877] {strides = array<i32>} : memref<256x48xf32, #tpu.memory_space<vmem>>, vector<16xf32>,
        tpu.vector_store %arg16[%swap3A_1876, %swap3A_1877], %sub3A_1875 {strides = array<i32>} : memref<256x48xf32, #tpu.memory_space<vmem>>, vector<16xf32>,
        %sub3A_1879 = arith.subf %gather3A_1871, %gather3A_1868 : vector<16xf32>
        %swap3A_1880 = arith.index_cast %add3A_37 : i32 to index
        %swap3A_1881 = arith.constant 32 : index
        %swap3A_1882 = tpu.vector_load %arg16[%swap3A_1880, %swap3A_1881] {strides = array<i32>} : memref<256x48xf32, #tpu.memory_space<vmem>>, vector<16xf32>,
        tpu.vector_store %arg16[%swap3A_1880, %swap3A_1881], %sub3A_1879 {strides = array<i32>} : memref<256x48xf32, #tpu.memory_space<vmem>>, vector<16xf32>,
        %add3A_1883 = arith.constant 1 : i32
        %add3A_1884 = arith.addi %add3A_38, %add3A_1883 : i32
        %dma_wait3A_1885 = arith.constant 0 : i32
        %dma_wait3A_1886 = tpu.memref_slice %arg3[%add3A_1884, %dma_wait3A_1885] : memref<8192x8192xf32, #tpu.memory_space<hbm>> -> memref<1x8192xf32, #tpu.memory_space<hbm>>
        %dma_wait3A_1887 = tpu.memref_squeeze %dma_wait3A_1886 : memref<1x8192xf32, #tpu.memory_space<hbm>> -> memref<8192xf32, #tpu.memory_space<hbm>>
        %dma_wait3A_1888 = arith.constant 0 : i32
        %dma_wait3A_1889 = tpu.memref_slice %arg3[%add3A_1884, %dma_wait3A_1888] : memref<8192x8192xf32, #tpu.memory_space<hbm>> -> memref<1x8192xf32, #tpu.memory_space<hbm>>
        %dma_wait3A_1890 = tpu.memref_squeeze %dma_wait3A_1889 : memref<1x8192xf32, #tpu.memory_space<hbm>> -> memref<8192xf32, #tpu.memory_space<hbm>>
        tpu.wait_dma2 semaphore(%arg18 : memref<!tpu.dma_semaphore, #tpu.memory_space<semaphore_mem>>) src(%dma_wait3A_1890 : memref<8192xf32, #tpu.memory_space<hbm>>) dst(%arg11 : memref<8192xf32, #tpu.memory_space<vmem>>)
        %mul3A_1891 = arith.constant 2 : i32
        %mul3A_1892 = arith.muli %mul3A_1891, %add3A_32 : i32
        %add3A_1893 = arith.constant 2 : i32
        %add3A_1894 = arith.addi %mul3A_1892, %add3A_1893 : i32
        %lt3A_1895 = arith.constant 16 : i32
        %lt3A_1896 = arith.cmpi slt, %add3A_1894, %lt3A_1895 : i32
        %convert_element_type3A = arith.extui %lt3A_1896 : i1 to i32
        %cond3A = arith.constant 0 : i32
        %cond3A_1897 = arith.cmpi ne, %convert_element_type3A, %cond3A : i32
        scf.if %cond3A_1897 {
          %add3A_3745 = arith.constant 2 : i32
          %add3A_3746 = arith.addi %add3A_38, %add3A_3745 : i32
          %dma_start3A_3747 = arith.constant 0 : i32
          %dma_start3A_3748 = tpu.memref_slice %arg3[%add3A_3746, %dma_start3A_3747] : memref<8192x8192xf32, #tpu.memory_space<hbm>> -> memref<1x8192xf32, #tpu.memory_space<hbm>>
          %dma_start3A_3749 = tpu.memref_squeeze %dma_start3A_3748 : memref<1x8192xf32, #tpu.memory_space<hbm>> -> memref<8192xf32, #tpu.memory_space<hbm>>
          %dma_start3A_3750 = arith.constant 0 : i32
          %dma_start3A_3751 = tpu.memref_slice %arg3[%add3A_3746, %dma_start3A_3750] : memref<8192x8192xf32, #tpu.memory_space<hbm>> -> memref<1x8192xf32, #tpu.memory_space<hbm>>
          %dma_start3A_3752 = tpu.memref_squeeze %dma_start3A_3751 : memref<1x8192xf32, #tpu.memory_space<hbm>> -> memref<8192xf32, #tpu.memory_space<hbm>>
          tpu.enqueue_dma source(%dma_start3A_3752 : memref<8192xf32, #tpu.memory_space<hbm>>) target(%arg10 : memref<8192xf32, #tpu.memory_space<vmem>>) target_semaphore(%arg17 : memref<!tpu.dma_semaphore, #tpu.memory_space<semaphore_mem>>)
        } else {
        }
        %add3A_1898 = arith.constant 1 : i32
        %add3A_1899 = arith.addi %add3A_37, %add3A_1898 : i32
        %jit3A_1900 = arith.constant 16 : i32
        %eq3A_1901 = arith.constant 0 : i32
        %eq3A_1902 = arith.cmpi eq, %jit3A_1900, %eq3A_1901 : i32
        %jit3A_1903 = arith.constant 1 : i32
        %select_n3A_1904 = arith.select %eq3A_1902, %jit3A_1903, %jit3A_1900 : i32
        %rem3A_1905 = arith.remsi %add3A_1899, %select_n3A_1904 : i32
        %ne3A_1906 = arith.constant 0 : i32
        %ne3A_1907 = arith.cmpi ne, %rem3A_1905, %ne3A_1906 : i32
        %lt3A_1908 = arith.constant 0 : i32
        %lt3A_1909 = arith.cmpi slt, %rem3A_1905, %lt3A_1908 : i32
        %lt3A_1910 = arith.constant 0 : i32
        %lt3A_1911 = arith.cmpi slt, %select_n3A_1904, %lt3A_1910 : i32
        %ne3A_1912 = arith.xori %lt3A_1909, %lt3A_1911 : i1
        %and3A_1913 = arith.andi %ne3A_1912, %ne3A_1907 : i1
        %add3A_1914 = arith.addi %rem3A_1905, %select_n3A_1904 : i32
        %select_n3A_1915 = arith.select %and3A_1913, %add3A_1914, %rem3A_1905 : i32
        %get3A_1916 = arith.index_cast %select_n3A_1915 : i32 to index
        %get3A_1917 = arith.constant 0 : index
        %get3A_1918 = tpu.vector_load %arg9[%get3A_1916, %get3A_1917] {strides = array<i32>} : memref<16x512xf32, #tpu.memory_space<vmem>>, vector<16xf32>,
        %add3A_1919 = arith.constant 0 : i32
        %add3A_1920 = vector.broadcast %add3A_1919 : i32 to vector<16xi32>
        %add3A_1921 = arith.addi %add3A_1920, %iota3A : vector<16xi32>
        %masked_sort3A_1922 = arith.constant dense<true> : vector<16xi1>
        %masked_sort3A_1923, %masked_sort3A_1924, %masked_sort3A_1925 = tpu.sort %get3A_1918, %add3A_1921 masked %masked_sort3A_1922 : (vector<16xf32>, vector<16xi32>, vector<16xi1>) -> (vector<16xi1>, vector<16xf32>, vector<16xi32>)
        %jit3A_1926 = arith.constant 16 : i32
        %eq3A_1927 = arith.constant 0 : i32
        %eq3A_1928 = arith.cmpi eq, %jit3A_1926, %eq3A_1927 : i32
        %jit3A_1929 = arith.constant 1 : i32
        %select_n3A_1930 = arith.select %eq3A_1928, %jit3A_1929, %jit3A_1926 : i32
        %rem3A_1931 = arith.remsi %add3A_1899, %select_n3A_1930 : i32
        %ne3A_1932 = arith.constant 0 : i32
        %ne3A_1933 = arith.cmpi ne, %rem3A_1931, %ne3A_1932 : i32
        %lt3A_1934 = arith.constant 0 : i32
        %lt3A_1935 = arith.cmpi slt, %rem3A_1931, %lt3A_1934 : i32
        %lt3A_1936 = arith.constant 0 : i32
        %lt3A_1937 = arith.cmpi slt, %select_n3A_1930, %lt3A_1936 : i32
        %ne3A_1938 = arith.xori %lt3A_1935, %lt3A_1937 : i1
        %and3A_1939 = arith.andi %ne3A_1938, %ne3A_1933 : i1
        %add3A_1940 = arith.addi %rem3A_1931, %select_n3A_1930 : i32
        %select_n3A_1941 = arith.select %and3A_1939, %add3A_1940, %rem3A_1931 : i32
        %get3A_1942 = arith.index_cast %select_n3A_1941 : i32 to index
        %get3A_1943 = arith.constant 16 : index
        %get3A_1944 = tpu.vector_load %arg9[%get3A_1942, %get3A_1943] {strides = array<i32>} : memref<16x512xf32, #tpu.memory_space<vmem>>, vector<16xf32>,
        %add3A_1945 = arith.constant 16 : i32
        %add3A_1946 = vector.broadcast %add3A_1945 : i32 to vector<16xi32>
        %add3A_1947 = arith.addi %add3A_1946, %iota3A : vector<16xi32>
        %masked_sort3A_1948 = arith.constant dense<true> : vector<16xi1>
        %masked_sort3A_1949, %masked_sort3A_1950, %masked_sort3A_1951 = tpu.sort %get3A_1944, %add3A_1947 masked %masked_sort3A_1948 : (vector<16xf32>, vector<16xi32>, vector<16xi1>) -> (vector<16xi1>, vector<16xf32>, vector<16xi32>)
        %jit3A_1952 = arith.constant 16 : i32
        %eq3A_1953 = arith.constant 0 : i32
        %eq3A_1954 = arith.cmpi eq, %jit3A_1952, %eq3A_1953 : i32
        %jit3A_1955 = arith.constant 1 : i32
        %select_n3A_1956 = arith.select %eq3A_1954, %jit3A_1955, %jit3A_1952 : i32
        %rem3A_1957 = arith.remsi %add3A_1899, %select_n3A_1956 : i32
        %ne3A_1958 = arith.constant 0 : i32
        %ne3A_1959 = arith.cmpi ne, %rem3A_1957, %ne3A_1958 : i32
        %lt3A_1960 = arith.constant 0 : i32
        %lt3A_1961 = arith.cmpi slt, %rem3A_1957, %lt3A_1960 : i32
        %lt3A_1962 = arith.constant 0 : i32
        %lt3A_1963 = arith.cmpi slt, %select_n3A_1956, %lt3A_1962 : i32
        %ne3A_1964 = arith.xori %lt3A_1961, %lt3A_1963 : i1
        %and3A_1965 = arith.andi %ne3A_1964, %ne3A_1959 : i1
        %add3A_1966 = arith.addi %rem3A_1957, %select_n3A_1956 : i32
        %select_n3A_1967 = arith.select %and3A_1965, %add3A_1966, %rem3A_1957 : i32
        %get3A_1968 = arith.index_cast %select_n3A_1967 : i32 to index
        %get3A_1969 = arith.constant 32 : index
        %get3A_1970 = tpu.vector_load %arg9[%get3A_1968, %get3A_1969] {strides = array<i32>} : memref<16x512xf32, #tpu.memory_space<vmem>>, vector<16xf32>,
        %add3A_1971 = arith.constant 32 : i32
        %add3A_1972 = vector.broadcast %add3A_1971 : i32 to vector<16xi32>
        %add3A_1973 = arith.addi %add3A_1972, %iota3A : vector<16xi32>
        %masked_sort3A_1974 = arith.constant dense<true> : vector<16xi1>
        %masked_sort3A_1975, %masked_sort3A_1976, %masked_sort3A_1977 = tpu.sort %get3A_1970, %add3A_1973 masked %masked_sort3A_1974 : (vector<16xf32>, vector<16xi32>, vector<16xi1>) -> (vector<16xi1>, vector<16xf32>, vector<16xi32>)
        %jit3A_1978 = arith.constant 16 : i32
        %eq3A_1979 = arith.constant 0 : i32
        %eq3A_1980 = arith.cmpi eq, %jit3A_1978, %eq3A_1979 : i32
        %jit3A_1981 = arith.constant 1 : i32
        %select_n3A_1982 = arith.select %eq3A_1980, %jit3A_1981, %jit3A_1978 : i32
        %rem3A_1983 = arith.remsi %add3A_1899, %select_n3A_1982 : i32
        %ne3A_1984 = arith.constant 0 : i32
        %ne3A_1985 = arith.cmpi ne, %rem3A_1983, %ne3A_1984 : i32
        %lt3A_1986 = arith.constant 0 : i32
        %lt3A_1987 = arith.cmpi slt, %rem3A_1983, %lt3A_1986 : i32
        %lt3A_1988 = arith.constant 0 : i32
        %lt3A_1989 = arith.cmpi slt, %select_n3A_1982, %lt3A_1988 : i32
        %ne3A_1990 = arith.xori %lt3A_1987, %lt3A_1989 : i1
        %and3A_1991 = arith.andi %ne3A_1990, %ne3A_1985 : i1
        %add3A_1992 = arith.addi %rem3A_1983, %select_n3A_1982 : i32
        %select_n3A_1993 = arith.select %and3A_1991, %add3A_1992, %rem3A_1983 : i32
        %get3A_1994 = arith.index_cast %select_n3A_1993 : i32 to index
        %get3A_1995 = arith.constant 48 : index
        %get3A_1996 = tpu.vector_load %arg9[%get3A_1994, %get3A_1995] {strides = array<i32>} : memref<16x512xf32, #tpu.memory_space<vmem>>, vector<16xf32>,
        %add3A_1997 = arith.constant 48 : i32
        %add3A_1998 = vector.broadcast %add3A_1997 : i32 to vector<16xi32>
        %add3A_1999 = arith.addi %add3A_1998, %iota3A : vector<16xi32>
        %masked_sort3A_2000 = arith.constant dense<true> : vector<16xi1>
        %masked_sort3A_2001, %masked_sort3A_2002, %masked_sort3A_2003 = tpu.sort %get3A_1996, %add3A_1999 masked %masked_sort3A_2000 : (vector<16xf32>, vector<16xi32>, vector<16xi1>) -> (vector<16xi1>, vector<16xf32>, vector<16xi32>)
        %jit3A_2004 = arith.constant 16 : i32
        %eq3A_2005 = arith.constant 0 : i32
        %eq3A_2006 = arith.cmpi eq, %jit3A_2004, %eq3A_2005 : i32
        %jit3A_2007 = arith.constant 1 : i32
        %select_n3A_2008 = arith.select %eq3A_2006, %jit3A_2007, %jit3A_2004 : i32
        %rem3A_2009 = arith.remsi %add3A_1899, %select_n3A_2008 : i32
        %ne3A_2010 = arith.constant 0 : i32
        %ne3A_2011 = arith.cmpi ne, %rem3A_2009, %ne3A_2010 : i32
        %lt3A_2012 = arith.constant 0 : i32
        %lt3A_2013 = arith.cmpi slt, %rem3A_2009, %lt3A_2012 : i32
        %lt3A_2014 = arith.constant 0 : i32
        %lt3A_2015 = arith.cmpi slt, %select_n3A_2008, %lt3A_2014 : i32
        %ne3A_2016 = arith.xori %lt3A_2013, %lt3A_2015 : i1
        %and3A_2017 = arith.andi %ne3A_2016, %ne3A_2011 : i1
        %add3A_2018 = arith.addi %rem3A_2009, %select_n3A_2008 : i32
        %select_n3A_2019 = arith.select %and3A_2017, %add3A_2018, %rem3A_2009 : i32
        %get3A_2020 = arith.index_cast %select_n3A_2019 : i32 to index
        %get3A_2021 = arith.constant 64 : index
        %get3A_2022 = tpu.vector_load %arg9[%get3A_2020, %get3A_2021] {strides = array<i32>} : memref<16x512xf32, #tpu.memory_space<vmem>>, vector<16xf32>,
        %add3A_2023 = arith.constant 64 : i32
        %add3A_2024 = vector.broadcast %add3A_2023 : i32 to vector<16xi32>
        %add3A_2025 = arith.addi %add3A_2024, %iota3A : vector<16xi32>
        %masked_sort3A_2026 = arith.constant dense<true> : vector<16xi1>
        %masked_sort3A_2027, %masked_sort3A_2028, %masked_sort3A_2029 = tpu.sort %get3A_2022, %add3A_2025 masked %masked_sort3A_2026 : (vector<16xf32>, vector<16xi32>, vector<16xi1>) -> (vector<16xi1>, vector<16xf32>, vector<16xi32>)
        %jit3A_2030 = arith.constant 16 : i32
        %eq3A_2031 = arith.constant 0 : i32
        %eq3A_2032 = arith.cmpi eq, %jit3A_2030, %eq3A_2031 : i32
        %jit3A_2033 = arith.constant 1 : i32
        %select_n3A_2034 = arith.select %eq3A_2032, %jit3A_2033, %jit3A_2030 : i32
        %rem3A_2035 = arith.remsi %add3A_1899, %select_n3A_2034 : i32
        %ne3A_2036 = arith.constant 0 : i32
        %ne3A_2037 = arith.cmpi ne, %rem3A_2035, %ne3A_2036 : i32
        %lt3A_2038 = arith.constant 0 : i32
        %lt3A_2039 = arith.cmpi slt, %rem3A_2035, %lt3A_2038 : i32
        %lt3A_2040 = arith.constant 0 : i32
        %lt3A_2041 = arith.cmpi slt, %select_n3A_2034, %lt3A_2040 : i32
        %ne3A_2042 = arith.xori %lt3A_2039, %lt3A_2041 : i1
        %and3A_2043 = arith.andi %ne3A_2042, %ne3A_2037 : i1
        %add3A_2044 = arith.addi %rem3A_2035, %select_n3A_2034 : i32
        %select_n3A_2045 = arith.select %and3A_2043, %add3A_2044, %rem3A_2035 : i32
        %get3A_2046 = arith.index_cast %select_n3A_2045 : i32 to index
        %get3A_2047 = arith.constant 80 : index
        %get3A_2048 = tpu.vector_load %arg9[%get3A_2046, %get3A_2047] {strides = array<i32>} : memref<16x512xf32, #tpu.memory_space<vmem>>, vector<16xf32>,
        %add3A_2049 = arith.constant 80 : i32
        %add3A_2050 = vector.broadcast %add3A_2049 : i32 to vector<16xi32>
        %add3A_2051 = arith.addi %add3A_2050, %iota3A : vector<16xi32>
        %masked_sort3A_2052 = arith.constant dense<true> : vector<16xi1>
        %masked_sort3A_2053, %masked_sort3A_2054, %masked_sort3A_2055 = tpu.sort %get3A_2048, %add3A_2051 masked %masked_sort3A_2052 : (vector<16xf32>, vector<16xi32>, vector<16xi1>) -> (vector<16xi1>, vector<16xf32>, vector<16xi32>)
        %jit3A_2056 = arith.constant 16 : i32
        %eq3A_2057 = arith.constant 0 : i32
        %eq3A_2058 = arith.cmpi eq, %jit3A_2056, %eq3A_2057 : i32
        %jit3A_2059 = arith.constant 1 : i32
        %select_n3A_2060 = arith.select %eq3A_2058, %jit3A_2059, %jit3A_2056 : i32
        %rem3A_2061 = arith.remsi %add3A_1899, %select_n3A_2060 : i32
        %ne3A_2062 = arith.constant 0 : i32
        %ne3A_2063 = arith.cmpi ne, %rem3A_2061, %ne3A_2062 : i32
        %lt3A_2064 = arith.constant 0 : i32
        %lt3A_2065 = arith.cmpi slt, %rem3A_2061, %lt3A_2064 : i32
        %lt3A_2066 = arith.constant 0 : i32
        %lt3A_2067 = arith.cmpi slt, %select_n3A_2060, %lt3A_2066 : i32
        %ne3A_2068 = arith.xori %lt3A_2065, %lt3A_2067 : i1
        %and3A_2069 = arith.andi %ne3A_2068, %ne3A_2063 : i1
        %add3A_2070 = arith.addi %rem3A_2061, %select_n3A_2060 : i32
        %select_n3A_2071 = arith.select %and3A_2069, %add3A_2070, %rem3A_2061 : i32
        %get3A_2072 = arith.index_cast %select_n3A_2071 : i32 to index
        %get3A_2073 = arith.constant 96 : index
        %get3A_2074 = tpu.vector_load %arg9[%get3A_2072, %get3A_2073] {strides = array<i32>} : memref<16x512xf32, #tpu.memory_space<vmem>>, vector<16xf32>,
        %add3A_2075 = arith.constant 96 : i32
        %add3A_2076 = vector.broadcast %add3A_2075 : i32 to vector<16xi32>
        %add3A_2077 = arith.addi %add3A_2076, %iota3A : vector<16xi32>
        %masked_sort3A_2078 = arith.constant dense<true> : vector<16xi1>
        %masked_sort3A_2079, %masked_sort3A_2080, %masked_sort3A_2081 = tpu.sort %get3A_2074, %add3A_2077 masked %masked_sort3A_2078 : (vector<16xf32>, vector<16xi32>, vector<16xi1>) -> (vector<16xi1>, vector<16xf32>, vector<16xi32>)
        %jit3A_2082 = arith.constant 16 : i32
        %eq3A_2083 = arith.constant 0 : i32
        %eq3A_2084 = arith.cmpi eq, %jit3A_2082, %eq3A_2083 : i32
        %jit3A_2085 = arith.constant 1 : i32
        %select_n3A_2086 = arith.select %eq3A_2084, %jit3A_2085, %jit3A_2082 : i32
        %rem3A_2087 = arith.remsi %add3A_1899, %select_n3A_2086 : i32
        %ne3A_2088 = arith.constant 0 : i32
        %ne3A_2089 = arith.cmpi ne, %rem3A_2087, %ne3A_2088 : i32
        %lt3A_2090 = arith.constant 0 : i32
        %lt3A_2091 = arith.cmpi slt, %rem3A_2087, %lt3A_2090 : i32
        %lt3A_2092 = arith.constant 0 : i32
        %lt3A_2093 = arith.cmpi slt, %select_n3A_2086, %lt3A_2092 : i32
        %ne3A_2094 = arith.xori %lt3A_2091, %lt3A_2093 : i1
        %and3A_2095 = arith.andi %ne3A_2094, %ne3A_2089 : i1
        %add3A_2096 = arith.addi %rem3A_2087, %select_n3A_2086 : i32
        %select_n3A_2097 = arith.select %and3A_2095, %add3A_2096, %rem3A_2087 : i32
        %get3A_2098 = arith.index_cast %select_n3A_2097 : i32 to index
        %get3A_2099 = arith.constant 112 : index
        %get3A_2100 = tpu.vector_load %arg9[%get3A_2098, %get3A_2099] {strides = array<i32>} : memref<16x512xf32, #tpu.memory_space<vmem>>, vector<16xf32>,
        %add3A_2101 = arith.constant 112 : i32
        %add3A_2102 = vector.broadcast %add3A_2101 : i32 to vector<16xi32>
        %add3A_2103 = arith.addi %add3A_2102, %iota3A : vector<16xi32>
        %masked_sort3A_2104 = arith.constant dense<true> : vector<16xi1>
        %masked_sort3A_2105, %masked_sort3A_2106, %masked_sort3A_2107 = tpu.sort %get3A_2100, %add3A_2103 masked %masked_sort3A_2104 : (vector<16xf32>, vector<16xi32>, vector<16xi1>) -> (vector<16xi1>, vector<16xf32>, vector<16xi32>)
        %jit3A_2108 = arith.constant 16 : i32
        %eq3A_2109 = arith.constant 0 : i32
        %eq3A_2110 = arith.cmpi eq, %jit3A_2108, %eq3A_2109 : i32
        %jit3A_2111 = arith.constant 1 : i32
        %select_n3A_2112 = arith.select %eq3A_2110, %jit3A_2111, %jit3A_2108 : i32
        %rem3A_2113 = arith.remsi %add3A_1899, %select_n3A_2112 : i32
        %ne3A_2114 = arith.constant 0 : i32
        %ne3A_2115 = arith.cmpi ne, %rem3A_2113, %ne3A_2114 : i32
        %lt3A_2116 = arith.constant 0 : i32
        %lt3A_2117 = arith.cmpi slt, %rem3A_2113, %lt3A_2116 : i32
        %lt3A_2118 = arith.constant 0 : i32
        %lt3A_2119 = arith.cmpi slt, %select_n3A_2112, %lt3A_2118 : i32
        %ne3A_2120 = arith.xori %lt3A_2117, %lt3A_2119 : i1
        %and3A_2121 = arith.andi %ne3A_2120, %ne3A_2115 : i1
        %add3A_2122 = arith.addi %rem3A_2113, %select_n3A_2112 : i32
        %select_n3A_2123 = arith.select %and3A_2121, %add3A_2122, %rem3A_2113 : i32
        %get3A_2124 = arith.index_cast %select_n3A_2123 : i32 to index
        %get3A_2125 = arith.constant 128 : index
        %get3A_2126 = tpu.vector_load %arg9[%get3A_2124, %get3A_2125] {strides = array<i32>} : memref<16x512xf32, #tpu.memory_space<vmem>>, vector<16xf32>,
        %add3A_2127 = arith.constant 128 : i32
        %add3A_2128 = vector.broadcast %add3A_2127 : i32 to vector<16xi32>
        %add3A_2129 = arith.addi %add3A_2128, %iota3A : vector<16xi32>
        %masked_sort3A_2130 = arith.constant dense<true> : vector<16xi1>
        %masked_sort3A_2131, %masked_sort3A_2132, %masked_sort3A_2133 = tpu.sort %get3A_2126, %add3A_2129 masked %masked_sort3A_2130 : (vector<16xf32>, vector<16xi32>, vector<16xi1>) -> (vector<16xi1>, vector<16xf32>, vector<16xi32>)
        %jit3A_2134 = arith.constant 16 : i32
        %eq3A_2135 = arith.constant 0 : i32
        %eq3A_2136 = arith.cmpi eq, %jit3A_2134, %eq3A_2135 : i32
        %jit3A_2137 = arith.constant 1 : i32
        %select_n3A_2138 = arith.select %eq3A_2136, %jit3A_2137, %jit3A_2134 : i32
        %rem3A_2139 = arith.remsi %add3A_1899, %select_n3A_2138 : i32
        %ne3A_2140 = arith.constant 0 : i32
        %ne3A_2141 = arith.cmpi ne, %rem3A_2139, %ne3A_2140 : i32
        %lt3A_2142 = arith.constant 0 : i32
        %lt3A_2143 = arith.cmpi slt, %rem3A_2139, %lt3A_2142 : i32
        %lt3A_2144 = arith.constant 0 : i32
        %lt3A_2145 = arith.cmpi slt, %select_n3A_2138, %lt3A_2144 : i32
        %ne3A_2146 = arith.xori %lt3A_2143, %lt3A_2145 : i1
        %and3A_2147 = arith.andi %ne3A_2146, %ne3A_2141 : i1
        %add3A_2148 = arith.addi %rem3A_2139, %select_n3A_2138 : i32
        %select_n3A_2149 = arith.select %and3A_2147, %add3A_2148, %rem3A_2139 : i32
        %get3A_2150 = arith.index_cast %select_n3A_2149 : i32 to index
        %get3A_2151 = arith.constant 144 : index
        %get3A_2152 = tpu.vector_load %arg9[%get3A_2150, %get3A_2151] {strides = array<i32>} : memref<16x512xf32, #tpu.memory_space<vmem>>, vector<16xf32>,
        %add3A_2153 = arith.constant 144 : i32
        %add3A_2154 = vector.broadcast %add3A_2153 : i32 to vector<16xi32>
        %add3A_2155 = arith.addi %add3A_2154, %iota3A : vector<16xi32>
        %masked_sort3A_2156 = arith.constant dense<true> : vector<16xi1>
        %masked_sort3A_2157, %masked_sort3A_2158, %masked_sort3A_2159 = tpu.sort %get3A_2152, %add3A_2155 masked %masked_sort3A_2156 : (vector<16xf32>, vector<16xi32>, vector<16xi1>) -> (vector<16xi1>, vector<16xf32>, vector<16xi32>)
        %jit3A_2160 = arith.constant 16 : i32
        %eq3A_2161 = arith.constant 0 : i32
        %eq3A_2162 = arith.cmpi eq, %jit3A_2160, %eq3A_2161 : i32
        %jit3A_2163 = arith.constant 1 : i32
        %select_n3A_2164 = arith.select %eq3A_2162, %jit3A_2163, %jit3A_2160 : i32
        %rem3A_2165 = arith.remsi %add3A_1899, %select_n3A_2164 : i32
        %ne3A_2166 = arith.constant 0 : i32
        %ne3A_2167 = arith.cmpi ne, %rem3A_2165, %ne3A_2166 : i32
        %lt3A_2168 = arith.constant 0 : i32
        %lt3A_2169 = arith.cmpi slt, %rem3A_2165, %lt3A_2168 : i32
        %lt3A_2170 = arith.constant 0 : i32
        %lt3A_2171 = arith.cmpi slt, %select_n3A_2164, %lt3A_2170 : i32
        %ne3A_2172 = arith.xori %lt3A_2169, %lt3A_2171 : i1
        %and3A_2173 = arith.andi %ne3A_2172, %ne3A_2167 : i1
        %add3A_2174 = arith.addi %rem3A_2165, %select_n3A_2164 : i32
        %select_n3A_2175 = arith.select %and3A_2173, %add3A_2174, %rem3A_2165 : i32
        %get3A_2176 = arith.index_cast %select_n3A_2175 : i32 to index
        %get3A_2177 = arith.constant 160 : index
        %get3A_2178 = tpu.vector_load %arg9[%get3A_2176, %get3A_2177] {strides = array<i32>} : memref<16x512xf32, #tpu.memory_space<vmem>>, vector<16xf32>,
        %add3A_2179 = arith.constant 160 : i32
        %add3A_2180 = vector.broadcast %add3A_2179 : i32 to vector<16xi32>
        %add3A_2181 = arith.addi %add3A_2180, %iota3A : vector<16xi32>
        %masked_sort3A_2182 = arith.constant dense<true> : vector<16xi1>
        %masked_sort3A_2183, %masked_sort3A_2184, %masked_sort3A_2185 = tpu.sort %get3A_2178, %add3A_2181 masked %masked_sort3A_2182 : (vector<16xf32>, vector<16xi32>, vector<16xi1>) -> (vector<16xi1>, vector<16xf32>, vector<16xi32>)
        %jit3A_2186 = arith.constant 16 : i32
        %eq3A_2187 = arith.constant 0 : i32
        %eq3A_2188 = arith.cmpi eq, %jit3A_2186, %eq3A_2187 : i32
        %jit3A_2189 = arith.constant 1 : i32
        %select_n3A_2190 = arith.select %eq3A_2188, %jit3A_2189, %jit3A_2186 : i32
        %rem3A_2191 = arith.remsi %add3A_1899, %select_n3A_2190 : i32
        %ne3A_2192 = arith.constant 0 : i32
        %ne3A_2193 = arith.cmpi ne, %rem3A_2191, %ne3A_2192 : i32
        %lt3A_2194 = arith.constant 0 : i32
        %lt3A_2195 = arith.cmpi slt, %rem3A_2191, %lt3A_2194 : i32
        %lt3A_2196 = arith.constant 0 : i32
        %lt3A_2197 = arith.cmpi slt, %select_n3A_2190, %lt3A_2196 : i32
        %ne3A_2198 = arith.xori %lt3A_2195, %lt3A_2197 : i1
        %and3A_2199 = arith.andi %ne3A_2198, %ne3A_2193 : i1
        %add3A_2200 = arith.addi %rem3A_2191, %select_n3A_2190 : i32
        %select_n3A_2201 = arith.select %and3A_2199, %add3A_2200, %rem3A_2191 : i32
        %get3A_2202 = arith.index_cast %select_n3A_2201 : i32 to index
        %get3A_2203 = arith.constant 176 : index
        %get3A_2204 = tpu.vector_load %arg9[%get3A_2202, %get3A_2203] {strides = array<i32>} : memref<16x512xf32, #tpu.memory_space<vmem>>, vector<16xf32>,
        %add3A_2205 = arith.constant 176 : i32
        %add3A_2206 = vector.broadcast %add3A_2205 : i32 to vector<16xi32>
        %add3A_2207 = arith.addi %add3A_2206, %iota3A : vector<16xi32>
        %masked_sort3A_2208 = arith.constant dense<true> : vector<16xi1>
        %masked_sort3A_2209, %masked_sort3A_2210, %masked_sort3A_2211 = tpu.sort %get3A_2204, %add3A_2207 masked %masked_sort3A_2208 : (vector<16xf32>, vector<16xi32>, vector<16xi1>) -> (vector<16xi1>, vector<16xf32>, vector<16xi32>)
        %jit3A_2212 = arith.constant 16 : i32
        %eq3A_2213 = arith.constant 0 : i32
        %eq3A_2214 = arith.cmpi eq, %jit3A_2212, %eq3A_2213 : i32
        %jit3A_2215 = arith.constant 1 : i32
        %select_n3A_2216 = arith.select %eq3A_2214, %jit3A_2215, %jit3A_2212 : i32
        %rem3A_2217 = arith.remsi %add3A_1899, %select_n3A_2216 : i32
        %ne3A_2218 = arith.constant 0 : i32
        %ne3A_2219 = arith.cmpi ne, %rem3A_2217, %ne3A_2218 : i32
        %lt3A_2220 = arith.constant 0 : i32
        %lt3A_2221 = arith.cmpi slt, %rem3A_2217, %lt3A_2220 : i32
        %lt3A_2222 = arith.constant 0 : i32
        %lt3A_2223 = arith.cmpi slt, %select_n3A_2216, %lt3A_2222 : i32
        %ne3A_2224 = arith.xori %lt3A_2221, %lt3A_2223 : i1
        %and3A_2225 = arith.andi %ne3A_2224, %ne3A_2219 : i1
        %add3A_2226 = arith.addi %rem3A_2217, %select_n3A_2216 : i32
        %select_n3A_2227 = arith.select %and3A_2225, %add3A_2226, %rem3A_2217 : i32
        %get3A_2228 = arith.index_cast %select_n3A_2227 : i32 to index
        %get3A_2229 = arith.constant 192 : index
        %get3A_2230 = tpu.vector_load %arg9[%get3A_2228, %get3A_2229] {strides = array<i32>} : memref<16x512xf32, #tpu.memory_space<vmem>>, vector<16xf32>,
        %add3A_2231 = arith.constant 192 : i32
        %add3A_2232 = vector.broadcast %add3A_2231 : i32 to vector<16xi32>
        %add3A_2233 = arith.addi %add3A_2232, %iota3A : vector<16xi32>
        %masked_sort3A_2234 = arith.constant dense<true> : vector<16xi1>
        %masked_sort3A_2235, %masked_sort3A_2236, %masked_sort3A_2237 = tpu.sort %get3A_2230, %add3A_2233 masked %masked_sort3A_2234 : (vector<16xf32>, vector<16xi32>, vector<16xi1>) -> (vector<16xi1>, vector<16xf32>, vector<16xi32>)
        %jit3A_2238 = arith.constant 16 : i32
        %eq3A_2239 = arith.constant 0 : i32
        %eq3A_2240 = arith.cmpi eq, %jit3A_2238, %eq3A_2239 : i32
        %jit3A_2241 = arith.constant 1 : i32
        %select_n3A_2242 = arith.select %eq3A_2240, %jit3A_2241, %jit3A_2238 : i32
        %rem3A_2243 = arith.remsi %add3A_1899, %select_n3A_2242 : i32
        %ne3A_2244 = arith.constant 0 : i32
        %ne3A_2245 = arith.cmpi ne, %rem3A_2243, %ne3A_2244 : i32
        %lt3A_2246 = arith.constant 0 : i32
        %lt3A_2247 = arith.cmpi slt, %rem3A_2243, %lt3A_2246 : i32
        %lt3A_2248 = arith.constant 0 : i32
        %lt3A_2249 = arith.cmpi slt, %select_n3A_2242, %lt3A_2248 : i32
        %ne3A_2250 = arith.xori %lt3A_2247, %lt3A_2249 : i1
        %and3A_2251 = arith.andi %ne3A_2250, %ne3A_2245 : i1
        %add3A_2252 = arith.addi %rem3A_2243, %select_n3A_2242 : i32
        %select_n3A_2253 = arith.select %and3A_2251, %add3A_2252, %rem3A_2243 : i32
        %get3A_2254 = arith.index_cast %select_n3A_2253 : i32 to index
        %get3A_2255 = arith.constant 208 : index
        %get3A_2256 = tpu.vector_load %arg9[%get3A_2254, %get3A_2255] {strides = array<i32>} : memref<16x512xf32, #tpu.memory_space<vmem>>, vector<16xf32>,
        %add3A_2257 = arith.constant 208 : i32
        %add3A_2258 = vector.broadcast %add3A_2257 : i32 to vector<16xi32>
        %add3A_2259 = arith.addi %add3A_2258, %iota3A : vector<16xi32>
        %masked_sort3A_2260 = arith.constant dense<true> : vector<16xi1>
        %masked_sort3A_2261, %masked_sort3A_2262, %masked_sort3A_2263 = tpu.sort %get3A_2256, %add3A_2259 masked %masked_sort3A_2260 : (vector<16xf32>, vector<16xi32>, vector<16xi1>) -> (vector<16xi1>, vector<16xf32>, vector<16xi32>)
        %jit3A_2264 = arith.constant 16 : i32
        %eq3A_2265 = arith.constant 0 : i32
        %eq3A_2266 = arith.cmpi eq, %jit3A_2264, %eq3A_2265 : i32
        %jit3A_2267 = arith.constant 1 : i32
        %select_n3A_2268 = arith.select %eq3A_2266, %jit3A_2267, %jit3A_2264 : i32
        %rem3A_2269 = arith.remsi %add3A_1899, %select_n3A_2268 : i32
        %ne3A_2270 = arith.constant 0 : i32
        %ne3A_2271 = arith.cmpi ne, %rem3A_2269, %ne3A_2270 : i32
        %lt3A_2272 = arith.constant 0 : i32
        %lt3A_2273 = arith.cmpi slt, %rem3A_2269, %lt3A_2272 : i32
        %lt3A_2274 = arith.constant 0 : i32
        %lt3A_2275 = arith.cmpi slt, %select_n3A_2268, %lt3A_2274 : i32
        %ne3A_2276 = arith.xori %lt3A_2273, %lt3A_2275 : i1
        %and3A_2277 = arith.andi %ne3A_2276, %ne3A_2271 : i1
        %add3A_2278 = arith.addi %rem3A_2269, %select_n3A_2268 : i32
        %select_n3A_2279 = arith.select %and3A_2277, %add3A_2278, %rem3A_2269 : i32
        %get3A_2280 = arith.index_cast %select_n3A_2279 : i32 to index
        %get3A_2281 = arith.constant 224 : index
        %get3A_2282 = tpu.vector_load %arg9[%get3A_2280, %get3A_2281] {strides = array<i32>} : memref<16x512xf32, #tpu.memory_space<vmem>>, vector<16xf32>,
        %add3A_2283 = arith.constant 224 : i32
        %add3A_2284 = vector.broadcast %add3A_2283 : i32 to vector<16xi32>
        %add3A_2285 = arith.addi %add3A_2284, %iota3A : vector<16xi32>
        %masked_sort3A_2286 = arith.constant dense<true> : vector<16xi1>
        %masked_sort3A_2287, %masked_sort3A_2288, %masked_sort3A_2289 = tpu.sort %get3A_2282, %add3A_2285 masked %masked_sort3A_2286 : (vector<16xf32>, vector<16xi32>, vector<16xi1>) -> (vector<16xi1>, vector<16xf32>, vector<16xi32>)
        %jit3A_2290 = arith.constant 16 : i32
        %eq3A_2291 = arith.constant 0 : i32
        %eq3A_2292 = arith.cmpi eq, %jit3A_2290, %eq3A_2291 : i32
        %jit3A_2293 = arith.constant 1 : i32
        %select_n3A_2294 = arith.select %eq3A_2292, %jit3A_2293, %jit3A_2290 : i32
        %rem3A_2295 = arith.remsi %add3A_1899, %select_n3A_2294 : i32
        %ne3A_2296 = arith.constant 0 : i32
        %ne3A_2297 = arith.cmpi ne, %rem3A_2295, %ne3A_2296 : i32
        %lt3A_2298 = arith.constant 0 : i32
        %lt3A_2299 = arith.cmpi slt, %rem3A_2295, %lt3A_2298 : i32
        %lt3A_2300 = arith.constant 0 : i32
        %lt3A_2301 = arith.cmpi slt, %select_n3A_2294, %lt3A_2300 : i32
        %ne3A_2302 = arith.xori %lt3A_2299, %lt3A_2301 : i1
        %and3A_2303 = arith.andi %ne3A_2302, %ne3A_2297 : i1
        %add3A_2304 = arith.addi %rem3A_2295, %select_n3A_2294 : i32
        %select_n3A_2305 = arith.select %and3A_2303, %add3A_2304, %rem3A_2295 : i32
        %get3A_2306 = arith.index_cast %select_n3A_2305 : i32 to index
        %get3A_2307 = arith.constant 240 : index
        %get3A_2308 = tpu.vector_load %arg9[%get3A_2306, %get3A_2307] {strides = array<i32>} : memref<16x512xf32, #tpu.memory_space<vmem>>, vector<16xf32>,
        %add3A_2309 = arith.constant 240 : i32
        %add3A_2310 = vector.broadcast %add3A_2309 : i32 to vector<16xi32>
        %add3A_2311 = arith.addi %add3A_2310, %iota3A : vector<16xi32>
        %masked_sort3A_2312 = arith.constant dense<true> : vector<16xi1>
        %masked_sort3A_2313, %masked_sort3A_2314, %masked_sort3A_2315 = tpu.sort %get3A_2308, %add3A_2311 masked %masked_sort3A_2312 : (vector<16xf32>, vector<16xi32>, vector<16xi1>) -> (vector<16xi1>, vector<16xf32>, vector<16xi32>)
        %jit3A_2316 = arith.constant 16 : i32
        %eq3A_2317 = arith.constant 0 : i32
        %eq3A_2318 = arith.cmpi eq, %jit3A_2316, %eq3A_2317 : i32
        %jit3A_2319 = arith.constant 1 : i32
        %select_n3A_2320 = arith.select %eq3A_2318, %jit3A_2319, %jit3A_2316 : i32
        %rem3A_2321 = arith.remsi %add3A_1899, %select_n3A_2320 : i32
        %ne3A_2322 = arith.constant 0 : i32
        %ne3A_2323 = arith.cmpi ne, %rem3A_2321, %ne3A_2322 : i32
        %lt3A_2324 = arith.constant 0 : i32
        %lt3A_2325 = arith.cmpi slt, %rem3A_2321, %lt3A_2324 : i32
        %lt3A_2326 = arith.constant 0 : i32
        %lt3A_2327 = arith.cmpi slt, %select_n3A_2320, %lt3A_2326 : i32
        %ne3A_2328 = arith.xori %lt3A_2325, %lt3A_2327 : i1
        %and3A_2329 = arith.andi %ne3A_2328, %ne3A_2323 : i1
        %add3A_2330 = arith.addi %rem3A_2321, %select_n3A_2320 : i32
        %select_n3A_2331 = arith.select %and3A_2329, %add3A_2330, %rem3A_2321 : i32
        %get3A_2332 = arith.index_cast %select_n3A_2331 : i32 to index
        %get3A_2333 = arith.constant 256 : index
        %get3A_2334 = tpu.vector_load %arg9[%get3A_2332, %get3A_2333] {strides = array<i32>} : memref<16x512xf32, #tpu.memory_space<vmem>>, vector<16xf32>,
        %add3A_2335 = arith.constant 256 : i32
        %add3A_2336 = vector.broadcast %add3A_2335 : i32 to vector<16xi32>
        %add3A_2337 = arith.addi %add3A_2336, %iota3A : vector<16xi32>
        %masked_sort3A_2338 = arith.constant dense<true> : vector<16xi1>
        %masked_sort3A_2339, %masked_sort3A_2340, %masked_sort3A_2341 = tpu.sort %get3A_2334, %add3A_2337 masked %masked_sort3A_2338 : (vector<16xf32>, vector<16xi32>, vector<16xi1>) -> (vector<16xi1>, vector<16xf32>, vector<16xi32>)
        %jit3A_2342 = arith.constant 16 : i32
        %eq3A_2343 = arith.constant 0 : i32
        %eq3A_2344 = arith.cmpi eq, %jit3A_2342, %eq3A_2343 : i32
        %jit3A_2345 = arith.constant 1 : i32
        %select_n3A_2346 = arith.select %eq3A_2344, %jit3A_2345, %jit3A_2342 : i32
        %rem3A_2347 = arith.remsi %add3A_1899, %select_n3A_2346 : i32
        %ne3A_2348 = arith.constant 0 : i32
        %ne3A_2349 = arith.cmpi ne, %rem3A_2347, %ne3A_2348 : i32
        %lt3A_2350 = arith.constant 0 : i32
        %lt3A_2351 = arith.cmpi slt, %rem3A_2347, %lt3A_2350 : i32
        %lt3A_2352 = arith.constant 0 : i32
        %lt3A_2353 = arith.cmpi slt, %select_n3A_2346, %lt3A_2352 : i32
        %ne3A_2354 = arith.xori %lt3A_2351, %lt3A_2353 : i1
        %and3A_2355 = arith.andi %ne3A_2354, %ne3A_2349 : i1
        %add3A_2356 = arith.addi %rem3A_2347, %select_n3A_2346 : i32
        %select_n3A_2357 = arith.select %and3A_2355, %add3A_2356, %rem3A_2347 : i32
        %get3A_2358 = arith.index_cast %select_n3A_2357 : i32 to index
        %get3A_2359 = arith.constant 272 : index
        %get3A_2360 = tpu.vector_load %arg9[%get3A_2358, %get3A_2359] {strides = array<i32>} : memref<16x512xf32, #tpu.memory_space<vmem>>, vector<16xf32>,
        %add3A_2361 = arith.constant 272 : i32
        %add3A_2362 = vector.broadcast %add3A_2361 : i32 to vector<16xi32>
        %add3A_2363 = arith.addi %add3A_2362, %iota3A : vector<16xi32>
        %masked_sort3A_2364 = arith.constant dense<true> : vector<16xi1>
        %masked_sort3A_2365, %masked_sort3A_2366, %masked_sort3A_2367 = tpu.sort %get3A_2360, %add3A_2363 masked %masked_sort3A_2364 : (vector<16xf32>, vector<16xi32>, vector<16xi1>) -> (vector<16xi1>, vector<16xf32>, vector<16xi32>)
        %jit3A_2368 = arith.constant 16 : i32
        %eq3A_2369 = arith.constant 0 : i32
        %eq3A_2370 = arith.cmpi eq, %jit3A_2368, %eq3A_2369 : i32
        %jit3A_2371 = arith.constant 1 : i32
        %select_n3A_2372 = arith.select %eq3A_2370, %jit3A_2371, %jit3A_2368 : i32
        %rem3A_2373 = arith.remsi %add3A_1899, %select_n3A_2372 : i32
        %ne3A_2374 = arith.constant 0 : i32
        %ne3A_2375 = arith.cmpi ne, %rem3A_2373, %ne3A_2374 : i32
        %lt3A_2376 = arith.constant 0 : i32
        %lt3A_2377 = arith.cmpi slt, %rem3A_2373, %lt3A_2376 : i32
        %lt3A_2378 = arith.constant 0 : i32
        %lt3A_2379 = arith.cmpi slt, %select_n3A_2372, %lt3A_2378 : i32
        %ne3A_2380 = arith.xori %lt3A_2377, %lt3A_2379 : i1
        %and3A_2381 = arith.andi %ne3A_2380, %ne3A_2375 : i1
        %add3A_2382 = arith.addi %rem3A_2373, %select_n3A_2372 : i32
        %select_n3A_2383 = arith.select %and3A_2381, %add3A_2382, %rem3A_2373 : i32
        %get3A_2384 = arith.index_cast %select_n3A_2383 : i32 to index
        %get3A_2385 = arith.constant 288 : index
        %get3A_2386 = tpu.vector_load %arg9[%get3A_2384, %get3A_2385] {strides = array<i32>} : memref<16x512xf32, #tpu.memory_space<vmem>>, vector<16xf32>,
        %add3A_2387 = arith.constant 288 : i32
        %add3A_2388 = vector.broadcast %add3A_2387 : i32 to vector<16xi32>
        %add3A_2389 = arith.addi %add3A_2388, %iota3A : vector<16xi32>
        %masked_sort3A_2390 = arith.constant dense<true> : vector<16xi1>
        %masked_sort3A_2391, %masked_sort3A_2392, %masked_sort3A_2393 = tpu.sort %get3A_2386, %add3A_2389 masked %masked_sort3A_2390 : (vector<16xf32>, vector<16xi32>, vector<16xi1>) -> (vector<16xi1>, vector<16xf32>, vector<16xi32>)
        %jit3A_2394 = arith.constant 16 : i32
        %eq3A_2395 = arith.constant 0 : i32
        %eq3A_2396 = arith.cmpi eq, %jit3A_2394, %eq3A_2395 : i32
        %jit3A_2397 = arith.constant 1 : i32
        %select_n3A_2398 = arith.select %eq3A_2396, %jit3A_2397, %jit3A_2394 : i32
        %rem3A_2399 = arith.remsi %add3A_1899, %select_n3A_2398 : i32
        %ne3A_2400 = arith.constant 0 : i32
        %ne3A_2401 = arith.cmpi ne, %rem3A_2399, %ne3A_2400 : i32
        %lt3A_2402 = arith.constant 0 : i32
        %lt3A_2403 = arith.cmpi slt, %rem3A_2399, %lt3A_2402 : i32
        %lt3A_2404 = arith.constant 0 : i32
        %lt3A_2405 = arith.cmpi slt, %select_n3A_2398, %lt3A_2404 : i32
        %ne3A_2406 = arith.xori %lt3A_2403, %lt3A_2405 : i1
        %and3A_2407 = arith.andi %ne3A_2406, %ne3A_2401 : i1
        %add3A_2408 = arith.addi %rem3A_2399, %select_n3A_2398 : i32
        %select_n3A_2409 = arith.select %and3A_2407, %add3A_2408, %rem3A_2399 : i32
        %get3A_2410 = arith.index_cast %select_n3A_2409 : i32 to index
        %get3A_2411 = arith.constant 304 : index
        %get3A_2412 = tpu.vector_load %arg9[%get3A_2410, %get3A_2411] {strides = array<i32>} : memref<16x512xf32, #tpu.memory_space<vmem>>, vector<16xf32>,
        %add3A_2413 = arith.constant 304 : i32
        %add3A_2414 = vector.broadcast %add3A_2413 : i32 to vector<16xi32>
        %add3A_2415 = arith.addi %add3A_2414, %iota3A : vector<16xi32>
        %masked_sort3A_2416 = arith.constant dense<true> : vector<16xi1>
        %masked_sort3A_2417, %masked_sort3A_2418, %masked_sort3A_2419 = tpu.sort %get3A_2412, %add3A_2415 masked %masked_sort3A_2416 : (vector<16xf32>, vector<16xi32>, vector<16xi1>) -> (vector<16xi1>, vector<16xf32>, vector<16xi32>)
        %jit3A_2420 = arith.constant 16 : i32
        %eq3A_2421 = arith.constant 0 : i32
        %eq3A_2422 = arith.cmpi eq, %jit3A_2420, %eq3A_2421 : i32
        %jit3A_2423 = arith.constant 1 : i32
        %select_n3A_2424 = arith.select %eq3A_2422, %jit3A_2423, %jit3A_2420 : i32
        %rem3A_2425 = arith.remsi %add3A_1899, %select_n3A_2424 : i32
        %ne3A_2426 = arith.constant 0 : i32
        %ne3A_2427 = arith.cmpi ne, %rem3A_2425, %ne3A_2426 : i32
        %lt3A_2428 = arith.constant 0 : i32
        %lt3A_2429 = arith.cmpi slt, %rem3A_2425, %lt3A_2428 : i32
        %lt3A_2430 = arith.constant 0 : i32
        %lt3A_2431 = arith.cmpi slt, %select_n3A_2424, %lt3A_2430 : i32
        %ne3A_2432 = arith.xori %lt3A_2429, %lt3A_2431 : i1
        %and3A_2433 = arith.andi %ne3A_2432, %ne3A_2427 : i1
        %add3A_2434 = arith.addi %rem3A_2425, %select_n3A_2424 : i32
        %select_n3A_2435 = arith.select %and3A_2433, %add3A_2434, %rem3A_2425 : i32
        %get3A_2436 = arith.index_cast %select_n3A_2435 : i32 to index
        %get3A_2437 = arith.constant 320 : index
        %get3A_2438 = tpu.vector_load %arg9[%get3A_2436, %get3A_2437] {strides = array<i32>} : memref<16x512xf32, #tpu.memory_space<vmem>>, vector<16xf32>,
        %add3A_2439 = arith.constant 320 : i32
        %add3A_2440 = vector.broadcast %add3A_2439 : i32 to vector<16xi32>
        %add3A_2441 = arith.addi %add3A_2440, %iota3A : vector<16xi32>
        %masked_sort3A_2442 = arith.constant dense<true> : vector<16xi1>
        %masked_sort3A_2443, %masked_sort3A_2444, %masked_sort3A_2445 = tpu.sort %get3A_2438, %add3A_2441 masked %masked_sort3A_2442 : (vector<16xf32>, vector<16xi32>, vector<16xi1>) -> (vector<16xi1>, vector<16xf32>, vector<16xi32>)
        %jit3A_2446 = arith.constant 16 : i32
        %eq3A_2447 = arith.constant 0 : i32
        %eq3A_2448 = arith.cmpi eq, %jit3A_2446, %eq3A_2447 : i32
        %jit3A_2449 = arith.constant 1 : i32
        %select_n3A_2450 = arith.select %eq3A_2448, %jit3A_2449, %jit3A_2446 : i32
        %rem3A_2451 = arith.remsi %add3A_1899, %select_n3A_2450 : i32
        %ne3A_2452 = arith.constant 0 : i32
        %ne3A_2453 = arith.cmpi ne, %rem3A_2451, %ne3A_2452 : i32
        %lt3A_2454 = arith.constant 0 : i32
        %lt3A_2455 = arith.cmpi slt, %rem3A_2451, %lt3A_2454 : i32
        %lt3A_2456 = arith.constant 0 : i32
        %lt3A_2457 = arith.cmpi slt, %select_n3A_2450, %lt3A_2456 : i32
        %ne3A_2458 = arith.xori %lt3A_2455, %lt3A_2457 : i1
        %and3A_2459 = arith.andi %ne3A_2458, %ne3A_2453 : i1
        %add3A_2460 = arith.addi %rem3A_2451, %select_n3A_2450 : i32
        %select_n3A_2461 = arith.select %and3A_2459, %add3A_2460, %rem3A_2451 : i32
        %get3A_2462 = arith.index_cast %select_n3A_2461 : i32 to index
        %get3A_2463 = arith.constant 336 : index
        %get3A_2464 = tpu.vector_load %arg9[%get3A_2462, %get3A_2463] {strides = array<i32>} : memref<16x512xf32, #tpu.memory_space<vmem>>, vector<16xf32>,
        %add3A_2465 = arith.constant 336 : i32
        %add3A_2466 = vector.broadcast %add3A_2465 : i32 to vector<16xi32>
        %add3A_2467 = arith.addi %add3A_2466, %iota3A : vector<16xi32>
        %masked_sort3A_2468 = arith.constant dense<true> : vector<16xi1>
        %masked_sort3A_2469, %masked_sort3A_2470, %masked_sort3A_2471 = tpu.sort %get3A_2464, %add3A_2467 masked %masked_sort3A_2468 : (vector<16xf32>, vector<16xi32>, vector<16xi1>) -> (vector<16xi1>, vector<16xf32>, vector<16xi32>)
        %jit3A_2472 = arith.constant 16 : i32
        %eq3A_2473 = arith.constant 0 : i32
        %eq3A_2474 = arith.cmpi eq, %jit3A_2472, %eq3A_2473 : i32
        %jit3A_2475 = arith.constant 1 : i32
        %select_n3A_2476 = arith.select %eq3A_2474, %jit3A_2475, %jit3A_2472 : i32
        %rem3A_2477 = arith.remsi %add3A_1899, %select_n3A_2476 : i32
        %ne3A_2478 = arith.constant 0 : i32
        %ne3A_2479 = arith.cmpi ne, %rem3A_2477, %ne3A_2478 : i32
        %lt3A_2480 = arith.constant 0 : i32
        %lt3A_2481 = arith.cmpi slt, %rem3A_2477, %lt3A_2480 : i32
        %lt3A_2482 = arith.constant 0 : i32
        %lt3A_2483 = arith.cmpi slt, %select_n3A_2476, %lt3A_2482 : i32
        %ne3A_2484 = arith.xori %lt3A_2481, %lt3A_2483 : i1
        %and3A_2485 = arith.andi %ne3A_2484, %ne3A_2479 : i1
        %add3A_2486 = arith.addi %rem3A_2477, %select_n3A_2476 : i32
        %select_n3A_2487 = arith.select %and3A_2485, %add3A_2486, %rem3A_2477 : i32
        %get3A_2488 = arith.index_cast %select_n3A_2487 : i32 to index
        %get3A_2489 = arith.constant 352 : index
        %get3A_2490 = tpu.vector_load %arg9[%get3A_2488, %get3A_2489] {strides = array<i32>} : memref<16x512xf32, #tpu.memory_space<vmem>>, vector<16xf32>,
        %add3A_2491 = arith.constant 352 : i32
        %add3A_2492 = vector.broadcast %add3A_2491 : i32 to vector<16xi32>
        %add3A_2493 = arith.addi %add3A_2492, %iota3A : vector<16xi32>
        %masked_sort3A_2494 = arith.constant dense<true> : vector<16xi1>
        %masked_sort3A_2495, %masked_sort3A_2496, %masked_sort3A_2497 = tpu.sort %get3A_2490, %add3A_2493 masked %masked_sort3A_2494 : (vector<16xf32>, vector<16xi32>, vector<16xi1>) -> (vector<16xi1>, vector<16xf32>, vector<16xi32>)
        %jit3A_2498 = arith.constant 16 : i32
        %eq3A_2499 = arith.constant 0 : i32
        %eq3A_2500 = arith.cmpi eq, %jit3A_2498, %eq3A_2499 : i32
        %jit3A_2501 = arith.constant 1 : i32
        %select_n3A_2502 = arith.select %eq3A_2500, %jit3A_2501, %jit3A_2498 : i32
        %rem3A_2503 = arith.remsi %add3A_1899, %select_n3A_2502 : i32
        %ne3A_2504 = arith.constant 0 : i32
        %ne3A_2505 = arith.cmpi ne, %rem3A_2503, %ne3A_2504 : i32
        %lt3A_2506 = arith.constant 0 : i32
        %lt3A_2507 = arith.cmpi slt, %rem3A_2503, %lt3A_2506 : i32
        %lt3A_2508 = arith.constant 0 : i32
        %lt3A_2509 = arith.cmpi slt, %select_n3A_2502, %lt3A_2508 : i32
        %ne3A_2510 = arith.xori %lt3A_2507, %lt3A_2509 : i1
        %and3A_2511 = arith.andi %ne3A_2510, %ne3A_2505 : i1
        %add3A_2512 = arith.addi %rem3A_2503, %select_n3A_2502 : i32
        %select_n3A_2513 = arith.select %and3A_2511, %add3A_2512, %rem3A_2503 : i32
        %get3A_2514 = arith.index_cast %select_n3A_2513 : i32 to index
        %get3A_2515 = arith.constant 368 : index
        %get3A_2516 = tpu.vector_load %arg9[%get3A_2514, %get3A_2515] {strides = array<i32>} : memref<16x512xf32, #tpu.memory_space<vmem>>, vector<16xf32>,
        %add3A_2517 = arith.constant 368 : i32
        %add3A_2518 = vector.broadcast %add3A_2517 : i32 to vector<16xi32>
        %add3A_2519 = arith.addi %add3A_2518, %iota3A : vector<16xi32>
        %masked_sort3A_2520 = arith.constant dense<true> : vector<16xi1>
        %masked_sort3A_2521, %masked_sort3A_2522, %masked_sort3A_2523 = tpu.sort %get3A_2516, %add3A_2519 masked %masked_sort3A_2520 : (vector<16xf32>, vector<16xi32>, vector<16xi1>) -> (vector<16xi1>, vector<16xf32>, vector<16xi32>)
        %jit3A_2524 = arith.constant 16 : i32
        %eq3A_2525 = arith.constant 0 : i32
        %eq3A_2526 = arith.cmpi eq, %jit3A_2524, %eq3A_2525 : i32
        %jit3A_2527 = arith.constant 1 : i32
        %select_n3A_2528 = arith.select %eq3A_2526, %jit3A_2527, %jit3A_2524 : i32
        %rem3A_2529 = arith.remsi %add3A_1899, %select_n3A_2528 : i32
        %ne3A_2530 = arith.constant 0 : i32
        %ne3A_2531 = arith.cmpi ne, %rem3A_2529, %ne3A_2530 : i32
        %lt3A_2532 = arith.constant 0 : i32
        %lt3A_2533 = arith.cmpi slt, %rem3A_2529, %lt3A_2532 : i32
        %lt3A_2534 = arith.constant 0 : i32
        %lt3A_2535 = arith.cmpi slt, %select_n3A_2528, %lt3A_2534 : i32
        %ne3A_2536 = arith.xori %lt3A_2533, %lt3A_2535 : i1
        %and3A_2537 = arith.andi %ne3A_2536, %ne3A_2531 : i1
        %add3A_2538 = arith.addi %rem3A_2529, %select_n3A_2528 : i32
        %select_n3A_2539 = arith.select %and3A_2537, %add3A_2538, %rem3A_2529 : i32
        %get3A_2540 = arith.index_cast %select_n3A_2539 : i32 to index
        %get3A_2541 = arith.constant 384 : index
        %get3A_2542 = tpu.vector_load %arg9[%get3A_2540, %get3A_2541] {strides = array<i32>} : memref<16x512xf32, #tpu.memory_space<vmem>>, vector<16xf32>,
        %add3A_2543 = arith.constant 384 : i32
        %add3A_2544 = vector.broadcast %add3A_2543 : i32 to vector<16xi32>
        %add3A_2545 = arith.addi %add3A_2544, %iota3A : vector<16xi32>
        %masked_sort3A_2546 = arith.constant dense<true> : vector<16xi1>
        %masked_sort3A_2547, %masked_sort3A_2548, %masked_sort3A_2549 = tpu.sort %get3A_2542, %add3A_2545 masked %masked_sort3A_2546 : (vector<16xf32>, vector<16xi32>, vector<16xi1>) -> (vector<16xi1>, vector<16xf32>, vector<16xi32>)
        %jit3A_2550 = arith.constant 16 : i32
        %eq3A_2551 = arith.constant 0 : i32
        %eq3A_2552 = arith.cmpi eq, %jit3A_2550, %eq3A_2551 : i32
        %jit3A_2553 = arith.constant 1 : i32
        %select_n3A_2554 = arith.select %eq3A_2552, %jit3A_2553, %jit3A_2550 : i32
        %rem3A_2555 = arith.remsi %add3A_1899, %select_n3A_2554 : i32
        %ne3A_2556 = arith.constant 0 : i32
        %ne3A_2557 = arith.cmpi ne, %rem3A_2555, %ne3A_2556 : i32
        %lt3A_2558 = arith.constant 0 : i32
        %lt3A_2559 = arith.cmpi slt, %rem3A_2555, %lt3A_2558 : i32
        %lt3A_2560 = arith.constant 0 : i32
        %lt3A_2561 = arith.cmpi slt, %select_n3A_2554, %lt3A_2560 : i32
        %ne3A_2562 = arith.xori %lt3A_2559, %lt3A_2561 : i1
        %and3A_2563 = arith.andi %ne3A_2562, %ne3A_2557 : i1
        %add3A_2564 = arith.addi %rem3A_2555, %select_n3A_2554 : i32
        %select_n3A_2565 = arith.select %and3A_2563, %add3A_2564, %rem3A_2555 : i32
        %get3A_2566 = arith.index_cast %select_n3A_2565 : i32 to index
        %get3A_2567 = arith.constant 400 : index
        %get3A_2568 = tpu.vector_load %arg9[%get3A_2566, %get3A_2567] {strides = array<i32>} : memref<16x512xf32, #tpu.memory_space<vmem>>, vector<16xf32>,
        %add3A_2569 = arith.constant 400 : i32
        %add3A_2570 = vector.broadcast %add3A_2569 : i32 to vector<16xi32>
        %add3A_2571 = arith.addi %add3A_2570, %iota3A : vector<16xi32>
        %masked_sort3A_2572 = arith.constant dense<true> : vector<16xi1>
        %masked_sort3A_2573, %masked_sort3A_2574, %masked_sort3A_2575 = tpu.sort %get3A_2568, %add3A_2571 masked %masked_sort3A_2572 : (vector<16xf32>, vector<16xi32>, vector<16xi1>) -> (vector<16xi1>, vector<16xf32>, vector<16xi32>)
        %jit3A_2576 = arith.constant 16 : i32
        %eq3A_2577 = arith.constant 0 : i32
        %eq3A_2578 = arith.cmpi eq, %jit3A_2576, %eq3A_2577 : i32
        %jit3A_2579 = arith.constant 1 : i32
        %select_n3A_2580 = arith.select %eq3A_2578, %jit3A_2579, %jit3A_2576 : i32
        %rem3A_2581 = arith.remsi %add3A_1899, %select_n3A_2580 : i32
        %ne3A_2582 = arith.constant 0 : i32
        %ne3A_2583 = arith.cmpi ne, %rem3A_2581, %ne3A_2582 : i32
        %lt3A_2584 = arith.constant 0 : i32
        %lt3A_2585 = arith.cmpi slt, %rem3A_2581, %lt3A_2584 : i32
        %lt3A_2586 = arith.constant 0 : i32
        %lt3A_2587 = arith.cmpi slt, %select_n3A_2580, %lt3A_2586 : i32
        %ne3A_2588 = arith.xori %lt3A_2585, %lt3A_2587 : i1
        %and3A_2589 = arith.andi %ne3A_2588, %ne3A_2583 : i1
        %add3A_2590 = arith.addi %rem3A_2581, %select_n3A_2580 : i32
        %select_n3A_2591 = arith.select %and3A_2589, %add3A_2590, %rem3A_2581 : i32
        %get3A_2592 = arith.index_cast %select_n3A_2591 : i32 to index
        %get3A_2593 = arith.constant 416 : index
        %get3A_2594 = tpu.vector_load %arg9[%get3A_2592, %get3A_2593] {strides = array<i32>} : memref<16x512xf32, #tpu.memory_space<vmem>>, vector<16xf32>,
        %add3A_2595 = arith.constant 416 : i32
        %add3A_2596 = vector.broadcast %add3A_2595 : i32 to vector<16xi32>
        %add3A_2597 = arith.addi %add3A_2596, %iota3A : vector<16xi32>
        %masked_sort3A_2598 = arith.constant dense<true> : vector<16xi1>
        %masked_sort3A_2599, %masked_sort3A_2600, %masked_sort3A_2601 = tpu.sort %get3A_2594, %add3A_2597 masked %masked_sort3A_2598 : (vector<16xf32>, vector<16xi32>, vector<16xi1>) -> (vector<16xi1>, vector<16xf32>, vector<16xi32>)
        %jit3A_2602 = arith.constant 16 : i32
        %eq3A_2603 = arith.constant 0 : i32
        %eq3A_2604 = arith.cmpi eq, %jit3A_2602, %eq3A_2603 : i32
        %jit3A_2605 = arith.constant 1 : i32
        %select_n3A_2606 = arith.select %eq3A_2604, %jit3A_2605, %jit3A_2602 : i32
        %rem3A_2607 = arith.remsi %add3A_1899, %select_n3A_2606 : i32
        %ne3A_2608 = arith.constant 0 : i32
        %ne3A_2609 = arith.cmpi ne, %rem3A_2607, %ne3A_2608 : i32
        %lt3A_2610 = arith.constant 0 : i32
        %lt3A_2611 = arith.cmpi slt, %rem3A_2607, %lt3A_2610 : i32
        %lt3A_2612 = arith.constant 0 : i32
        %lt3A_2613 = arith.cmpi slt, %select_n3A_2606, %lt3A_2612 : i32
        %ne3A_2614 = arith.xori %lt3A_2611, %lt3A_2613 : i1
        %and3A_2615 = arith.andi %ne3A_2614, %ne3A_2609 : i1
        %add3A_2616 = arith.addi %rem3A_2607, %select_n3A_2606 : i32
        %select_n3A_2617 = arith.select %and3A_2615, %add3A_2616, %rem3A_2607 : i32
        %get3A_2618 = arith.index_cast %select_n3A_2617 : i32 to index
        %get3A_2619 = arith.constant 432 : index
        %get3A_2620 = tpu.vector_load %arg9[%get3A_2618, %get3A_2619] {strides = array<i32>} : memref<16x512xf32, #tpu.memory_space<vmem>>, vector<16xf32>,
        %add3A_2621 = arith.constant 432 : i32
        %add3A_2622 = vector.broadcast %add3A_2621 : i32 to vector<16xi32>
        %add3A_2623 = arith.addi %add3A_2622, %iota3A : vector<16xi32>
        %masked_sort3A_2624 = arith.constant dense<true> : vector<16xi1>
        %masked_sort3A_2625, %masked_sort3A_2626, %masked_sort3A_2627 = tpu.sort %get3A_2620, %add3A_2623 masked %masked_sort3A_2624 : (vector<16xf32>, vector<16xi32>, vector<16xi1>) -> (vector<16xi1>, vector<16xf32>, vector<16xi32>)
        %jit3A_2628 = arith.constant 16 : i32
        %eq3A_2629 = arith.constant 0 : i32
        %eq3A_2630 = arith.cmpi eq, %jit3A_2628, %eq3A_2629 : i32
        %jit3A_2631 = arith.constant 1 : i32
        %select_n3A_2632 = arith.select %eq3A_2630, %jit3A_2631, %jit3A_2628 : i32
        %rem3A_2633 = arith.remsi %add3A_1899, %select_n3A_2632 : i32
        %ne3A_2634 = arith.constant 0 : i32
        %ne3A_2635 = arith.cmpi ne, %rem3A_2633, %ne3A_2634 : i32
        %lt3A_2636 = arith.constant 0 : i32
        %lt3A_2637 = arith.cmpi slt, %rem3A_2633, %lt3A_2636 : i32
        %lt3A_2638 = arith.constant 0 : i32
        %lt3A_2639 = arith.cmpi slt, %select_n3A_2632, %lt3A_2638 : i32
        %ne3A_2640 = arith.xori %lt3A_2637, %lt3A_2639 : i1
        %and3A_2641 = arith.andi %ne3A_2640, %ne3A_2635 : i1
        %add3A_2642 = arith.addi %rem3A_2633, %select_n3A_2632 : i32
        %select_n3A_2643 = arith.select %and3A_2641, %add3A_2642, %rem3A_2633 : i32
        %get3A_2644 = arith.index_cast %select_n3A_2643 : i32 to index
        %get3A_2645 = arith.constant 448 : index
        %get3A_2646 = tpu.vector_load %arg9[%get3A_2644, %get3A_2645] {strides = array<i32>} : memref<16x512xf32, #tpu.memory_space<vmem>>, vector<16xf32>,
        %add3A_2647 = arith.constant 448 : i32
        %add3A_2648 = vector.broadcast %add3A_2647 : i32 to vector<16xi32>
        %add3A_2649 = arith.addi %add3A_2648, %iota3A : vector<16xi32>
        %masked_sort3A_2650 = arith.constant dense<true> : vector<16xi1>
        %masked_sort3A_2651, %masked_sort3A_2652, %masked_sort3A_2653 = tpu.sort %get3A_2646, %add3A_2649 masked %masked_sort3A_2650 : (vector<16xf32>, vector<16xi32>, vector<16xi1>) -> (vector<16xi1>, vector<16xf32>, vector<16xi32>)
        %jit3A_2654 = arith.constant 16 : i32
        %eq3A_2655 = arith.constant 0 : i32
        %eq3A_2656 = arith.cmpi eq, %jit3A_2654, %eq3A_2655 : i32
        %jit3A_2657 = arith.constant 1 : i32
        %select_n3A_2658 = arith.select %eq3A_2656, %jit3A_2657, %jit3A_2654 : i32
        %rem3A_2659 = arith.remsi %add3A_1899, %select_n3A_2658 : i32
        %ne3A_2660 = arith.constant 0 : i32
        %ne3A_2661 = arith.cmpi ne, %rem3A_2659, %ne3A_2660 : i32
        %lt3A_2662 = arith.constant 0 : i32
        %lt3A_2663 = arith.cmpi slt, %rem3A_2659, %lt3A_2662 : i32
        %lt3A_2664 = arith.constant 0 : i32
        %lt3A_2665 = arith.cmpi slt, %select_n3A_2658, %lt3A_2664 : i32
        %ne3A_2666 = arith.xori %lt3A_2663, %lt3A_2665 : i1
        %and3A_2667 = arith.andi %ne3A_2666, %ne3A_2661 : i1
        %add3A_2668 = arith.addi %rem3A_2659, %select_n3A_2658 : i32
        %select_n3A_2669 = arith.select %and3A_2667, %add3A_2668, %rem3A_2659 : i32
        %get3A_2670 = arith.index_cast %select_n3A_2669 : i32 to index
        %get3A_2671 = arith.constant 464 : index
        %get3A_2672 = tpu.vector_load %arg9[%get3A_2670, %get3A_2671] {strides = array<i32>} : memref<16x512xf32, #tpu.memory_space<vmem>>, vector<16xf32>,
        %add3A_2673 = arith.constant 464 : i32
        %add3A_2674 = vector.broadcast %add3A_2673 : i32 to vector<16xi32>
        %add3A_2675 = arith.addi %add3A_2674, %iota3A : vector<16xi32>
        %masked_sort3A_2676 = arith.constant dense<true> : vector<16xi1>
        %masked_sort3A_2677, %masked_sort3A_2678, %masked_sort3A_2679 = tpu.sort %get3A_2672, %add3A_2675 masked %masked_sort3A_2676 : (vector<16xf32>, vector<16xi32>, vector<16xi1>) -> (vector<16xi1>, vector<16xf32>, vector<16xi32>)
        %jit3A_2680 = arith.constant 16 : i32
        %eq3A_2681 = arith.constant 0 : i32
        %eq3A_2682 = arith.cmpi eq, %jit3A_2680, %eq3A_2681 : i32
        %jit3A_2683 = arith.constant 1 : i32
        %select_n3A_2684 = arith.select %eq3A_2682, %jit3A_2683, %jit3A_2680 : i32
        %rem3A_2685 = arith.remsi %add3A_1899, %select_n3A_2684 : i32
        %ne3A_2686 = arith.constant 0 : i32
        %ne3A_2687 = arith.cmpi ne, %rem3A_2685, %ne3A_2686 : i32
        %lt3A_2688 = arith.constant 0 : i32
        %lt3A_2689 = arith.cmpi slt, %rem3A_2685, %lt3A_2688 : i32
        %lt3A_2690 = arith.constant 0 : i32
        %lt3A_2691 = arith.cmpi slt, %select_n3A_2684, %lt3A_2690 : i32
        %ne3A_2692 = arith.xori %lt3A_2689, %lt3A_2691 : i1
        %and3A_2693 = arith.andi %ne3A_2692, %ne3A_2687 : i1
        %add3A_2694 = arith.addi %rem3A_2685, %select_n3A_2684 : i32
        %select_n3A_2695 = arith.select %and3A_2693, %add3A_2694, %rem3A_2685 : i32
        %get3A_2696 = arith.index_cast %select_n3A_2695 : i32 to index
        %get3A_2697 = arith.constant 480 : index
        %get3A_2698 = tpu.vector_load %arg9[%get3A_2696, %get3A_2697] {strides = array<i32>} : memref<16x512xf32, #tpu.memory_space<vmem>>, vector<16xf32>,
        %add3A_2699 = arith.constant 480 : i32
        %add3A_2700 = vector.broadcast %add3A_2699 : i32 to vector<16xi32>
        %add3A_2701 = arith.addi %add3A_2700, %iota3A : vector<16xi32>
        %masked_sort3A_2702 = arith.constant dense<true> : vector<16xi1>
        %masked_sort3A_2703, %masked_sort3A_2704, %masked_sort3A_2705 = tpu.sort %get3A_2698, %add3A_2701 masked %masked_sort3A_2702 : (vector<16xf32>, vector<16xi32>, vector<16xi1>) -> (vector<16xi1>, vector<16xf32>, vector<16xi32>)
        %jit3A_2706 = arith.constant 16 : i32
        %eq3A_2707 = arith.constant 0 : i32
        %eq3A_2708 = arith.cmpi eq, %jit3A_2706, %eq3A_2707 : i32
        %jit3A_2709 = arith.constant 1 : i32
        %select_n3A_2710 = arith.select %eq3A_2708, %jit3A_2709, %jit3A_2706 : i32
        %rem3A_2711 = arith.remsi %add3A_1899, %select_n3A_2710 : i32
        %ne3A_2712 = arith.constant 0 : i32
        %ne3A_2713 = arith.cmpi ne, %rem3A_2711, %ne3A_2712 : i32
        %lt3A_2714 = arith.constant 0 : i32
        %lt3A_2715 = arith.cmpi slt, %rem3A_2711, %lt3A_2714 : i32
        %lt3A_2716 = arith.constant 0 : i32
        %lt3A_2717 = arith.cmpi slt, %select_n3A_2710, %lt3A_2716 : i32
        %ne3A_2718 = arith.xori %lt3A_2715, %lt3A_2717 : i1
        %and3A_2719 = arith.andi %ne3A_2718, %ne3A_2713 : i1
        %add3A_2720 = arith.addi %rem3A_2711, %select_n3A_2710 : i32
        %select_n3A_2721 = arith.select %and3A_2719, %add3A_2720, %rem3A_2711 : i32
        %get3A_2722 = arith.index_cast %select_n3A_2721 : i32 to index
        %get3A_2723 = arith.constant 496 : index
        %get3A_2724 = tpu.vector_load %arg9[%get3A_2722, %get3A_2723] {strides = array<i32>} : memref<16x512xf32, #tpu.memory_space<vmem>>, vector<16xf32>,
        %add3A_2725 = arith.constant 496 : i32
        %add3A_2726 = vector.broadcast %add3A_2725 : i32 to vector<16xi32>
        %add3A_2727 = arith.addi %add3A_2726, %iota3A : vector<16xi32>
        %masked_sort3A_2728 = arith.constant dense<true> : vector<16xi1>
        %masked_sort3A_2729, %masked_sort3A_2730, %masked_sort3A_2731 = tpu.sort %get3A_2724, %add3A_2727 masked %masked_sort3A_2728 : (vector<16xf32>, vector<16xi32>, vector<16xi1>) -> (vector<16xi1>, vector<16xf32>, vector<16xi32>)
        %rev3A_2732 = arith.constant 15 : i32
        %rev3A_2733 = vector.broadcast %rev3A_2732 : i32 to vector<16xi32>
        %rev3A_2734 = tpu.iota {dimensions = array<i32: 0>} : vector<16xi32>
        %rev3A_2735 = arith.subi %rev3A_2733, %rev3A_2734 : vector<16xi32>
        %rev3A_2736 = tpu.dynamic_gather %masked_sort3A_1950[%rev3A_2735] in [0] : vector<16xf32>, vector<16xi32> -> vector<16xf32>
        %rev3A_2737 = arith.constant 15 : i32
        %rev3A_2738 = vector.broadcast %rev3A_2737 : i32 to vector<16xi32>
        %rev3A_2739 = tpu.iota {dimensions = array<i32: 0>} : vector<16xi32>
        %rev3A_2740 = arith.subi %rev3A_2738, %rev3A_2739 : vector<16xi32>
        %rev3A_2741 = tpu.dynamic_gather %masked_sort3A_1951[%rev3A_2740] in [0] : vector<16xi32>, vector<16xi32> -> vector<16xi32>
        %lt3A_2742 = arith.cmpf olt, %rev3A_2736, %masked_sort3A_1924 : vector<16xf32>
        %select_n3A_2743 = arith.select %lt3A_2742, %rev3A_2736, %masked_sort3A_1924 : vector<16xi1>, vector<16xf32>
        %select_n3A_2744 = arith.select %lt3A_2742, %rev3A_2741, %masked_sort3A_1925 : vector<16xi1>, vector<16xi32>
        %masked_sort3A_2745 = arith.constant dense<true> : vector<16xi1>
        %masked_sort3A_2746, %masked_sort3A_2747, %masked_sort3A_2748 = tpu.sort %select_n3A_2743, %select_n3A_2744 masked %masked_sort3A_2745 : (vector<16xf32>, vector<16xi32>, vector<16xi1>) -> (vector<16xi1>, vector<16xf32>, vector<16xi32>)
        %rev3A_2749 = arith.constant 15 : i32
        %rev3A_2750 = vector.broadcast %rev3A_2749 : i32 to vector<16xi32>
        %rev3A_2751 = tpu.iota {dimensions = array<i32: 0>} : vector<16xi32>
        %rev3A_2752 = arith.subi %rev3A_2750, %rev3A_2751 : vector<16xi32>
        %rev3A_2753 = tpu.dynamic_gather %masked_sort3A_2002[%rev3A_2752] in [0] : vector<16xf32>, vector<16xi32> -> vector<16xf32>
        %rev3A_2754 = arith.constant 15 : i32
        %rev3A_2755 = vector.broadcast %rev3A_2754 : i32 to vector<16xi32>
        %rev3A_2756 = tpu.iota {dimensions = array<i32: 0>} : vector<16xi32>
        %rev3A_2757 = arith.subi %rev3A_2755, %rev3A_2756 : vector<16xi32>
        %rev3A_2758 = tpu.dynamic_gather %masked_sort3A_2003[%rev3A_2757] in [0] : vector<16xi32>, vector<16xi32> -> vector<16xi32>
        %lt3A_2759 = arith.cmpf olt, %rev3A_2753, %masked_sort3A_1976 : vector<16xf32>
        %select_n3A_2760 = arith.select %lt3A_2759, %rev3A_2753, %masked_sort3A_1976 : vector<16xi1>, vector<16xf32>
        %select_n3A_2761 = arith.select %lt3A_2759, %rev3A_2758, %masked_sort3A_1977 : vector<16xi1>, vector<16xi32>
        %masked_sort3A_2762 = arith.constant dense<true> : vector<16xi1>
        %masked_sort3A_2763, %masked_sort3A_2764, %masked_sort3A_2765 = tpu.sort %select_n3A_2760, %select_n3A_2761 masked %masked_sort3A_2762 : (vector<16xf32>, vector<16xi32>, vector<16xi1>) -> (vector<16xi1>, vector<16xf32>, vector<16xi32>)
        %rev3A_2766 = arith.constant 15 : i32
        %rev3A_2767 = vector.broadcast %rev3A_2766 : i32 to vector<16xi32>
        %rev3A_2768 = tpu.iota {dimensions = array<i32: 0>} : vector<16xi32>
        %rev3A_2769 = arith.subi %rev3A_2767, %rev3A_2768 : vector<16xi32>
        %rev3A_2770 = tpu.dynamic_gather %masked_sort3A_2054[%rev3A_2769] in [0] : vector<16xf32>, vector<16xi32> -> vector<16xf32>
        %rev3A_2771 = arith.constant 15 : i32
        %rev3A_2772 = vector.broadcast %rev3A_2771 : i32 to vector<16xi32>
        %rev3A_2773 = tpu.iota {dimensions = array<i32: 0>} : vector<16xi32>
        %rev3A_2774 = arith.subi %rev3A_2772, %rev3A_2773 : vector<16xi32>
        %rev3A_2775 = tpu.dynamic_gather %masked_sort3A_2055[%rev3A_2774] in [0] : vector<16xi32>, vector<16xi32> -> vector<16xi32>
        %lt3A_2776 = arith.cmpf olt, %rev3A_2770, %masked_sort3A_2028 : vector<16xf32>
        %select_n3A_2777 = arith.select %lt3A_2776, %rev3A_2770, %masked_sort3A_2028 : vector<16xi1>, vector<16xf32>
        %select_n3A_2778 = arith.select %lt3A_2776, %rev3A_2775, %masked_sort3A_2029 : vector<16xi1>, vector<16xi32>
        %masked_sort3A_2779 = arith.constant dense<true> : vector<16xi1>
        %masked_sort3A_2780, %masked_sort3A_2781, %masked_sort3A_2782 = tpu.sort %select_n3A_2777, %select_n3A_2778 masked %masked_sort3A_2779 : (vector<16xf32>, vector<16xi32>, vector<16xi1>) -> (vector<16xi1>, vector<16xf32>, vector<16xi32>)
        %rev3A_2783 = arith.constant 15 : i32
        %rev3A_2784 = vector.broadcast %rev3A_2783 : i32 to vector<16xi32>
        %rev3A_2785 = tpu.iota {dimensions = array<i32: 0>} : vector<16xi32>
        %rev3A_2786 = arith.subi %rev3A_2784, %rev3A_2785 : vector<16xi32>
        %rev3A_2787 = tpu.dynamic_gather %masked_sort3A_2106[%rev3A_2786] in [0] : vector<16xf32>, vector<16xi32> -> vector<16xf32>
        %rev3A_2788 = arith.constant 15 : i32
        %rev3A_2789 = vector.broadcast %rev3A_2788 : i32 to vector<16xi32>
        %rev3A_2790 = tpu.iota {dimensions = array<i32: 0>} : vector<16xi32>
        %rev3A_2791 = arith.subi %rev3A_2789, %rev3A_2790 : vector<16xi32>
        %rev3A_2792 = tpu.dynamic_gather %masked_sort3A_2107[%rev3A_2791] in [0] : vector<16xi32>, vector<16xi32> -> vector<16xi32>
        %lt3A_2793 = arith.cmpf olt, %rev3A_2787, %masked_sort3A_2080 : vector<16xf32>
        %select_n3A_2794 = arith.select %lt3A_2793, %rev3A_2787, %masked_sort3A_2080 : vector<16xi1>, vector<16xf32>
        %select_n3A_2795 = arith.select %lt3A_2793, %rev3A_2792, %masked_sort3A_2081 : vector<16xi1>, vector<16xi32>
        %masked_sort3A_2796 = arith.constant dense<true> : vector<16xi1>
        %masked_sort3A_2797, %masked_sort3A_2798, %masked_sort3A_2799 = tpu.sort %select_n3A_2794, %select_n3A_2795 masked %masked_sort3A_2796 : (vector<16xf32>, vector<16xi32>, vector<16xi1>) -> (vector<16xi1>, vector<16xf32>, vector<16xi32>)
        %rev3A_2800 = arith.constant 15 : i32
        %rev3A_2801 = vector.broadcast %rev3A_2800 : i32 to vector<16xi32>
        %rev3A_2802 = tpu.iota {dimensions = array<i32: 0>} : vector<16xi32>
        %rev3A_2803 = arith.subi %rev3A_2801, %rev3A_2802 : vector<16xi32>
        %rev3A_2804 = tpu.dynamic_gather %masked_sort3A_2158[%rev3A_2803] in [0] : vector<16xf32>, vector<16xi32> -> vector<16xf32>
        %rev3A_2805 = arith.constant 15 : i32
        %rev3A_2806 = vector.broadcast %rev3A_2805 : i32 to vector<16xi32>
        %rev3A_2807 = tpu.iota {dimensions = array<i32: 0>} : vector<16xi32>
        %rev3A_2808 = arith.subi %rev3A_2806, %rev3A_2807 : vector<16xi32>
        %rev3A_2809 = tpu.dynamic_gather %masked_sort3A_2159[%rev3A_2808] in [0] : vector<16xi32>, vector<16xi32> -> vector<16xi32>
        %lt3A_2810 = arith.cmpf olt, %rev3A_2804, %masked_sort3A_2132 : vector<16xf32>
        %select_n3A_2811 = arith.select %lt3A_2810, %rev3A_2804, %masked_sort3A_2132 : vector<16xi1>, vector<16xf32>
        %select_n3A_2812 = arith.select %lt3A_2810, %rev3A_2809, %masked_sort3A_2133 : vector<16xi1>, vector<16xi32>
        %masked_sort3A_2813 = arith.constant dense<true> : vector<16xi1>
        %masked_sort3A_2814, %masked_sort3A_2815, %masked_sort3A_2816 = tpu.sort %select_n3A_2811, %select_n3A_2812 masked %masked_sort3A_2813 : (vector<16xf32>, vector<16xi32>, vector<16xi1>) -> (vector<16xi1>, vector<16xf32>, vector<16xi32>)
        %rev3A_2817 = arith.constant 15 : i32
        %rev3A_2818 = vector.broadcast %rev3A_2817 : i32 to vector<16xi32>
        %rev3A_2819 = tpu.iota {dimensions = array<i32: 0>} : vector<16xi32>
        %rev3A_2820 = arith.subi %rev3A_2818, %rev3A_2819 : vector<16xi32>
        %rev3A_2821 = tpu.dynamic_gather %masked_sort3A_2210[%rev3A_2820] in [0] : vector<16xf32>, vector<16xi32> -> vector<16xf32>
        %rev3A_2822 = arith.constant 15 : i32
        %rev3A_2823 = vector.broadcast %rev3A_2822 : i32 to vector<16xi32>
        %rev3A_2824 = tpu.iota {dimensions = array<i32: 0>} : vector<16xi32>
        %rev3A_2825 = arith.subi %rev3A_2823, %rev3A_2824 : vector<16xi32>
        %rev3A_2826 = tpu.dynamic_gather %masked_sort3A_2211[%rev3A_2825] in [0] : vector<16xi32>, vector<16xi32> -> vector<16xi32>
        %lt3A_2827 = arith.cmpf olt, %rev3A_2821, %masked_sort3A_2184 : vector<16xf32>
        %select_n3A_2828 = arith.select %lt3A_2827, %rev3A_2821, %masked_sort3A_2184 : vector<16xi1>, vector<16xf32>
        %select_n3A_2829 = arith.select %lt3A_2827, %rev3A_2826, %masked_sort3A_2185 : vector<16xi1>, vector<16xi32>
        %masked_sort3A_2830 = arith.constant dense<true> : vector<16xi1>
        %masked_sort3A_2831, %masked_sort3A_2832, %masked_sort3A_2833 = tpu.sort %select_n3A_2828, %select_n3A_2829 masked %masked_sort3A_2830 : (vector<16xf32>, vector<16xi32>, vector<16xi1>) -> (vector<16xi1>, vector<16xf32>, vector<16xi32>)
        %rev3A_2834 = arith.constant 15 : i32
        %rev3A_2835 = vector.broadcast %rev3A_2834 : i32 to vector<16xi32>
        %rev3A_2836 = tpu.iota {dimensions = array<i32: 0>} : vector<16xi32>
        %rev3A_2837 = arith.subi %rev3A_2835, %rev3A_2836 : vector<16xi32>
        %rev3A_2838 = tpu.dynamic_gather %masked_sort3A_2262[%rev3A_2837] in [0] : vector<16xf32>, vector<16xi32> -> vector<16xf32>
        %rev3A_2839 = arith.constant 15 : i32
        %rev3A_2840 = vector.broadcast %rev3A_2839 : i32 to vector<16xi32>
        %rev3A_2841 = tpu.iota {dimensions = array<i32: 0>} : vector<16xi32>
        %rev3A_2842 = arith.subi %rev3A_2840, %rev3A_2841 : vector<16xi32>
        %rev3A_2843 = tpu.dynamic_gather %masked_sort3A_2263[%rev3A_2842] in [0] : vector<16xi32>, vector<16xi32> -> vector<16xi32>
        %lt3A_2844 = arith.cmpf olt, %rev3A_2838, %masked_sort3A_2236 : vector<16xf32>
        %select_n3A_2845 = arith.select %lt3A_2844, %rev3A_2838, %masked_sort3A_2236 : vector<16xi1>, vector<16xf32>
        %select_n3A_2846 = arith.select %lt3A_2844, %rev3A_2843, %masked_sort3A_2237 : vector<16xi1>, vector<16xi32>
        %masked_sort3A_2847 = arith.constant dense<true> : vector<16xi1>
        %masked_sort3A_2848, %masked_sort3A_2849, %masked_sort3A_2850 = tpu.sort %select_n3A_2845, %select_n3A_2846 masked %masked_sort3A_2847 : (vector<16xf32>, vector<16xi32>, vector<16xi1>) -> (vector<16xi1>, vector<16xf32>, vector<16xi32>)
        %rev3A_2851 = arith.constant 15 : i32
        %rev3A_2852 = vector.broadcast %rev3A_2851 : i32 to vector<16xi32>
        %rev3A_2853 = tpu.iota {dimensions = array<i32: 0>} : vector<16xi32>
        %rev3A_2854 = arith.subi %rev3A_2852, %rev3A_2853 : vector<16xi32>
        %rev3A_2855 = tpu.dynamic_gather %masked_sort3A_2314[%rev3A_2854] in [0] : vector<16xf32>, vector<16xi32> -> vector<16xf32>
        %rev3A_2856 = arith.constant 15 : i32
        %rev3A_2857 = vector.broadcast %rev3A_2856 : i32 to vector<16xi32>
        %rev3A_2858 = tpu.iota {dimensions = array<i32: 0>} : vector<16xi32>
        %rev3A_2859 = arith.subi %rev3A_2857, %rev3A_2858 : vector<16xi32>
        %rev3A_2860 = tpu.dynamic_gather %masked_sort3A_2315[%rev3A_2859] in [0] : vector<16xi32>, vector<16xi32> -> vector<16xi32>
        %lt3A_2861 = arith.cmpf olt, %rev3A_2855, %masked_sort3A_2288 : vector<16xf32>
        %select_n3A_2862 = arith.select %lt3A_2861, %rev3A_2855, %masked_sort3A_2288 : vector<16xi1>, vector<16xf32>
        %select_n3A_2863 = arith.select %lt3A_2861, %rev3A_2860, %masked_sort3A_2289 : vector<16xi1>, vector<16xi32>
        %masked_sort3A_2864 = arith.constant dense<true> : vector<16xi1>
        %masked_sort3A_2865, %masked_sort3A_2866, %masked_sort3A_2867 = tpu.sort %select_n3A_2862, %select_n3A_2863 masked %masked_sort3A_2864 : (vector<16xf32>, vector<16xi32>, vector<16xi1>) -> (vector<16xi1>, vector<16xf32>, vector<16xi32>)
        %rev3A_2868 = arith.constant 15 : i32
        %rev3A_2869 = vector.broadcast %rev3A_2868 : i32 to vector<16xi32>
        %rev3A_2870 = tpu.iota {dimensions = array<i32: 0>} : vector<16xi32>
        %rev3A_2871 = arith.subi %rev3A_2869, %rev3A_2870 : vector<16xi32>
        %rev3A_2872 = tpu.dynamic_gather %masked_sort3A_2366[%rev3A_2871] in [0] : vector<16xf32>, vector<16xi32> -> vector<16xf32>
        %rev3A_2873 = arith.constant 15 : i32
        %rev3A_2874 = vector.broadcast %rev3A_2873 : i32 to vector<16xi32>
        %rev3A_2875 = tpu.iota {dimensions = array<i32: 0>} : vector<16xi32>
        %rev3A_2876 = arith.subi %rev3A_2874, %rev3A_2875 : vector<16xi32>
        %rev3A_2877 = tpu.dynamic_gather %masked_sort3A_2367[%rev3A_2876] in [0] : vector<16xi32>, vector<16xi32> -> vector<16xi32>
        %lt3A_2878 = arith.cmpf olt, %rev3A_2872, %masked_sort3A_2340 : vector<16xf32>
        %select_n3A_2879 = arith.select %lt3A_2878, %rev3A_2872, %masked_sort3A_2340 : vector<16xi1>, vector<16xf32>
        %select_n3A_2880 = arith.select %lt3A_2878, %rev3A_2877, %masked_sort3A_2341 : vector<16xi1>, vector<16xi32>
        %masked_sort3A_2881 = arith.constant dense<true> : vector<16xi1>
        %masked_sort3A_2882, %masked_sort3A_2883, %masked_sort3A_2884 = tpu.sort %select_n3A_2879, %select_n3A_2880 masked %masked_sort3A_2881 : (vector<16xf32>, vector<16xi32>, vector<16xi1>) -> (vector<16xi1>, vector<16xf32>, vector<16xi32>)
        %rev3A_2885 = arith.constant 15 : i32
        %rev3A_2886 = vector.broadcast %rev3A_2885 : i32 to vector<16xi32>
        %rev3A_2887 = tpu.iota {dimensions = array<i32: 0>} : vector<16xi32>
        %rev3A_2888 = arith.subi %rev3A_2886, %rev3A_2887 : vector<16xi32>
        %rev3A_2889 = tpu.dynamic_gather %masked_sort3A_2418[%rev3A_2888] in [0] : vector<16xf32>, vector<16xi32> -> vector<16xf32>
        %rev3A_2890 = arith.constant 15 : i32
        %rev3A_2891 = vector.broadcast %rev3A_2890 : i32 to vector<16xi32>
        %rev3A_2892 = tpu.iota {dimensions = array<i32: 0>} : vector<16xi32>
        %rev3A_2893 = arith.subi %rev3A_2891, %rev3A_2892 : vector<16xi32>
        %rev3A_2894 = tpu.dynamic_gather %masked_sort3A_2419[%rev3A_2893] in [0] : vector<16xi32>, vector<16xi32> -> vector<16xi32>
        %lt3A_2895 = arith.cmpf olt, %rev3A_2889, %masked_sort3A_2392 : vector<16xf32>
        %select_n3A_2896 = arith.select %lt3A_2895, %rev3A_2889, %masked_sort3A_2392 : vector<16xi1>, vector<16xf32>
        %select_n3A_2897 = arith.select %lt3A_2895, %rev3A_2894, %masked_sort3A_2393 : vector<16xi1>, vector<16xi32>
        %masked_sort3A_2898 = arith.constant dense<true> : vector<16xi1>
        %masked_sort3A_2899, %masked_sort3A_2900, %masked_sort3A_2901 = tpu.sort %select_n3A_2896, %select_n3A_2897 masked %masked_sort3A_2898 : (vector<16xf32>, vector<16xi32>, vector<16xi1>) -> (vector<16xi1>, vector<16xf32>, vector<16xi32>)
        %rev3A_2902 = arith.constant 15 : i32
        %rev3A_2903 = vector.broadcast %rev3A_2902 : i32 to vector<16xi32>
        %rev3A_2904 = tpu.iota {dimensions = array<i32: 0>} : vector<16xi32>
        %rev3A_2905 = arith.subi %rev3A_2903, %rev3A_2904 : vector<16xi32>
        %rev3A_2906 = tpu.dynamic_gather %masked_sort3A_2470[%rev3A_2905] in [0] : vector<16xf32>, vector<16xi32> -> vector<16xf32>
        %rev3A_2907 = arith.constant 15 : i32
        %rev3A_2908 = vector.broadcast %rev3A_2907 : i32 to vector<16xi32>
        %rev3A_2909 = tpu.iota {dimensions = array<i32: 0>} : vector<16xi32>
        %rev3A_2910 = arith.subi %rev3A_2908, %rev3A_2909 : vector<16xi32>
        %rev3A_2911 = tpu.dynamic_gather %masked_sort3A_2471[%rev3A_2910] in [0] : vector<16xi32>, vector<16xi32> -> vector<16xi32>
        %lt3A_2912 = arith.cmpf olt, %rev3A_2906, %masked_sort3A_2444 : vector<16xf32>
        %select_n3A_2913 = arith.select %lt3A_2912, %rev3A_2906, %masked_sort3A_2444 : vector<16xi1>, vector<16xf32>
        %select_n3A_2914 = arith.select %lt3A_2912, %rev3A_2911, %masked_sort3A_2445 : vector<16xi1>, vector<16xi32>
        %masked_sort3A_2915 = arith.constant dense<true> : vector<16xi1>
        %masked_sort3A_2916, %masked_sort3A_2917, %masked_sort3A_2918 = tpu.sort %select_n3A_2913, %select_n3A_2914 masked %masked_sort3A_2915 : (vector<16xf32>, vector<16xi32>, vector<16xi1>) -> (vector<16xi1>, vector<16xf32>, vector<16xi32>)
        %rev3A_2919 = arith.constant 15 : i32
        %rev3A_2920 = vector.broadcast %rev3A_2919 : i32 to vector<16xi32>
        %rev3A_2921 = tpu.iota {dimensions = array<i32: 0>} : vector<16xi32>
        %rev3A_2922 = arith.subi %rev3A_2920, %rev3A_2921 : vector<16xi32>
        %rev3A_2923 = tpu.dynamic_gather %masked_sort3A_2522[%rev3A_2922] in [0] : vector<16xf32>, vector<16xi32> -> vector<16xf32>
        %rev3A_2924 = arith.constant 15 : i32
        %rev3A_2925 = vector.broadcast %rev3A_2924 : i32 to vector<16xi32>
        %rev3A_2926 = tpu.iota {dimensions = array<i32: 0>} : vector<16xi32>
        %rev3A_2927 = arith.subi %rev3A_2925, %rev3A_2926 : vector<16xi32>
        %rev3A_2928 = tpu.dynamic_gather %masked_sort3A_2523[%rev3A_2927] in [0] : vector<16xi32>, vector<16xi32> -> vector<16xi32>
        %lt3A_2929 = arith.cmpf olt, %rev3A_2923, %masked_sort3A_2496 : vector<16xf32>
        %select_n3A_2930 = arith.select %lt3A_2929, %rev3A_2923, %masked_sort3A_2496 : vector<16xi1>, vector<16xf32>
        %select_n3A_2931 = arith.select %lt3A_2929, %rev3A_2928, %masked_sort3A_2497 : vector<16xi1>, vector<16xi32>
        %masked_sort3A_2932 = arith.constant dense<true> : vector<16xi1>
        %masked_sort3A_2933, %masked_sort3A_2934, %masked_sort3A_2935 = tpu.sort %select_n3A_2930, %select_n3A_2931 masked %masked_sort3A_2932 : (vector<16xf32>, vector<16xi32>, vector<16xi1>) -> (vector<16xi1>, vector<16xf32>, vector<16xi32>)
        %rev3A_2936 = arith.constant 15 : i32
        %rev3A_2937 = vector.broadcast %rev3A_2936 : i32 to vector<16xi32>
        %rev3A_2938 = tpu.iota {dimensions = array<i32: 0>} : vector<16xi32>
        %rev3A_2939 = arith.subi %rev3A_2937, %rev3A_2938 : vector<16xi32>
        %rev3A_2940 = tpu.dynamic_gather %masked_sort3A_2574[%rev3A_2939] in [0] : vector<16xf32>, vector<16xi32> -> vector<16xf32>
        %rev3A_2941 = arith.constant 15 : i32
        %rev3A_2942 = vector.broadcast %rev3A_2941 : i32 to vector<16xi32>
        %rev3A_2943 = tpu.iota {dimensions = array<i32: 0>} : vector<16xi32>
        %rev3A_2944 = arith.subi %rev3A_2942, %rev3A_2943 : vector<16xi32>
        %rev3A_2945 = tpu.dynamic_gather %masked_sort3A_2575[%rev3A_2944] in [0] : vector<16xi32>, vector<16xi32> -> vector<16xi32>
        %lt3A_2946 = arith.cmpf olt, %rev3A_2940, %masked_sort3A_2548 : vector<16xf32>
        %select_n3A_2947 = arith.select %lt3A_2946, %rev3A_2940, %masked_sort3A_2548 : vector<16xi1>, vector<16xf32>
        %select_n3A_2948 = arith.select %lt3A_2946, %rev3A_2945, %masked_sort3A_2549 : vector<16xi1>, vector<16xi32>
        %masked_sort3A_2949 = arith.constant dense<true> : vector<16xi1>
        %masked_sort3A_2950, %masked_sort3A_2951, %masked_sort3A_2952 = tpu.sort %select_n3A_2947, %select_n3A_2948 masked %masked_sort3A_2949 : (vector<16xf32>, vector<16xi32>, vector<16xi1>) -> (vector<16xi1>, vector<16xf32>, vector<16xi32>)
        %rev3A_2953 = arith.constant 15 : i32
        %rev3A_2954 = vector.broadcast %rev3A_2953 : i32 to vector<16xi32>
        %rev3A_2955 = tpu.iota {dimensions = array<i32: 0>} : vector<16xi32>
        %rev3A_2956 = arith.subi %rev3A_2954, %rev3A_2955 : vector<16xi32>
        %rev3A_2957 = tpu.dynamic_gather %masked_sort3A_2626[%rev3A_2956] in [0] : vector<16xf32>, vector<16xi32> -> vector<16xf32>
        %rev3A_2958 = arith.constant 15 : i32
        %rev3A_2959 = vector.broadcast %rev3A_2958 : i32 to vector<16xi32>
        %rev3A_2960 = tpu.iota {dimensions = array<i32: 0>} : vector<16xi32>
        %rev3A_2961 = arith.subi %rev3A_2959, %rev3A_2960 : vector<16xi32>
        %rev3A_2962 = tpu.dynamic_gather %masked_sort3A_2627[%rev3A_2961] in [0] : vector<16xi32>, vector<16xi32> -> vector<16xi32>
        %lt3A_2963 = arith.cmpf olt, %rev3A_2957, %masked_sort3A_2600 : vector<16xf32>
        %select_n3A_2964 = arith.select %lt3A_2963, %rev3A_2957, %masked_sort3A_2600 : vector<16xi1>, vector<16xf32>
        %select_n3A_2965 = arith.select %lt3A_2963, %rev3A_2962, %masked_sort3A_2601 : vector<16xi1>, vector<16xi32>
        %masked_sort3A_2966 = arith.constant dense<true> : vector<16xi1>
        %masked_sort3A_2967, %masked_sort3A_2968, %masked_sort3A_2969 = tpu.sort %select_n3A_2964, %select_n3A_2965 masked %masked_sort3A_2966 : (vector<16xf32>, vector<16xi32>, vector<16xi1>) -> (vector<16xi1>, vector<16xf32>, vector<16xi32>)
        %rev3A_2970 = arith.constant 15 : i32
        %rev3A_2971 = vector.broadcast %rev3A_2970 : i32 to vector<16xi32>
        %rev3A_2972 = tpu.iota {dimensions = array<i32: 0>} : vector<16xi32>
        %rev3A_2973 = arith.subi %rev3A_2971, %rev3A_2972 : vector<16xi32>
        %rev3A_2974 = tpu.dynamic_gather %masked_sort3A_2678[%rev3A_2973] in [0] : vector<16xf32>, vector<16xi32> -> vector<16xf32>
        %rev3A_2975 = arith.constant 15 : i32
        %rev3A_2976 = vector.broadcast %rev3A_2975 : i32 to vector<16xi32>
        %rev3A_2977 = tpu.iota {dimensions = array<i32: 0>} : vector<16xi32>
        %rev3A_2978 = arith.subi %rev3A_2976, %rev3A_2977 : vector<16xi32>
        %rev3A_2979 = tpu.dynamic_gather %masked_sort3A_2679[%rev3A_2978] in [0] : vector<16xi32>, vector<16xi32> -> vector<16xi32>
        %lt3A_2980 = arith.cmpf olt, %rev3A_2974, %masked_sort3A_2652 : vector<16xf32>
        %select_n3A_2981 = arith.select %lt3A_2980, %rev3A_2974, %masked_sort3A_2652 : vector<16xi1>, vector<16xf32>
        %select_n3A_2982 = arith.select %lt3A_2980, %rev3A_2979, %masked_sort3A_2653 : vector<16xi1>, vector<16xi32>
        %masked_sort3A_2983 = arith.constant dense<true> : vector<16xi1>
        %masked_sort3A_2984, %masked_sort3A_2985, %masked_sort3A_2986 = tpu.sort %select_n3A_2981, %select_n3A_2982 masked %masked_sort3A_2983 : (vector<16xf32>, vector<16xi32>, vector<16xi1>) -> (vector<16xi1>, vector<16xf32>, vector<16xi32>)
        %rev3A_2987 = arith.constant 15 : i32
        %rev3A_2988 = vector.broadcast %rev3A_2987 : i32 to vector<16xi32>
        %rev3A_2989 = tpu.iota {dimensions = array<i32: 0>} : vector<16xi32>
        %rev3A_2990 = arith.subi %rev3A_2988, %rev3A_2989 : vector<16xi32>
        %rev3A_2991 = tpu.dynamic_gather %masked_sort3A_2730[%rev3A_2990] in [0] : vector<16xf32>, vector<16xi32> -> vector<16xf32>
        %rev3A_2992 = arith.constant 15 : i32
        %rev3A_2993 = vector.broadcast %rev3A_2992 : i32 to vector<16xi32>
        %rev3A_2994 = tpu.iota {dimensions = array<i32: 0>} : vector<16xi32>
        %rev3A_2995 = arith.subi %rev3A_2993, %rev3A_2994 : vector<16xi32>
        %rev3A_2996 = tpu.dynamic_gather %masked_sort3A_2731[%rev3A_2995] in [0] : vector<16xi32>, vector<16xi32> -> vector<16xi32>
        %lt3A_2997 = arith.cmpf olt, %rev3A_2991, %masked_sort3A_2704 : vector<16xf32>
        %select_n3A_2998 = arith.select %lt3A_2997, %rev3A_2991, %masked_sort3A_2704 : vector<16xi1>, vector<16xf32>
        %select_n3A_2999 = arith.select %lt3A_2997, %rev3A_2996, %masked_sort3A_2705 : vector<16xi1>, vector<16xi32>
        %masked_sort3A_3000 = arith.constant dense<true> : vector<16xi1>
        %masked_sort3A_3001, %masked_sort3A_3002, %masked_sort3A_3003 = tpu.sort %select_n3A_2998, %select_n3A_2999 masked %masked_sort3A_3000 : (vector<16xf32>, vector<16xi32>, vector<16xi1>) -> (vector<16xi1>, vector<16xf32>, vector<16xi32>)
        %rev3A_3004 = arith.constant 15 : i32
        %rev3A_3005 = vector.broadcast %rev3A_3004 : i32 to vector<16xi32>
        %rev3A_3006 = tpu.iota {dimensions = array<i32: 0>} : vector<16xi32>
        %rev3A_3007 = arith.subi %rev3A_3005, %rev3A_3006 : vector<16xi32>
        %rev3A_3008 = tpu.dynamic_gather %masked_sort3A_2764[%rev3A_3007] in [0] : vector<16xf32>, vector<16xi32> -> vector<16xf32>
        %rev3A_3009 = arith.constant 15 : i32
        %rev3A_3010 = vector.broadcast %rev3A_3009 : i32 to vector<16xi32>
        %rev3A_3011 = tpu.iota {dimensions = array<i32: 0>} : vector<16xi32>
        %rev3A_3012 = arith.subi %rev3A_3010, %rev3A_3011 : vector<16xi32>
        %rev3A_3013 = tpu.dynamic_gather %masked_sort3A_2765[%rev3A_3012] in [0] : vector<16xi32>, vector<16xi32> -> vector<16xi32>
        %lt3A_3014 = arith.cmpf olt, %rev3A_3008, %masked_sort3A_2747 : vector<16xf32>
        %select_n3A_3015 = arith.select %lt3A_3014, %rev3A_3008, %masked_sort3A_2747 : vector<16xi1>, vector<16xf32>
        %select_n3A_3016 = arith.select %lt3A_3014, %rev3A_3013, %masked_sort3A_2748 : vector<16xi1>, vector<16xi32>
        %masked_sort3A_3017 = arith.constant dense<true> : vector<16xi1>
        %masked_sort3A_3018, %masked_sort3A_3019, %masked_sort3A_3020 = tpu.sort %select_n3A_3015, %select_n3A_3016 masked %masked_sort3A_3017 : (vector<16xf32>, vector<16xi32>, vector<16xi1>) -> (vector<16xi1>, vector<16xf32>, vector<16xi32>)
        %rev3A_3021 = arith.constant 15 : i32
        %rev3A_3022 = vector.broadcast %rev3A_3021 : i32 to vector<16xi32>
        %rev3A_3023 = tpu.iota {dimensions = array<i32: 0>} : vector<16xi32>
        %rev3A_3024 = arith.subi %rev3A_3022, %rev3A_3023 : vector<16xi32>
        %rev3A_3025 = tpu.dynamic_gather %masked_sort3A_2798[%rev3A_3024] in [0] : vector<16xf32>, vector<16xi32> -> vector<16xf32>
        %rev3A_3026 = arith.constant 15 : i32
        %rev3A_3027 = vector.broadcast %rev3A_3026 : i32 to vector<16xi32>
        %rev3A_3028 = tpu.iota {dimensions = array<i32: 0>} : vector<16xi32>
        %rev3A_3029 = arith.subi %rev3A_3027, %rev3A_3028 : vector<16xi32>
        %rev3A_3030 = tpu.dynamic_gather %masked_sort3A_2799[%rev3A_3029] in [0] : vector<16xi32>, vector<16xi32> -> vector<16xi32>
        %lt3A_3031 = arith.cmpf olt, %rev3A_3025, %masked_sort3A_2781 : vector<16xf32>
        %select_n3A_3032 = arith.select %lt3A_3031, %rev3A_3025, %masked_sort3A_2781 : vector<16xi1>, vector<16xf32>
        %select_n3A_3033 = arith.select %lt3A_3031, %rev3A_3030, %masked_sort3A_2782 : vector<16xi1>, vector<16xi32>
        %masked_sort3A_3034 = arith.constant dense<true> : vector<16xi1>
        %masked_sort3A_3035, %masked_sort3A_3036, %masked_sort3A_3037 = tpu.sort %select_n3A_3032, %select_n3A_3033 masked %masked_sort3A_3034 : (vector<16xf32>, vector<16xi32>, vector<16xi1>) -> (vector<16xi1>, vector<16xf32>, vector<16xi32>)
        %rev3A_3038 = arith.constant 15 : i32
        %rev3A_3039 = vector.broadcast %rev3A_3038 : i32 to vector<16xi32>
        %rev3A_3040 = tpu.iota {dimensions = array<i32: 0>} : vector<16xi32>
        %rev3A_3041 = arith.subi %rev3A_3039, %rev3A_3040 : vector<16xi32>
        %rev3A_3042 = tpu.dynamic_gather %masked_sort3A_2832[%rev3A_3041] in [0] : vector<16xf32>, vector<16xi32> -> vector<16xf32>
        %rev3A_3043 = arith.constant 15 : i32
        %rev3A_3044 = vector.broadcast %rev3A_3043 : i32 to vector<16xi32>
        %rev3A_3045 = tpu.iota {dimensions = array<i32: 0>} : vector<16xi32>
        %rev3A_3046 = arith.subi %rev3A_3044, %rev3A_3045 : vector<16xi32>
        %rev3A_3047 = tpu.dynamic_gather %masked_sort3A_2833[%rev3A_3046] in [0] : vector<16xi32>, vector<16xi32> -> vector<16xi32>
        %lt3A_3048 = arith.cmpf olt, %rev3A_3042, %masked_sort3A_2815 : vector<16xf32>
        %select_n3A_3049 = arith.select %lt3A_3048, %rev3A_3042, %masked_sort3A_2815 : vector<16xi1>, vector<16xf32>
        %select_n3A_3050 = arith.select %lt3A_3048, %rev3A_3047, %masked_sort3A_2816 : vector<16xi1>, vector<16xi32>
        %masked_sort3A_3051 = arith.constant dense<true> : vector<16xi1>
        %masked_sort3A_3052, %masked_sort3A_3053, %masked_sort3A_3054 = tpu.sort %select_n3A_3049, %select_n3A_3050 masked %masked_sort3A_3051 : (vector<16xf32>, vector<16xi32>, vector<16xi1>) -> (vector<16xi1>, vector<16xf32>, vector<16xi32>)
        %rev3A_3055 = arith.constant 15 : i32
        %rev3A_3056 = vector.broadcast %rev3A_3055 : i32 to vector<16xi32>
        %rev3A_3057 = tpu.iota {dimensions = array<i32: 0>} : vector<16xi32>
        %rev3A_3058 = arith.subi %rev3A_3056, %rev3A_3057 : vector<16xi32>
        %rev3A_3059 = tpu.dynamic_gather %masked_sort3A_2866[%rev3A_3058] in [0] : vector<16xf32>, vector<16xi32> -> vector<16xf32>
        %rev3A_3060 = arith.constant 15 : i32
        %rev3A_3061 = vector.broadcast %rev3A_3060 : i32 to vector<16xi32>
        %rev3A_3062 = tpu.iota {dimensions = array<i32: 0>} : vector<16xi32>
        %rev3A_3063 = arith.subi %rev3A_3061, %rev3A_3062 : vector<16xi32>
        %rev3A_3064 = tpu.dynamic_gather %masked_sort3A_2867[%rev3A_3063] in [0] : vector<16xi32>, vector<16xi32> -> vector<16xi32>
        %lt3A_3065 = arith.cmpf olt, %rev3A_3059, %masked_sort3A_2849 : vector<16xf32>
        %select_n3A_3066 = arith.select %lt3A_3065, %rev3A_3059, %masked_sort3A_2849 : vector<16xi1>, vector<16xf32>
        %select_n3A_3067 = arith.select %lt3A_3065, %rev3A_3064, %masked_sort3A_2850 : vector<16xi1>, vector<16xi32>
        %masked_sort3A_3068 = arith.constant dense<true> : vector<16xi1>
        %masked_sort3A_3069, %masked_sort3A_3070, %masked_sort3A_3071 = tpu.sort %select_n3A_3066, %select_n3A_3067 masked %masked_sort3A_3068 : (vector<16xf32>, vector<16xi32>, vector<16xi1>) -> (vector<16xi1>, vector<16xf32>, vector<16xi32>)
        %rev3A_3072 = arith.constant 15 : i32
        %rev3A_3073 = vector.broadcast %rev3A_3072 : i32 to vector<16xi32>
        %rev3A_3074 = tpu.iota {dimensions = array<i32: 0>} : vector<16xi32>
        %rev3A_3075 = arith.subi %rev3A_3073, %rev3A_3074 : vector<16xi32>
        %rev3A_3076 = tpu.dynamic_gather %masked_sort3A_2900[%rev3A_3075] in [0] : vector<16xf32>, vector<16xi32> -> vector<16xf32>
        %rev3A_3077 = arith.constant 15 : i32
        %rev3A_3078 = vector.broadcast %rev3A_3077 : i32 to vector<16xi32>
        %rev3A_3079 = tpu.iota {dimensions = array<i32: 0>} : vector<16xi32>
        %rev3A_3080 = arith.subi %rev3A_3078, %rev3A_3079 : vector<16xi32>
        %rev3A_3081 = tpu.dynamic_gather %masked_sort3A_2901[%rev3A_3080] in [0] : vector<16xi32>, vector<16xi32> -> vector<16xi32>
        %lt3A_3082 = arith.cmpf olt, %rev3A_3076, %masked_sort3A_2883 : vector<16xf32>
        %select_n3A_3083 = arith.select %lt3A_3082, %rev3A_3076, %masked_sort3A_2883 : vector<16xi1>, vector<16xf32>
        %select_n3A_3084 = arith.select %lt3A_3082, %rev3A_3081, %masked_sort3A_2884 : vector<16xi1>, vector<16xi32>
        %masked_sort3A_3085 = arith.constant dense<true> : vector<16xi1>
        %masked_sort3A_3086, %masked_sort3A_3087, %masked_sort3A_3088 = tpu.sort %select_n3A_3083, %select_n3A_3084 masked %masked_sort3A_3085 : (vector<16xf32>, vector<16xi32>, vector<16xi1>) -> (vector<16xi1>, vector<16xf32>, vector<16xi32>)
        %rev3A_3089 = arith.constant 15 : i32
        %rev3A_3090 = vector.broadcast %rev3A_3089 : i32 to vector<16xi32>
        %rev3A_3091 = tpu.iota {dimensions = array<i32: 0>} : vector<16xi32>
        %rev3A_3092 = arith.subi %rev3A_3090, %rev3A_3091 : vector<16xi32>
        %rev3A_3093 = tpu.dynamic_gather %masked_sort3A_2934[%rev3A_3092] in [0] : vector<16xf32>, vector<16xi32> -> vector<16xf32>
        %rev3A_3094 = arith.constant 15 : i32
        %rev3A_3095 = vector.broadcast %rev3A_3094 : i32 to vector<16xi32>
        %rev3A_3096 = tpu.iota {dimensions = array<i32: 0>} : vector<16xi32>
        %rev3A_3097 = arith.subi %rev3A_3095, %rev3A_3096 : vector<16xi32>
        %rev3A_3098 = tpu.dynamic_gather %masked_sort3A_2935[%rev3A_3097] in [0] : vector<16xi32>, vector<16xi32> -> vector<16xi32>
        %lt3A_3099 = arith.cmpf olt, %rev3A_3093, %masked_sort3A_2917 : vector<16xf32>
        %select_n3A_3100 = arith.select %lt3A_3099, %rev3A_3093, %masked_sort3A_2917 : vector<16xi1>, vector<16xf32>
        %select_n3A_3101 = arith.select %lt3A_3099, %rev3A_3098, %masked_sort3A_2918 : vector<16xi1>, vector<16xi32>
        %masked_sort3A_3102 = arith.constant dense<true> : vector<16xi1>
        %masked_sort3A_3103, %masked_sort3A_3104, %masked_sort3A_3105 = tpu.sort %select_n3A_3100, %select_n3A_3101 masked %masked_sort3A_3102 : (vector<16xf32>, vector<16xi32>, vector<16xi1>) -> (vector<16xi1>, vector<16xf32>, vector<16xi32>)
        %rev3A_3106 = arith.constant 15 : i32
        %rev3A_3107 = vector.broadcast %rev3A_3106 : i32 to vector<16xi32>
        %rev3A_3108 = tpu.iota {dimensions = array<i32: 0>} : vector<16xi32>
        %rev3A_3109 = arith.subi %rev3A_3107, %rev3A_3108 : vector<16xi32>
        %rev3A_3110 = tpu.dynamic_gather %masked_sort3A_2968[%rev3A_3109] in [0] : vector<16xf32>, vector<16xi32> -> vector<16xf32>
        %rev3A_3111 = arith.constant 15 : i32
        %rev3A_3112 = vector.broadcast %rev3A_3111 : i32 to vector<16xi32>
        %rev3A_3113 = tpu.iota {dimensions = array<i32: 0>} : vector<16xi32>
        %rev3A_3114 = arith.subi %rev3A_3112, %rev3A_3113 : vector<16xi32>
        %rev3A_3115 = tpu.dynamic_gather %masked_sort3A_2969[%rev3A_3114] in [0] : vector<16xi32>, vector<16xi32> -> vector<16xi32>
        %lt3A_3116 = arith.cmpf olt, %rev3A_3110, %masked_sort3A_2951 : vector<16xf32>
        %select_n3A_3117 = arith.select %lt3A_3116, %rev3A_3110, %masked_sort3A_2951 : vector<16xi1>, vector<16xf32>
        %select_n3A_3118 = arith.select %lt3A_3116, %rev3A_3115, %masked_sort3A_2952 : vector<16xi1>, vector<16xi32>
        %masked_sort3A_3119 = arith.constant dense<true> : vector<16xi1>
        %masked_sort3A_3120, %masked_sort3A_3121, %masked_sort3A_3122 = tpu.sort %select_n3A_3117, %select_n3A_3118 masked %masked_sort3A_3119 : (vector<16xf32>, vector<16xi32>, vector<16xi1>) -> (vector<16xi1>, vector<16xf32>, vector<16xi32>)
        %rev3A_3123 = arith.constant 15 : i32
        %rev3A_3124 = vector.broadcast %rev3A_3123 : i32 to vector<16xi32>
        %rev3A_3125 = tpu.iota {dimensions = array<i32: 0>} : vector<16xi32>
        %rev3A_3126 = arith.subi %rev3A_3124, %rev3A_3125 : vector<16xi32>
        %rev3A_3127 = tpu.dynamic_gather %masked_sort3A_3002[%rev3A_3126] in [0] : vector<16xf32>, vector<16xi32> -> vector<16xf32>
        %rev3A_3128 = arith.constant 15 : i32
        %rev3A_3129 = vector.broadcast %rev3A_3128 : i32 to vector<16xi32>
        %rev3A_3130 = tpu.iota {dimensions = array<i32: 0>} : vector<16xi32>
        %rev3A_3131 = arith.subi %rev3A_3129, %rev3A_3130 : vector<16xi32>
        %rev3A_3132 = tpu.dynamic_gather %masked_sort3A_3003[%rev3A_3131] in [0] : vector<16xi32>, vector<16xi32> -> vector<16xi32>
        %lt3A_3133 = arith.cmpf olt, %rev3A_3127, %masked_sort3A_2985 : vector<16xf32>
        %select_n3A_3134 = arith.select %lt3A_3133, %rev3A_3127, %masked_sort3A_2985 : vector<16xi1>, vector<16xf32>
        %select_n3A_3135 = arith.select %lt3A_3133, %rev3A_3132, %masked_sort3A_2986 : vector<16xi1>, vector<16xi32>
        %masked_sort3A_3136 = arith.constant dense<true> : vector<16xi1>
        %masked_sort3A_3137, %masked_sort3A_3138, %masked_sort3A_3139 = tpu.sort %select_n3A_3134, %select_n3A_3135 masked %masked_sort3A_3136 : (vector<16xf32>, vector<16xi32>, vector<16xi1>) -> (vector<16xi1>, vector<16xf32>, vector<16xi32>)
        %rev3A_3140 = arith.constant 15 : i32
        %rev3A_3141 = vector.broadcast %rev3A_3140 : i32 to vector<16xi32>
        %rev3A_3142 = tpu.iota {dimensions = array<i32: 0>} : vector<16xi32>
        %rev3A_3143 = arith.subi %rev3A_3141, %rev3A_3142 : vector<16xi32>
        %rev3A_3144 = tpu.dynamic_gather %masked_sort3A_3036[%rev3A_3143] in [0] : vector<16xf32>, vector<16xi32> -> vector<16xf32>
        %rev3A_3145 = arith.constant 15 : i32
        %rev3A_3146 = vector.broadcast %rev3A_3145 : i32 to vector<16xi32>
        %rev3A_3147 = tpu.iota {dimensions = array<i32: 0>} : vector<16xi32>
        %rev3A_3148 = arith.subi %rev3A_3146, %rev3A_3147 : vector<16xi32>
        %rev3A_3149 = tpu.dynamic_gather %masked_sort3A_3037[%rev3A_3148] in [0] : vector<16xi32>, vector<16xi32> -> vector<16xi32>
        %lt3A_3150 = arith.cmpf olt, %rev3A_3144, %masked_sort3A_3019 : vector<16xf32>
        %select_n3A_3151 = arith.select %lt3A_3150, %rev3A_3144, %masked_sort3A_3019 : vector<16xi1>, vector<16xf32>
        %select_n3A_3152 = arith.select %lt3A_3150, %rev3A_3149, %masked_sort3A_3020 : vector<16xi1>, vector<16xi32>
        %masked_sort3A_3153 = arith.constant dense<true> : vector<16xi1>
        %masked_sort3A_3154, %masked_sort3A_3155, %masked_sort3A_3156 = tpu.sort %select_n3A_3151, %select_n3A_3152 masked %masked_sort3A_3153 : (vector<16xf32>, vector<16xi32>, vector<16xi1>) -> (vector<16xi1>, vector<16xf32>, vector<16xi32>)
        %rev3A_3157 = arith.constant 15 : i32
        %rev3A_3158 = vector.broadcast %rev3A_3157 : i32 to vector<16xi32>
        %rev3A_3159 = tpu.iota {dimensions = array<i32: 0>} : vector<16xi32>
        %rev3A_3160 = arith.subi %rev3A_3158, %rev3A_3159 : vector<16xi32>
        %rev3A_3161 = tpu.dynamic_gather %masked_sort3A_3070[%rev3A_3160] in [0] : vector<16xf32>, vector<16xi32> -> vector<16xf32>
        %rev3A_3162 = arith.constant 15 : i32
        %rev3A_3163 = vector.broadcast %rev3A_3162 : i32 to vector<16xi32>
        %rev3A_3164 = tpu.iota {dimensions = array<i32: 0>} : vector<16xi32>
        %rev3A_3165 = arith.subi %rev3A_3163, %rev3A_3164 : vector<16xi32>
        %rev3A_3166 = tpu.dynamic_gather %masked_sort3A_3071[%rev3A_3165] in [0] : vector<16xi32>, vector<16xi32> -> vector<16xi32>
        %lt3A_3167 = arith.cmpf olt, %rev3A_3161, %masked_sort3A_3053 : vector<16xf32>
        %select_n3A_3168 = arith.select %lt3A_3167, %rev3A_3161, %masked_sort3A_3053 : vector<16xi1>, vector<16xf32>
        %select_n3A_3169 = arith.select %lt3A_3167, %rev3A_3166, %masked_sort3A_3054 : vector<16xi1>, vector<16xi32>
        %masked_sort3A_3170 = arith.constant dense<true> : vector<16xi1>
        %masked_sort3A_3171, %masked_sort3A_3172, %masked_sort3A_3173 = tpu.sort %select_n3A_3168, %select_n3A_3169 masked %masked_sort3A_3170 : (vector<16xf32>, vector<16xi32>, vector<16xi1>) -> (vector<16xi1>, vector<16xf32>, vector<16xi32>)
        %rev3A_3174 = arith.constant 15 : i32
        %rev3A_3175 = vector.broadcast %rev3A_3174 : i32 to vector<16xi32>
        %rev3A_3176 = tpu.iota {dimensions = array<i32: 0>} : vector<16xi32>
        %rev3A_3177 = arith.subi %rev3A_3175, %rev3A_3176 : vector<16xi32>
        %rev3A_3178 = tpu.dynamic_gather %masked_sort3A_3104[%rev3A_3177] in [0] : vector<16xf32>, vector<16xi32> -> vector<16xf32>
        %rev3A_3179 = arith.constant 15 : i32
        %rev3A_3180 = vector.broadcast %rev3A_3179 : i32 to vector<16xi32>
        %rev3A_3181 = tpu.iota {dimensions = array<i32: 0>} : vector<16xi32>
        %rev3A_3182 = arith.subi %rev3A_3180, %rev3A_3181 : vector<16xi32>
        %rev3A_3183 = tpu.dynamic_gather %masked_sort3A_3105[%rev3A_3182] in [0] : vector<16xi32>, vector<16xi32> -> vector<16xi32>
        %lt3A_3184 = arith.cmpf olt, %rev3A_3178, %masked_sort3A_3087 : vector<16xf32>
        %select_n3A_3185 = arith.select %lt3A_3184, %rev3A_3178, %masked_sort3A_3087 : vector<16xi1>, vector<16xf32>
        %select_n3A_3186 = arith.select %lt3A_3184, %rev3A_3183, %masked_sort3A_3088 : vector<16xi1>, vector<16xi32>
        %masked_sort3A_3187 = arith.constant dense<true> : vector<16xi1>
        %masked_sort3A_3188, %masked_sort3A_3189, %masked_sort3A_3190 = tpu.sort %select_n3A_3185, %select_n3A_3186 masked %masked_sort3A_3187 : (vector<16xf32>, vector<16xi32>, vector<16xi1>) -> (vector<16xi1>, vector<16xf32>, vector<16xi32>)
        %rev3A_3191 = arith.constant 15 : i32
        %rev3A_3192 = vector.broadcast %rev3A_3191 : i32 to vector<16xi32>
        %rev3A_3193 = tpu.iota {dimensions = array<i32: 0>} : vector<16xi32>
        %rev3A_3194 = arith.subi %rev3A_3192, %rev3A_3193 : vector<16xi32>
        %rev3A_3195 = tpu.dynamic_gather %masked_sort3A_3138[%rev3A_3194] in [0] : vector<16xf32>, vector<16xi32> -> vector<16xf32>
        %rev3A_3196 = arith.constant 15 : i32
        %rev3A_3197 = vector.broadcast %rev3A_3196 : i32 to vector<16xi32>
        %rev3A_3198 = tpu.iota {dimensions = array<i32: 0>} : vector<16xi32>
        %rev3A_3199 = arith.subi %rev3A_3197, %rev3A_3198 : vector<16xi32>
        %rev3A_3200 = tpu.dynamic_gather %masked_sort3A_3139[%rev3A_3199] in [0] : vector<16xi32>, vector<16xi32> -> vector<16xi32>
        %lt3A_3201 = arith.cmpf olt, %rev3A_3195, %masked_sort3A_3121 : vector<16xf32>
        %select_n3A_3202 = arith.select %lt3A_3201, %rev3A_3195, %masked_sort3A_3121 : vector<16xi1>, vector<16xf32>
        %select_n3A_3203 = arith.select %lt3A_3201, %rev3A_3200, %masked_sort3A_3122 : vector<16xi1>, vector<16xi32>
        %masked_sort3A_3204 = arith.constant dense<true> : vector<16xi1>
        %masked_sort3A_3205, %masked_sort3A_3206, %masked_sort3A_3207 = tpu.sort %select_n3A_3202, %select_n3A_3203 masked %masked_sort3A_3204 : (vector<16xf32>, vector<16xi32>, vector<16xi1>) -> (vector<16xi1>, vector<16xf32>, vector<16xi32>)
        %rev3A_3208 = arith.constant 15 : i32
        %rev3A_3209 = vector.broadcast %rev3A_3208 : i32 to vector<16xi32>
        %rev3A_3210 = tpu.iota {dimensions = array<i32: 0>} : vector<16xi32>
        %rev3A_3211 = arith.subi %rev3A_3209, %rev3A_3210 : vector<16xi32>
        %rev3A_3212 = tpu.dynamic_gather %masked_sort3A_3172[%rev3A_3211] in [0] : vector<16xf32>, vector<16xi32> -> vector<16xf32>
        %rev3A_3213 = arith.constant 15 : i32
        %rev3A_3214 = vector.broadcast %rev3A_3213 : i32 to vector<16xi32>
        %rev3A_3215 = tpu.iota {dimensions = array<i32: 0>} : vector<16xi32>
        %rev3A_3216 = arith.subi %rev3A_3214, %rev3A_3215 : vector<16xi32>
        %rev3A_3217 = tpu.dynamic_gather %masked_sort3A_3173[%rev3A_3216] in [0] : vector<16xi32>, vector<16xi32> -> vector<16xi32>
        %lt3A_3218 = arith.cmpf olt, %rev3A_3212, %masked_sort3A_3155 : vector<16xf32>
        %select_n3A_3219 = arith.select %lt3A_3218, %rev3A_3212, %masked_sort3A_3155 : vector<16xi1>, vector<16xf32>
        %select_n3A_3220 = arith.select %lt3A_3218, %rev3A_3217, %masked_sort3A_3156 : vector<16xi1>, vector<16xi32>
        %masked_sort3A_3221 = arith.constant dense<true> : vector<16xi1>
        %masked_sort3A_3222, %masked_sort3A_3223, %masked_sort3A_3224 = tpu.sort %select_n3A_3219, %select_n3A_3220 masked %masked_sort3A_3221 : (vector<16xf32>, vector<16xi32>, vector<16xi1>) -> (vector<16xi1>, vector<16xf32>, vector<16xi32>)
        %rev3A_3225 = arith.constant 15 : i32
        %rev3A_3226 = vector.broadcast %rev3A_3225 : i32 to vector<16xi32>
        %rev3A_3227 = tpu.iota {dimensions = array<i32: 0>} : vector<16xi32>
        %rev3A_3228 = arith.subi %rev3A_3226, %rev3A_3227 : vector<16xi32>
        %rev3A_3229 = tpu.dynamic_gather %masked_sort3A_3206[%rev3A_3228] in [0] : vector<16xf32>, vector<16xi32> -> vector<16xf32>
        %rev3A_3230 = arith.constant 15 : i32
        %rev3A_3231 = vector.broadcast %rev3A_3230 : i32 to vector<16xi32>
        %rev3A_3232 = tpu.iota {dimensions = array<i32: 0>} : vector<16xi32>
        %rev3A_3233 = arith.subi %rev3A_3231, %rev3A_3232 : vector<16xi32>
        %rev3A_3234 = tpu.dynamic_gather %masked_sort3A_3207[%rev3A_3233] in [0] : vector<16xi32>, vector<16xi32> -> vector<16xi32>
        %lt3A_3235 = arith.cmpf olt, %rev3A_3229, %masked_sort3A_3189 : vector<16xf32>
        %select_n3A_3236 = arith.select %lt3A_3235, %rev3A_3229, %masked_sort3A_3189 : vector<16xi1>, vector<16xf32>
        %select_n3A_3237 = arith.select %lt3A_3235, %rev3A_3234, %masked_sort3A_3190 : vector<16xi1>, vector<16xi32>
        %masked_sort3A_3238 = arith.constant dense<true> : vector<16xi1>
        %masked_sort3A_3239, %masked_sort3A_3240, %masked_sort3A_3241 = tpu.sort %select_n3A_3236, %select_n3A_3237 masked %masked_sort3A_3238 : (vector<16xf32>, vector<16xi32>, vector<16xi1>) -> (vector<16xi1>, vector<16xf32>, vector<16xi32>)
        %rev3A_3242 = arith.constant 15 : i32
        %rev3A_3243 = vector.broadcast %rev3A_3242 : i32 to vector<16xi32>
        %rev3A_3244 = tpu.iota {dimensions = array<i32: 0>} : vector<16xi32>
        %rev3A_3245 = arith.subi %rev3A_3243, %rev3A_3244 : vector<16xi32>
        %rev3A_3246 = tpu.dynamic_gather %masked_sort3A_3240[%rev3A_3245] in [0] : vector<16xf32>, vector<16xi32> -> vector<16xf32>
        %rev3A_3247 = arith.constant 15 : i32
        %rev3A_3248 = vector.broadcast %rev3A_3247 : i32 to vector<16xi32>
        %rev3A_3249 = tpu.iota {dimensions = array<i32: 0>} : vector<16xi32>
        %rev3A_3250 = arith.subi %rev3A_3248, %rev3A_3249 : vector<16xi32>
        %rev3A_3251 = tpu.dynamic_gather %masked_sort3A_3241[%rev3A_3250] in [0] : vector<16xi32>, vector<16xi32> -> vector<16xi32>
        %lt3A_3252 = arith.cmpf olt, %rev3A_3246, %masked_sort3A_3223 : vector<16xf32>
        %select_n3A_3253 = arith.select %lt3A_3252, %rev3A_3246, %masked_sort3A_3223 : vector<16xi1>, vector<16xf32>
        %select_n3A_3254 = arith.select %lt3A_3252, %rev3A_3251, %masked_sort3A_3224 : vector<16xi1>, vector<16xi32>
        %masked_sort3A_3255 = arith.constant dense<true> : vector<16xi1>
        %masked_sort3A_3256, %masked_sort3A_3257, %masked_sort3A_3258 = tpu.sort %select_n3A_3253, %select_n3A_3254 masked %masked_sort3A_3255 : (vector<16xf32>, vector<16xi32>, vector<16xi1>) -> (vector<16xi1>, vector<16xf32>, vector<16xi32>)
        %broadcast_in_dim3A_3259 = arith.constant 0 : i32
        %broadcast_in_dim3A_3260 = vector.broadcast %broadcast_in_dim3A_3259 : i32 to vector<16x1xi32>
        %gather3A_3261 = vector.shape_cast %broadcast_in_dim3A_3260 : vector<16x1xi32> to vector<16xi32>
        %gather3A_3262 = tpu.dynamic_gather %masked_sort3A_3258[%gather3A_3261] in [0] : vector<16xi32>, vector<16xi32> -> vector<16xi32>
        %mul3A_3263 = arith.constant 512 : i32
        %mul3A_3264 = vector.broadcast %mul3A_3263 : i32 to vector<16xi32>
        %mul3A_3265 = arith.muli %mul3A_3264, %iota3A : vector<16xi32>
        %add3A_3266 = arith.addi %gather3A_3262, %mul3A_3265 : vector<16xi32>
        %gather3A_3267 = tpu.vector_load_idx %arg11[%add3A_3266] : memref<8192xf32, #tpu.memory_space<vmem>>[vector<16xi32>], vector<16xf32>,
        %masked_sort3A_3268 = arith.constant dense<true> : vector<16xi1>
        %masked_sort3A_3269, %masked_sort3A_3270, %masked_sort3A_3271 = tpu.sort %gather3A_3267, %add3A_3266 masked %masked_sort3A_3268 : (vector<16xf32>, vector<16xi32>, vector<16xi1>) -> (vector<16xi1>, vector<16xf32>, vector<16xi32>)
        %broadcast_in_dim3A_3272 = arith.constant 1 : i32
        %broadcast_in_dim3A_3273 = vector.broadcast %broadcast_in_dim3A_3272 : i32 to vector<16x1xi32>
        %gather3A_3274 = vector.shape_cast %broadcast_in_dim3A_3273 : vector<16x1xi32> to vector<16xi32>
        %gather3A_3275 = tpu.dynamic_gather %masked_sort3A_3258[%gather3A_3274] in [0] : vector<16xi32>, vector<16xi32> -> vector<16xi32>
        %mul3A_3276 = arith.constant 512 : i32
        %mul3A_3277 = vector.broadcast %mul3A_3276 : i32 to vector<16xi32>
        %mul3A_3278 = arith.muli %mul3A_3277, %iota3A : vector<16xi32>
        %add3A_3279 = arith.addi %gather3A_3275, %mul3A_3278 : vector<16xi32>
        %gather3A_3280 = tpu.vector_load_idx %arg11[%add3A_3279] : memref<8192xf32, #tpu.memory_space<vmem>>[vector<16xi32>], vector<16xf32>,
        %masked_sort3A_3281 = arith.constant dense<true> : vector<16xi1>
        %masked_sort3A_3282, %masked_sort3A_3283, %masked_sort3A_3284 = tpu.sort %gather3A_3280, %add3A_3279 masked %masked_sort3A_3281 : (vector<16xf32>, vector<16xi32>, vector<16xi1>) -> (vector<16xi1>, vector<16xf32>, vector<16xi32>)
        %broadcast_in_dim3A_3285 = arith.constant 2 : i32
        %broadcast_in_dim3A_3286 = vector.broadcast %broadcast_in_dim3A_3285 : i32 to vector<16x1xi32>
        %gather3A_3287 = vector.shape_cast %broadcast_in_dim3A_3286 : vector<16x1xi32> to vector<16xi32>
        %gather3A_3288 = tpu.dynamic_gather %masked_sort3A_3258[%gather3A_3287] in [0] : vector<16xi32>, vector<16xi32> -> vector<16xi32>
        %mul3A_3289 = arith.constant 512 : i32
        %mul3A_3290 = vector.broadcast %mul3A_3289 : i32 to vector<16xi32>
        %mul3A_3291 = arith.muli %mul3A_3290, %iota3A : vector<16xi32>
        %add3A_3292 = arith.addi %gather3A_3288, %mul3A_3291 : vector<16xi32>
        %gather3A_3293 = tpu.vector_load_idx %arg11[%add3A_3292] : memref<8192xf32, #tpu.memory_space<vmem>>[vector<16xi32>], vector<16xf32>,
        %masked_sort3A_3294 = arith.constant dense<true> : vector<16xi1>
        %masked_sort3A_3295, %masked_sort3A_3296, %masked_sort3A_3297 = tpu.sort %gather3A_3293, %add3A_3292 masked %masked_sort3A_3294 : (vector<16xf32>, vector<16xi32>, vector<16xi1>) -> (vector<16xi1>, vector<16xf32>, vector<16xi32>)
        %broadcast_in_dim3A_3298 = arith.constant 3 : i32
        %broadcast_in_dim3A_3299 = vector.broadcast %broadcast_in_dim3A_3298 : i32 to vector<16x1xi32>
        %gather3A_3300 = vector.shape_cast %broadcast_in_dim3A_3299 : vector<16x1xi32> to vector<16xi32>
        %gather3A_3301 = tpu.dynamic_gather %masked_sort3A_3258[%gather3A_3300] in [0] : vector<16xi32>, vector<16xi32> -> vector<16xi32>
        %mul3A_3302 = arith.constant 512 : i32
        %mul3A_3303 = vector.broadcast %mul3A_3302 : i32 to vector<16xi32>
        %mul3A_3304 = arith.muli %mul3A_3303, %iota3A : vector<16xi32>
        %add3A_3305 = arith.addi %gather3A_3301, %mul3A_3304 : vector<16xi32>
        %gather3A_3306 = tpu.vector_load_idx %arg11[%add3A_3305] : memref<8192xf32, #tpu.memory_space<vmem>>[vector<16xi32>], vector<16xf32>,
        %masked_sort3A_3307 = arith.constant dense<true> : vector<16xi1>
        %masked_sort3A_3308, %masked_sort3A_3309, %masked_sort3A_3310 = tpu.sort %gather3A_3306, %add3A_3305 masked %masked_sort3A_3307 : (vector<16xf32>, vector<16xi32>, vector<16xi1>) -> (vector<16xi1>, vector<16xf32>, vector<16xi32>)
        %broadcast_in_dim3A_3311 = arith.constant 4 : i32
        %broadcast_in_dim3A_3312 = vector.broadcast %broadcast_in_dim3A_3311 : i32 to vector<16x1xi32>
        %gather3A_3313 = vector.shape_cast %broadcast_in_dim3A_3312 : vector<16x1xi32> to vector<16xi32>
        %gather3A_3314 = tpu.dynamic_gather %masked_sort3A_3258[%gather3A_3313] in [0] : vector<16xi32>, vector<16xi32> -> vector<16xi32>
        %mul3A_3315 = arith.constant 512 : i32
        %mul3A_3316 = vector.broadcast %mul3A_3315 : i32 to vector<16xi32>
        %mul3A_3317 = arith.muli %mul3A_3316, %iota3A : vector<16xi32>
        %add3A_3318 = arith.addi %gather3A_3314, %mul3A_3317 : vector<16xi32>
        %gather3A_3319 = tpu.vector_load_idx %arg11[%add3A_3318] : memref<8192xf32, #tpu.memory_space<vmem>>[vector<16xi32>], vector<16xf32>,
        %masked_sort3A_3320 = arith.constant dense<true> : vector<16xi1>
        %masked_sort3A_3321, %masked_sort3A_3322, %masked_sort3A_3323 = tpu.sort %gather3A_3319, %add3A_3318 masked %masked_sort3A_3320 : (vector<16xf32>, vector<16xi32>, vector<16xi1>) -> (vector<16xi1>, vector<16xf32>, vector<16xi32>)
        %broadcast_in_dim3A_3324 = arith.constant 5 : i32
        %broadcast_in_dim3A_3325 = vector.broadcast %broadcast_in_dim3A_3324 : i32 to vector<16x1xi32>
        %gather3A_3326 = vector.shape_cast %broadcast_in_dim3A_3325 : vector<16x1xi32> to vector<16xi32>
        %gather3A_3327 = tpu.dynamic_gather %masked_sort3A_3258[%gather3A_3326] in [0] : vector<16xi32>, vector<16xi32> -> vector<16xi32>
        %mul3A_3328 = arith.constant 512 : i32
        %mul3A_3329 = vector.broadcast %mul3A_3328 : i32 to vector<16xi32>
        %mul3A_3330 = arith.muli %mul3A_3329, %iota3A : vector<16xi32>
        %add3A_3331 = arith.addi %gather3A_3327, %mul3A_3330 : vector<16xi32>
        %gather3A_3332 = tpu.vector_load_idx %arg11[%add3A_3331] : memref<8192xf32, #tpu.memory_space<vmem>>[vector<16xi32>], vector<16xf32>,
        %masked_sort3A_3333 = arith.constant dense<true> : vector<16xi1>
        %masked_sort3A_3334, %masked_sort3A_3335, %masked_sort3A_3336 = tpu.sort %gather3A_3332, %add3A_3331 masked %masked_sort3A_3333 : (vector<16xf32>, vector<16xi32>, vector<16xi1>) -> (vector<16xi1>, vector<16xf32>, vector<16xi32>)
        %broadcast_in_dim3A_3337 = arith.constant 6 : i32
        %broadcast_in_dim3A_3338 = vector.broadcast %broadcast_in_dim3A_3337 : i32 to vector<16x1xi32>
        %gather3A_3339 = vector.shape_cast %broadcast_in_dim3A_3338 : vector<16x1xi32> to vector<16xi32>
        %gather3A_3340 = tpu.dynamic_gather %masked_sort3A_3258[%gather3A_3339] in [0] : vector<16xi32>, vector<16xi32> -> vector<16xi32>
        %mul3A_3341 = arith.constant 512 : i32
        %mul3A_3342 = vector.broadcast %mul3A_3341 : i32 to vector<16xi32>
        %mul3A_3343 = arith.muli %mul3A_3342, %iota3A : vector<16xi32>
        %add3A_3344 = arith.addi %gather3A_3340, %mul3A_3343 : vector<16xi32>
        %gather3A_3345 = tpu.vector_load_idx %arg11[%add3A_3344] : memref<8192xf32, #tpu.memory_space<vmem>>[vector<16xi32>], vector<16xf32>,
        %masked_sort3A_3346 = arith.constant dense<true> : vector<16xi1>
        %masked_sort3A_3347, %masked_sort3A_3348, %masked_sort3A_3349 = tpu.sort %gather3A_3345, %add3A_3344 masked %masked_sort3A_3346 : (vector<16xf32>, vector<16xi32>, vector<16xi1>) -> (vector<16xi1>, vector<16xf32>, vector<16xi32>)
        %broadcast_in_dim3A_3350 = arith.constant 7 : i32
        %broadcast_in_dim3A_3351 = vector.broadcast %broadcast_in_dim3A_3350 : i32 to vector<16x1xi32>
        %gather3A_3352 = vector.shape_cast %broadcast_in_dim3A_3351 : vector<16x1xi32> to vector<16xi32>
        %gather3A_3353 = tpu.dynamic_gather %masked_sort3A_3258[%gather3A_3352] in [0] : vector<16xi32>, vector<16xi32> -> vector<16xi32>
        %mul3A_3354 = arith.constant 512 : i32
        %mul3A_3355 = vector.broadcast %mul3A_3354 : i32 to vector<16xi32>
        %mul3A_3356 = arith.muli %mul3A_3355, %iota3A : vector<16xi32>
        %add3A_3357 = arith.addi %gather3A_3353, %mul3A_3356 : vector<16xi32>
        %gather3A_3358 = tpu.vector_load_idx %arg11[%add3A_3357] : memref<8192xf32, #tpu.memory_space<vmem>>[vector<16xi32>], vector<16xf32>,
        %masked_sort3A_3359 = arith.constant dense<true> : vector<16xi1>
        %masked_sort3A_3360, %masked_sort3A_3361, %masked_sort3A_3362 = tpu.sort %gather3A_3358, %add3A_3357 masked %masked_sort3A_3359 : (vector<16xf32>, vector<16xi32>, vector<16xi1>) -> (vector<16xi1>, vector<16xf32>, vector<16xi32>)
        %broadcast_in_dim3A_3363 = arith.constant 8 : i32
        %broadcast_in_dim3A_3364 = vector.broadcast %broadcast_in_dim3A_3363 : i32 to vector<16x1xi32>
        %gather3A_3365 = vector.shape_cast %broadcast_in_dim3A_3364 : vector<16x1xi32> to vector<16xi32>
        %gather3A_3366 = tpu.dynamic_gather %masked_sort3A_3258[%gather3A_3365] in [0] : vector<16xi32>, vector<16xi32> -> vector<16xi32>
        %mul3A_3367 = arith.constant 512 : i32
        %mul3A_3368 = vector.broadcast %mul3A_3367 : i32 to vector<16xi32>
        %mul3A_3369 = arith.muli %mul3A_3368, %iota3A : vector<16xi32>
        %add3A_3370 = arith.addi %gather3A_3366, %mul3A_3369 : vector<16xi32>
        %gather3A_3371 = tpu.vector_load_idx %arg11[%add3A_3370] : memref<8192xf32, #tpu.memory_space<vmem>>[vector<16xi32>], vector<16xf32>,
        %masked_sort3A_3372 = arith.constant dense<true> : vector<16xi1>
        %masked_sort3A_3373, %masked_sort3A_3374, %masked_sort3A_3375 = tpu.sort %gather3A_3371, %add3A_3370 masked %masked_sort3A_3372 : (vector<16xf32>, vector<16xi32>, vector<16xi1>) -> (vector<16xi1>, vector<16xf32>, vector<16xi32>)
        %broadcast_in_dim3A_3376 = arith.constant 9 : i32
        %broadcast_in_dim3A_3377 = vector.broadcast %broadcast_in_dim3A_3376 : i32 to vector<16x1xi32>
        %gather3A_3378 = vector.shape_cast %broadcast_in_dim3A_3377 : vector<16x1xi32> to vector<16xi32>
        %gather3A_3379 = tpu.dynamic_gather %masked_sort3A_3258[%gather3A_3378] in [0] : vector<16xi32>, vector<16xi32> -> vector<16xi32>
        %mul3A_3380 = arith.constant 512 : i32
        %mul3A_3381 = vector.broadcast %mul3A_3380 : i32 to vector<16xi32>
        %mul3A_3382 = arith.muli %mul3A_3381, %iota3A : vector<16xi32>
        %add3A_3383 = arith.addi %gather3A_3379, %mul3A_3382 : vector<16xi32>
        %gather3A_3384 = tpu.vector_load_idx %arg11[%add3A_3383] : memref<8192xf32, #tpu.memory_space<vmem>>[vector<16xi32>], vector<16xf32>,
        %masked_sort3A_3385 = arith.constant dense<true> : vector<16xi1>
        %masked_sort3A_3386, %masked_sort3A_3387, %masked_sort3A_3388 = tpu.sort %gather3A_3384, %add3A_3383 masked %masked_sort3A_3385 : (vector<16xf32>, vector<16xi32>, vector<16xi1>) -> (vector<16xi1>, vector<16xf32>, vector<16xi32>)
        %broadcast_in_dim3A_3389 = arith.constant 10 : i32
        %broadcast_in_dim3A_3390 = vector.broadcast %broadcast_in_dim3A_3389 : i32 to vector<16x1xi32>
        %gather3A_3391 = vector.shape_cast %broadcast_in_dim3A_3390 : vector<16x1xi32> to vector<16xi32>
        %gather3A_3392 = tpu.dynamic_gather %masked_sort3A_3258[%gather3A_3391] in [0] : vector<16xi32>, vector<16xi32> -> vector<16xi32>
        %mul3A_3393 = arith.constant 512 : i32
        %mul3A_3394 = vector.broadcast %mul3A_3393 : i32 to vector<16xi32>
        %mul3A_3395 = arith.muli %mul3A_3394, %iota3A : vector<16xi32>
        %add3A_3396 = arith.addi %gather3A_3392, %mul3A_3395 : vector<16xi32>
        %gather3A_3397 = tpu.vector_load_idx %arg11[%add3A_3396] : memref<8192xf32, #tpu.memory_space<vmem>>[vector<16xi32>], vector<16xf32>,
        %masked_sort3A_3398 = arith.constant dense<true> : vector<16xi1>
        %masked_sort3A_3399, %masked_sort3A_3400, %masked_sort3A_3401 = tpu.sort %gather3A_3397, %add3A_3396 masked %masked_sort3A_3398 : (vector<16xf32>, vector<16xi32>, vector<16xi1>) -> (vector<16xi1>, vector<16xf32>, vector<16xi32>)
        %broadcast_in_dim3A_3402 = arith.constant 11 : i32
        %broadcast_in_dim3A_3403 = vector.broadcast %broadcast_in_dim3A_3402 : i32 to vector<16x1xi32>
        %gather3A_3404 = vector.shape_cast %broadcast_in_dim3A_3403 : vector<16x1xi32> to vector<16xi32>
        %gather3A_3405 = tpu.dynamic_gather %masked_sort3A_3258[%gather3A_3404] in [0] : vector<16xi32>, vector<16xi32> -> vector<16xi32>
        %mul3A_3406 = arith.constant 512 : i32
        %mul3A_3407 = vector.broadcast %mul3A_3406 : i32 to vector<16xi32>
        %mul3A_3408 = arith.muli %mul3A_3407, %iota3A : vector<16xi32>
        %add3A_3409 = arith.addi %gather3A_3405, %mul3A_3408 : vector<16xi32>
        %gather3A_3410 = tpu.vector_load_idx %arg11[%add3A_3409] : memref<8192xf32, #tpu.memory_space<vmem>>[vector<16xi32>], vector<16xf32>,
        %masked_sort3A_3411 = arith.constant dense<true> : vector<16xi1>
        %masked_sort3A_3412, %masked_sort3A_3413, %masked_sort3A_3414 = tpu.sort %gather3A_3410, %add3A_3409 masked %masked_sort3A_3411 : (vector<16xf32>, vector<16xi32>, vector<16xi1>) -> (vector<16xi1>, vector<16xf32>, vector<16xi32>)
        %broadcast_in_dim3A_3415 = arith.constant 12 : i32
        %broadcast_in_dim3A_3416 = vector.broadcast %broadcast_in_dim3A_3415 : i32 to vector<16x1xi32>
        %gather3A_3417 = vector.shape_cast %broadcast_in_dim3A_3416 : vector<16x1xi32> to vector<16xi32>
        %gather3A_3418 = tpu.dynamic_gather %masked_sort3A_3258[%gather3A_3417] in [0] : vector<16xi32>, vector<16xi32> -> vector<16xi32>
        %mul3A_3419 = arith.constant 512 : i32
        %mul3A_3420 = vector.broadcast %mul3A_3419 : i32 to vector<16xi32>
        %mul3A_3421 = arith.muli %mul3A_3420, %iota3A : vector<16xi32>
        %add3A_3422 = arith.addi %gather3A_3418, %mul3A_3421 : vector<16xi32>
        %gather3A_3423 = tpu.vector_load_idx %arg11[%add3A_3422] : memref<8192xf32, #tpu.memory_space<vmem>>[vector<16xi32>], vector<16xf32>,
        %masked_sort3A_3424 = arith.constant dense<true> : vector<16xi1>
        %masked_sort3A_3425, %masked_sort3A_3426, %masked_sort3A_3427 = tpu.sort %gather3A_3423, %add3A_3422 masked %masked_sort3A_3424 : (vector<16xf32>, vector<16xi32>, vector<16xi1>) -> (vector<16xi1>, vector<16xf32>, vector<16xi32>)
        %broadcast_in_dim3A_3428 = arith.constant 13 : i32
        %broadcast_in_dim3A_3429 = vector.broadcast %broadcast_in_dim3A_3428 : i32 to vector<16x1xi32>
        %gather3A_3430 = vector.shape_cast %broadcast_in_dim3A_3429 : vector<16x1xi32> to vector<16xi32>
        %gather3A_3431 = tpu.dynamic_gather %masked_sort3A_3258[%gather3A_3430] in [0] : vector<16xi32>, vector<16xi32> -> vector<16xi32>
        %mul3A_3432 = arith.constant 512 : i32
        %mul3A_3433 = vector.broadcast %mul3A_3432 : i32 to vector<16xi32>
        %mul3A_3434 = arith.muli %mul3A_3433, %iota3A : vector<16xi32>
        %add3A_3435 = arith.addi %gather3A_3431, %mul3A_3434 : vector<16xi32>
        %gather3A_3436 = tpu.vector_load_idx %arg11[%add3A_3435] : memref<8192xf32, #tpu.memory_space<vmem>>[vector<16xi32>], vector<16xf32>,
        %masked_sort3A_3437 = arith.constant dense<true> : vector<16xi1>
        %masked_sort3A_3438, %masked_sort3A_3439, %masked_sort3A_3440 = tpu.sort %gather3A_3436, %add3A_3435 masked %masked_sort3A_3437 : (vector<16xf32>, vector<16xi32>, vector<16xi1>) -> (vector<16xi1>, vector<16xf32>, vector<16xi32>)
        %broadcast_in_dim3A_3441 = arith.constant 14 : i32
        %broadcast_in_dim3A_3442 = vector.broadcast %broadcast_in_dim3A_3441 : i32 to vector<16x1xi32>
        %gather3A_3443 = vector.shape_cast %broadcast_in_dim3A_3442 : vector<16x1xi32> to vector<16xi32>
        %gather3A_3444 = tpu.dynamic_gather %masked_sort3A_3258[%gather3A_3443] in [0] : vector<16xi32>, vector<16xi32> -> vector<16xi32>
        %mul3A_3445 = arith.constant 512 : i32
        %mul3A_3446 = vector.broadcast %mul3A_3445 : i32 to vector<16xi32>
        %mul3A_3447 = arith.muli %mul3A_3446, %iota3A : vector<16xi32>
        %add3A_3448 = arith.addi %gather3A_3444, %mul3A_3447 : vector<16xi32>
        %gather3A_3449 = tpu.vector_load_idx %arg11[%add3A_3448] : memref<8192xf32, #tpu.memory_space<vmem>>[vector<16xi32>], vector<16xf32>,
        %masked_sort3A_3450 = arith.constant dense<true> : vector<16xi1>
        %masked_sort3A_3451, %masked_sort3A_3452, %masked_sort3A_3453 = tpu.sort %gather3A_3449, %add3A_3448 masked %masked_sort3A_3450 : (vector<16xf32>, vector<16xi32>, vector<16xi1>) -> (vector<16xi1>, vector<16xf32>, vector<16xi32>)
        %broadcast_in_dim3A_3454 = arith.constant 15 : i32
        %broadcast_in_dim3A_3455 = vector.broadcast %broadcast_in_dim3A_3454 : i32 to vector<16x1xi32>
        %gather3A_3456 = vector.shape_cast %broadcast_in_dim3A_3455 : vector<16x1xi32> to vector<16xi32>
        %gather3A_3457 = tpu.dynamic_gather %masked_sort3A_3258[%gather3A_3456] in [0] : vector<16xi32>, vector<16xi32> -> vector<16xi32>
        %mul3A_3458 = arith.constant 512 : i32
        %mul3A_3459 = vector.broadcast %mul3A_3458 : i32 to vector<16xi32>
        %mul3A_3460 = arith.muli %mul3A_3459, %iota3A : vector<16xi32>
        %add3A_3461 = arith.addi %gather3A_3457, %mul3A_3460 : vector<16xi32>
        %gather3A_3462 = tpu.vector_load_idx %arg11[%add3A_3461] : memref<8192xf32, #tpu.memory_space<vmem>>[vector<16xi32>], vector<16xf32>,
        %masked_sort3A_3463 = arith.constant dense<true> : vector<16xi1>
        %masked_sort3A_3464, %masked_sort3A_3465, %masked_sort3A_3466 = tpu.sort %gather3A_3462, %add3A_3461 masked %masked_sort3A_3463 : (vector<16xf32>, vector<16xi32>, vector<16xi1>) -> (vector<16xi1>, vector<16xf32>, vector<16xi32>)
        %rev3A_3467 = arith.constant 15 : i32
        %rev3A_3468 = vector.broadcast %rev3A_3467 : i32 to vector<16xi32>
        %rev3A_3469 = tpu.iota {dimensions = array<i32: 0>} : vector<16xi32>
        %rev3A_3470 = arith.subi %rev3A_3468, %rev3A_3469 : vector<16xi32>
        %rev3A_3471 = tpu.dynamic_gather %masked_sort3A_3283[%rev3A_3470] in [0] : vector<16xf32>, vector<16xi32> -> vector<16xf32>
        %rev3A_3472 = arith.constant 15 : i32
        %rev3A_3473 = vector.broadcast %rev3A_3472 : i32 to vector<16xi32>
        %rev3A_3474 = tpu.iota {dimensions = array<i32: 0>} : vector<16xi32>
        %rev3A_3475 = arith.subi %rev3A_3473, %rev3A_3474 : vector<16xi32>
        %rev3A_3476 = tpu.dynamic_gather %masked_sort3A_3284[%rev3A_3475] in [0] : vector<16xi32>, vector<16xi32> -> vector<16xi32>
        %lt3A_3477 = arith.cmpf olt, %rev3A_3471, %masked_sort3A_3270 : vector<16xf32>
        %select_n3A_3478 = arith.select %lt3A_3477, %rev3A_3471, %masked_sort3A_3270 : vector<16xi1>, vector<16xf32>
        %select_n3A_3479 = arith.select %lt3A_3477, %rev3A_3476, %masked_sort3A_3271 : vector<16xi1>, vector<16xi32>
        %masked_sort3A_3480 = arith.constant dense<true> : vector<16xi1>
        %masked_sort3A_3481, %masked_sort3A_3482, %masked_sort3A_3483 = tpu.sort %select_n3A_3478, %select_n3A_3479 masked %masked_sort3A_3480 : (vector<16xf32>, vector<16xi32>, vector<16xi1>) -> (vector<16xi1>, vector<16xf32>, vector<16xi32>)
        %rev3A_3484 = arith.constant 15 : i32
        %rev3A_3485 = vector.broadcast %rev3A_3484 : i32 to vector<16xi32>
        %rev3A_3486 = tpu.iota {dimensions = array<i32: 0>} : vector<16xi32>
        %rev3A_3487 = arith.subi %rev3A_3485, %rev3A_3486 : vector<16xi32>
        %rev3A_3488 = tpu.dynamic_gather %masked_sort3A_3309[%rev3A_3487] in [0] : vector<16xf32>, vector<16xi32> -> vector<16xf32>
        %rev3A_3489 = arith.constant 15 : i32
        %rev3A_3490 = vector.broadcast %rev3A_3489 : i32 to vector<16xi32>
        %rev3A_3491 = tpu.iota {dimensions = array<i32: 0>} : vector<16xi32>
        %rev3A_3492 = arith.subi %rev3A_3490, %rev3A_3491 : vector<16xi32>
        %rev3A_3493 = tpu.dynamic_gather %masked_sort3A_3310[%rev3A_3492] in [0] : vector<16xi32>, vector<16xi32> -> vector<16xi32>
        %lt3A_3494 = arith.cmpf olt, %rev3A_3488, %masked_sort3A_3296 : vector<16xf32>
        %select_n3A_3495 = arith.select %lt3A_3494, %rev3A_3488, %masked_sort3A_3296 : vector<16xi1>, vector<16xf32>
        %select_n3A_3496 = arith.select %lt3A_3494, %rev3A_3493, %masked_sort3A_3297 : vector<16xi1>, vector<16xi32>
        %masked_sort3A_3497 = arith.constant dense<true> : vector<16xi1>
        %masked_sort3A_3498, %masked_sort3A_3499, %masked_sort3A_3500 = tpu.sort %select_n3A_3495, %select_n3A_3496 masked %masked_sort3A_3497 : (vector<16xf32>, vector<16xi32>, vector<16xi1>) -> (vector<16xi1>, vector<16xf32>, vector<16xi32>)
        %rev3A_3501 = arith.constant 15 : i32
        %rev3A_3502 = vector.broadcast %rev3A_3501 : i32 to vector<16xi32>
        %rev3A_3503 = tpu.iota {dimensions = array<i32: 0>} : vector<16xi32>
        %rev3A_3504 = arith.subi %rev3A_3502, %rev3A_3503 : vector<16xi32>
        %rev3A_3505 = tpu.dynamic_gather %masked_sort3A_3335[%rev3A_3504] in [0] : vector<16xf32>, vector<16xi32> -> vector<16xf32>
        %rev3A_3506 = arith.constant 15 : i32
        %rev3A_3507 = vector.broadcast %rev3A_3506 : i32 to vector<16xi32>
        %rev3A_3508 = tpu.iota {dimensions = array<i32: 0>} : vector<16xi32>
        %rev3A_3509 = arith.subi %rev3A_3507, %rev3A_3508 : vector<16xi32>
        %rev3A_3510 = tpu.dynamic_gather %masked_sort3A_3336[%rev3A_3509] in [0] : vector<16xi32>, vector<16xi32> -> vector<16xi32>
        %lt3A_3511 = arith.cmpf olt, %rev3A_3505, %masked_sort3A_3322 : vector<16xf32>
        %select_n3A_3512 = arith.select %lt3A_3511, %rev3A_3505, %masked_sort3A_3322 : vector<16xi1>, vector<16xf32>
        %select_n3A_3513 = arith.select %lt3A_3511, %rev3A_3510, %masked_sort3A_3323 : vector<16xi1>, vector<16xi32>
        %masked_sort3A_3514 = arith.constant dense<true> : vector<16xi1>
        %masked_sort3A_3515, %masked_sort3A_3516, %masked_sort3A_3517 = tpu.sort %select_n3A_3512, %select_n3A_3513 masked %masked_sort3A_3514 : (vector<16xf32>, vector<16xi32>, vector<16xi1>) -> (vector<16xi1>, vector<16xf32>, vector<16xi32>)
        %rev3A_3518 = arith.constant 15 : i32
        %rev3A_3519 = vector.broadcast %rev3A_3518 : i32 to vector<16xi32>
        %rev3A_3520 = tpu.iota {dimensions = array<i32: 0>} : vector<16xi32>
        %rev3A_3521 = arith.subi %rev3A_3519, %rev3A_3520 : vector<16xi32>
        %rev3A_3522 = tpu.dynamic_gather %masked_sort3A_3361[%rev3A_3521] in [0] : vector<16xf32>, vector<16xi32> -> vector<16xf32>
        %rev3A_3523 = arith.constant 15 : i32
        %rev3A_3524 = vector.broadcast %rev3A_3523 : i32 to vector<16xi32>
        %rev3A_3525 = tpu.iota {dimensions = array<i32: 0>} : vector<16xi32>
        %rev3A_3526 = arith.subi %rev3A_3524, %rev3A_3525 : vector<16xi32>
        %rev3A_3527 = tpu.dynamic_gather %masked_sort3A_3362[%rev3A_3526] in [0] : vector<16xi32>, vector<16xi32> -> vector<16xi32>
        %lt3A_3528 = arith.cmpf olt, %rev3A_3522, %masked_sort3A_3348 : vector<16xf32>
        %select_n3A_3529 = arith.select %lt3A_3528, %rev3A_3522, %masked_sort3A_3348 : vector<16xi1>, vector<16xf32>
        %select_n3A_3530 = arith.select %lt3A_3528, %rev3A_3527, %masked_sort3A_3349 : vector<16xi1>, vector<16xi32>
        %masked_sort3A_3531 = arith.constant dense<true> : vector<16xi1>
        %masked_sort3A_3532, %masked_sort3A_3533, %masked_sort3A_3534 = tpu.sort %select_n3A_3529, %select_n3A_3530 masked %masked_sort3A_3531 : (vector<16xf32>, vector<16xi32>, vector<16xi1>) -> (vector<16xi1>, vector<16xf32>, vector<16xi32>)
        %rev3A_3535 = arith.constant 15 : i32
        %rev3A_3536 = vector.broadcast %rev3A_3535 : i32 to vector<16xi32>
        %rev3A_3537 = tpu.iota {dimensions = array<i32: 0>} : vector<16xi32>
        %rev3A_3538 = arith.subi %rev3A_3536, %rev3A_3537 : vector<16xi32>
        %rev3A_3539 = tpu.dynamic_gather %masked_sort3A_3387[%rev3A_3538] in [0] : vector<16xf32>, vector<16xi32> -> vector<16xf32>
        %rev3A_3540 = arith.constant 15 : i32
        %rev3A_3541 = vector.broadcast %rev3A_3540 : i32 to vector<16xi32>
        %rev3A_3542 = tpu.iota {dimensions = array<i32: 0>} : vector<16xi32>
        %rev3A_3543 = arith.subi %rev3A_3541, %rev3A_3542 : vector<16xi32>
        %rev3A_3544 = tpu.dynamic_gather %masked_sort3A_3388[%rev3A_3543] in [0] : vector<16xi32>, vector<16xi32> -> vector<16xi32>
        %lt3A_3545 = arith.cmpf olt, %rev3A_3539, %masked_sort3A_3374 : vector<16xf32>
        %select_n3A_3546 = arith.select %lt3A_3545, %rev3A_3539, %masked_sort3A_3374 : vector<16xi1>, vector<16xf32>
        %select_n3A_3547 = arith.select %lt3A_3545, %rev3A_3544, %masked_sort3A_3375 : vector<16xi1>, vector<16xi32>
        %masked_sort3A_3548 = arith.constant dense<true> : vector<16xi1>
        %masked_sort3A_3549, %masked_sort3A_3550, %masked_sort3A_3551 = tpu.sort %select_n3A_3546, %select_n3A_3547 masked %masked_sort3A_3548 : (vector<16xf32>, vector<16xi32>, vector<16xi1>) -> (vector<16xi1>, vector<16xf32>, vector<16xi32>)
        %rev3A_3552 = arith.constant 15 : i32
        %rev3A_3553 = vector.broadcast %rev3A_3552 : i32 to vector<16xi32>
        %rev3A_3554 = tpu.iota {dimensions = array<i32: 0>} : vector<16xi32>
        %rev3A_3555 = arith.subi %rev3A_3553, %rev3A_3554 : vector<16xi32>
        %rev3A_3556 = tpu.dynamic_gather %masked_sort3A_3413[%rev3A_3555] in [0] : vector<16xf32>, vector<16xi32> -> vector<16xf32>
        %rev3A_3557 = arith.constant 15 : i32
        %rev3A_3558 = vector.broadcast %rev3A_3557 : i32 to vector<16xi32>
        %rev3A_3559 = tpu.iota {dimensions = array<i32: 0>} : vector<16xi32>
        %rev3A_3560 = arith.subi %rev3A_3558, %rev3A_3559 : vector<16xi32>
        %rev3A_3561 = tpu.dynamic_gather %masked_sort3A_3414[%rev3A_3560] in [0] : vector<16xi32>, vector<16xi32> -> vector<16xi32>
        %lt3A_3562 = arith.cmpf olt, %rev3A_3556, %masked_sort3A_3400 : vector<16xf32>
        %select_n3A_3563 = arith.select %lt3A_3562, %rev3A_3556, %masked_sort3A_3400 : vector<16xi1>, vector<16xf32>
        %select_n3A_3564 = arith.select %lt3A_3562, %rev3A_3561, %masked_sort3A_3401 : vector<16xi1>, vector<16xi32>
        %masked_sort3A_3565 = arith.constant dense<true> : vector<16xi1>
        %masked_sort3A_3566, %masked_sort3A_3567, %masked_sort3A_3568 = tpu.sort %select_n3A_3563, %select_n3A_3564 masked %masked_sort3A_3565 : (vector<16xf32>, vector<16xi32>, vector<16xi1>) -> (vector<16xi1>, vector<16xf32>, vector<16xi32>)
        %rev3A_3569 = arith.constant 15 : i32
        %rev3A_3570 = vector.broadcast %rev3A_3569 : i32 to vector<16xi32>
        %rev3A_3571 = tpu.iota {dimensions = array<i32: 0>} : vector<16xi32>
        %rev3A_3572 = arith.subi %rev3A_3570, %rev3A_3571 : vector<16xi32>
        %rev3A_3573 = tpu.dynamic_gather %masked_sort3A_3439[%rev3A_3572] in [0] : vector<16xf32>, vector<16xi32> -> vector<16xf32>
        %rev3A_3574 = arith.constant 15 : i32
        %rev3A_3575 = vector.broadcast %rev3A_3574 : i32 to vector<16xi32>
        %rev3A_3576 = tpu.iota {dimensions = array<i32: 0>} : vector<16xi32>
        %rev3A_3577 = arith.subi %rev3A_3575, %rev3A_3576 : vector<16xi32>
        %rev3A_3578 = tpu.dynamic_gather %masked_sort3A_3440[%rev3A_3577] in [0] : vector<16xi32>, vector<16xi32> -> vector<16xi32>
        %lt3A_3579 = arith.cmpf olt, %rev3A_3573, %masked_sort3A_3426 : vector<16xf32>
        %select_n3A_3580 = arith.select %lt3A_3579, %rev3A_3573, %masked_sort3A_3426 : vector<16xi1>, vector<16xf32>
        %select_n3A_3581 = arith.select %lt3A_3579, %rev3A_3578, %masked_sort3A_3427 : vector<16xi1>, vector<16xi32>
        %masked_sort3A_3582 = arith.constant dense<true> : vector<16xi1>
        %masked_sort3A_3583, %masked_sort3A_3584, %masked_sort3A_3585 = tpu.sort %select_n3A_3580, %select_n3A_3581 masked %masked_sort3A_3582 : (vector<16xf32>, vector<16xi32>, vector<16xi1>) -> (vector<16xi1>, vector<16xf32>, vector<16xi32>)
        %rev3A_3586 = arith.constant 15 : i32
        %rev3A_3587 = vector.broadcast %rev3A_3586 : i32 to vector<16xi32>
        %rev3A_3588 = tpu.iota {dimensions = array<i32: 0>} : vector<16xi32>
        %rev3A_3589 = arith.subi %rev3A_3587, %rev3A_3588 : vector<16xi32>
        %rev3A_3590 = tpu.dynamic_gather %masked_sort3A_3465[%rev3A_3589] in [0] : vector<16xf32>, vector<16xi32> -> vector<16xf32>
        %rev3A_3591 = arith.constant 15 : i32
        %rev3A_3592 = vector.broadcast %rev3A_3591 : i32 to vector<16xi32>
        %rev3A_3593 = tpu.iota {dimensions = array<i32: 0>} : vector<16xi32>
        %rev3A_3594 = arith.subi %rev3A_3592, %rev3A_3593 : vector<16xi32>
        %rev3A_3595 = tpu.dynamic_gather %masked_sort3A_3466[%rev3A_3594] in [0] : vector<16xi32>, vector<16xi32> -> vector<16xi32>
        %lt3A_3596 = arith.cmpf olt, %rev3A_3590, %masked_sort3A_3452 : vector<16xf32>
        %select_n3A_3597 = arith.select %lt3A_3596, %rev3A_3590, %masked_sort3A_3452 : vector<16xi1>, vector<16xf32>
        %select_n3A_3598 = arith.select %lt3A_3596, %rev3A_3595, %masked_sort3A_3453 : vector<16xi1>, vector<16xi32>
        %masked_sort3A_3599 = arith.constant dense<true> : vector<16xi1>
        %masked_sort3A_3600, %masked_sort3A_3601, %masked_sort3A_3602 = tpu.sort %select_n3A_3597, %select_n3A_3598 masked %masked_sort3A_3599 : (vector<16xf32>, vector<16xi32>, vector<16xi1>) -> (vector<16xi1>, vector<16xf32>, vector<16xi32>)
        %rev3A_3603 = arith.constant 15 : i32
        %rev3A_3604 = vector.broadcast %rev3A_3603 : i32 to vector<16xi32>
        %rev3A_3605 = tpu.iota {dimensions = array<i32: 0>} : vector<16xi32>
        %rev3A_3606 = arith.subi %rev3A_3604, %rev3A_3605 : vector<16xi32>
        %rev3A_3607 = tpu.dynamic_gather %masked_sort3A_3499[%rev3A_3606] in [0] : vector<16xf32>, vector<16xi32> -> vector<16xf32>
        %rev3A_3608 = arith.constant 15 : i32
        %rev3A_3609 = vector.broadcast %rev3A_3608 : i32 to vector<16xi32>
        %rev3A_3610 = tpu.iota {dimensions = array<i32: 0>} : vector<16xi32>
        %rev3A_3611 = arith.subi %rev3A_3609, %rev3A_3610 : vector<16xi32>
        %rev3A_3612 = tpu.dynamic_gather %masked_sort3A_3500[%rev3A_3611] in [0] : vector<16xi32>, vector<16xi32> -> vector<16xi32>
        %lt3A_3613 = arith.cmpf olt, %rev3A_3607, %masked_sort3A_3482 : vector<16xf32>
        %select_n3A_3614 = arith.select %lt3A_3613, %rev3A_3607, %masked_sort3A_3482 : vector<16xi1>, vector<16xf32>
        %select_n3A_3615 = arith.select %lt3A_3613, %rev3A_3612, %masked_sort3A_3483 : vector<16xi1>, vector<16xi32>
        %masked_sort3A_3616 = arith.constant dense<true> : vector<16xi1>
        %masked_sort3A_3617, %masked_sort3A_3618, %masked_sort3A_3619 = tpu.sort %select_n3A_3614, %select_n3A_3615 masked %masked_sort3A_3616 : (vector<16xf32>, vector<16xi32>, vector<16xi1>) -> (vector<16xi1>, vector<16xf32>, vector<16xi32>)
        %rev3A_3620 = arith.constant 15 : i32
        %rev3A_3621 = vector.broadcast %rev3A_3620 : i32 to vector<16xi32>
        %rev3A_3622 = tpu.iota {dimensions = array<i32: 0>} : vector<16xi32>
        %rev3A_3623 = arith.subi %rev3A_3621, %rev3A_3622 : vector<16xi32>
        %rev3A_3624 = tpu.dynamic_gather %masked_sort3A_3533[%rev3A_3623] in [0] : vector<16xf32>, vector<16xi32> -> vector<16xf32>
        %rev3A_3625 = arith.constant 15 : i32
        %rev3A_3626 = vector.broadcast %rev3A_3625 : i32 to vector<16xi32>
        %rev3A_3627 = tpu.iota {dimensions = array<i32: 0>} : vector<16xi32>
        %rev3A_3628 = arith.subi %rev3A_3626, %rev3A_3627 : vector<16xi32>
        %rev3A_3629 = tpu.dynamic_gather %masked_sort3A_3534[%rev3A_3628] in [0] : vector<16xi32>, vector<16xi32> -> vector<16xi32>
        %lt3A_3630 = arith.cmpf olt, %rev3A_3624, %masked_sort3A_3516 : vector<16xf32>
        %select_n3A_3631 = arith.select %lt3A_3630, %rev3A_3624, %masked_sort3A_3516 : vector<16xi1>, vector<16xf32>
        %select_n3A_3632 = arith.select %lt3A_3630, %rev3A_3629, %masked_sort3A_3517 : vector<16xi1>, vector<16xi32>
        %masked_sort3A_3633 = arith.constant dense<true> : vector<16xi1>
        %masked_sort3A_3634, %masked_sort3A_3635, %masked_sort3A_3636 = tpu.sort %select_n3A_3631, %select_n3A_3632 masked %masked_sort3A_3633 : (vector<16xf32>, vector<16xi32>, vector<16xi1>) -> (vector<16xi1>, vector<16xf32>, vector<16xi32>)
        %rev3A_3637 = arith.constant 15 : i32
        %rev3A_3638 = vector.broadcast %rev3A_3637 : i32 to vector<16xi32>
        %rev3A_3639 = tpu.iota {dimensions = array<i32: 0>} : vector<16xi32>
        %rev3A_3640 = arith.subi %rev3A_3638, %rev3A_3639 : vector<16xi32>
        %rev3A_3641 = tpu.dynamic_gather %masked_sort3A_3567[%rev3A_3640] in [0] : vector<16xf32>, vector<16xi32> -> vector<16xf32>
        %rev3A_3642 = arith.constant 15 : i32
        %rev3A_3643 = vector.broadcast %rev3A_3642 : i32 to vector<16xi32>
        %rev3A_3644 = tpu.iota {dimensions = array<i32: 0>} : vector<16xi32>
        %rev3A_3645 = arith.subi %rev3A_3643, %rev3A_3644 : vector<16xi32>
        %rev3A_3646 = tpu.dynamic_gather %masked_sort3A_3568[%rev3A_3645] in [0] : vector<16xi32>, vector<16xi32> -> vector<16xi32>
        %lt3A_3647 = arith.cmpf olt, %rev3A_3641, %masked_sort3A_3550 : vector<16xf32>
        %select_n3A_3648 = arith.select %lt3A_3647, %rev3A_3641, %masked_sort3A_3550 : vector<16xi1>, vector<16xf32>
        %select_n3A_3649 = arith.select %lt3A_3647, %rev3A_3646, %masked_sort3A_3551 : vector<16xi1>, vector<16xi32>
        %masked_sort3A_3650 = arith.constant dense<true> : vector<16xi1>
        %masked_sort3A_3651, %masked_sort3A_3652, %masked_sort3A_3653 = tpu.sort %select_n3A_3648, %select_n3A_3649 masked %masked_sort3A_3650 : (vector<16xf32>, vector<16xi32>, vector<16xi1>) -> (vector<16xi1>, vector<16xf32>, vector<16xi32>)
        %rev3A_3654 = arith.constant 15 : i32
        %rev3A_3655 = vector.broadcast %rev3A_3654 : i32 to vector<16xi32>
        %rev3A_3656 = tpu.iota {dimensions = array<i32: 0>} : vector<16xi32>
        %rev3A_3657 = arith.subi %rev3A_3655, %rev3A_3656 : vector<16xi32>
        %rev3A_3658 = tpu.dynamic_gather %masked_sort3A_3601[%rev3A_3657] in [0] : vector<16xf32>, vector<16xi32> -> vector<16xf32>
        %rev3A_3659 = arith.constant 15 : i32
        %rev3A_3660 = vector.broadcast %rev3A_3659 : i32 to vector<16xi32>
        %rev3A_3661 = tpu.iota {dimensions = array<i32: 0>} : vector<16xi32>
        %rev3A_3662 = arith.subi %rev3A_3660, %rev3A_3661 : vector<16xi32>
        %rev3A_3663 = tpu.dynamic_gather %masked_sort3A_3602[%rev3A_3662] in [0] : vector<16xi32>, vector<16xi32> -> vector<16xi32>
        %lt3A_3664 = arith.cmpf olt, %rev3A_3658, %masked_sort3A_3584 : vector<16xf32>
        %select_n3A_3665 = arith.select %lt3A_3664, %rev3A_3658, %masked_sort3A_3584 : vector<16xi1>, vector<16xf32>
        %select_n3A_3666 = arith.select %lt3A_3664, %rev3A_3663, %masked_sort3A_3585 : vector<16xi1>, vector<16xi32>
        %masked_sort3A_3667 = arith.constant dense<true> : vector<16xi1>
        %masked_sort3A_3668, %masked_sort3A_3669, %masked_sort3A_3670 = tpu.sort %select_n3A_3665, %select_n3A_3666 masked %masked_sort3A_3667 : (vector<16xf32>, vector<16xi32>, vector<16xi1>) -> (vector<16xi1>, vector<16xf32>, vector<16xi32>)
        %rev3A_3671 = arith.constant 15 : i32
        %rev3A_3672 = vector.broadcast %rev3A_3671 : i32 to vector<16xi32>
        %rev3A_3673 = tpu.iota {dimensions = array<i32: 0>} : vector<16xi32>
        %rev3A_3674 = arith.subi %rev3A_3672, %rev3A_3673 : vector<16xi32>
        %rev3A_3675 = tpu.dynamic_gather %masked_sort3A_3635[%rev3A_3674] in [0] : vector<16xf32>, vector<16xi32> -> vector<16xf32>
        %rev3A_3676 = arith.constant 15 : i32
        %rev3A_3677 = vector.broadcast %rev3A_3676 : i32 to vector<16xi32>
        %rev3A_3678 = tpu.iota {dimensions = array<i32: 0>} : vector<16xi32>
        %rev3A_3679 = arith.subi %rev3A_3677, %rev3A_3678 : vector<16xi32>
        %rev3A_3680 = tpu.dynamic_gather %masked_sort3A_3636[%rev3A_3679] in [0] : vector<16xi32>, vector<16xi32> -> vector<16xi32>
        %lt3A_3681 = arith.cmpf olt, %rev3A_3675, %masked_sort3A_3618 : vector<16xf32>
        %select_n3A_3682 = arith.select %lt3A_3681, %rev3A_3675, %masked_sort3A_3618 : vector<16xi1>, vector<16xf32>
        %select_n3A_3683 = arith.select %lt3A_3681, %rev3A_3680, %masked_sort3A_3619 : vector<16xi1>, vector<16xi32>
        %masked_sort3A_3684 = arith.constant dense<true> : vector<16xi1>
        %masked_sort3A_3685, %masked_sort3A_3686, %masked_sort3A_3687 = tpu.sort %select_n3A_3682, %select_n3A_3683 masked %masked_sort3A_3684 : (vector<16xf32>, vector<16xi32>, vector<16xi1>) -> (vector<16xi1>, vector<16xf32>, vector<16xi32>)
        %rev3A_3688 = arith.constant 15 : i32
        %rev3A_3689 = vector.broadcast %rev3A_3688 : i32 to vector<16xi32>
        %rev3A_3690 = tpu.iota {dimensions = array<i32: 0>} : vector<16xi32>
        %rev3A_3691 = arith.subi %rev3A_3689, %rev3A_3690 : vector<16xi32>
        %rev3A_3692 = tpu.dynamic_gather %masked_sort3A_3669[%rev3A_3691] in [0] : vector<16xf32>, vector<16xi32> -> vector<16xf32>
        %rev3A_3693 = arith.constant 15 : i32
        %rev3A_3694 = vector.broadcast %rev3A_3693 : i32 to vector<16xi32>
        %rev3A_3695 = tpu.iota {dimensions = array<i32: 0>} : vector<16xi32>
        %rev3A_3696 = arith.subi %rev3A_3694, %rev3A_3695 : vector<16xi32>
        %rev3A_3697 = tpu.dynamic_gather %masked_sort3A_3670[%rev3A_3696] in [0] : vector<16xi32>, vector<16xi32> -> vector<16xi32>
        %lt3A_3698 = arith.cmpf olt, %rev3A_3692, %masked_sort3A_3652 : vector<16xf32>
        %select_n3A_3699 = arith.select %lt3A_3698, %rev3A_3692, %masked_sort3A_3652 : vector<16xi1>, vector<16xf32>
        %select_n3A_3700 = arith.select %lt3A_3698, %rev3A_3697, %masked_sort3A_3653 : vector<16xi1>, vector<16xi32>
        %masked_sort3A_3701 = arith.constant dense<true> : vector<16xi1>
        %masked_sort3A_3702, %masked_sort3A_3703, %masked_sort3A_3704 = tpu.sort %select_n3A_3699, %select_n3A_3700 masked %masked_sort3A_3701 : (vector<16xf32>, vector<16xi32>, vector<16xi1>) -> (vector<16xi1>, vector<16xf32>, vector<16xi32>)
        %rev3A_3705 = arith.constant 15 : i32
        %rev3A_3706 = vector.broadcast %rev3A_3705 : i32 to vector<16xi32>
        %rev3A_3707 = tpu.iota {dimensions = array<i32: 0>} : vector<16xi32>
        %rev3A_3708 = arith.subi %rev3A_3706, %rev3A_3707 : vector<16xi32>
        %rev3A_3709 = tpu.dynamic_gather %masked_sort3A_3703[%rev3A_3708] in [0] : vector<16xf32>, vector<16xi32> -> vector<16xf32>
        %rev3A_3710 = arith.constant 15 : i32
        %rev3A_3711 = vector.broadcast %rev3A_3710 : i32 to vector<16xi32>
        %rev3A_3712 = tpu.iota {dimensions = array<i32: 0>} : vector<16xi32>
        %rev3A_3713 = arith.subi %rev3A_3711, %rev3A_3712 : vector<16xi32>
        %rev3A_3714 = tpu.dynamic_gather %masked_sort3A_3704[%rev3A_3713] in [0] : vector<16xi32>, vector<16xi32> -> vector<16xi32>
        %lt3A_3715 = arith.cmpf olt, %rev3A_3709, %masked_sort3A_3686 : vector<16xf32>
        %select_n3A_3716 = arith.select %lt3A_3715, %rev3A_3709, %masked_sort3A_3686 : vector<16xi1>, vector<16xf32>
        %select_n3A_3717 = arith.select %lt3A_3715, %rev3A_3714, %masked_sort3A_3687 : vector<16xi1>, vector<16xi32>
        %masked_sort3A_3718 = arith.constant dense<true> : vector<16xi1>
        %masked_sort3A_3719, %masked_sort3A_3720, %masked_sort3A_3721 = tpu.sort %select_n3A_3716, %select_n3A_3717 masked %masked_sort3A_3718 : (vector<16xf32>, vector<16xi32>, vector<16xi1>) -> (vector<16xi1>, vector<16xf32>, vector<16xi32>)
        %swap3A_3722 = arith.index_cast %add3A_1899 : i32 to index
        %swap3A_3723 = arith.constant 0 : index
        %swap3A_3724 = tpu.vector_load %arg15[%swap3A_3722, %swap3A_3723] {strides = array<i32>} : memref<256x16xi32, #tpu.memory_space<vmem>>, vector<16xi32>,
        tpu.vector_store %arg15[%swap3A_3722, %swap3A_3723], %masked_sort3A_3721 {strides = array<i32>} : memref<256x16xi32, #tpu.memory_space<vmem>>, vector<16xi32>,
        %add3A_3725 = arith.addi %mul3A_2, %add3A_1899 : i32
        %broadcast_in_dim3A_3726 = vector.broadcast %add3A_3725 : i32 to vector<16xi32>
        %gather3A_3727 = tpu.vector_load_idx %arg12[%broadcast_in_dim3A_3726] : memref<8192xf32, #tpu.memory_space<vmem>>[vector<16xi32>], vector<16xf32>,
        %gather3A_3728 = tpu.vector_load_idx %arg13[%broadcast_in_dim3A_3726] : memref<8192xf32, #tpu.memory_space<vmem>>[vector<16xi32>], vector<16xf32>,
        %gather3A_3729 = tpu.vector_load_idx %arg14[%broadcast_in_dim3A_3726] : memref<8192xf32, #tpu.memory_space<vmem>>[vector<16xi32>], vector<16xf32>,
        %gather3A_3730 = tpu.vector_load_idx %arg12[%masked_sort3A_3721] : memref<8192xf32, #tpu.memory_space<vmem>>[vector<16xi32>], vector<16xf32>,
        %gather3A_3731 = tpu.vector_load_idx %arg13[%masked_sort3A_3721] : memref<8192xf32, #tpu.memory_space<vmem>>[vector<16xi32>], vector<16xf32>,
        %gather3A_3732 = tpu.vector_load_idx %arg14[%masked_sort3A_3721] : memref<8192xf32, #tpu.memory_space<vmem>>[vector<16xi32>], vector<16xf32>,
        %sub3A_3733 = arith.subf %gather3A_3730, %gather3A_3727 : vector<16xf32>
        %swap3A_3734 = arith.index_cast %add3A_1899 : i32 to index
        %swap3A_3735 = arith.constant 0 : index
        %swap3A_3736 = tpu.vector_load %arg16[%swap3A_3734, %swap3A_3735] {strides = array<i32>} : memref<256x48xf32, #tpu.memory_space<vmem>>, vector<16xf32>,
        tpu.vector_store %arg16[%swap3A_3734, %swap3A_3735], %sub3A_3733 {strides = array<i32>} : memref<256x48xf32, #tpu.memory_space<vmem>>, vector<16xf32>,
        %sub3A_3737 = arith.subf %gather3A_3731, %gather3A_3728 : vector<16xf32>
        %swap3A_3738 = arith.index_cast %add3A_1899 : i32 to index
        %swap3A_3739 = arith.constant 16 : index
        %swap3A_3740 = tpu.vector_load %arg16[%swap3A_3738, %swap3A_3739] {strides = array<i32>} : memref<256x48xf32, #tpu.memory_space<vmem>>, vector<16xf32>,
        tpu.vector_store %arg16[%swap3A_3738, %swap3A_3739], %sub3A_3737 {strides = array<i32>} : memref<256x48xf32, #tpu.memory_space<vmem>>, vector<16xf32>,
        %sub3A_3741 = arith.subf %gather3A_3732, %gather3A_3729 : vector<16xf32>
        %swap3A_3742 = arith.index_cast %add3A_1899 : i32 to index
        %swap3A_3743 = arith.constant 32 : index
        %swap3A_3744 = tpu.vector_load %arg16[%swap3A_3742, %swap3A_3743] {strides = array<i32>} : memref<256x48xf32, #tpu.memory_space<vmem>>, vector<16xf32>,
        tpu.vector_store %arg16[%swap3A_3742, %swap3A_3743], %sub3A_3741 {strides = array<i32>} : memref<256x48xf32, #tpu.memory_space<vmem>>, vector<16xf32>,
      }
      %scan3A_27 = arith.constant 8 : i32
    }
    %scan3A_6 = arith.constant 16 : i32
    "tpu.region"() ({
      %run_scoped3A = tpu.sem_alloc : memref<!tpu.dma_semaphore, #tpu.memory_space<semaphore_mem>>
      %dma_start3A = arith.constant 0 : i32
      %dma_start3A_7 = tpu.memref_slice %arg7[%mul3A_2, %dma_start3A] : memref<8192x16xi32, #tpu.memory_space<hbm>> -> memref<256x16xi32, #tpu.memory_space<hbm>>
      %dma_start3A_8 = arith.constant 0 : i32
      %dma_start3A_9 = tpu.memref_slice %arg7[%mul3A_2, %dma_start3A_8] : memref<8192x16xi32, #tpu.memory_space<hbm>> -> memref<256x16xi32, #tpu.memory_space<hbm>>
      tpu.enqueue_dma source(%arg15 : memref<256x16xi32, #tpu.memory_space<vmem>>) target(%dma_start3A_9 : memref<256x16xi32, #tpu.memory_space<hbm>>) target_semaphore(%run_scoped3A : memref<!tpu.dma_semaphore, #tpu.memory_space<semaphore_mem>>)
      %dma_wait3A = arith.constant 0 : i32
      %dma_wait3A_10 = tpu.memref_slice %arg7[%mul3A_2, %dma_wait3A] : memref<8192x16xi32, #tpu.memory_space<hbm>> -> memref<256x16xi32, #tpu.memory_space<hbm>>
      %dma_wait3A_11 = arith.constant 0 : i32
      %dma_wait3A_12 = tpu.memref_slice %arg7[%mul3A_2, %dma_wait3A_11] : memref<8192x16xi32, #tpu.memory_space<hbm>> -> memref<256x16xi32, #tpu.memory_space<hbm>>
      tpu.wait_dma2 semaphore(%run_scoped3A : memref<!tpu.dma_semaphore, #tpu.memory_space<semaphore_mem>>) src(%arg15 : memref<256x16xi32, #tpu.memory_space<vmem>>) dst(%dma_wait3A_12 : memref<256x16xi32, #tpu.memory_space<hbm>>)
      tpu.yield
    }) : () -> ()
    "tpu.region"() ({
      %run_scoped3A = tpu.sem_alloc : memref<!tpu.dma_semaphore, #tpu.memory_space<semaphore_mem>>
      %dma_start3A = arith.constant 0 : i32
      %dma_start3A_7 = tpu.memref_slice %arg8[%mul3A_2, %dma_start3A] : memref<8192x48xf32, #tpu.memory_space<hbm>> -> memref<256x48xf32, #tpu.memory_space<hbm>>
      %dma_start3A_8 = arith.constant 0 : i32
      %dma_start3A_9 = tpu.memref_slice %arg8[%mul3A_2, %dma_start3A_8] : memref<8192x48xf32, #tpu.memory_space<hbm>> -> memref<256x48xf32, #tpu.memory_space<hbm>>
      tpu.enqueue_dma source(%arg16 : memref<256x48xf32, #tpu.memory_space<vmem>>) target(%dma_start3A_9 : memref<256x48xf32, #tpu.memory_space<hbm>>) target_semaphore(%run_scoped3A : memref<!tpu.dma_semaphore, #tpu.memory_space<semaphore_mem>>)
      %dma_wait3A = arith.constant 0 : i32
      %dma_wait3A_10 = tpu.memref_slice %arg8[%mul3A_2, %dma_wait3A] : memref<8192x48xf32, #tpu.memory_space<hbm>> -> memref<256x48xf32, #tpu.memory_space<hbm>>
      %dma_wait3A_11 = arith.constant 0 : i32
      %dma_wait3A_12 = tpu.memref_slice %arg8[%mul3A_2, %dma_wait3A_11] : memref<8192x48xf32, #tpu.memory_space<hbm>> -> memref<256x48xf32, #tpu.memory_space<hbm>>
      tpu.wait_dma2 semaphore(%run_scoped3A : memref<!tpu.dma_semaphore, #tpu.memory_space<semaphore_mem>>) src(%arg16 : memref<256x48xf32, #tpu.memory_space<vmem>>) dst(%dma_wait3A_12 : memref<256x48xf32, #tpu.memory_space<hbm>>)
      tpu.yield
    }) : () -> ()
    return
  }
}

#map = affine_map<(d0, d1) -> (0, 0)>
module attributes {stable_mosaic.version = 14 : i64} {
  func.func @k(%arg0: i32, %arg1: i32, %arg2: memref<8192x128xf32, #tpu.memory_space<hbm>>, %arg3: memref<1x131072xi32, #tpu.memory_space<hbm>>, %arg4: memref<131072x128xf32, #tpu.memory_space<hbm>>) attributes {dimension_semantics = [#tpu.dimension_semantics<core_parallel>, #tpu.dimension_semantics<subcore_parallel>], iteration_bounds = array<i64: 2, 16>, scalar_prefetch = 0 : i64, scratch_operands = 0 : i64, tpu.core_type = #tpu.core_type<sc_vector_subcore>, window_params = [{transform_indices = #map}, {transform_indices = #map}, {transform_indices = #map}]} {
    %mul3A = arith.constant 1 : i32
    %mul3A_0 = arith.muli %arg1, %mul3A : i32
    %add3A = arith.constant 0 : i32
    %add3A_1 = arith.addi %add3A, %mul3A_0 : i32
    %mul3A_2 = arith.constant 16 : i32
    %mul3A_3 = arith.muli %arg0, %mul3A_2 : i32
    %add3A_4 = arith.addi %add3A_1, %mul3A_3 : i32
    %mul3A_5 = arith.constant 32 : i32
    %mul3A_6 = arith.muli %add3A_4, %mul3A_5 : i32
    "tpu.region"() ({
      %run_scoped3A = memref.alloca() : memref<2x1x128xi32, #tpu.memory_space<vmem>>
      %run_scoped3A_7 = tpu.sem_alloc : memref<2x!tpu.dma_semaphore, #tpu.memory_space<semaphore_mem>>
      %run_scoped3A_8 = memref.alloca() : memref<2x128x128xf32, #tpu.memory_space<vmem>>
      %run_scoped3A_9 = tpu.sem_alloc : memref<2x!tpu.dma_semaphore, #tpu.memory_space<semaphore_mem>>
      %add3A_10 = arith.constant 0 : i32
      %add3A_11 = arith.addi %add3A_10, %mul3A_6 : i32
      %select_n3A = arith.constant true
      %select_n3A_12 = arith.constant 0 : i32
      %select_n3A_13 = arith.constant -1 : i32
      %select_n3A_14 = arith.select %select_n3A, %select_n3A_13, %select_n3A_12 : i32
      %eq3A = arith.constant -1 : i32
      %eq3A_15 = arith.cmpi eq, %select_n3A_14, %eq3A : i32
      %select_n3A_16 = arith.constant 31 : i32
      %select_n3A_17 = arith.select %eq3A_15, %select_n3A_16, %select_n3A_14 : i32
      %add3A_18 = arith.addi %select_n3A_17, %mul3A_6 : i32
      %select_n3A_19 = arith.constant true
      %select_n3A_20 = arith.constant 0 : i32
      %select_n3A_21 = arith.constant 1 : i32
      %select_n3A_22 = arith.select %select_n3A_19, %select_n3A_21, %select_n3A_20 : i32
      %eq3A_23 = arith.constant 32 : i32
      %eq3A_24 = arith.cmpi eq, %select_n3A_22, %eq3A_23 : i32
      %select_n3A_25 = arith.constant 0 : i32
      %select_n3A_26 = arith.select %eq3A_24, %select_n3A_25, %select_n3A_22 : i32
      %add3A_27 = arith.addi %select_n3A_26, %mul3A_6 : i32
      %add3A_28 = arith.constant 1 : i32
      %add3A_29 = arith.addi %select_n3A_26, %add3A_28 : i32
      %select_n3A_30 = arith.constant true
      %select_n3A_31 = arith.select %select_n3A_30, %add3A_29, %select_n3A_26 : i32
      %eq3A_32 = arith.constant 32 : i32
      %eq3A_33 = arith.cmpi eq, %select_n3A_31, %eq3A_32 : i32
      %select_n3A_34 = arith.constant 0 : i32
      %select_n3A_35 = arith.select %eq3A_33, %select_n3A_34, %select_n3A_31 : i32
      %add3A_36 = arith.addi %select_n3A_35, %mul3A_6 : i32
      "tpu.trace_start"() <{level = 10 : i32, message = "ep_initialize_0"}> : () -> ()
      %rem3A = arith.constant 0 : i32
      %rem3A_37 = arith.constant 2 : i32
      %rem3A_38 = arith.remui %rem3A, %rem3A_37 : i32
      %mul3A_39 = arith.constant 128 : i32
      %mul3A_40 = arith.muli %mul3A_39, %add3A_11 : i32
      %dma_start3A = arith.constant 0 : i32
      %dma_start3A_41 = arith.constant 0 : i32
      %dma_start3A_42 = tpu.memref_slice %run_scoped3A[%rem3A_38, %dma_start3A, %dma_start3A_41] : memref<2x1x128xi32, #tpu.memory_space<vmem>> -> memref<1x1x128xi32, #tpu.memory_space<vmem>>
      %dma_start3A_43 = tpu.memref_squeeze %dma_start3A_42 : memref<1x1x128xi32, #tpu.memory_space<vmem>> -> memref<1x128xi32, #tpu.memory_space<vmem>>
      %dma_start3A_44 = arith.constant 0 : i32
      %dma_start3A_45 = tpu.memref_slice %arg3[%dma_start3A_44, %mul3A_40] : memref<1x131072xi32, #tpu.memory_space<hbm>> -> memref<1x128xi32, #tpu.memory_space<hbm>>
      %dma_start3A_46 = tpu.memref_slice %run_scoped3A_7[%rem3A_38] : memref<2x!tpu.dma_semaphore, #tpu.memory_space<semaphore_mem>> -> memref<1x!tpu.dma_semaphore, #tpu.memory_space<semaphore_mem>>
      %dma_start3A_47 = tpu.memref_squeeze %dma_start3A_46 : memref<1x!tpu.dma_semaphore, #tpu.memory_space<semaphore_mem>> -> memref<!tpu.dma_semaphore, #tpu.memory_space<semaphore_mem>>
      %dma_start3A_48 = arith.constant 0 : i32
      %dma_start3A_49 = arith.constant 0 : i32
      %dma_start3A_50 = tpu.memref_slice %run_scoped3A[%rem3A_38, %dma_start3A_48, %dma_start3A_49] : memref<2x1x128xi32, #tpu.memory_space<vmem>> -> memref<1x1x128xi32, #tpu.memory_space<vmem>>
      %dma_start3A_51 = tpu.memref_squeeze %dma_start3A_50 : memref<1x1x128xi32, #tpu.memory_space<vmem>> -> memref<1x128xi32, #tpu.memory_space<vmem>>
      %dma_start3A_52 = arith.constant 0 : i32
      %dma_start3A_53 = tpu.memref_slice %arg3[%dma_start3A_52, %mul3A_40] : memref<1x131072xi32, #tpu.memory_space<hbm>> -> memref<1x128xi32, #tpu.memory_space<hbm>>
      tpu.enqueue_dma source(%dma_start3A_53 : memref<1x128xi32, #tpu.memory_space<hbm>>) target(%dma_start3A_51 : memref<1x128xi32, #tpu.memory_space<vmem>>) target_semaphore(%dma_start3A_47 : memref<!tpu.dma_semaphore, #tpu.memory_space<semaphore_mem>>)
      %add3A_54 = arith.constant 0 : i32
      %add3A_55 = arith.constant 1 : i32
      %add3A_56 = arith.addi %add3A_54, %add3A_55 : i32
      %select_n3A_57 = arith.constant true
      %select_n3A_58 = arith.constant 0 : i32
      %select_n3A_59 = arith.select %select_n3A_57, %add3A_56, %select_n3A_58 : i32
      "tpu.trace_stop"() : () -> ()
      %scan3A = arith.constant 0 : i32
      %scan3A_60 = arith.constant 0 : i32
      %scan3A_61 = arith.constant 0 : i32
      %scan3A_62 = arith.constant 0 : i32
      %scan3A_63 = arith.constant 0 : i32
      %scan3A_64 = arith.constant 32 : i32
      %scan3A_65 = arith.addi %scan3A_63, %scan3A_64 : i32
      %scan3A_66 = arith.constant 1 : i32
      %scan3A_67:5 = scf.for %scan3A_121 = %scan3A_63 to %scan3A_65 step %scan3A_66 iter_args(%scan3A_122 = %select_n3A_59, %scan3A_123 = %scan3A, %scan3A_124 = %scan3A_60, %scan3A_125 = %scan3A_61, %scan3A_126 = %scan3A_62) -> (i32, i32, i32, i32, i32)  : i32 {
        %eq3A_127 = arith.constant 0 : i32
        %eq3A_128 = arith.cmpi eq, %scan3A_121, %eq3A_127 : i32
        %eq3A_129 = arith.constant 31 : i32
        %eq3A_130 = arith.cmpi eq, %scan3A_121, %eq3A_129 : i32
        %add3A_131 = arith.addi %scan3A_126, %mul3A_6 : i32
        %sub3A_132 = arith.constant 1 : i32
        %sub3A_133 = arith.subi %scan3A_126, %sub3A_132 : i32
        %select_n3A_134 = arith.constant true
        %select_n3A_135 = arith.select %select_n3A_134, %sub3A_133, %scan3A_126 : i32
        %eq3A_136 = arith.constant -1 : i32
        %eq3A_137 = arith.cmpi eq, %select_n3A_135, %eq3A_136 : i32
        %select_n3A_138 = arith.constant 31 : i32
        %select_n3A_139 = arith.select %eq3A_137, %select_n3A_138, %select_n3A_135 : i32
        %add3A_140 = arith.addi %select_n3A_139, %mul3A_6 : i32
        %add3A_141 = arith.constant 1 : i32
        %add3A_142 = arith.addi %scan3A_126, %add3A_141 : i32
        %select_n3A_143 = arith.constant true
        %select_n3A_144 = arith.select %select_n3A_143, %add3A_142, %scan3A_126 : i32
        %eq3A_145 = arith.constant 32 : i32
        %eq3A_146 = arith.cmpi eq, %select_n3A_144, %eq3A_145 : i32
        %select_n3A_147 = arith.constant 0 : i32
        %select_n3A_148 = arith.select %eq3A_146, %select_n3A_147, %select_n3A_144 : i32
        %add3A_149 = arith.addi %select_n3A_148, %mul3A_6 : i32
        %add3A_150 = arith.constant 1 : i32
        %add3A_151 = arith.addi %select_n3A_148, %add3A_150 : i32
        %select_n3A_152 = arith.constant true
        %select_n3A_153 = arith.select %select_n3A_152, %add3A_151, %select_n3A_148 : i32
        %eq3A_154 = arith.constant 32 : i32
        %eq3A_155 = arith.cmpi eq, %select_n3A_153, %eq3A_154 : i32
        %select_n3A_156 = arith.constant 0 : i32
        %select_n3A_157 = arith.select %eq3A_155, %select_n3A_156, %select_n3A_153 : i32
        %add3A_158 = arith.addi %select_n3A_157, %mul3A_6 : i32
        %ne3A = arith.cmpi ne, %add3A_131, %add3A_149 : i32
        %or3A = arith.constant false
        %or3A_159 = arith.ori %or3A, %ne3A : i1
        %ge3A = arith.constant 31 : i32
        %ge3A_160 = arith.cmpi sge, %scan3A_121, %ge3A : i32
        %not3A = arith.constant true
        %not3A_161 = arith.xori %ge3A_160, %not3A : i1
        %and3A = arith.andi %or3A_159, %not3A_161 : i1
        %convert_element_type3A = arith.extui %and3A : i1 to i32
        %cond3A = arith.constant 0 : i32
        %cond3A_162 = arith.cmpi ne, %convert_element_type3A, %cond3A : i32
        scf.if %cond3A_162 {
          "tpu.trace_start"() <{level = 10 : i32, message = "ep_copy_in"}> : () -> ()
          %rem3A_264 = arith.constant 2 : i32
          %rem3A_265 = arith.remui %scan3A_122, %rem3A_264 : i32
          %mul3A_266 = arith.constant 128 : i32
          %mul3A_267 = arith.muli %mul3A_266, %add3A_149 : i32
          %dma_start3A_268 = arith.constant 0 : i32
          %dma_start3A_269 = arith.constant 0 : i32
          %dma_start3A_270 = tpu.memref_slice %run_scoped3A[%rem3A_265, %dma_start3A_268, %dma_start3A_269] : memref<2x1x128xi32, #tpu.memory_space<vmem>> -> memref<1x1x128xi32, #tpu.memory_space<vmem>>
          %dma_start3A_271 = tpu.memref_squeeze %dma_start3A_270 : memref<1x1x128xi32, #tpu.memory_space<vmem>> -> memref<1x128xi32, #tpu.memory_space<vmem>>
          %dma_start3A_272 = arith.constant 0 : i32
          %dma_start3A_273 = tpu.memref_slice %arg3[%dma_start3A_272, %mul3A_267] : memref<1x131072xi32, #tpu.memory_space<hbm>> -> memref<1x128xi32, #tpu.memory_space<hbm>>
          %dma_start3A_274 = tpu.memref_slice %run_scoped3A_7[%rem3A_265] : memref<2x!tpu.dma_semaphore, #tpu.memory_space<semaphore_mem>> -> memref<1x!tpu.dma_semaphore, #tpu.memory_space<semaphore_mem>>
          %dma_start3A_275 = tpu.memref_squeeze %dma_start3A_274 : memref<1x!tpu.dma_semaphore, #tpu.memory_space<semaphore_mem>> -> memref<!tpu.dma_semaphore, #tpu.memory_space<semaphore_mem>>
          %dma_start3A_276 = arith.constant 0 : i32
          %dma_start3A_277 = arith.constant 0 : i32
          %dma_start3A_278 = tpu.memref_slice %run_scoped3A[%rem3A_265, %dma_start3A_276, %dma_start3A_277] : memref<2x1x128xi32, #tpu.memory_space<vmem>> -> memref<1x1x128xi32, #tpu.memory_space<vmem>>
          %dma_start3A_279 = tpu.memref_squeeze %dma_start3A_278 : memref<1x1x128xi32, #tpu.memory_space<vmem>> -> memref<1x128xi32, #tpu.memory_space<vmem>>
          %dma_start3A_280 = arith.constant 0 : i32
          %dma_start3A_281 = tpu.memref_slice %arg3[%dma_start3A_280, %mul3A_267] : memref<1x131072xi32, #tpu.memory_space<hbm>> -> memref<1x128xi32, #tpu.memory_space<hbm>>
          tpu.enqueue_dma source(%dma_start3A_281 : memref<1x128xi32, #tpu.memory_space<hbm>>) target(%dma_start3A_279 : memref<1x128xi32, #tpu.memory_space<vmem>>) target_semaphore(%dma_start3A_275 : memref<!tpu.dma_semaphore, #tpu.memory_space<semaphore_mem>>)
          "tpu.trace_stop"() : () -> ()
        } else {
        }
        %and3A_163 = arith.constant true
        %and3A_164 = arith.andi %and3A, %and3A_163 : i1
        %add3A_165 = arith.constant 1 : i32
        %add3A_166 = arith.addi %scan3A_122, %add3A_165 : i32
        %select_n3A_167 = arith.select %and3A_164, %add3A_166, %scan3A_122 : i32
        %ne3A_168 = arith.cmpi ne, %add3A_131, %add3A_149 : i32
        %or3A_169 = arith.constant false
        %or3A_170 = arith.ori %or3A_169, %ne3A_168 : i1
        %or3A_171 = arith.constant false
        %or3A_172 = arith.ori %or3A_170, %or3A_171 : i1
        %ge3A_173 = arith.constant 31 : i32
        %ge3A_174 = arith.cmpi sge, %scan3A_121, %ge3A_173 : i32
        %not3A_175 = arith.constant true
        %not3A_176 = arith.xori %ge3A_174, %not3A_175 : i1
        %and3A_177 = arith.andi %or3A_172, %not3A_176 : i1
        %ne3A_178 = arith.cmpi ne, %add3A_131, %add3A_140 : i32
        %or3A_179 = arith.constant false
        %or3A_180 = arith.ori %or3A_179, %ne3A_178 : i1
        %or3A_181 = arith.ori %or3A_180, %eq3A_128 : i1
        %convert_element_type3A_182 = arith.extui %or3A_181 : i1 to i32
        %cond3A_183 = arith.constant 0 : i32
        %cond3A_184 = arith.cmpi ne, %convert_element_type3A_182, %cond3A_183 : i32
        scf.if %cond3A_184 {
          "tpu.trace_start"() <{level = 10 : i32, message = "ep_wait_in"}> : () -> ()
          %mul3A_264 = arith.constant 128 : i32
          %mul3A_265 = arith.muli %mul3A_264, %add3A_131 : i32
          %rem3A_266 = arith.constant 2 : i32
          %rem3A_267 = arith.remui %scan3A_123, %rem3A_266 : i32
          %dma_wait3A_268 = arith.constant 0 : i32
          %dma_wait3A_269 = arith.constant 0 : i32
          %dma_wait3A_270 = tpu.memref_slice %run_scoped3A[%rem3A_267, %dma_wait3A_268, %dma_wait3A_269] : memref<2x1x128xi32, #tpu.memory_space<vmem>> -> memref<1x1x128xi32, #tpu.memory_space<vmem>>
          %dma_wait3A_271 = tpu.memref_squeeze %dma_wait3A_270 : memref<1x1x128xi32, #tpu.memory_space<vmem>> -> memref<1x128xi32, #tpu.memory_space<vmem>>
          %dma_wait3A_272 = arith.constant 0 : i32
          %dma_wait3A_273 = tpu.memref_slice %arg3[%dma_wait3A_272, %mul3A_265] : memref<1x131072xi32, #tpu.memory_space<hbm>> -> memref<1x128xi32, #tpu.memory_space<hbm>>
          %dma_wait3A_274 = tpu.memref_slice %run_scoped3A_7[%rem3A_267] : memref<2x!tpu.dma_semaphore, #tpu.memory_space<semaphore_mem>> -> memref<1x!tpu.dma_semaphore, #tpu.memory_space<semaphore_mem>>
          %dma_wait3A_275 = tpu.memref_squeeze %dma_wait3A_274 : memref<1x!tpu.dma_semaphore, #tpu.memory_space<semaphore_mem>> -> memref<!tpu.dma_semaphore, #tpu.memory_space<semaphore_mem>>
          %dma_wait3A_276 = arith.constant 0 : i32
          %dma_wait3A_277 = arith.constant 0 : i32
          %dma_wait3A_278 = tpu.memref_slice %run_scoped3A[%rem3A_267, %dma_wait3A_276, %dma_wait3A_277] : memref<2x1x128xi32, #tpu.memory_space<vmem>> -> memref<1x1x128xi32, #tpu.memory_space<vmem>>
          %dma_wait3A_279 = tpu.memref_squeeze %dma_wait3A_278 : memref<1x1x128xi32, #tpu.memory_space<vmem>> -> memref<1x128xi32, #tpu.memory_space<vmem>>
          %dma_wait3A_280 = arith.constant 0 : i32
          %dma_wait3A_281 = tpu.memref_slice %arg3[%dma_wait3A_280, %mul3A_265] : memref<1x131072xi32, #tpu.memory_space<hbm>> -> memref<1x128xi32, #tpu.memory_space<hbm>>
          tpu.wait_dma2 semaphore(%dma_wait3A_275 : memref<!tpu.dma_semaphore, #tpu.memory_space<semaphore_mem>>) src(%dma_wait3A_281 : memref<1x128xi32, #tpu.memory_space<hbm>>) dst(%dma_wait3A_279 : memref<1x128xi32, #tpu.memory_space<vmem>>)
          "tpu.trace_stop"() : () -> ()
        } else {
        }
        %ne3A_185 = arith.cmpi ne, %add3A_131, %add3A_140 : i32
        %or3A_186 = arith.constant false
        %or3A_187 = arith.ori %or3A_186, %ne3A_185 : i1
        %or3A_188 = arith.constant false
        %or3A_189 = arith.ori %or3A_187, %or3A_188 : i1
        %or3A_190 = arith.ori %or3A_189, %eq3A_128 : i1
        %convert_element_type3A_191 = arith.extui %or3A_190 : i1 to i32
        %cond3A_192 = arith.constant 0 : i32
        %cond3A_193 = arith.cmpi ne, %convert_element_type3A_191, %cond3A_192 : i32
        scf.if %cond3A_193 {
        } else {
        }
        %rem3A_194 = arith.constant 2 : i32
        %rem3A_195 = arith.remui %scan3A_123, %rem3A_194 : i32
        %rem3A_196 = arith.constant 2 : i32
        %rem3A_197 = arith.remui %scan3A_124, %rem3A_196 : i32
        %run_scoped3A_198 = arith.constant 0 : i32
        "tpu.trace_start"() <{level = 10 : i32, message = "ep_run_kernel"}> : () -> ()
        "tpu.region"() ({
          %run_scoped3A_264 = tpu.sem_alloc : memref<!tpu.dma_semaphore, #tpu.memory_space<semaphore_mem>>
          %dma_start3A_265 = arith.constant 0 : i32
          %dma_start3A_266 = arith.constant 0 : i32
          %dma_start3A_267 = tpu.memref_slice %run_scoped3A_8[%rem3A_197, %dma_start3A_265, %dma_start3A_266] : memref<2x128x128xf32, #tpu.memory_space<vmem>> -> memref<1x128x128xf32, #tpu.memory_space<vmem>>
          %dma_start3A_268 = tpu.memref_squeeze %dma_start3A_267 : memref<1x128x128xf32, #tpu.memory_space<vmem>> -> memref<128x128xf32, #tpu.memory_space<vmem>>
          %dma_start3A_269 = arith.constant 0 : i32
          %dma_start3A_270 = arith.constant 0 : i32
          %dma_start3A_271 = tpu.memref_slice %run_scoped3A[%rem3A_195, %dma_start3A_269, %dma_start3A_270] : memref<2x1x128xi32, #tpu.memory_space<vmem>> -> memref<1x1x128xi32, #tpu.memory_space<vmem>>
          %dma_start3A_272 = tpu.memref_squeeze %dma_start3A_271 : memref<1x1x128xi32, #tpu.memory_space<vmem>> -> memref<1x128xi32, #tpu.memory_space<vmem>>
          %dma_start3A_273 = arith.constant 0 : i32
          %dma_start3A_274 = tpu.memref_slice %dma_start3A_272[%run_scoped3A_198, %dma_start3A_273] : memref<1x128xi32, #tpu.memory_space<vmem>> -> memref<1x128xi32, #tpu.memory_space<vmem>>
          %dma_start3A_275 = tpu.memref_squeeze %dma_start3A_274 : memref<1x128xi32, #tpu.memory_space<vmem>> -> memref<128xi32, #tpu.memory_space<vmem>>
          %dma_start3A_276 = arith.constant 0 : i32
          %dma_start3A_277 = arith.constant 0 : i32
          %dma_start3A_278 = tpu.memref_slice %arg2[%dma_start3A_276, %dma_start3A_277] : memref<8192x128xf32, #tpu.memory_space<hbm>> -> memref<8192x128xf32, #tpu.memory_space<hbm>>
          tpu.enqueue_indirect_dma source(%dma_start3A_278 : memref<8192x128xf32, #tpu.memory_space<hbm>>) target(%dma_start3A_268 : memref<128x128xf32, #tpu.memory_space<vmem>>) offsets(%dma_start3A_275 : memref<128xi32, #tpu.memory_space<vmem>>) semaphore(%run_scoped3A_264 : memref<!tpu.dma_semaphore, #tpu.memory_space<semaphore_mem>>)
          %dma_wait3A_279 = arith.constant 0 : i32
          %dma_wait3A_280 = arith.constant 0 : i32
          %dma_wait3A_281 = tpu.memref_slice %run_scoped3A_8[%rem3A_197, %dma_wait3A_279, %dma_wait3A_280] : memref<2x128x128xf32, #tpu.memory_space<vmem>> -> memref<1x128x128xf32, #tpu.memory_space<vmem>>
          %dma_wait3A_282 = tpu.memref_squeeze %dma_wait3A_281 : memref<1x128x128xf32, #tpu.memory_space<vmem>> -> memref<128x128xf32, #tpu.memory_space<vmem>>
          %dma_wait3A_283 = arith.constant 0 : i32
          %dma_wait3A_284 = arith.constant 0 : i32
          %dma_wait3A_285 = tpu.memref_slice %run_scoped3A[%rem3A_195, %dma_wait3A_283, %dma_wait3A_284] : memref<2x1x128xi32, #tpu.memory_space<vmem>> -> memref<1x1x128xi32, #tpu.memory_space<vmem>>
          %dma_wait3A_286 = tpu.memref_squeeze %dma_wait3A_285 : memref<1x1x128xi32, #tpu.memory_space<vmem>> -> memref<1x128xi32, #tpu.memory_space<vmem>>
          %dma_wait3A_287 = arith.constant 0 : i32
          %dma_wait3A_288 = tpu.memref_slice %dma_wait3A_286[%run_scoped3A_198, %dma_wait3A_287] : memref<1x128xi32, #tpu.memory_space<vmem>> -> memref<1x128xi32, #tpu.memory_space<vmem>>
          %dma_wait3A_289 = tpu.memref_squeeze %dma_wait3A_288 : memref<1x128xi32, #tpu.memory_space<vmem>> -> memref<128xi32, #tpu.memory_space<vmem>>
          %dma_wait3A_290 = arith.constant 0 : i32
          %dma_wait3A_291 = arith.constant 0 : i32
          %dma_wait3A_292 = tpu.memref_slice %arg2[%dma_wait3A_290, %dma_wait3A_291] : memref<8192x128xf32, #tpu.memory_space<hbm>> -> memref<8192x128xf32, #tpu.memory_space<hbm>>
          tpu.wait_indirect_dma semaphore(%run_scoped3A_264 : memref<!tpu.dma_semaphore, #tpu.memory_space<semaphore_mem>>) src(%dma_wait3A_292 : memref<8192x128xf32, #tpu.memory_space<hbm>>) dst(%dma_wait3A_282 : memref<128x128xf32, #tpu.memory_space<vmem>>)
          tpu.yield
        }) : () -> ()
        "tpu.trace_stop"() : () -> ()
        %ne3A_199 = arith.cmpi ne, %add3A_131, %add3A_149 : i32
        %or3A_200 = arith.constant false
        %or3A_201 = arith.ori %or3A_200, %ne3A_199 : i1
        %or3A_202 = arith.ori %or3A_201, %eq3A_130 : i1
        %convert_element_type3A_203 = arith.extui %or3A_202 : i1 to i32
        %cond3A_204 = arith.constant 0 : i32
        %cond3A_205 = arith.cmpi ne, %convert_element_type3A_203, %cond3A_204 : i32
        scf.if %cond3A_205 {
        } else {
        }
        %and3A_206 = arith.constant false
        %and3A_207 = arith.andi %or3A_202, %and3A_206 : i1
        %ne3A_208 = arith.cmpi ne, %add3A_131, %add3A_149 : i32
        %or3A_209 = arith.constant false
        %or3A_210 = arith.ori %or3A_209, %ne3A_208 : i1
        %or3A_211 = arith.constant false
        %or3A_212 = arith.ori %or3A_210, %or3A_211 : i1
        %or3A_213 = arith.ori %or3A_212, %eq3A_130 : i1
        %convert_element_type3A_214 = arith.extui %or3A_213 : i1 to i32
        %cond3A_215 = arith.constant 0 : i32
        %cond3A_216 = arith.cmpi ne, %convert_element_type3A_214, %cond3A_215 : i32
        scf.if %cond3A_216 {
          "tpu.trace_start"() <{level = 10 : i32, message = "ep_copy_out"}> : () -> ()
          %rem3A_264 = arith.constant 2 : i32
          %rem3A_265 = arith.remui %scan3A_124, %rem3A_264 : i32
          %mul3A_266 = arith.constant 128 : i32
          %mul3A_267 = arith.muli %mul3A_266, %add3A_131 : i32
          %dma_start3A_268 = arith.constant 0 : i32
          %dma_start3A_269 = arith.constant 0 : i32
          %dma_start3A_270 = tpu.memref_slice %run_scoped3A_8[%rem3A_265, %dma_start3A_268, %dma_start3A_269] : memref<2x128x128xf32, #tpu.memory_space<vmem>> -> memref<1x128x128xf32, #tpu.memory_space<vmem>>
          %dma_start3A_271 = tpu.memref_squeeze %dma_start3A_270 : memref<1x128x128xf32, #tpu.memory_space<vmem>> -> memref<128x128xf32, #tpu.memory_space<vmem>>
          %dma_start3A_272 = arith.constant 0 : i32
          %dma_start3A_273 = tpu.memref_slice %arg4[%mul3A_267, %dma_start3A_272] : memref<131072x128xf32, #tpu.memory_space<hbm>> -> memref<128x128xf32, #tpu.memory_space<hbm>>
          %dma_start3A_274 = tpu.memref_slice %run_scoped3A_9[%rem3A_265] : memref<2x!tpu.dma_semaphore, #tpu.memory_space<semaphore_mem>> -> memref<1x!tpu.dma_semaphore, #tpu.memory_space<semaphore_mem>>
          %dma_start3A_275 = tpu.memref_squeeze %dma_start3A_274 : memref<1x!tpu.dma_semaphore, #tpu.memory_space<semaphore_mem>> -> memref<!tpu.dma_semaphore, #tpu.memory_space<semaphore_mem>>
          %dma_start3A_276 = arith.constant 0 : i32
          %dma_start3A_277 = tpu.memref_slice %arg4[%mul3A_267, %dma_start3A_276] : memref<131072x128xf32, #tpu.memory_space<hbm>> -> memref<128x128xf32, #tpu.memory_space<hbm>>
          %dma_start3A_278 = arith.constant 0 : i32
          %dma_start3A_279 = arith.constant 0 : i32
          %dma_start3A_280 = tpu.memref_slice %run_scoped3A_8[%rem3A_265, %dma_start3A_278, %dma_start3A_279] : memref<2x128x128xf32, #tpu.memory_space<vmem>> -> memref<1x128x128xf32, #tpu.memory_space<vmem>>
          %dma_start3A_281 = tpu.memref_squeeze %dma_start3A_280 : memref<1x128x128xf32, #tpu.memory_space<vmem>> -> memref<128x128xf32, #tpu.memory_space<vmem>>
          tpu.enqueue_dma source(%dma_start3A_281 : memref<128x128xf32, #tpu.memory_space<vmem>>) target(%dma_start3A_277 : memref<128x128xf32, #tpu.memory_space<hbm>>) target_semaphore(%dma_start3A_275 : memref<!tpu.dma_semaphore, #tpu.memory_space<semaphore_mem>>)
          "tpu.trace_stop"() : () -> ()
        } else {
        }
        %and3A_217 = arith.constant true
        %and3A_218 = arith.andi %or3A_213, %and3A_217 : i1
        %add3A_219 = arith.constant 1 : i32
        %add3A_220 = arith.addi %scan3A_124, %add3A_219 : i32
        %select_n3A_221 = arith.select %and3A_218, %add3A_220, %scan3A_124 : i32
        %ne3A_222 = arith.cmpi ne, %add3A_131, %add3A_140 : i32
        %or3A_223 = arith.constant false
        %or3A_224 = arith.ori %or3A_223, %ne3A_222 : i1
        %not3A_225 = arith.constant true
        %not3A_226 = arith.xori %eq3A_128, %not3A_225 : i1
        %and3A_227 = arith.andi %or3A_224, %not3A_226 : i1
        %convert_element_type3A_228 = arith.extui %and3A_227 : i1 to i32
        %cond3A_229 = arith.constant 0 : i32
        %cond3A_230 = arith.cmpi ne, %convert_element_type3A_228, %cond3A_229 : i32
        scf.if %cond3A_230 {
        } else {
        }
        %and3A_231 = arith.constant false
        %and3A_232 = arith.andi %and3A_227, %and3A_231 : i1
        %ne3A_233 = arith.cmpi ne, %add3A_131, %add3A_140 : i32
        %or3A_234 = arith.constant false
        %or3A_235 = arith.ori %or3A_234, %ne3A_233 : i1
        %or3A_236 = arith.constant false
        %or3A_237 = arith.ori %or3A_235, %or3A_236 : i1
        %not3A_238 = arith.constant true
        %not3A_239 = arith.xori %eq3A_128, %not3A_238 : i1
        %and3A_240 = arith.andi %or3A_237, %not3A_239 : i1
        %convert_element_type3A_241 = arith.extui %and3A_240 : i1 to i32
        %cond3A_242 = arith.constant 0 : i32
        %cond3A_243 = arith.cmpi ne, %convert_element_type3A_241, %cond3A_242 : i32
        scf.if %cond3A_243 {
          "tpu.trace_start"() <{level = 10 : i32, message = "ep_wait_out"}> : () -> ()
          %rem3A_264 = arith.constant 2 : i32
          %rem3A_265 = arith.remui %scan3A_125, %rem3A_264 : i32
          %mul3A_266 = arith.constant 128 : i32
          %mul3A_267 = arith.muli %mul3A_266, %add3A_140 : i32
          %dma_wait3A_268 = arith.constant 0 : i32
          %dma_wait3A_269 = arith.constant 0 : i32
          %dma_wait3A_270 = tpu.memref_slice %run_scoped3A_8[%rem3A_265, %dma_wait3A_268, %dma_wait3A_269] : memref<2x128x128xf32, #tpu.memory_space<vmem>> -> memref<1x128x128xf32, #tpu.memory_space<vmem>>
          %dma_wait3A_271 = tpu.memref_squeeze %dma_wait3A_270 : memref<1x128x128xf32, #tpu.memory_space<vmem>> -> memref<128x128xf32, #tpu.memory_space<vmem>>
          %dma_wait3A_272 = arith.constant 0 : i32
          %dma_wait3A_273 = tpu.memref_slice %arg4[%mul3A_267, %dma_wait3A_272] : memref<131072x128xf32, #tpu.memory_space<hbm>> -> memref<128x128xf32, #tpu.memory_space<hbm>>
          %dma_wait3A_274 = tpu.memref_slice %run_scoped3A_9[%rem3A_265] : memref<2x!tpu.dma_semaphore, #tpu.memory_space<semaphore_mem>> -> memref<1x!tpu.dma_semaphore, #tpu.memory_space<semaphore_mem>>
          %dma_wait3A_275 = tpu.memref_squeeze %dma_wait3A_274 : memref<1x!tpu.dma_semaphore, #tpu.memory_space<semaphore_mem>> -> memref<!tpu.dma_semaphore, #tpu.memory_space<semaphore_mem>>
          %dma_wait3A_276 = arith.constant 0 : i32
          %dma_wait3A_277 = tpu.memref_slice %arg4[%mul3A_267, %dma_wait3A_276] : memref<131072x128xf32, #tpu.memory_space<hbm>> -> memref<128x128xf32, #tpu.memory_space<hbm>>
          %dma_wait3A_278 = arith.constant 0 : i32
          %dma_wait3A_279 = arith.constant 0 : i32
          %dma_wait3A_280 = tpu.memref_slice %run_scoped3A_8[%rem3A_265, %dma_wait3A_278, %dma_wait3A_279] : memref<2x128x128xf32, #tpu.memory_space<vmem>> -> memref<1x128x128xf32, #tpu.memory_space<vmem>>
          %dma_wait3A_281 = tpu.memref_squeeze %dma_wait3A_280 : memref<1x128x128xf32, #tpu.memory_space<vmem>> -> memref<128x128xf32, #tpu.memory_space<vmem>>
          tpu.wait_dma2 semaphore(%dma_wait3A_275 : memref<!tpu.dma_semaphore, #tpu.memory_space<semaphore_mem>>) src(%dma_wait3A_281 : memref<128x128xf32, #tpu.memory_space<vmem>>) dst(%dma_wait3A_277 : memref<128x128xf32, #tpu.memory_space<hbm>>)
          "tpu.trace_stop"() : () -> ()
        } else {
        }
        %and3A_244 = arith.constant true
        %and3A_245 = arith.andi %and3A_240, %and3A_244 : i1
        %add3A_246 = arith.constant 1 : i32
        %add3A_247 = arith.addi %scan3A_125, %add3A_246 : i32
        %select_n3A_248 = arith.select %and3A_245, %add3A_247, %scan3A_125 : i32
        %ne3A_249 = arith.cmpi ne, %add3A_131, %add3A_149 : i32
        %or3A_250 = arith.constant false
        %or3A_251 = arith.ori %or3A_250, %ne3A_249 : i1
        %or3A_252 = arith.ori %or3A_251, %eq3A_130 : i1
        %add3A_253 = arith.constant 1 : i32
        %add3A_254 = arith.addi %scan3A_123, %add3A_253 : i32
        %select_n3A_255 = arith.select %or3A_252, %add3A_254, %scan3A_123 : i32
        %add3A_256 = arith.constant 1 : i32
        %add3A_257 = arith.addi %scan3A_126, %add3A_256 : i32
        %select_n3A_258 = arith.constant true
        %select_n3A_259 = arith.select %select_n3A_258, %add3A_257, %scan3A_126 : i32
        %eq3A_260 = arith.constant 32 : i32
        %eq3A_261 = arith.cmpi eq, %select_n3A_259, %eq3A_260 : i32
        %select_n3A_262 = arith.constant 0 : i32
        %select_n3A_263 = arith.select %eq3A_261, %select_n3A_262, %select_n3A_259 : i32
        scf.yield %select_n3A_167, %select_n3A_255, %select_n3A_221, %select_n3A_248, %select_n3A_263 : i32, i32, i32, i32, i32
      }
      %scan3A_68 = arith.constant 32 : i32
      %sub3A = arith.constant 1 : i32
      %sub3A_69 = arith.subi %scan3A_67#4, %sub3A : i32
      %select_n3A_70 = arith.constant true
      %select_n3A_71 = arith.select %select_n3A_70, %sub3A_69, %scan3A_67#4 : i32
      %eq3A_72 = arith.constant -1 : i32
      %eq3A_73 = arith.cmpi eq, %select_n3A_71, %eq3A_72 : i32
      %select_n3A_74 = arith.constant 31 : i32
      %select_n3A_75 = arith.select %eq3A_73, %select_n3A_74, %select_n3A_71 : i32
      %add3A_76 = arith.addi %select_n3A_75, %mul3A_6 : i32
      %sub3A_77 = arith.constant 1 : i32
      %sub3A_78 = arith.subi %select_n3A_75, %sub3A_77 : i32
      %select_n3A_79 = arith.constant true
      %select_n3A_80 = arith.select %select_n3A_79, %sub3A_78, %select_n3A_75 : i32
      %eq3A_81 = arith.constant -1 : i32
      %eq3A_82 = arith.cmpi eq, %select_n3A_80, %eq3A_81 : i32
      %select_n3A_83 = arith.constant 31 : i32
      %select_n3A_84 = arith.select %eq3A_82, %select_n3A_83, %select_n3A_80 : i32
      %add3A_85 = arith.addi %select_n3A_84, %mul3A_6 : i32
      %add3A_86 = arith.constant 1 : i32
      %add3A_87 = arith.addi %select_n3A_75, %add3A_86 : i32
      %select_n3A_88 = arith.constant true
      %select_n3A_89 = arith.select %select_n3A_88, %add3A_87, %select_n3A_75 : i32
      %eq3A_90 = arith.constant 32 : i32
      %eq3A_91 = arith.cmpi eq, %select_n3A_89, %eq3A_90 : i32
      %select_n3A_92 = arith.constant 0 : i32
      %select_n3A_93 = arith.select %eq3A_91, %select_n3A_92, %select_n3A_89 : i32
      %add3A_94 = arith.addi %select_n3A_93, %mul3A_6 : i32
      %add3A_95 = arith.constant 1 : i32
      %add3A_96 = arith.addi %select_n3A_93, %add3A_95 : i32
      %select_n3A_97 = arith.constant true
      %select_n3A_98 = arith.select %select_n3A_97, %add3A_96, %select_n3A_93 : i32
      %eq3A_99 = arith.constant 32 : i32
      %eq3A_100 = arith.cmpi eq, %select_n3A_98, %eq3A_99 : i32
      %select_n3A_101 = arith.constant 0 : i32
      %select_n3A_102 = arith.select %eq3A_100, %select_n3A_101, %select_n3A_98 : i32
      %add3A_103 = arith.addi %select_n3A_102, %mul3A_6 : i32
      "tpu.trace_start"() <{level = 10 : i32, message = "ep_finalize"}> : () -> ()
      %rem3A_104 = arith.constant 2 : i32
      %rem3A_105 = arith.remui %scan3A_67#3, %rem3A_104 : i32
      %mul3A_106 = arith.constant 128 : i32
      %mul3A_107 = arith.muli %mul3A_106, %add3A_76 : i32
      %dma_wait3A = arith.constant 0 : i32
      %dma_wait3A_108 = arith.constant 0 : i32
      %dma_wait3A_109 = tpu.memref_slice %run_scoped3A_8[%rem3A_105, %dma_wait3A, %dma_wait3A_108] : memref<2x128x128xf32, #tpu.memory_space<vmem>> -> memref<1x128x128xf32, #tpu.memory_space<vmem>>
      %dma_wait3A_110 = tpu.memref_squeeze %dma_wait3A_109 : memref<1x128x128xf32, #tpu.memory_space<vmem>> -> memref<128x128xf32, #tpu.memory_space<vmem>>
      %dma_wait3A_111 = arith.constant 0 : i32
      %dma_wait3A_112 = tpu.memref_slice %arg4[%mul3A_107, %dma_wait3A_111] : memref<131072x128xf32, #tpu.memory_space<hbm>> -> memref<128x128xf32, #tpu.memory_space<hbm>>
      %dma_wait3A_113 = tpu.memref_slice %run_scoped3A_9[%rem3A_105] : memref<2x!tpu.dma_semaphore, #tpu.memory_space<semaphore_mem>> -> memref<1x!tpu.dma_semaphore, #tpu.memory_space<semaphore_mem>>
      %dma_wait3A_114 = tpu.memref_squeeze %dma_wait3A_113 : memref<1x!tpu.dma_semaphore, #tpu.memory_space<semaphore_mem>> -> memref<!tpu.dma_semaphore, #tpu.memory_space<semaphore_mem>>
      %dma_wait3A_115 = arith.constant 0 : i32
      %dma_wait3A_116 = tpu.memref_slice %arg4[%mul3A_107, %dma_wait3A_115] : memref<131072x128xf32, #tpu.memory_space<hbm>> -> memref<128x128xf32, #tpu.memory_space<hbm>>
      %dma_wait3A_117 = arith.constant 0 : i32
      %dma_wait3A_118 = arith.constant 0 : i32
      %dma_wait3A_119 = tpu.memref_slice %run_scoped3A_8[%rem3A_105, %dma_wait3A_117, %dma_wait3A_118] : memref<2x128x128xf32, #tpu.memory_space<vmem>> -> memref<1x128x128xf32, #tpu.memory_space<vmem>>
      %dma_wait3A_120 = tpu.memref_squeeze %dma_wait3A_119 : memref<1x128x128xf32, #tpu.memory_space<vmem>> -> memref<128x128xf32, #tpu.memory_space<vmem>>
      tpu.wait_dma2 semaphore(%dma_wait3A_114 : memref<!tpu.dma_semaphore, #tpu.memory_space<semaphore_mem>>) src(%dma_wait3A_120 : memref<128x128xf32, #tpu.memory_space<vmem>>) dst(%dma_wait3A_116 : memref<128x128xf32, #tpu.memory_space<hbm>>)
      "tpu.trace_stop"() : () -> ()
      tpu.yield
    }) : () -> ()
    return
  }
}

module attributes {stable_mosaic.version = 14 : i64} {
  func.func @_chunkmin_kernel(%arg0: i32, %arg1: memref<256x3xf32, #tpu.memory_space<vmem>>, %arg2: memref<3x8192xf32, #tpu.memory_space<vmem>>, %arg3: memref<256x512xf32, #tpu.memory_space<vmem>>, %arg4: memref<256x8192xf32, #tpu.memory_space<vmem>>) attributes {dimension_semantics = [#tpu.dimension_semantics<arbitrary>], iteration_bounds = array<i64: 32>, scalar_prefetch = 0 : i64, scratch_operands = 0 : i64, tpu.core_type = #tpu.core_type<tc>, window_params = [{transform_indices = @transform_0, window_bounds = array<i64: 256, 3>}, {pipeline_mode = #tpu.pipeline_mode<synchronous>, transform_indices = @transform_1, window_bounds = array<i64: 3, 8192>}, {transform_indices = @transform_2, window_bounds = array<i64: 256, 512>}, {transform_indices = @transform_3, window_bounds = array<i64: 256, 8192>}]} {
    %get3A = arith.constant 0 : index
    %get3A_0 = arith.constant 0 : index
    %get3A_1 = vector.load %arg1[%get3A, %get3A_0] : memref<256x3xf32, #tpu.memory_space<vmem>>, vector<256x1xf32>
    %get3A_2 = arith.constant 0 : index
    %get3A_3 = arith.constant 1 : index
    %get3A_4 = vector.load %arg1[%get3A_2, %get3A_3] : memref<256x3xf32, #tpu.memory_space<vmem>>, vector<256x1xf32>
    %get3A_5 = arith.constant 0 : index
    %get3A_6 = arith.constant 2 : index
    %get3A_7 = vector.load %arg1[%get3A_5, %get3A_6] : memref<256x3xf32, #tpu.memory_space<vmem>>, vector<256x1xf32>
    %mul3A = arith.mulf %get3A_1, %get3A_1 : vector<256x1xf32>
    %mul3A_8 = arith.mulf %get3A_4, %get3A_4 : vector<256x1xf32>
    %add3A = arith.addf %mul3A, %mul3A_8 : vector<256x1xf32>
    %mul3A_9 = arith.mulf %get3A_7, %get3A_7 : vector<256x1xf32>
    %add3A_10 = arith.addf %add3A, %mul3A_9 : vector<256x1xf32>
    %get3A_11 = arith.constant 0 : index
    %get3A_12 = arith.constant 0 : index
    %get3A_13 = vector.load %arg2[%get3A_11, %get3A_12] : memref<3x8192xf32, #tpu.memory_space<vmem>>, vector<1x8192xf32>
    %get3A_14 = arith.constant 1 : index
    %get3A_15 = arith.constant 0 : index
    %get3A_16 = vector.load %arg2[%get3A_14, %get3A_15] : memref<3x8192xf32, #tpu.memory_space<vmem>>, vector<1x8192xf32>
    %get3A_17 = arith.constant 2 : index
    %get3A_18 = arith.constant 0 : index
    %get3A_19 = vector.load %arg2[%get3A_17, %get3A_18] : memref<3x8192xf32, #tpu.memory_space<vmem>>, vector<1x8192xf32>
    %mul3A_20 = arith.mulf %get3A_13, %get3A_13 : vector<1x8192xf32>
    %mul3A_21 = arith.mulf %get3A_16, %get3A_16 : vector<1x8192xf32>
    %add3A_22 = arith.addf %mul3A_20, %mul3A_21 : vector<1x8192xf32>
    %mul3A_23 = arith.mulf %get3A_19, %get3A_19 : vector<1x8192xf32>
    %add3A_24 = arith.addf %add3A_22, %mul3A_23 : vector<1x8192xf32>
    %get3A_25 = arith.constant 0 : index
    %get3A_26 = arith.constant 0 : index
    %get3A_27 = vector.load %arg1[%get3A_25, %get3A_26] : memref<256x3xf32, #tpu.memory_space<vmem>>, vector<256x3xf32>
    %convert_element_type3A = arith.truncf %get3A_27 : vector<256x3xf32> to vector<256x3xbf16>
    %get3A_28 = arith.constant 0 : index
    %get3A_29 = arith.constant 0 : index
    %get3A_30 = vector.load %arg2[%get3A_28, %get3A_29] : memref<3x8192xf32, #tpu.memory_space<vmem>>, vector<3x8192xf32>
    %convert_element_type3A_31 = arith.truncf %get3A_30 : vector<3x8192xf32> to vector<3x8192xbf16>
    %dot_general3A = arith.constant dense<0.000000e+00> : vector<256x8192xf32>
    %dot_general3A_32 = tpu.matmul %convert_element_type3A, %convert_element_type3A_31, %dot_general3A {dimension_numbers = #tpu.dot_dimension_numbers<[1], [0], [0], [1], [0, 0, 1, 1], [], []>, transpose_lhs_hint = false} : vector<256x3xbf16>, vector<3x8192xbf16>, vector<256x8192xf32> -> vector<256x8192xf32>
    %add3A_33 = vector.broadcast %add3A_10 : vector<256x1xf32> to vector<256x8192xf32>
    %add3A_34 = vector.broadcast %add3A_24 : vector<1x8192xf32> to vector<256x8192xf32>
    %add3A_35 = arith.addf %add3A_33, %add3A_34 : vector<256x8192xf32>
    %mul3A_36 = arith.constant 2.000000e+00 : f32
    %mul3A_37 = vector.broadcast %mul3A_36 : f32 to vector<256x8192xf32>
    %mul3A_38 = arith.mulf %mul3A_37, %dot_general3A_32 : vector<256x8192xf32>
    %sub3A = arith.subf %add3A_35, %mul3A_38 : vector<256x8192xf32>
    %swap3A = arith.constant 0 : index
    %swap3A_39 = arith.constant 0 : index
    %swap3A_40 = vector.load %arg4[%swap3A, %swap3A_39] : memref<256x8192xf32, #tpu.memory_space<vmem>>, vector<256x8192xf32>
    tpu.vector_store %arg4[%swap3A, %swap3A_39], %sub3A {strides = array<i32>} : memref<256x8192xf32, #tpu.memory_space<vmem>>, vector<256x8192xf32>,
    %reshape3A = vector.shape_cast %sub3A : vector<256x8192xf32> to vector<256x16x512xf32>
    %reduce_min3A = arith.constant dense<0x7F800000> : vector<256x512xf32>
    %reduce_min3A_41 = vector.multi_reduction <minimumf>, %reshape3A, %reduce_min3A [1] : vector<256x16x512xf32> to vector<256x512xf32>
    %swap3A_42 = arith.constant 0 : index
    %swap3A_43 = arith.constant 0 : index
    %swap3A_44 = vector.load %arg3[%swap3A_42, %swap3A_43] : memref<256x512xf32, #tpu.memory_space<vmem>>, vector<256x512xf32>
    tpu.vector_store %arg3[%swap3A_42, %swap3A_43], %reduce_min3A_41 {strides = array<i32>} : memref<256x512xf32, #tpu.memory_space<vmem>>, vector<256x512xf32>,
    return
  }
  func.func @transform_0(%arg0: i32) -> (i32, i32) {
    %c0_i32 = arith.constant 0 : i32
    %c0_i32_0 = arith.constant 0 : i32
    return %arg0, %c0_i32 : i32, i32
  }
  func.func @transform_1(%arg0: i32) -> (i32, i32) {
    %c0_i32 = arith.constant 0 : i32
    %c0_i32_0 = arith.constant 0 : i32
    %c0_i32_1 = arith.constant 0 : i32
    return %c0_i32, %c0_i32_0 : i32, i32
  }
  func.func @transform_2(%arg0: i32) -> (i32, i32) {
    %c0_i32 = arith.constant 0 : i32
    %c0_i32_0 = arith.constant 0 : i32
    return %arg0, %c0_i32 : i32, i32
  }
  func.func @transform_3(%arg0: i32) -> (i32, i32) {
    %c0_i32 = arith.constant 0 : i32
    %c0_i32_0 = arith.constant 0 : i32
    return %arg0, %c0_i32 : i32, i32
  }
}

module attributes {stable_mosaic.version = 14 : i64} {
  func.func @_mlp_kernel(%arg0: i32, %arg1: memref<256x128xf32, #tpu.memory_space<vmem>>, %arg2: memref<4096x3xf32, #tpu.memory_space<vmem>>, %arg3: memref<4096x128xf32, #tpu.memory_space<vmem>>, %arg4: memref<128x259xf32, #tpu.memory_space<vmem>>, %arg5: memref<128x259xf32, #tpu.memory_space<vmem>>, %arg6: memref<3x259xf32, #tpu.memory_space<vmem>>, %arg7: memref<1x259xf32, #tpu.memory_space<vmem>>, %arg8: memref<1x259xf32, #tpu.memory_space<vmem>>, %arg9: memref<128x128xf32, #tpu.memory_space<vmem>>, %arg10: memref<128x128xf32, #tpu.memory_space<vmem>>, %arg11: memref<3x128xf32, #tpu.memory_space<vmem>>, %arg12: memref<1x128xf32, #tpu.memory_space<vmem>>, %arg13: memref<128x128xf32, #tpu.memory_space<vmem>>, %arg14: memref<1x128xf32, #tpu.memory_space<vmem>>, %arg15: memref<256x128xf32, #tpu.memory_space<vmem>>) attributes {dimension_semantics = [#tpu.dimension_semantics<arbitrary>], iteration_bounds = array<i64: 32>, scalar_prefetch = 0 : i64, scratch_operands = 0 : i64, tpu.core_type = #tpu.core_type<tc>, window_params = [{transform_indices = @transform_0, window_bounds = array<i64: 256, 128>}, {transform_indices = @transform_1, window_bounds = array<i64: 4096, 3>}, {transform_indices = @transform_2, window_bounds = array<i64: 4096, 128>}, {pipeline_mode = #tpu.pipeline_mode<synchronous>, transform_indices = @transform_3, window_bounds = array<i64: 128, 259>}, {pipeline_mode = #tpu.pipeline_mode<synchronous>, transform_indices = @transform_4, window_bounds = array<i64: 128, 259>}, {pipeline_mode = #tpu.pipeline_mode<synchronous>, transform_indices = @transform_5, window_bounds = array<i64: 3, 259>}, {pipeline_mode = #tpu.pipeline_mode<synchronous>, transform_indices = @transform_6, window_bounds = array<i64: 1, 259>}, {pipeline_mode = #tpu.pipeline_mode<synchronous>, transform_indices = @transform_7, window_bounds = array<i64: 1, 259>}, {pipeline_mode = #tpu.pipeline_mode<synchronous>, transform_indices = @transform_8, window_bounds = array<i64: 128, 128>}, {pipeline_mode = #tpu.pipeline_mode<synchronous>, transform_indices = @transform_9, window_bounds = array<i64: 128, 128>}, {pipeline_mode = #tpu.pipeline_mode<synchronous>, transform_indices = @transform_10, window_bounds = array<i64: 3, 128>}, {pipeline_mode = #tpu.pipeline_mode<synchronous>, transform_indices = @transform_11, window_bounds = array<i64: 1, 128>}, {pipeline_mode = #tpu.pipeline_mode<synchronous>, transform_indices = @transform_12, window_bounds = array<i64: 128, 128>}, {pipeline_mode = #tpu.pipeline_mode<synchronous>, transform_indices = @transform_13, window_bounds = array<i64: 1, 128>}, {transform_indices = @transform_14, window_bounds = array<i64: 256, 128>}]} {
    %get3A = arith.constant 0 : index
    %get3A_0 = arith.constant 0 : index
    %get3A_1 = vector.load %arg1[%get3A, %get3A_0] : memref<256x128xf32, #tpu.memory_space<vmem>>, vector<256x128xf32>
    %get3A_2 = arith.constant 0 : index
    %get3A_3 = arith.constant 0 : index
    %get3A_4 = vector.load %arg3[%get3A_2, %get3A_3] : memref<4096x128xf32, #tpu.memory_space<vmem>>, vector<4096x128xf32>
    %get3A_5 = arith.constant 0 : index
    %get3A_6 = arith.constant 0 : index
    %get3A_7 = vector.load %arg2[%get3A_5, %get3A_6] : memref<4096x3xf32, #tpu.memory_space<vmem>>, vector<4096x3xf32>
    %slice3A = vector.extract_strided_slice %get3A_7 {offsets = [0, 0], sizes = [4096, 1], strides = [1, 1]} : vector<4096x3xf32> to vector<4096x1xf32>
    %slice3A_8 = vector.extract_strided_slice %get3A_7 {offsets = [0, 1], sizes = [4096, 1], strides = [1, 1]} : vector<4096x3xf32> to vector<4096x1xf32>
    %slice3A_9 = vector.extract_strided_slice %get3A_7 {offsets = [0, 2], sizes = [4096, 1], strides = [1, 1]} : vector<4096x3xf32> to vector<4096x1xf32>
    %get3A_10 = arith.constant 0 : index
    %get3A_11 = arith.constant 0 : index
    %get3A_12 = vector.load %arg4[%get3A_10, %get3A_11] : memref<128x259xf32, #tpu.memory_space<vmem>>, vector<128x259xf32>
    %dot_general3A = arith.constant dense<0.000000e+00> : vector<256x259xf32>
    %dot_general3A_13 = tpu.matmul %get3A_1, %get3A_12, %dot_general3A {dimension_numbers = #tpu.dot_dimension_numbers<[1], [0], [0], [1], [0, 0, 1, 1], [], []>, transpose_lhs_hint = false} : vector<256x128xf32>, vector<128x259xf32>, vector<256x259xf32> -> vector<256x259xf32>
    %broadcast_in_dim3A = vector.shape_cast %dot_general3A_13 : vector<256x259xf32> to vector<256x1x259xf32>
    %broadcast_in_dim3A_14 = vector.shape_cast %broadcast_in_dim3A : vector<256x1x259xf32> to vector<256x1x259xf32>
    %broadcast_in_dim3A_15 = vector.broadcast %broadcast_in_dim3A_14 : vector<256x1x259xf32> to vector<256x16x259xf32>
    %reshape3A = vector.shape_cast %broadcast_in_dim3A_15 : vector<256x16x259xf32> to vector<4096x259xf32>
    %get3A_16 = arith.constant 0 : index
    %get3A_17 = arith.constant 0 : index
    %get3A_18 = vector.load %arg5[%get3A_16, %get3A_17] : memref<128x259xf32, #tpu.memory_space<vmem>>, vector<128x259xf32>
    %dot_general3A_19 = arith.constant dense<0.000000e+00> : vector<4096x259xf32>
    %dot_general3A_20 = tpu.matmul %get3A_4, %get3A_18, %dot_general3A_19 {dimension_numbers = #tpu.dot_dimension_numbers<[1], [0], [0], [1], [0, 0, 1, 1], [], []>, transpose_lhs_hint = false} : vector<4096x128xf32>, vector<128x259xf32>, vector<4096x259xf32> -> vector<4096x259xf32>
    %add3A = arith.addf %reshape3A, %dot_general3A_20 : vector<4096x259xf32>
    %get3A_21 = arith.constant 0 : index
    %get3A_22 = arith.constant 0 : index
    %get3A_23 = vector.load %arg7[%get3A_21, %get3A_22] : memref<1x259xf32, #tpu.memory_space<vmem>>, vector<1x259xf32>
    %add3A_24 = vector.broadcast %get3A_23 : vector<1x259xf32> to vector<4096x259xf32>
    %add3A_25 = arith.addf %add3A, %add3A_24 : vector<4096x259xf32>
    %get3A_26 = arith.constant 0 : index
    %get3A_27 = arith.constant 0 : index
    %get3A_28 = vector.load %arg6[%get3A_26, %get3A_27] : memref<3x259xf32, #tpu.memory_space<vmem>>, vector<1x259xf32>
    %mul3A = vector.broadcast %slice3A : vector<4096x1xf32> to vector<4096x259xf32>
    %mul3A_29 = vector.broadcast %get3A_28 : vector<1x259xf32> to vector<4096x259xf32>
    %mul3A_30 = arith.mulf %mul3A, %mul3A_29 : vector<4096x259xf32>
    %add3A_31 = arith.addf %add3A_25, %mul3A_30 : vector<4096x259xf32>
    %get3A_32 = arith.constant 1 : index
    %get3A_33 = arith.constant 0 : index
    %get3A_34 = vector.load %arg6[%get3A_32, %get3A_33] : memref<3x259xf32, #tpu.memory_space<vmem>>, vector<1x259xf32>
    %mul3A_35 = vector.broadcast %slice3A_8 : vector<4096x1xf32> to vector<4096x259xf32>
    %mul3A_36 = vector.broadcast %get3A_34 : vector<1x259xf32> to vector<4096x259xf32>
    %mul3A_37 = arith.mulf %mul3A_35, %mul3A_36 : vector<4096x259xf32>
    %add3A_38 = arith.addf %add3A_31, %mul3A_37 : vector<4096x259xf32>
    %get3A_39 = arith.constant 2 : index
    %get3A_40 = arith.constant 0 : index
    %get3A_41 = vector.load %arg6[%get3A_39, %get3A_40] : memref<3x259xf32, #tpu.memory_space<vmem>>, vector<1x259xf32>
    %mul3A_42 = vector.broadcast %slice3A_9 : vector<4096x1xf32> to vector<4096x259xf32>
    %mul3A_43 = vector.broadcast %get3A_41 : vector<1x259xf32> to vector<4096x259xf32>
    %mul3A_44 = arith.mulf %mul3A_42, %mul3A_43 : vector<4096x259xf32>
    %add3A_45 = arith.addf %add3A_38, %mul3A_44 : vector<4096x259xf32>
    %max3A = arith.constant 0.000000e+00 : f32
    %max3A_46 = vector.broadcast %max3A : f32 to vector<4096x259xf32>
    %max3A_47 = arith.maximumf %add3A_45, %max3A_46 : vector<4096x259xf32>
    %get3A_48 = arith.constant 0 : index
    %get3A_49 = arith.constant 0 : index
    %get3A_50 = vector.load %arg8[%get3A_48, %get3A_49] : memref<1x259xf32, #tpu.memory_space<vmem>>, vector<1x259xf32>
    %mul3A_51 = vector.broadcast %get3A_50 : vector<1x259xf32> to vector<4096x259xf32>
    %mul3A_52 = arith.mulf %max3A_47, %mul3A_51 : vector<4096x259xf32>
    %reduce_sum3A = arith.constant dense<0.000000e+00> : vector<4096xf32>
    %reduce_sum3A_53 = vector.multi_reduction <add>, %mul3A_52, %reduce_sum3A [1] : vector<4096x259xf32> to vector<4096xf32>
    %reshape3A_54 = vector.shape_cast %reduce_sum3A_53 : vector<4096xf32> to vector<256x16xf32>
    %reduce_max3A = arith.constant dense<0xFF800000> : vector<256xf32>
    %reduce_max3A_55 = vector.multi_reduction <maximumf>, %reshape3A_54, %reduce_max3A [1] : vector<256x16xf32> to vector<256xf32>
    %broadcast_in_dim3A_56 = vector.shape_cast %reduce_max3A_55 : vector<256xf32> to vector<256x1xf32>
    %sub3A = vector.broadcast %broadcast_in_dim3A_56 : vector<256x1xf32> to vector<256x16xf32>
    %sub3A_57 = arith.subf %reshape3A_54, %sub3A : vector<256x16xf32>
    %exp3A = math.exp %sub3A_57 : vector<256x16xf32>
    %reduce_sum3A_58 = arith.constant dense<0.000000e+00> : vector<256xf32>
    %reduce_sum3A_59 = vector.multi_reduction <add>, %exp3A, %reduce_sum3A_58 [1] : vector<256x16xf32> to vector<256xf32>
    %broadcast_in_dim3A_60 = vector.shape_cast %reduce_sum3A_59 : vector<256xf32> to vector<256x1xf32>
    %div3A = vector.broadcast %broadcast_in_dim3A_60 : vector<256x1xf32> to vector<256x16xf32>
    %div3A_61 = arith.divf %exp3A, %div3A : vector<256x16xf32>
    %get3A_62 = arith.constant 0 : index
    %get3A_63 = arith.constant 0 : index
    %get3A_64 = vector.load %arg9[%get3A_62, %get3A_63] : memref<128x128xf32, #tpu.memory_space<vmem>>, vector<128x128xf32>
    %dot_general3A_65 = arith.constant dense<0.000000e+00> : vector<256x128xf32>
    %dot_general3A_66 = tpu.matmul %get3A_1, %get3A_64, %dot_general3A_65 {dimension_numbers = #tpu.dot_dimension_numbers<[1], [0], [0], [1], [0, 0, 1, 1], [], []>, transpose_lhs_hint = false} : vector<256x128xf32>, vector<128x128xf32>, vector<256x128xf32> -> vector<256x128xf32>
    %broadcast_in_dim3A_67 = vector.shape_cast %dot_general3A_66 : vector<256x128xf32> to vector<256x1x128xf32>
    %broadcast_in_dim3A_68 = vector.shape_cast %broadcast_in_dim3A_67 : vector<256x1x128xf32> to vector<256x1x128xf32>
    %broadcast_in_dim3A_69 = vector.broadcast %broadcast_in_dim3A_68 : vector<256x1x128xf32> to vector<256x16x128xf32>
    %reshape3A_70 = vector.shape_cast %broadcast_in_dim3A_69 : vector<256x16x128xf32> to vector<4096x128xf32>
    %get3A_71 = arith.constant 0 : index
    %get3A_72 = arith.constant 0 : index
    %get3A_73 = vector.load %arg10[%get3A_71, %get3A_72] : memref<128x128xf32, #tpu.memory_space<vmem>>, vector<128x128xf32>
    %dot_general3A_74 = arith.constant dense<0.000000e+00> : vector<4096x128xf32>
    %dot_general3A_75 = tpu.matmul %get3A_4, %get3A_73, %dot_general3A_74 {dimension_numbers = #tpu.dot_dimension_numbers<[1], [0], [0], [1], [0, 0, 1, 1], [], []>, transpose_lhs_hint = false} : vector<4096x128xf32>, vector<128x128xf32>, vector<4096x128xf32> -> vector<4096x128xf32>
    %add3A_76 = arith.addf %reshape3A_70, %dot_general3A_75 : vector<4096x128xf32>
    %get3A_77 = arith.constant 0 : index
    %get3A_78 = arith.constant 0 : index
    %get3A_79 = vector.load %arg12[%get3A_77, %get3A_78] : memref<1x128xf32, #tpu.memory_space<vmem>>, vector<1x128xf32>
    %add3A_80 = vector.broadcast %get3A_79 : vector<1x128xf32> to vector<4096x128xf32>
    %add3A_81 = arith.addf %add3A_76, %add3A_80 : vector<4096x128xf32>
    %get3A_82 = arith.constant 0 : index
    %get3A_83 = arith.constant 0 : index
    %get3A_84 = vector.load %arg11[%get3A_82, %get3A_83] : memref<3x128xf32, #tpu.memory_space<vmem>>, vector<1x128xf32>
    %mul3A_85 = vector.broadcast %slice3A : vector<4096x1xf32> to vector<4096x128xf32>
    %mul3A_86 = vector.broadcast %get3A_84 : vector<1x128xf32> to vector<4096x128xf32>
    %mul3A_87 = arith.mulf %mul3A_85, %mul3A_86 : vector<4096x128xf32>
    %add3A_88 = arith.addf %add3A_81, %mul3A_87 : vector<4096x128xf32>
    %get3A_89 = arith.constant 1 : index
    %get3A_90 = arith.constant 0 : index
    %get3A_91 = vector.load %arg11[%get3A_89, %get3A_90] : memref<3x128xf32, #tpu.memory_space<vmem>>, vector<1x128xf32>
    %mul3A_92 = vector.broadcast %slice3A_8 : vector<4096x1xf32> to vector<4096x128xf32>
    %mul3A_93 = vector.broadcast %get3A_91 : vector<1x128xf32> to vector<4096x128xf32>
    %mul3A_94 = arith.mulf %mul3A_92, %mul3A_93 : vector<4096x128xf32>
    %add3A_95 = arith.addf %add3A_88, %mul3A_94 : vector<4096x128xf32>
    %get3A_96 = arith.constant 2 : index
    %get3A_97 = arith.constant 0 : index
    %get3A_98 = vector.load %arg11[%get3A_96, %get3A_97] : memref<3x128xf32, #tpu.memory_space<vmem>>, vector<1x128xf32>
    %mul3A_99 = vector.broadcast %slice3A_9 : vector<4096x1xf32> to vector<4096x128xf32>
    %mul3A_100 = vector.broadcast %get3A_98 : vector<1x128xf32> to vector<4096x128xf32>
    %mul3A_101 = arith.mulf %mul3A_99, %mul3A_100 : vector<4096x128xf32>
    %add3A_102 = arith.addf %add3A_95, %mul3A_101 : vector<4096x128xf32>
    %max3A_103 = arith.constant 0.000000e+00 : f32
    %max3A_104 = vector.broadcast %max3A_103 : f32 to vector<4096x128xf32>
    %max3A_105 = arith.maximumf %add3A_102, %max3A_104 : vector<4096x128xf32>
    %get3A_106 = arith.constant 0 : index
    %get3A_107 = arith.constant 0 : index
    %get3A_108 = vector.load %arg13[%get3A_106, %get3A_107] : memref<128x128xf32, #tpu.memory_space<vmem>>, vector<128x128xf32>
    %dot_general3A_109 = arith.constant dense<0.000000e+00> : vector<4096x128xf32>
    %dot_general3A_110 = tpu.matmul %max3A_105, %get3A_108, %dot_general3A_109 {dimension_numbers = #tpu.dot_dimension_numbers<[1], [0], [0], [1], [0, 0, 1, 1], [], []>, transpose_lhs_hint = false} : vector<4096x128xf32>, vector<128x128xf32>, vector<4096x128xf32> -> vector<4096x128xf32>
    %get3A_111 = arith.constant 0 : index
    %get3A_112 = arith.constant 0 : index
    %get3A_113 = vector.load %arg14[%get3A_111, %get3A_112] : memref<1x128xf32, #tpu.memory_space<vmem>>, vector<1x128xf32>
    %add3A_114 = vector.broadcast %get3A_113 : vector<1x128xf32> to vector<4096x128xf32>
    %add3A_115 = arith.addf %dot_general3A_110, %add3A_114 : vector<4096x128xf32>
    %reshape3A_116 = vector.shape_cast %div3A_61 : vector<256x16xf32> to vector<4096x1xf32>
    %mul3A_117 = vector.broadcast %reshape3A_116 : vector<4096x1xf32> to vector<4096x128xf32>
    %mul3A_118 = arith.mulf %add3A_115, %mul3A_117 : vector<4096x128xf32>
    %reshape3A_119 = vector.shape_cast %mul3A_118 : vector<4096x128xf32> to vector<256x16x128xf32>
    %reduce_sum3A_120 = arith.constant dense<0.000000e+00> : vector<256x128xf32>
    %reduce_sum3A_121 = vector.multi_reduction <add>, %reshape3A_119, %reduce_sum3A_120 [1] : vector<256x16x128xf32> to vector<256x128xf32>
    %add3A_122 = arith.addf %get3A_1, %reduce_sum3A_121 : vector<256x128xf32>
    %swap3A = arith.constant 0 : index
    %swap3A_123 = arith.constant 0 : index
    %swap3A_124 = vector.load %arg15[%swap3A, %swap3A_123] : memref<256x128xf32, #tpu.memory_space<vmem>>, vector<256x128xf32>
    tpu.vector_store %arg15[%swap3A, %swap3A_123], %add3A_122 {strides = array<i32>} : memref<256x128xf32, #tpu.memory_space<vmem>>, vector<256x128xf32>,
    return
  }
  func.func @transform_0(%arg0: i32) -> (i32, i32) {
    %c0_i32 = arith.constant 0 : i32
    %c0_i32_0 = arith.constant 0 : i32
    return %arg0, %c0_i32 : i32, i32
  }
  func.func @transform_1(%arg0: i32) -> (i32, i32) {
    %c0_i32 = arith.constant 0 : i32
    %c0_i32_0 = arith.constant 0 : i32
    return %arg0, %c0_i32 : i32, i32
  }
  func.func @transform_2(%arg0: i32) -> (i32, i32) {
    %c0_i32 = arith.constant 0 : i32
    %c0_i32_0 = arith.constant 0 : i32
    return %arg0, %c0_i32 : i32, i32
  }
  func.func @transform_3(%arg0: i32) -> (i32, i32) {
    %c0_i32 = arith.constant 0 : i32
    %c0_i32_0 = arith.constant 0 : i32
    %c0_i32_1 = arith.constant 0 : i32
    return %c0_i32, %c0_i32_0 : i32, i32
  }
  func.func @transform_4(%arg0: i32) -> (i32, i32) {
    %c0_i32 = arith.constant 0 : i32
    %c0_i32_0 = arith.constant 0 : i32
    %c0_i32_1 = arith.constant 0 : i32
    return %c0_i32, %c0_i32_0 : i32, i32
  }
  func.func @transform_5(%arg0: i32) -> (i32, i32) {
    %c0_i32 = arith.constant 0 : i32
    %c0_i32_0 = arith.constant 0 : i32
    %c0_i32_1 = arith.constant 0 : i32
    return %c0_i32, %c0_i32_0 : i32, i32
  }
  func.func @transform_6(%arg0: i32) -> (i32, i32) {
    %c0_i32 = arith.constant 0 : i32
    %c0_i32_0 = arith.constant 0 : i32
    %c0_i32_1 = arith.constant 0 : i32
    return %c0_i32, %c0_i32_0 : i32, i32
  }
  func.func @transform_7(%arg0: i32) -> (i32, i32) {
    %c0_i32 = arith.constant 0 : i32
    %c0_i32_0 = arith.constant 0 : i32
    %c0_i32_1 = arith.constant 0 : i32
    return %c0_i32, %c0_i32_0 : i32, i32
  }
  func.func @transform_8(%arg0: i32) -> (i32, i32) {
    %c0_i32 = arith.constant 0 : i32
    %c0_i32_0 = arith.constant 0 : i32
    %c0_i32_1 = arith.constant 0 : i32
    return %c0_i32, %c0_i32_0 : i32, i32
  }
  func.func @transform_9(%arg0: i32) -> (i32, i32) {
    %c0_i32 = arith.constant 0 : i32
    %c0_i32_0 = arith.constant 0 : i32
    %c0_i32_1 = arith.constant 0 : i32
    return %c0_i32, %c0_i32_0 : i32, i32
  }
  func.func @transform_10(%arg0: i32) -> (i32, i32) {
    %c0_i32 = arith.constant 0 : i32
    %c0_i32_0 = arith.constant 0 : i32
    %c0_i32_1 = arith.constant 0 : i32
    return %c0_i32, %c0_i32_0 : i32, i32
  }
  func.func @transform_11(%arg0: i32) -> (i32, i32) {
    %c0_i32 = arith.constant 0 : i32
    %c0_i32_0 = arith.constant 0 : i32
    %c0_i32_1 = arith.constant 0 : i32
    return %c0_i32, %c0_i32_0 : i32, i32
  }
  func.func @transform_12(%arg0: i32) -> (i32, i32) {
    %c0_i32 = arith.constant 0 : i32
    %c0_i32_0 = arith.constant 0 : i32
    %c0_i32_1 = arith.constant 0 : i32
    return %c0_i32, %c0_i32_0 : i32, i32
  }
  func.func @transform_13(%arg0: i32) -> (i32, i32) {
    %c0_i32 = arith.constant 0 : i32
    %c0_i32_0 = arith.constant 0 : i32
    %c0_i32_1 = arith.constant 0 : i32
    return %c0_i32, %c0_i32_0 : i32, i32
  }
  func.func @transform_14(%arg0: i32) -> (i32, i32) {
    %c0_i32 = arith.constant 0 : i32
    %c0_i32_0 = arith.constant 0 : i32
    return %arg0, %c0_i32 : i32, i32
  }
}

</mosaic_0001>

<sc_bundles>
// kernel: kernel.6.cloned.1.call-start
scs
__scs_entry_jumppad:
0x0: {  	(pc) =	sbr.rel $0x88, $3  }
0x1: {  	(tag) =	ssettag $0x0;
	lr =	simm.s32 $0x1  }
0x2: {  	[smem:$0x3F98] =	sst lr;
	_ =	strace $0xD0000000  }
0x3: {  	_ = 	snop  }
0x4: {  	_ = 	snop  }
0x5: {  	_ = 	snop  }
0x6: {  	_ = 	snop  }
0x7: {  	_ = 	snop  }
__scs_overlays_trampoline_lowered:
0x8: {  	[smem:$0x3FA7] =	sst s0  }
0x9: {  	[smem:$0x3FA8] =	sst s1  }
0xa: {  	[smem:$0x3FA9] =	sst s2  }
0xb: {  	[smem:$0x3FAA] =	sst s3  }
0xc: {  	[smem:$0x3FAB] =	sst s4  }
0xd: {  	[smem:$0x3FAC] =	sst s5  }
0xe: {  	[smem:$0x3FAD] =	sst s6  }
0xf: {  	[smem:$0x3FAE] =	sst s7  }
0x10: {  	[smem:$0x3FAF] =	sst s8  }
0x11: {  	[smem:$0x3FB0] =	sst s9;
	s0 =	simm.s32 @!p0 $0x0  }
0x12: {  	s1 =	sld [smem:$0x3F96];
	s0 =	simm.s32 @p0 $0x1  }
0x13: {  	[smem:$0x3FB1] =	sst s0;
	s0 =	simm.s32 @!p1 $0x0  }
0x14: {  	s2 =	sld [smem:$0x3F95];
	s0 =	simm.s32 @p1 $0x1  }
0x15: {  	[smem:$0x3FB2] =	sst s0;
	s0 =	simm.s32 @!p2 $0x0  }
0x16: {  	s3 =	sld [smem:$0x3FDB];
	s0 =	simm.s32 @p2 $0x1  }
0x17: {  	s4 =	simm.s32 $0x1BF5;
	[smem:$0x3FB4] =	sst s0  }
0x18: {  	s0 =	sld [smem:$0x3F97];
	_ =	swait.ge [sflag:s4], $0x0  }
0x19: {  	s7 =	sld [smem:$0x3F98]  }
0x1a: {  	s8 =	sadd.s32 $0xFFFFE003, lr  }
0x1b: {  	s9 =	sadd.s32 $0xFFFFFEF7, lr;
	s5 =	simm.s32 $0xFFFFFFFF;
	p2 =	slt.u32 s8, $0xFFFFF086  }
0x1c: {  	p1 =	slt.u32 s9, $0xF7A;
	s5 =	simm.s32 @!p2 $0x0  }
0x1d: {  	s5 =	simm.s32 @p1 $0x1;
	p0 =	seq.s32 s7, s2  }
0x1e: {  	s7 =	smul.u32 @!p0 $0xF7A, s2;
	p2 =	seq.s32 @!p0 s5, $0x0  }
0x1f: {  	s9 =	smul.u32 $0xF7A, s1;
	s8 =	simm.s32 @!p0 $0x1BF5;
	p2 =	por !p2, p0  }
0x20: {  	[sflag:s8] =	ssyncset.s32 @!p0 $0xFFFFF086;
	s6 =	sadd.s32 @!p0 s3, s7;
	s7 =	simm.s32 @!p0 $0x108  }
0x21: {  	s3 =	sadd.s32 s3, s9;
	s6 =	sadd.s32 @!p0 $0x88, s6;
	s7 =	simm.s32 @p2 $0x1082  }
0x22: {  	[simem:s7], [sflag:s8] =	dma.local @!p0 [hbm:s6], $0xF7A  }
0x23: {  	s9 =	sor.u32 $0xD0000000, s2;
	s6 =	simm.s32 $0x108;
	_ =	swait.ge @!p0 [sflag:s8], $0x0  }
0x24: {  	s3 =	sadd.s32 $0x88, s3;
	s6 =	simm.s32 @!p1 $0x1082;
	[sflag:s4] =	ssyncset.s32 $0xFFFFF086  }
0x25: {  	[simem:s6], [sflag:s4] =	dma.local [hbm:s3], $0xF7A  }
0x26: {  	[smem:$0x3F98] =	sst s1;
	(tag) =	ssettag s2;
	_ =	strace s9  }
0x27: {  	s1 =	sld [smem:$0x3FA8]  }
0x28: {  	s2 =	sld [smem:$0x3FA9]  }
0x29: {  	s4 =	sld [smem:$0x3FAB]  }
0x2a: {  	p0 =	seq.s32 s5, $0x0;
	s5 =	sld [smem:$0x3FAC]  }
0x2b: {  	s6 =	sld [smem:$0x3FAD]  }
0x2c: {  	s7 =	sld [smem:$0x3FAE]  }
0x2d: {  	s3 =	simm.s32 $0x108;
	s8 =	sld [smem:$0x3FAF]  }
0x2e: {  	s3 =	simm.s32 @!p0 $0x1082;
	s9 =	sld [smem:$0x3FB0]  }
0x2f: {  	lr =	sadd.s32 s0, s3;
	s0 =	sld [smem:$0x3FA7]  }
0x30: {  	s3 =	sld [smem:$0x3FAA]  }
0x31: {  	[smem:$0x3FB3] =	sst s10  }
0x32: {  	s10 =	sld [smem:$0x3FB1];
	_ =	sdelay $0x3  }
0x33: {  	p0 =	seq.s32 s10, $0x1;
	s10 =	sld [smem:$0x3FB3];
	_ =	sdelay $0x3  }
0x34: {  	[smem:$0x3FB3] =	sst s10  }
0x35: {  	s10 =	sld [smem:$0x3FB2];
	_ =	sdelay $0x3  }
0x36: {  	p1 =	seq.s32 s10, $0x1;
	s10 =	sld [smem:$0x3FB3];
	_ =	sdelay $0x3  }
0x37: {  	[smem:$0x3FB3] =	sst s10  }
0x38: {  	s10 =	sld [smem:$0x3FB4]  }
0x39: {  	_ = 	snop;
	(pc) =	sbr.ind lr, $3  }
0x3a: {  	_ = 	snop  }
0x3b: {  	_ = 	snop  }
0x3c: {  	p2 =	seq.s32 s10, $0x1;
	s10 =	sld [smem:$0x3FB3]  }
0x3d: {  	_ =	shalt  }
0x3e: {  	_ =	shalt  }
0x3f: {  	_ =	shalt  }
0x40: {  	_ =	shalt  }
0x41: {  	_ =	shalt  }
0x42: {  	_ =	shalt  }
0x43: {  	_ =	shalt  }
0x44: {  	_ =	shalt  }
0x45: {  	_ =	shalt  }
0x46: {  	_ =	shalt  }
0x47: {  	_ =	shalt  }
0x48: {  	_ =	shalt  }
0x49: {  	_ =	shalt  }
0x4a: {  	_ =	shalt  }
0x4b: {  	_ =	shalt  }
0x4c: {  	_ =	shalt  }
0x4d: {  	_ =	shalt  }
0x4e: {  	_ =	shalt  }
0x4f: {  	_ =	shalt  }
0x50: {  	_ =	shalt  }
0x51: {  	_ =	shalt  }
0x52: {  	_ =	shalt  }
0x53: {  	_ =	shalt  }
0x54: {  	_ =	shalt  }
0x55: {  	_ =	shalt  }
0x56: {  	_ =	shalt  }
0x57: {  	_ =	shalt  }
0x58: {  	_ =	shalt  }
0x59: {  	_ =	shalt  }
0x5a: {  	_ =	shalt  }
0x5b: {  	_ =	shalt  }
0x5c: {  	_ =	shalt  }
0x5d: {  	_ =	shalt  }
0x5e: {  	_ =	shalt  }
0x5f: {  	_ =	shalt  }
0x60: {  	_ =	shalt  }
0x61: {  	_ =	shalt  }
0x62: {  	_ =	shalt  }
0x63: {  	_ =	shalt  }
0x64: {  	_ =	shalt  }
0x65: {  	_ =	shalt  }
0x66: {  	_ =	shalt  }
0x67: {  	_ =	shalt  }
0x68: {  	_ =	shalt  }
0x69: {  	_ =	shalt  }
0x6a: {  	_ =	shalt  }
0x6b: {  	_ =	shalt  }
0x6c: {  	_ =	shalt  }
0x6d: {  	_ =	shalt  }
0x6e: {  	_ =	shalt  }
0x6f: {  	_ =	shalt  }
0x70: {  	_ =	shalt  }
0x71: {  	_ =	shalt  }
0x72: {  	_ =	shalt  }
0x73: {  	_ =	shalt  }
0x74: {  	_ =	shalt  }
0x75: {  	_ =	shalt  }
0x76: {  	_ =	shalt  }
0x77: {  	_ =	shalt  }
0x78: {  	_ =	shalt  }
0x79: {  	_ =	shalt  }
0x7a: {  	_ =	shalt  }
0x7b: {  	_ =	shalt  }
0x7c: {  	_ =	shalt  }
0x7d: {  	_ =	shalt  }
0x7e: {  	_ =	shalt  }
0x7f: {  	_ =	shalt  }
0x80: {  	_ =	shalt  }
0x81: {  	_ =	shalt  }
0x82: {  	_ =	shalt  }
0x83: {  	_ =	shalt  }
0x84: {  	_ =	shalt  }
0x85: {  	_ =	shalt  }
0x86: {  	_ =	shalt  }
0x87: {  	_ =	shalt  }
.Lfunc_end0:
.L_simem_size_0:
called_computation_lowered:
.L_overlay_start_0:
0x88: {  	s2 =	sld [smem:$0x3FD9]  }
0x89: {  	s3 =	sld [smem:$0x3FFE];
	_ =	sdelay $0x1  }
0x8a: {  	s1 =	srdreg.scid  }
0x8b: {  	s0 =	sand.u32 $0x1, s1  }
0x8c: {  	s17 =	sshll.u32 s0, $0xA;
	s2 =	sadd.s32 s3, s2  }
0x8d: {  	s2 =	sadd.s32 s2, s17  }
0x8e: {  	[smem:$0x3FBF] =	sst s2  }
0x8f: {  	_ = 	snop  }
0x90: {  	s2 =	sld [smem:$0x3FD0];
	(tm) =	ssettm $0x1  }
0x91: {  	s18 =	sld [smem:$0x3FFB];
	_ =	sdelay $0x3  }
0x92: {  	_ =	strace s18  }
0x93: {  	s3 =	sld [smem:$0x3FFC];
	_ =	sdelay $0x3  }
0x94: {  	_ =	strace s3  }
0x95: {  	s3 =	sld [smem:$0x3FFD];
	_ =	sdelay $0x3  }
0x96: {  	_ =	strace s3  }
0x97: {  	_ =	strace $0x8FFFFFFF  }
0x98: {  	s19 =	sld [smem:$0x3FDB];
	_ =	sdelay $0x1  }
0x99: {  	s4 =	simm.s32 $_scs_section_size  }
0x9a: {  	s5 =	simm.s32 $_size__tile_overlayer_lowered;
	s6 =	simm.s32 $_tile_overlayer_lowered  }
0x9b: {  	s22 =	simm.s32 $0x1BFF;
	s21 =	sshll.u32 s6, $0x1;
	s3 =	sadd.s32 s4, s19  }
0x9c: {  	s7 =	simm.s32 $0x0;
	s20 =	sshll.u32 s5, $0x1;
	s5 =	sadd.s32 s21, s3  }
0x9d: {  	[timem:s7], [sflag:s22] =	dma.local [hbm:s5], s20  }
0x9e: {  	_ =	swait.ge [sflag:s22], s20  }
0x9f: {  	s4 =	ssub.s32 $0x0, s20;
	[sflag:s22] =	ssyncset.done $0x0  }
0xa0: {  	[sflag:s22] =	ssyncadd.s32 s4;
	_ =	sdelay $0x1  }
0xa1: {  	s23 =	simm.s32 $0x1B8B  }
0xa2: {  	_ =	swait.ge [sflag:s23], $0x1  }
0xa3: {  	[sflag:s23] =	ssyncset.done $0x0  }
0xa4: {  	s25 =	simm.s32 $0x1B8E;
	s24 =	sld [smem:$0x3FFE];
	[sflag:s23] =	ssyncadd.s32 $0xFFFFFFFF  }
0xa5: {  	s26 =	simm.s32 $execute0_lowered;
	[smem:$0x3FD2] =	sst s25  }
0xa6: {  	s5 =	sshll.u32 s26, $0x1;
	_ =	strace $0x80000046;
	[dreg:$0x1] =	wrdreg $0xFFFFFFFF  }
0xa7: {  	s28 =	simm.s32 $_size_execute0_lowered;
	s3 =	sadd.s32 s3, s5;
	[dreg:$0x0] =	wrdreg $0x0  }
0xa8: {  	s5 =	sshll.u32 s28, $0x1;
	[dreg:$0x2] =	wrdreg s3  }
0xa9: {  	[dreg:$0x3] =	wrdreg s5  }
0xaa: {  	[dreg:$0x4] =	wrdreg $0xC0  }
0xab: {  	_ =	task [dreg:s7], $0x5FFFF  }
0xac: {  	[dreg:$0x1] =	wrdreg $0xFFFFFFFF  }
0xad: {  	[dreg:$0x0] =	wrdreg $0x60  }
0xae: {  	[dreg:$0x2] =	wrdreg s24  }
0xaf: {  	[dreg:$0x3] =	wrdreg s2  }
0xb0: {  	[dreg:$0x4] =	wrdreg $0x9  }
0xb1: {  	_ =	task.clear_ibuf [dreg:s7], $0x5FFFF;
	_ =	strace $0x90000046  }
0xb2: {  	s29 =	simm.s32 $0x9;
	_ =	strace $0x80000048  }
0xb3: {  	_ =	swait.ge [sflag:s29], $0x1  }
0xb4: {  	[sflag:s29] =	ssyncadd.s32 $0xFFFFFFFF  }
0xb5: {  	_ =	strace $0x90000048  }
0xb6: {  	_ =	sfence  }
0xb7: {  	s30 =	sld [smem:$0x0];
	_ =	sdelay $0x2  }
0xb8: {  	s31 =	sshll.u32 s1, $0xD;
	s1 =	sshrl.u32 s1, $0x2  }
0xb9: {  	s3 =	sand.u32 $0x4000, s31;
	s1 =	sadd.s32 s1, s30  }
0xba: {  	s0 =	sor.u32 s3, s0;
	s1 =	sshll.u32 s1, $0x11  }
0xbb: {  	s0 =	sor.u32 s1, s0  }
0xbc: {  	s0 =	sadd.s32 $0x8F2B, s0  }
0xbd: {  	[sflag:s0] =	ssyncadd.remote.s32 $0x1  }
0xbe: {  	_ =	sfence.sel $0xFFFF  }
0xbf: {  	[dreg:$0x0] =	wrdreg $0xFFFFFFFF;
	(pc) =	sbr.abs _section_cstart, $3  }
0xc0: {  	[dreg:$0x1] =	wrdreg $0xFFFFFFFF  }
0xc1: {  	_ =	task.clear_ibuf [dreg:s7], $0x2FFFF;
	_ =	strace $0x9FFFFFFF  }
0xc2: {  	(tm) =	ssettm $0x7FFFFFFF  }
0xc3: {  	_ =	shalt  }
tec
execute0_lowered:
.L_overlay_start_1:
0x0: {  	(tag) =	ssettag $0x1  }
0x1: {  	s0 =	rddreg [dreg:$0x0]  }
0x2: {  	s2 =	rddreg [dreg:$0x1];
	s1 =	simm.s32 $0x0;
	s4 =	srdreg.scid  }
0x3: {  	s10 =	stileid.u32;
	s15 =	simm.s32 $0x6000;
	s16 =	simm.s32 $0x3  }
0x4: {  	s17 =	simm.s32 $0x8000;
	s18 =	simm.s32 $0xA000;
	s19 =	simm.s32 $0x80  }
0x5: {  	s20 =	simm.s32 $0x400;
	s21 =	simm.s32 $0x2000;
	[smem:$0x7FF] =	sst s1  }
0x6: {  	v0 =	vlaneseq.u32;
	s3 =	sadd.s32 $0x803800, s0;
	s5 =	sand.u32 $0x1, s4;
	s4 =	sadd.s32 $0x3800, s0  }
0x7: {  	v5 =	vor.u32 $0x10, v0;
	s6 =	sshll.u32 s10, $0x9;
	s8 =	sadd.s32 $0x3400, s0;
	s23 =	sadd.s32 $0x3000, s0  }
0x8: {  	v6 =	vor.u32 $0x20, v0;
	v7 =	vor.u32 $0x30, v0;
	v8 =	vor.u32 $0x40, v0;
	s11 =	sadd.s32 $0x2C00, s0;
	_ =	strace $0x80000047;
	[dreg:$0x3] =	wrdreg s8  }
0x9: {  	v9 =	vor.u32 $0x50, v0;
	v10 =	vor.u32 $0x60, v0;
	v11 =	vor.u32 $0x70, v0;
	s28 =	sshll.u32 s10, $0xD;
	s30 =	sshll.u32 s10, $0x13;
	[dreg:$0x4] =	wrdreg s23  }
0xa: {  	v12 =	vor.u32 $0x80, v0;
	v13 =	vor.u32 $0x90, v0;
	v14 =	vor.u32 $0xA0, v0;
	s7 =	sshll.u32 s5, $0x8;
	s22 =	ssub.s32 $0x2, s5;
	[dreg:$0x5] =	wrdreg s11  }
0xb: {  	v15 =	vor.u32 $0xB0, v0;
	v16 =	vor.u32 $0xC0, v0;
	v1 =	vor.u32 $0x1D0, v0;
	s29 =	sshll.u32 s5, $0xC;
	s5 =	sshll.u32 s5, $0x12;
	s23 =	simm.s32 $0x4000  }
0xc: {  	v17 =	vor.u32 $0xD0, v0;
	v18 =	vor.u32 $0xE0, v0;
	v2 =	vor.u32 $0x120, v0;
	[tilespmem:$0x1FF90] =	vst v1;
	s6 =	sor.u32 s7, s6;
	s9 =	sshrl.u32 s22, $0x1;
	s31 =	sor.u32 s5, s30  }
0xd: {  	v19 =	vor.u32 $0xF0, v0;
	v20 =	vor.u32 $0x100, v0;
	v4 =	vor.u32 $0x130, v0;
	[tilespmem:$0x1FFC0] =	vst v2;
	s24 =	sshll.u32 s6, $0x4;
	s26 =	sor.u32 $0x1, s6;
	[dreg:$0xa] =	wrdreg s31  }
0xe: {  	v21 =	vor.u32 $0x110, v0;
	v23 =	vor.u32 $0x140, v0;
	v24 =	vor.u32 $0x150, v0;
	[tilespmem:$0x1FFD0] =	vst v4;
	s0 =	sadd.s32 s24, s0;
	s2 =	sadd.s32 s2, s24;
	[dreg:$0x9] =	wrdreg s26  }
0xf: {  	v27 =	vor.u32 $0x160, v0;
	v28 =	vor.u32 $0x170, v0;
	v29 =	vor.u32 $0x180, v0;
	[tilespmem:$0x1FFE0] =	vst v23;
	s7 =	ssub.s32 s22, s9;
	[dreg:$0x6] =	wrdreg s2;
	s0 =	sadd.s32 $0x883800, s0  }
0x10: {  	v30 =	vor.u32 $0x190, v0;
	v32 =	vmul.u32 $0xFFFFFFFF, v0;
	v1 =	vor.u32 $0x1E0, v0;
	[tilespmem:$0x1FFF0] =	vst v24;
	s25 =	smax.u32 s7, $0x1;
	[dreg:$0x7] =	wrdreg s0;
	s0 =	sor.u32 s29, s28  }
0x11: {  	v31 =	vor.u32 $0x1A0, v0;
	v50 =	vor.u32 $0x1B0, v0;
	[tilespmem:$0x1FFA0] =	vst v1;
	v1 =	vor.u32 $0x1F0, v0;
	s22 =	simm.s32 $0x1;
	[dreg:$0x8] =	wrdreg s25;
	s0 =	sor.u32 $0x20, s0  }
0x12: {  	v26 =	vor.u32 $0x1C0, v0;
	v34 =	vmul.u32 $0x200, v0;
	v32 =	vadd.s32 $0xF, v32;
	[tilespmem:$0x1FFB0] =	vst v1;
	s24 =	simm.s32 $0x2;
	s2 =	simm.s32 $0x0;
	[dreg:$0xb] =	wrdreg s0  }
.LBB2_1:
0x13: {  	[dreg:$0xc] =	wrdreg s2  }
0x14: {  	s0 =	rddreg [dreg:$0x3]  }
0x15: {  	[tilespmem:s15], [sflag:$0x3] =	stream.linear.gather [hbm4b:s0+s1], $0x2000, $0x38;
	[tilespmem:$0x1C000] =	vst v63  }
0x16: {  	_ =	swait.ge [sflag:s16], $0x2000  }
0x17: {  	[sflag:s16] =	ssyncset.done $0x0  }
0x18: {  	s26 =	rddreg [dreg:$0x4];
	[sflag:s16] =	ssyncadd.s32 $0xFFFFE000  }
0x19: {  	[tilespmem:s17], [sflag:$0x3] =	stream.linear.gather [hbm4b:s26+s1], $0x2000, $0x38;
	[tilespmem:$0x1C000] =	vst v63  }
0x1a: {  	_ =	swait.ge [sflag:s16], $0x2000  }
0x1b: {  	[sflag:s16] =	ssyncset.done $0x0  }
0x1c: {  	s28 =	rddreg [dreg:$0x5];
	[sflag:s16] =	ssyncadd.s32 $0xFFFFE000  }
0x1d: {  	[tilespmem:s18], [sflag:$0x3] =	stream.linear.gather [hbm4b:s28+s1], $0x2000, $0x38;
	[tilespmem:$0x1C000] =	vst v63  }
0x1e: {  	_ =	swait.ge [sflag:s16], $0x2000  }
0x1f: {  	s29 =	simm.s32 $0x14000;
	s30 =	simm.s32 $0xC000;
	s14 =	rddreg [dreg:$0xb]  }
0x20: {  	s31 =	simm.s32 $0x80;
	[sflag:s16] =	ssyncset.done $0x0;
	s13 =	rddreg [dreg:$0xa]  }
0x21: {  	s26 =	simm.s32 $0x0;
	s25 =	rddreg [dreg:$0x9];
	[sflag:s16] =	ssyncadd.s32 $0xFFFFE000  }
.LBB2_2:
0x22: {  	s5 =	sshll.u32 s26, $0x4  }
0x23: {  	s7 =	sor.u32 s6, s5  }
0x24: {  	s5 =	sshll.u32 s7, $0x6  }
0x25: {  	s8 =	sadd.s32 s3, s5;
	s5 =	simm.s32 $0x0  }
0x26: {  	[tilespmem:s5], [sflag:$0x3] =	stream.linear.gather [hbm4b:s8+s5], $0x2000, $0x38;
	[tilespmem:$0x1C000] =	vst v63  }
0x27: {  	s12 =	smov.u32 s25;
	s9 =	simm.s32 $0x0;
	_ =	swait.ge [sflag:s16], $0x2000  }
0x28: {  	v1 =	vmov s30;
	s10 =	simm.s32 $0x0;
	s7 =	sshll.u32 s7, $0xA;
	[sflag:s16] =	ssyncset.done $0x0  }
0x29: {  	s7 =	sadd.s32 s4, s7;
	s8 =	simm.s32 $0x0;
	[tilespmem:$0x1FF80] =	vst v1;
	[sflag:s16] =	ssyncadd.s32 $0xFFFFE000  }
0x2a: {  	v51 =	vmov s29;
	[tilespmem:s21], [sflag:$0x1] =	stream.strided.gather [hbm4b:s7+s19], $0x2000, s20, s19, $0x38;
	[tilespmem:$0x1C000] =	vst v63  }
.LBB2_3:
0x2b: {  	s7 =	sadd.s32 s5, s13;
	s11 =	sand.u32 $0x60, s8  }
0x2c: {  	_ =	swait.ge [sflag:s22], $0x2000;
	s7 =	sand.u32 $0x7FE000, s7;
	s11 =	sadd.s32 s11, s4  }
0x2d: {  	[sflag:s22] =	ssyncset.done $0x0;
	s7 =	sadd.s32 s7, s11  }
0x2e: {  	[sflag:s22] =	ssyncadd.s32 $0xFFFFE000;
	s7 =	sadd.s32 $0x10, s7  }
0x2f: {  	[tilespmem:s23], [sflag:$0x2] =	stream.strided.gather [hbm4b:s7+s19], $0x2000, s20, s19, $0x38;
	[tilespmem:$0x1C000] =	vst v63  }
0x30: {  	s1 =	sand.u32 $0x300, s9;
	s7 =	sand.u32 $0x1000, s10  }
0x31: {  	s11 =	sor.u32 s1, s7  }
0x32: {  	v52 =	vld [tilespmem:s11+$0x0]  }
0x33: {  	v53 =	vld [tilespmem:s11+$0x10];
	_ =	sdelay $0x1  }
0x34: {  	v54 =	vld [tilespmem:s11+$0x20]  }
0x35: {  	v55 =	vld [tilespmem:s11+$0x30]  }
0x36: {  	v56 =	vld [tilespmem:s11+$0x40];
	(xrf1) =	vsort.ascd.msk.f32 $0xffff, v52, v0  }
0x37: {  	v60 =	vld [tilespmem:s11+$0x50];
	(xrf1) =	vsort.ascd.msk.f32 $0xffff, v53, v5  }
0x38: {  	v53 =	vld [tilespmem:s11+$0x60]  }
0x39: {  	v61 =	vld [tilespmem:s11+$0x70]  }
0x3a: {  	(xrf1) =	vsort.ascd.msk.f32 $0xffff, v54, v6;
	v62 =	vld [tilespmem:s11+$0x400]  }
0x3b: {  	v63 =	vld [tilespmem:s11+$0x410];
	(xrf1) =	vsort.ascd.msk.f32 $0xffff, v55, v7  }
0x3c: {  	v33 =	vld [tilespmem:s11+$0x420];
	(xrf1) =	vsort.ascd.msk.f32 $0xffff, v56, v8  }
0x3d: {  	v35 =	vld [tilespmem:s11+$0x430];
	(xrf1) =	vsort.ascd.msk.f32 $0xffff, v60, v9  }
0x3e: {  	v36 =	vld [tilespmem:s11+$0x440];
	(xrf1) =	vsort.ascd.msk.f32 $0xffff, v53, v10  }
0x3f: {  	v37 =	vld [tilespmem:s11+$0x450];
	(xrf1) =	vsort.ascd.msk.f32 $0xffff, v61, v11  }
0x40: {  	v38 =	vld [tilespmem:s11+$0x460];
	(xrf1) =	vsort.ascd.msk.f32 $0xffff, v62, v12  }
0x41: {  	v39 =	vld [tilespmem:s11+$0x470];
	(xrf1) =	vsort.ascd.msk.f32 $0xffff, v63, v13  }
0x42: {  	v40 =	vld [tilespmem:s11+$0x800];
	(xrf1) =	vsort.ascd.msk.f32 $0xffff, v33, v14  }
0x43: {  	v41 =	vld [tilespmem:s11+$0x810];
	(xrf1) =	vsort.ascd.msk.f32 $0xffff, v35, v15  }
0x44: {  	v42 =	vld [tilespmem:s11+$0x820];
	(xrf1) =	vsort.ascd.msk.f32 $0xffff, v36, v16  }
0x45: {  	v43 =	vld [tilespmem:s11+$0x830];
	(xrf1) =	vsort.ascd.msk.f32 $0xffff, v37, v17  }
0x46: {  	v44 =	vld [tilespmem:s11+$0x840];
	(xrf1) =	vsort.ascd.msk.f32 $0xffff, v38, v18  }
0x47: {  	v45 =	vld [tilespmem:s11+$0x850];
	v57, v58, _ =	vpop (xrf1);
	(xrf1) =	vsort.ascd.msk.f32 $0xffff, v39, v19  }
0x48: {  	v46 =	vld [tilespmem:s11+$0x860];
	v59, v60, _ =	vpop (xrf1);
	(xrf1) =	vsort.ascd.msk.f32 $0xffff, v40, v20  }
0x49: {  	v47 =	vld [tilespmem:s11+$0x870];
	v61, v62, _ =	vpop (xrf1);
	(xrf1) =	vsort.ascd.msk.f32 $0xffff, v41, v21  }
0x4a: {  	v48 =	vld [tilespmem:s11+$0xC00];
	v63, v0, _ =	vpop (xrf1);
	(xrf1) =	vsort.ascd.msk.f32 $0xffff, v42, v2  }
0x4b: {  	v49 =	vld [tilespmem:s11+$0xC10];
	v33, v35, _ =	vpop (xrf1);
	(xrf1) =	vsort.ascd.msk.f32 $0xffff, v43, v4  }
0x4c: {  	v54 =	vld [tilespmem:s11+$0xC30];
	v36, v37, _ =	vpop (xrf1);
	(xrf1) =	vsort.ascd.msk.f32 $0xffff, v44, v23  }
0x4d: {  	v53 =	vld [tilespmem:s11+$0xC20];
	v38, v39, _ =	vpop (xrf1);
	(xrf1) =	vsort.ascd.msk.f32 $0xffff, v45, v24  }
0x4e: {  	v22 =	vld [tilespmem:$0x1FF90];
	v40, v41, _ =	vpop (xrf1);
	(xrf1) =	vsort.ascd.msk.f32 $0xffff, v46, v27  }
0x4f: {  	v55 =	vld [tilespmem:s11+$0xC40];
	v60 =	vperm.xlane v60, v32;
	v63 =	vperm.xlane v63, v32;
	v42, v43, _ =	vpop (xrf1);
	(xrf1) =	vsort.ascd.msk.f32 $0xffff, v47, v28  }
0x50: {  	v56 =	vld [tilespmem:s11+$0xC50];
	v0 =	vperm.xlane v0, v32;
	v36 =	vperm.xlane v36, v32;
	v44, v45, _ =	vpop (xrf1);
	(xrf1) =	vsort.ascd.msk.f32 $0xffff, v48, v29  }
0x51: {  	v52 =	vld [tilespmem:s11+$0xC60];
	vm9 =	vlt.f32 v63, v61;
	v37 =	vperm.xlane v37, v32;
	v46, v47, _ =	vpop (xrf1);
	(xrf1) =	vsort.ascd.msk.f32 $0xffff, v49, v30  }
0x52: {  	v25 =	vld [tilespmem:$0x1FFB0];
	vm10 =	vlt.f32 v36, v33;
	v40 =	vperm.xlane v40, v32;
	(xrf1) =	vsort.ascd.msk.f32 $0xffff, v53, v31  }
0x53: {  	v23 =	vld [tilespmem:$0x1FFA0];
	v0 =	vsel vm9, v0, v62;
	v35 =	vsel vm10, v37, v35;
	v48, v49, _ =	vpop (xrf1);
	(xrf1) =	vsort.ascd.msk.f32 $0xffff, v54, v50  }
0x54: {  	vm11 =	vlt.f32 v40, v38;
	v44 =	vperm.xlane v44, v32;
	v53, v1, _ =	vpop (xrf1);
	v54 =	vld [tilespmem:s11+$0xC70];
	(xrf1) =	vsort.ascd.msk.f32 $0xffff, v55, v26  }
0x55: {  	v48 =	vperm.xlane v48, v32;
	v2, v3, _ =	vpop (xrf1);
	(xrf1) =	vsort.ascd.msk.f32 $0xffff, v56, v22;
	v56 =	vperm.xlane v59, v32  }
0x56: {  	v45 =	vperm.xlane v45, v32;
	vm12 =	vlt.f32 v44, v42;
	v49 =	vperm.xlane v49, v32  }
0x57: {  	vm13 =	vlt.f32 v48, v46;
	v2 =	vperm.xlane v2, v32;
	vm0 =	vlt.f32 v56, v57  }
0x58: {  	v55, v4, _ =	vpop (xrf1);
	v3 =	vperm.xlane v3, v32;
	(xrf1) =	vsort.ascd.msk.f32 $0xffff, v52, v23;
	v58 =	vsel vm0, v60, v58  }
0x59: {  	v52, v59, _ =	vpop (xrf1);
	vm14 =	vlt.f32 v2, v53;
	(xrf1) =	vsort.ascd.msk.f32 $0xffff, v54, v25;
	v54 =	vsel vm0, v56, v57  }
0x5a: {  	v56, v57, _ =	vpop (xrf1);
	(xrf1) =	vsort.ascd.msk.f32 $0xffff, v54, v58;
	v54 =	vsel vm9, v63, v61;
	v63 =	vperm.xlane v41, v32  }
0x5b: {  	v62 =	vperm.xlane v52, v32;
	v1 =	vsel vm14, v3, v1;
	v58, v60, _ =	vpop (xrf1);
	(xrf1) =	vsort.ascd.msk.f32 $0xffff, v54, v0  }
0x5c: {  	v0 =	vsel vm10, v36, v33;
	v33 =	vsel vm11, v63, v39;
	v39 =	vsel vm12, v45, v43  }
0x5d: {  	v36, v41, _ =	vpop (xrf1);
	(xrf1) =	vsort.ascd.msk.f32 $0xffff, v0, v35;
	v0 =	vsel vm11, v40, v38;
	v3 =	vperm.xlane v58, v32  }
0x5e: {  	v35, v38, _ =	vpop (xrf1);
	(xrf1) =	vsort.ascd.msk.f32 $0xffff, v0, v33;
	v0 =	vsel vm12, v44, v42;
	v33 =	vsel vm13, v49, v47  }
0x5f: {  	v49 =	vperm.xlane v60, v32;
	v37, v42, _ =	vpop (xrf1);
	(xrf1) =	vsort.ascd.msk.f32 $0xffff, v0, v39;
	v0 =	vsel vm13, v48, v46  }
0x60: {  	v54, v61, _ =	vpop (xrf1);
	(xrf1) =	vsort.ascd.msk.f32 $0xffff, v0, v33;
	v0 =	vsel vm14, v2, v53;
	v2 =	vperm.xlane v59, v32  }
0x61: {  	vm4 =	vlt.f32 v3, v56;
	v35 =	vperm.xlane v35, v32  }
0x62: {  	vm15 =	vlt.f32 v62, v55;
	v43 =	vsel vm4, v49, v57;
	v48, v63, _ =	vpop (xrf1);
	(xrf1) =	vsort.ascd.msk.f32 $0xffff, v0, v1  }
0x63: {  	v0 =	vsel vm15, v62, v55;
	vm5 =	vlt.f32 v35, v36;
	v1 =	vsel vm15, v2, v4  }
0x64: {  	v2, v4, _ =	vpop (xrf1);
	(xrf1) =	vsort.ascd.msk.f32 $0xffff, v0, v1;
	v0 =	vsel vm4, v3, v56;
	v1 =	vperm.xlane v38, v32  }
0x65: {  	v39 =	vperm.xlane v54, v32;
	v40 =	vperm.xlane v61, v32;
	v3, v52, _ =	vpop (xrf1);
	(xrf1) =	vsort.ascd.msk.f32 $0xffff, v0, v43  }
0x66: {  	v0 =	vsel vm5, v35, v36;
	v2 =	vperm.xlane v2, v32;
	v1 =	vsel vm5, v1, v41  }
0x67: {  	vm6 =	vlt.f32 v39, v37;
	v35, v36, _ =	vpop (xrf1);
	(xrf1) =	vsort.ascd.msk.f32 $0xffff, v0, v1;
	v1 =	vperm.xlane v4, v32  }
0x68: {  	v54 =	vsel vm6, v40, v42;
	v0 =	vsel vm6, v39, v37;
	v4, v53, _ =	vpop (xrf1);
	vm7 =	vlt.f32 v2, v48  }
0x69: {  	v35 =	vperm.xlane v35, v32;
	v36 =	vperm.xlane v36, v32;
	v56, v55, _ =	vpop (xrf1);
	v1 =	vsel vm7, v1, v63  }
0x6a: {  	(xrf1) =	vsort.ascd.msk.f32 $0xffff, v0, v54;
	v0 =	vsel vm7, v2, v48;
	v2, v33, _ =	vpop (xrf1);
	v57 =	vperm.xlane v56, v32  }
0x6b: {  	vm8 =	vlt.f32 v35, v3;
	v61 =	vperm.xlane v55, v32;
	v59, v58, _ =	vpop (xrf1);
	(xrf1) =	vsort.ascd.msk.f32 $0xffff, v0, v1  }
0x6c: {  	v0 =	vsel vm8, v35, v3;
	v60 =	vsel vm8, v36, v52;
	vm9 =	vlt.f32 v57, v4;
	v1, v3, _ =	vpop (xrf1)  }
0x6d: {  	(xrf1) =	vsort.ascd.msk.f32 $0xffff, v0, v60;
	v0 =	vsel vm9, v57, v4;
	v4 =	vperm.xlane v59, v32;
	v62, v63, _ =	vpop (xrf1)  }
0x6e: {  	v40 =	vsel vm9, v61, v53;
	v43 =	vperm.xlane v62, v32  }
0x6f: {  	v42 =	vperm.xlane v58, v32;
	(xrf1) =	vsort.ascd.msk.f32 $0xffff, v0, v40;
	vm10 =	vlt.f32 v4, v2  }
0x70: {  	v0 =	vperm.xlane v63, v32;
	v2 =	vsel vm10, v4, v2;
	vm11 =	vlt.f32 v43, v1  }
0x71: {  	v1 =	vsel vm11, v43, v1  }
0x72: {  	v45, v44, _ =	vpop (xrf1);
	v4 =	vsel vm10, v42, v33;
	v0 =	vsel vm11, v0, v3  }
0x73: {  	(xrf1) =	vsort.ascd.msk.f32 $0xffff, v2, v4;
	v2, v3, _ =	vpop (xrf1)  }
0x74: {  	(xrf1) =	vsort.ascd.msk.f32 $0xffff, v1, v0;
	v2 =	vperm.xlane v2, v32  }
0x75: {  	v3 =	vperm.xlane v3, v32;
	v0, v1, _ =	vpop (xrf1)  }
0x76: {  	vm12 =	vlt.f32 v2, v45;
	v4, v36, _ =	vpop (xrf1)  }
0x77: {  	v3 =	vsel vm12, v3, v44;
	v46, v38, _ =	vpop (xrf1);
	v4 =	vperm.xlane v4, v32  }
0x78: {  	v2 =	vsel vm12, v2, v45;
	v47, v48, _ =	vpop (xrf1)  }
0x79: {  	v49 =	vperm.xlane v36, v32;
	v53, v52, _ =	vpop (xrf1);
	vm13 =	vlt.f32 v4, v0;
	v54 =	vperm.xlane v47, v32  }
0x7a: {  	(xrf1) =	vsort.ascd.msk.f32 $0xffff, v2, v3;
	v56, v55, _ =	vpop (xrf1);
	v0 =	vsel vm13, v4, v0;
	v4 =	vperm.xlane v48, v32  }
0x7b: {  	v1 =	vsel vm13, v49, v1;
	v2, v3, _ =	vpop (xrf1);
	vm14 =	vlt.f32 v54, v46;
	v57 =	vperm.xlane v56, v32  }
0x7c: {  	(xrf1) =	vsort.ascd.msk.f32 $0xffff, v0, v1;
	v1 =	vperm.xlane v55, v32;
	v59, v58, _ =	vpop (xrf1);
	v4 =	vsel vm14, v4, v38  }
0x7d: {  	v0 =	vsel vm14, v54, v46;
	v35, v37, _ =	vpop (xrf1);
	vm15 =	vlt.f32 v57, v53  }
0x7e: {  	v60 =	vperm.xlane v59, v32;
	(xrf1) =	vsort.ascd.msk.f32 $0xffff, v0, v4;
	v62, v61, _ =	vpop (xrf1);
	v1 =	vsel vm15, v1, v52  }
0x7f: {  	v45 =	vperm.xlane v58, v32;
	v0 =	vsel vm15, v57, v53;
	v4, v63, _ =	vpop (xrf1);
	v39 =	vperm.xlane v62, v32  }
0x80: {  	vm4 =	vlt.f32 v60, v2;
	(xrf1) =	vsort.ascd.msk.f32 $0xffff, v0, v1;
	v48 =	vperm.xlane v61, v32;
	v47, v46, _ =	vpop (xrf1)  }
0x81: {  	v0 =	vsel vm4, v60, v2;
	v3 =	vsel vm4, v45, v3;
	v1, v2, _ =	vpop (xrf1);
	vm5 =	vlt.f32 v39, v35  }
0x82: {  	(xrf1) =	vsort.ascd.msk.f32 $0xffff, v0, v3;
	v3 =	vperm.xlane v47, v32;
	v54 =	vperm.xlane v46, v32;
	v49, v52, _ =	vpop (xrf1)  }
0x83: {  	v0 =	vsel vm5, v39, v35;
	v53 =	vsel vm5, v48, v37;
	v55 =	vperm.xlane v49, v32  }
0x84: {  	(xrf1) =	vsort.ascd.msk.f32 $0xffff, v0, v53;
	vm6 =	vlt.f32 v3, v4;
	v0 =	vperm.xlane v52, v32  }
0x85: {  	v3 =	vsel vm6, v3, v4;
	v4 =	vsel vm6, v54, v63;
	vm7 =	vlt.f32 v55, v1  }
0x86: {  	(xrf1) =	vsort.ascd.msk.f32 $0xffff, v3, v4;
	v1 =	vsel vm7, v55, v1;
	v0 =	vsel vm7, v0, v2  }
0x87: {  	(xrf1) =	vsort.ascd.msk.f32 $0xffff, v1, v0;
	_ =	sdelay $0x6  }
0x88: {  	v0, v1, _ =	vpop (xrf1)  }
0x89: {  	v2, v3, _ =	vpop (xrf1)  }
0x8a: {  	v4, v33, _ =	vpop (xrf1);
	v2 =	vperm.xlane v2, v32  }
0x8b: {  	v56, v57, _ =	vpop (xrf1)  }
0x8c: {  	v3 =	vperm.xlane v3, v32;
	vm8 =	vlt.f32 v2, v0;
	v35 =	vperm.xlane v56, v32;
	v58, v38, _ =	vpop (xrf1)  }
0x8d: {  	v0 =	vsel vm8, v2, v0;
	v59, v60, _ =	vpop (xrf1)  }
0x8e: {  	v1 =	vsel vm8, v3, v1;
	v3 =	vperm.xlane v57, v32;
	vm9 =	vlt.f32 v35, v4;
	v2, v61, _ =	vpop (xrf1)  }
0x8f: {  	(xrf1) =	vsort.ascd.msk.f32 $0xffff, v0, v1;
	v0 =	vsel vm9, v35, v4;
	v1 =	vperm.xlane v59, v32;
	v63, v62, _ =	vpop (xrf1)  }
0x90: {  	v3 =	vsel vm9, v3, v33;
	v4 =	vperm.xlane v60, v32;
	v40 =	vperm.xlane v63, v32  }
0x91: {  	(xrf1) =	vsort.ascd.msk.f32 $0xffff, v0, v3;
	vm10 =	vlt.f32 v1, v58;
	v0 =	vperm.xlane v62, v32  }
0x92: {  	v1 =	vsel vm10, v1, v58;
	v3 =	vsel vm10, v4, v38;
	vm11 =	vlt.f32 v40, v2  }
0x93: {  	(xrf1) =	vsort.ascd.msk.f32 $0xffff, v1, v3;
	v1 =	vsel vm11, v40, v2;
	v0 =	vsel vm11, v0, v61  }
0x94: {  	(xrf1) =	vsort.ascd.msk.f32 $0xffff, v1, v0;
	_ =	sdelay $0xa  }
0x95: {  	v0, v1, _ =	vpop (xrf1)  }
0x96: {  	v2, v3, _ =	vpop (xrf1)  }
0x97: {  	v4, v42, _ =	vpop (xrf1)  }
0x98: {  	v2 =	vperm.xlane v2, v32;
	v43, v44, _ =	vpop (xrf1)  }
0x99: {  	v3 =	vperm.xlane v3, v32;
	v35 =	vperm.xlane v43, v32  }
0x9a: {  	vm12 =	vlt.f32 v2, v0;
	v36 =	vperm.xlane v44, v32  }
0x9b: {  	v0 =	vsel vm12, v2, v0;
	v1 =	vsel vm12, v3, v1;
	vm13 =	vlt.f32 v35, v4  }
0x9c: {  	(xrf1) =	vsort.ascd.msk.f32 $0xffff, v0, v1;
	v0 =	vsel vm13, v35, v4;
	v1 =	vsel vm13, v36, v42  }
0x9d: {  	(xrf1) =	vsort.ascd.msk.f32 $0xffff, v0, v1;
	_ =	sdelay $0xc  }
0x9e: {  	v0, v1, _ =	vpop (xrf1)  }
0x9f: {  	v2, v3, _ =	vpop (xrf1)  }
0xa0: {  	v2 =	vperm.xlane v2, v32  }
0xa1: {  	v3 =	vperm.xlane v3, v32  }
0xa2: {  	vm14 =	vlt.f32 v2, v0  }
0xa3: {  	v0 =	vsel vm14, v2, v0;
	v1 =	vsel vm14, v3, v1  }
0xa4: {  	(xrf1) =	vsort.ascd.msk.f32 $0xffff, v0, v1;
	_ =	sdelay $0xd  }
0xa5: {  	v1 =	vimm.s32 $0x0;
	_, v0, _ =	vpop (xrf1)  }
0xa6: {  	v2 =	vimm.s32 $0x1;
	v1 =	vperm.xlane v0, v1  }
0xa7: {  	v2 =	vperm.xlane v0, v2  }
0xa8: {  	v3 =	vimm.s32 $0x2;
	v1 =	vadd.s32 v34, v1  }
0xa9: {  	v4 =	vimm.s32 $0x3;
	v3 =	vperm.xlane v0, v3;
	v2 =	vadd.s32 v34, v2  }
0xaa: {  	v45 =	vimm.s32 $0x4;
	v4 =	vperm.xlane v0, v4  }
0xab: {  	v46 =	vimm.s32 $0x5;
	v33 =	vperm.xlane v0, v45;
	v3 =	vadd.s32 v34, v3  }
0xac: {  	v47 =	vimm.s32 $0x6;
	v35 =	vperm.xlane v0, v46;
	v4 =	vadd.s32 v34, v4  }
0xad: {  	v49 =	vimm.s32 $0x7;
	v36 =	vperm.xlane v0, v47;
	v33 =	vadd.s32 v34, v33;
	v48 =	vld.idx.msk [tilespmem:v1+s21+$0x0], $0xffff  }
0xae: {  	v53 =	vimm.s32 $0x8;
	v38 =	vperm.xlane v0, v49;
	v35 =	vadd.s32 v34, v35;
	v52 =	vld.idx.msk [tilespmem:v2+s21+$0x0], $0xffff  }
0xaf: {  	v55 =	vimm.s32 $0x9;
	v40 =	vperm.xlane v0, v53;
	v36 =	vadd.s32 v34, v36  }
0xb0: {  	v57 =	vimm.s32 $0xA;
	v42 =	vperm.xlane v0, v55;
	v38 =	vadd.s32 v34, v38;
	v54 =	vld.idx.msk [tilespmem:v3+s21+$0x0], $0xffff  }
0xb1: {  	v59 =	vimm.s32 $0xB;
	v44 =	vperm.xlane v0, v57;
	v40 =	vadd.s32 v34, v40;
	v56 =	vld.idx.msk [tilespmem:v4+s21+$0x0], $0xffff  }
0xb2: {  	v61 =	vimm.s32 $0xC;
	v46 =	vperm.xlane v0, v59;
	v42 =	vadd.s32 v34, v42;
	v58 =	vld.idx.msk [tilespmem:v33+s21+$0x0], $0xffff;
	(xrf1) =	vsort.ascd.msk.f32 $0xffff, v48, v1  }
0xb3: {  	v63 =	vimm.s32 $0xD;
	v60 =	vadd.s32 v34, v44;
	v44 =	vperm.xlane v0, v61;
	v1 =	vld.idx.msk [tilespmem:v35+s21+$0x0], $0xffff;
	(xrf1) =	vsort.ascd.msk.f32 $0xffff, v52, v2  }
0xb4: {  	v49 =	vimm.s32 $0xE;
	v62 =	vadd.s32 v34, v46;
	v46 =	vperm.xlane v0, v63;
	v2 =	vld.idx.msk [tilespmem:v36+s21+$0x0], $0xffff  }
0xb5: {  	v53 =	vimm.s32 $0xF;
	v48 =	vadd.s32 v34, v44;
	v44 =	vperm.xlane v0, v49;
	(xrf1) =	vsort.ascd.msk.f32 $0xffff, v54, v3;
	v3 =	vld.idx.msk [tilespmem:v38+s21+$0x0], $0xffff  }
0xb6: {  	v0 =	vperm.xlane v0, v53;
	v52 =	vadd.s32 v34, v46;
	(xrf1) =	vsort.ascd.msk.f32 $0xffff, v56, v4;
	v4 =	vld.idx.msk [tilespmem:v40+s21+$0x0], $0xffff  }
0xb7: {  	v54 =	vld.idx.msk [tilespmem:v42+s21+$0x0], $0xffff;
	v44 =	vadd.s32 v34, v44;
	(xrf1) =	vsort.ascd.msk.f32 $0xffff, v58, v33  }
0xb8: {  	v0 =	vadd.s32 v34, v0;
	(xrf1) =	vsort.ascd.msk.f32 $0xffff, v1, v35;
	v1 =	vld.idx.msk [tilespmem:v60+s21+$0x0], $0xffff  }
0xb9: {  	(xrf1) =	vsort.ascd.msk.f32 $0xffff, v2, v36;
	v2 =	vld.idx.msk [tilespmem:v62+s21+$0x0], $0xffff  }
0xba: {  	(xrf1) =	vsort.ascd.msk.f32 $0xffff, v3, v38;
	v3 =	vld.idx.msk [tilespmem:v48+s21+$0x0], $0xffff  }
0xbb: {  	(xrf1) =	vsort.ascd.msk.f32 $0xffff, v4, v40;
	v4 =	vld.idx.msk [tilespmem:v52+s21+$0x0], $0xffff  }
0xbc: {  	v55 =	vld.idx.msk [tilespmem:v44+s21+$0x0], $0xffff;
	(xrf1) =	vsort.ascd.msk.f32 $0xffff, v54, v42  }
0xbd: {  	(xrf1) =	vsort.ascd.msk.f32 $0xffff, v1, v60;
	v1 =	vld.idx.msk [tilespmem:v0+s21+$0x0], $0xffff  }
0xbe: {  	(xrf1) =	vsort.ascd.msk.f32 $0xffff, v2, v62  }
0xbf: {  	(xrf1) =	vsort.ascd.msk.f32 $0xffff, v3, v48  }
0xc0: {  	(xrf1) =	vsort.ascd.msk.f32 $0xffff, v4, v52;
	v2, v3, _ =	vpop (xrf1)  }
0xc1: {  	(xrf1) =	vsort.ascd.msk.f32 $0xffff, v55, v44;
	v4, v56, _ =	vpop (xrf1)  }
0xc2: {  	(xrf1) =	vsort.ascd.msk.f32 $0xffff, v1, v0;
	v4 =	vperm.xlane v4, v32  }
0xc3: {  	v0, v1, _ =	vpop (xrf1);
	v33 =	vperm.xlane v56, v32  }
0xc4: {  	v57, v58, _ =	vpop (xrf1);
	vm15 =	vlt.f32 v4, v2  }
0xc5: {  	v60, v59, _ =	vpop (xrf1);
	v35 =	vperm.xlane v57, v32;
	v3 =	vsel vm15, v33, v3  }
0xc6: {  	v62, v61, _ =	vpop (xrf1);
	v2 =	vsel vm15, v4, v2;
	v4 =	vperm.xlane v58, v32  }
0xc7: {  	v45, v63, _ =	vpop (xrf1);
	vm4 =	vlt.f32 v35, v0;
	v46 =	vperm.xlane v62, v32  }
0xc8: {  	(xrf1) =	vsort.ascd.msk.f32 $0xffff, v2, v3;
	v48, v47, _ =	vpop (xrf1);
	v1 =	vsel vm4, v4, v1;
	v4 =	vperm.xlane v61, v32  }
0xc9: {  	v0 =	vsel vm4, v35, v0;
	vm5 =	vlt.f32 v46, v60;
	v49 =	vperm.xlane v48, v32;
	v2, v3, _ =	vpop (xrf1)  }
0xca: {  	(xrf1) =	vsort.ascd.msk.f32 $0xffff, v0, v1;
	v1 =	vperm.xlane v47, v32;
	v4 =	vsel vm5, v4, v59;
	v53, v52, _ =	vpop (xrf1)  }
0xcb: {  	v0 =	vsel vm5, v46, v60;
	vm6 =	vlt.f32 v49, v45;
	v33, v37, _ =	vpop (xrf1)  }
0xcc: {  	(xrf1) =	vsort.ascd.msk.f32 $0xffff, v0, v4;
	v54 =	vperm.xlane v53, v32;
	v1 =	vsel vm6, v1, v63;
	v56, v55, _ =	vpop (xrf1)  }
0xcd: {  	v0 =	vsel vm6, v49, v45;
	v58 =	vperm.xlane v52, v32;
	v4, v57, _ =	vpop (xrf1);
	v39 =	vperm.xlane v56, v32  }
0xce: {  	(xrf1) =	vsort.ascd.msk.f32 $0xffff, v0, v1;
	vm7 =	vlt.f32 v54, v2;
	v61 =	vperm.xlane v55, v32;
	v60, v59, _ =	vpop (xrf1)  }
0xcf: {  	v0 =	vsel vm7, v54, v2;
	v3 =	vsel vm7, v58, v3;
	v1, v2, _ =	vpop (xrf1);
	vm8 =	vlt.f32 v39, v33  }
0xd0: {  	(xrf1) =	vsort.ascd.msk.f32 $0xffff, v0, v3;
	v3 =	vperm.xlane v60, v32;
	v43 =	vperm.xlane v59, v32;
	v62, v63, _ =	vpop (xrf1)  }
0xd1: {  	v0 =	vsel vm8, v39, v33;
	v40 =	vsel vm8, v61, v37;
	v44 =	vperm.xlane v62, v32  }
0xd2: {  	(xrf1) =	vsort.ascd.msk.f32 $0xffff, v0, v40;
	vm9 =	vlt.f32 v3, v4;
	v0 =	vperm.xlane v63, v32  }
0xd3: {  	v3 =	vsel vm9, v3, v4;
	v4 =	vsel vm9, v43, v57;
	vm10 =	vlt.f32 v44, v1  }
0xd4: {  	(xrf1) =	vsort.ascd.msk.f32 $0xffff, v3, v4;
	v1 =	vsel vm10, v44, v1;
	v0 =	vsel vm10, v0, v2  }
0xd5: {  	(xrf1) =	vsort.ascd.msk.f32 $0xffff, v1, v0;
	_ =	sdelay $0x6  }
0xd6: {  	v0, v1, _ =	vpop (xrf1)  }
0xd7: {  	v2, v3, _ =	vpop (xrf1)  }
0xd8: {  	v4, v45, _ =	vpop (xrf1);
	v2 =	vperm.xlane v2, v32  }
0xd9: {  	v35, v36, _ =	vpop (xrf1)  }
0xda: {  	v3 =	vperm.xlane v3, v32;
	vm11 =	vlt.f32 v2, v0;
	v35 =	vperm.xlane v35, v32;
	v46, v38, _ =	vpop (xrf1)  }
0xdb: {  	v0 =	vsel vm11, v2, v0;
	v47, v48, _ =	vpop (xrf1)  }
0xdc: {  	v1 =	vsel vm11, v3, v1;
	v3 =	vperm.xlane v36, v32;
	vm12 =	vlt.f32 v35, v4;
	v2, v49, _ =	vpop (xrf1)  }
0xdd: {  	(xrf1) =	vsort.ascd.msk.f32 $0xffff, v0, v1;
	v0 =	vsel vm12, v35, v4;
	v1 =	vperm.xlane v47, v32;
	v53, v52, _ =	vpop (xrf1)  }
0xde: {  	v3 =	vsel vm12, v3, v45;
	v4 =	vperm.xlane v48, v32;
	v54 =	vperm.xlane v53, v32  }
0xdf: {  	(xrf1) =	vsort.ascd.msk.f32 $0xffff, v0, v3;
	vm13 =	vlt.f32 v1, v46;
	v0 =	vperm.xlane v52, v32  }
0xe0: {  	v1 =	vsel vm13, v1, v46;
	v3 =	vsel vm13, v4, v38;
	vm14 =	vlt.f32 v54, v2  }
0xe1: {  	(xrf1) =	vsort.ascd.msk.f32 $0xffff, v1, v3;
	v1 =	vsel vm14, v54, v2;
	v0 =	vsel vm14, v0, v49  }
0xe2: {  	(xrf1) =	vsort.ascd.msk.f32 $0xffff, v1, v0;
	_ =	sdelay $0xa  }
0xe3: {  	v0, v1, _ =	vpop (xrf1)  }
0xe4: {  	v2, v3, _ =	vpop (xrf1)  }
0xe5: {  	v4, v55, _ =	vpop (xrf1)  }
0xe6: {  	v2 =	vperm.xlane v2, v32;
	v56, v57, _ =	vpop (xrf1)  }
0xe7: {  	v3 =	vperm.xlane v3, v32;
	v35 =	vperm.xlane v56, v32  }
0xe8: {  	vm15 =	vlt.f32 v2, v0;
	v36 =	vperm.xlane v57, v32  }
0xe9: {  	v0 =	vsel vm15, v2, v0;
	v1 =	vsel vm15, v3, v1;
	vm4 =	vlt.f32 v35, v4  }
0xea: {  	(xrf1) =	vsort.ascd.msk.f32 $0xffff, v0, v1;
	v0 =	vsel vm4, v35, v4;
	v1 =	vsel vm4, v36, v55  }
0xeb: {  	(xrf1) =	vsort.ascd.msk.f32 $0xffff, v0, v1;
	_ =	sdelay $0xc  }
0xec: {  	v0, v1, _ =	vpop (xrf1)  }
0xed: {  	v2, v3, _ =	vpop (xrf1)  }
0xee: {  	v2 =	vperm.xlane v2, v32  }
0xef: {  	v3 =	vperm.xlane v3, v32  }
0xf0: {  	vm5 =	vlt.f32 v2, v0  }
0xf1: {  	v0 =	vsel vm5, v2, v0;
	v1 =	vsel vm5, v3, v1  }
0xf2: {  	(xrf1) =	vsort.ascd.msk.f32 $0xffff, v0, v1;
	_ =	sdelay $0x6  }
0xf3: {  	s2 =	sadd.s32 $0xFFFFFFFF, s12;
	v24 =	vld [tilespmem:$0x1FF80]  }
0xf4: {  	v0 =	vmov s2  }
0xf5: {  	v0 =	vand.u32 $0xFFFFFFFE, v0  }
0xf6: {  	v0 =	vbroadcast v0, $0x0;
	_ =	sdelay $0x3  }
0xf7: {  	s11 =	sshra.s32 s10, $0x2;
	_, v1, _ =	vpop (xrf1)  }
0xf8: {  	[tilespmem:v24+s11+$0x0 ss:$0x1] =	vst.idx.msk $0xffff, v1  }
0xf9: {  	v2 =	vld.idx.msk [tilespmem:v0+s15+$0x0], $0xffff  }
0xfa: {  	v3 =	vld.idx.msk [tilespmem:v0+s17+$0x0], $0xffff  }
0xfb: {  	v0 =	vld.idx.msk [tilespmem:v0+s18+$0x0], $0xffff  }
0xfc: {  	v4 =	vld.idx.msk [tilespmem:v1+s15+$0x0], $0xffff  }
0xfd: {  	v58 =	vld.idx.msk [tilespmem:v1+s17+$0x0], $0xffff  }
0xfe: {  	v1 =	vld.idx.msk [tilespmem:v1+s18+$0x0], $0xffff;
	_ =	sdelay $0x2  }
0xff: {  	v2 =	vsub.f32 v4, v2  }
0x100: {  	v3 =	vsub.f32 v58, v3  }
0x101: {  	p0 =	seq.s32 s10, $0x1C00;
	v0 =	vsub.f32 v1, v0;
	[tilespmem:v51+s11+$0x0 ss:$0x1] =	vst.idx.msk $0xffff, v2  }
0x102: {  	s0 =	sadd.s32 @!p0 s8, s14;
	[tilespmem:v51+s11+$0x10 ss:$0x1] =	vst.idx.msk $0xffff, v3  }
0x103: {  	s28 =	simm.s32 @!p0 $0x2000;
	s0 =	sand.u32 @!p0 $0x60, s0;
	s2 =	sadd.s32 @!p0 s5, s13;
	[tilespmem:v51+s11+$0x20 ss:$0x1] =	vst.idx.msk $0xffff, v0  }
0x104: {  	s0 =	sadd.s32 @!p0 s4, s0;
	s2 =	sadd.s32 @!p0 $0x800, s2;
	_ =	swait.ge [sflag:s24], $0x2000  }
0x105: {  	s1 =	simm.s32 @!p0 $0x400;
	s2 =	sand.u32 @!p0 $0xFFFE000, s2;
	[sflag:s24] =	ssyncset.done $0x0  }
0x106: {  	s0 =	sadd.s32 @!p0 s2, s0;
	s2 =	simm.s32 @!p0 $0x80;
	[sflag:s24] =	ssyncadd.s32 $0xFFFFE000  }
0x107: {  	v60 =	vld [tilespmem:$0x1FFC0];
	[tilespmem:s28], [sflag:$0x1] =	stream.strided.gather @!p0 [hbm4b:s0+s2], $0x2000, s1, s2, $0x38  }
0x108: {  	v61 =	vld [tilespmem:$0x1FFD0];
	s28 =	sadd.s32 s9, s31  }
0x109: {  	v62 =	vld [tilespmem:$0x1FFE0];
	s0 =	sand.u32 $0x380, s28  }
0x10a: {  	v63 =	vld [tilespmem:$0x1FFF0];
	s7 =	sadd.s32 s0, s7  }
0x10b: {  	v0 =	vld [tilespmem:s7+$0x0]  }
0x10c: {  	v1 =	vld [tilespmem:s7+$0x10]  }
0x10d: {  	v2 =	vld [tilespmem:s7+$0x20]  }
0x10e: {  	v3 =	vld [tilespmem:s7+$0x30]  }
0x10f: {  	v59 =	vlaneseq.u32;
	v4 =	vld [tilespmem:s7+$0x40]  }
0x110: {  	(xrf1) =	vsort.ascd.msk.f32 $0xffff, v0, v59;
	v0 =	vld [tilespmem:s7+$0x50]  }
0x111: {  	(xrf1) =	vsort.ascd.msk.f32 $0xffff, v1, v5;
	v1 =	vld [tilespmem:s7+$0x60]  }
0x112: {  	(xrf1) =	vsort.ascd.msk.f32 $0xffff, v2, v6;
	v2 =	vld [tilespmem:s7+$0x70]  }
0x113: {  	(xrf1) =	vsort.ascd.msk.f32 $0xffff, v3, v7;
	v3 =	vld [tilespmem:s7+$0x400]  }
0x114: {  	(xrf1) =	vsort.ascd.msk.f32 $0xffff, v4, v8;
	v4 =	vld [tilespmem:s7+$0x410]  }
0x115: {  	(xrf1) =	vsort.ascd.msk.f32 $0xffff, v0, v9;
	v0 =	vld [tilespmem:s7+$0x420]  }
0x116: {  	(xrf1) =	vsort.ascd.msk.f32 $0xffff, v1, v10;
	v1 =	vld [tilespmem:s7+$0x430]  }
0x117: {  	(xrf1) =	vsort.ascd.msk.f32 $0xffff, v2, v11;
	v2 =	vld [tilespmem:s7+$0x440]  }
0x118: {  	(xrf1) =	vsort.ascd.msk.f32 $0xffff, v3, v12;
	v3 =	vld [tilespmem:s7+$0x450]  }
0x119: {  	(xrf1) =	vsort.ascd.msk.f32 $0xffff, v4, v13;
	v4 =	vld [tilespmem:s7+$0x460]  }
0x11a: {  	(xrf1) =	vsort.ascd.msk.f32 $0xffff, v0, v14;
	v0 =	vld [tilespmem:s7+$0x470]  }
0x11b: {  	(xrf1) =	vsort.ascd.msk.f32 $0xffff, v1, v15;
	v1 =	vld [tilespmem:s7+$0x800]  }
0x11c: {  	(xrf1) =	vsort.ascd.msk.f32 $0xffff, v2, v16;
	v2 =	vld [tilespmem:s7+$0x810]  }
0x11d: {  	(xrf1) =	vsort.ascd.msk.f32 $0xffff, v3, v17;
	v3 =	vld [tilespmem:s7+$0x820]  }
0x11e: {  	(xrf1) =	vsort.ascd.msk.f32 $0xffff, v4, v18;
	v4 =	vld [tilespmem:s7+$0x830]  }
0x11f: {  	v33, v35, _ =	vpop (xrf1);
	(xrf1) =	vsort.ascd.msk.f32 $0xffff, v0, v19;
	v0 =	vld [tilespmem:s7+$0x840]  }
0x120: {  	v36, v37, _ =	vpop (xrf1);
	(xrf1) =	vsort.ascd.msk.f32 $0xffff, v1, v20;
	v1 =	vld [tilespmem:s7+$0x850]  }
0x121: {  	v38, v39, _ =	vpop (xrf1);
	(xrf1) =	vsort.ascd.msk.f32 $0xffff, v2, v21;
	v2 =	vld [tilespmem:s7+$0x860]  }
0x122: {  	v40, v41, _ =	vpop (xrf1);
	(xrf1) =	vsort.ascd.msk.f32 $0xffff, v3, v60;
	v3 =	vld [tilespmem:s7+$0x870]  }
0x123: {  	v42, v43, _ =	vpop (xrf1);
	(xrf1) =	vsort.ascd.msk.f32 $0xffff, v4, v61;
	v4 =	vld [tilespmem:s7+$0xC00]  }
0x124: {  	v44, v45, _ =	vpop (xrf1);
	(xrf1) =	vsort.ascd.msk.f32 $0xffff, v0, v62;
	v0 =	vld [tilespmem:s7+$0xC10]  }
0x125: {  	v46, v47, _ =	vpop (xrf1);
	(xrf1) =	vsort.ascd.msk.f32 $0xffff, v1, v63;
	v1 =	vld [tilespmem:s7+$0xC20]  }
0x126: {  	v48, v49, _ =	vpop (xrf1);
	(xrf1) =	vsort.ascd.msk.f32 $0xffff, v2, v27;
	v2 =	vld [tilespmem:s7+$0xC30]  }
0x127: {  	v52, v53, _ =	vpop (xrf1);
	(xrf1) =	vsort.ascd.msk.f32 $0xffff, v3, v28  }
0x128: {  	v3 =	vld [tilespmem:s7+$0xC40];
	v54, v55, _ =	vpop (xrf1);
	(xrf1) =	vsort.ascd.msk.f32 $0xffff, v4, v29  }
0x129: {  	v4 =	vld [tilespmem:s7+$0xC50];
	v56, v57, _ =	vpop (xrf1);
	(xrf1) =	vsort.ascd.msk.f32 $0xffff, v0, v30  }
0x12a: {  	v40 =	vperm.xlane v40, v32;
	v0 =	vld [tilespmem:s7+$0xC60];
	(xrf1) =	vsort.ascd.msk.f32 $0xffff, v1, v31  }
0x12b: {  	v37 =	vperm.xlane v37, v32;
	v44 =	vperm.xlane v44, v32;
	v58, v59, _ =	vpop (xrf1);
	(xrf1) =	vsort.ascd.msk.f32 $0xffff, v2, v50;
	v2 =	vld [tilespmem:s7+$0xC70]  }
0x12c: {  	vm7 =	vlt.f32 v40, v38;
	v45 =	vperm.xlane v45, v32;
	v48 =	vperm.xlane v48, v32;
	v1, v60, _ =	vpop (xrf1)  }
0x12d: {  	vm8 =	vlt.f32 v44, v42;
	v54 =	vperm.xlane v54, v32;
	v61, v62, _ =	vpop (xrf1);
	(xrf1) =	vsort.ascd.msk.f32 $0xffff, v3, v26  }
0x12e: {  	vm9 =	vlt.f32 v48, v46;
	v3, v63, _ =	vpop (xrf1);
	(xrf1) =	vsort.ascd.msk.f32 $0xffff, v4, v22;
	v4 =	vperm.xlane v36, v32  }
0x12f: {  	v55 =	vperm.xlane v55, v32;
	vm10 =	vlt.f32 v54, v52;
	(xrf1) =	vsort.ascd.msk.f32 $0xffff, v0, v23;
	v0, v36, _ =	vpop (xrf1)  }
0x130: {  	vm6 =	vlt.f32 v4, v33;
	v0 =	vperm.xlane v0, v32;
	(xrf1) =	vsort.ascd.msk.f32 $0xffff, v2, v25  }
0x131: {  	v2 =	vsel vm6, v4, v33;
	v4 =	vperm.xlane v41, v32;
	v33 =	vsel vm6, v37, v35  }
0x132: {  	v35, v37, _ =	vpop (xrf1);
	(xrf1) =	vsort.ascd.msk.f32 $0xffff, v2, v33;
	v2 =	vsel vm7, v40, v38;
	vm13 =	vlt.f32 v0, v3  }
0x133: {  	v4 =	vsel vm7, v4, v39;
	v39 =	vsel vm8, v45, v43;
	v0 =	vsel vm13, v0, v3  }
0x134: {  	v33, v38, _ =	vpop (xrf1);
	(xrf1) =	vsort.ascd.msk.f32 $0xffff, v2, v4;
	v2 =	vsel vm8, v44, v42;
	v4 =	vperm.xlane v49, v32  }
0x135: {  	v49 =	vsel vm10, v55, v53;
	v55 =	vperm.xlane v62, v32;
	v41, v42, _ =	vpop (xrf1);
	(xrf1) =	vsort.ascd.msk.f32 $0xffff, v2, v39  }
0x136: {  	v2 =	vsel vm9, v48, v46;
	v48 =	vperm.xlane v58, v32;
	v4 =	vsel vm9, v4, v47  }
0x137: {  	v33 =	vperm.xlane v33, v32;
	v39, v40, _ =	vpop (xrf1);
	(xrf1) =	vsort.ascd.msk.f32 $0xffff, v2, v4;
	v4 =	vperm.xlane v59, v32  }
0x138: {  	v2 =	vsel vm10, v54, v52;
	vm11 =	vlt.f32 v48, v56;
	v52 =	vperm.xlane v61, v32  }
0x139: {  	v44, v46, _ =	vpop (xrf1);
	(xrf1) =	vsort.ascd.msk.f32 $0xffff, v2, v49;
	v2 =	vsel vm11, v48, v56;
	v4 =	vsel vm11, v4, v57  }
0x13a: {  	v53, v54, _ =	vpop (xrf1);
	vm12 =	vlt.f32 v52, v1;
	(xrf1) =	vsort.ascd.msk.f32 $0xffff, v2, v4;
	v2 =	vperm.xlane v36, v32  }
0x13b: {  	v58 =	vperm.xlane v39, v32;
	v1 =	vsel vm12, v52, v1;
	v4 =	vsel vm12, v55, v60  }
0x13c: {  	vm14 =	vlt.f32 v33, v35;
	v57, v56, _ =	vpop (xrf1);
	(xrf1) =	vsort.ascd.msk.f32 $0xffff, v1, v4;
	v4 =	vperm.xlane v38, v32  }
0x13d: {  	vm15 =	vlt.f32 v58, v41;
	v59 =	vperm.xlane v53, v32;
	v1 =	vsel vm13, v2, v63  }
0x13e: {  	v4 =	vsel vm14, v4, v37;
	v2, v3, _ =	vpop (xrf1);
	(xrf1) =	vsort.ascd.msk.f32 $0xffff, v0, v1;
	v1 =	vperm.xlane v40, v32  }
0x13f: {  	v61 =	vperm.xlane v54, v32;
	vm4 =	vlt.f32 v59, v44;
	v0 =	vsel vm14, v33, v35  }
0x140: {  	v33, v35, _ =	vpop (xrf1);
	(xrf1) =	vsort.ascd.msk.f32 $0xffff, v0, v4;
	v0 =	vsel vm15, v58, v41;
	v1 =	vsel vm15, v1, v42  }
0x141: {  	v39 =	vsel vm4, v61, v46;
	v2 =	vperm.xlane v2, v32;
	v4, v60, _ =	vpop (xrf1);
	(xrf1) =	vsort.ascd.msk.f32 $0xffff, v0, v1  }
0x142: {  	v0 =	vsel vm4, v59, v44;
	v1 =	vperm.xlane v3, v32;
	v3, v62, _ =	vpop (xrf1);
	v4 =	vperm.xlane v4, v32  }
0x143: {  	vm5 =	vlt.f32 v2, v57;
	v38 =	vperm.xlane v60, v32;
	v63, v48, _ =	vpop (xrf1);
	(xrf1) =	vsort.ascd.msk.f32 $0xffff, v0, v39  }
0x144: {  	v0 =	vsel vm5, v2, v57;
	v1 =	vsel vm5, v1, v56;
	v49 =	vperm.xlane v63, v32  }
0x145: {  	v2, v36, _ =	vpop (xrf1);
	vm6 =	vlt.f32 v4, v33;
	(xrf1) =	vsort.ascd.msk.f32 $0xffff, v0, v1  }
0x146: {  	v53, v52, _ =	vpop (xrf1);
	v0 =	vsel vm6, v4, v33;
	v54 =	vsel vm6, v38, v35;
	vm7 =	vlt.f32 v49, v3  }
0x147: {  	v1, v4, _ =	vpop (xrf1);
	(xrf1) =	vsort.ascd.msk.f32 $0xffff, v0, v54;
	v0 =	vsel vm7, v49, v3;
	v3 =	vperm.xlane v53, v32  }
0x148: {  	v55 =	vperm.xlane v48, v32;
	v59 =	vperm.xlane v52, v32;
	v56, v57, _ =	vpop (xrf1)  }
0x149: {  	v60 =	vperm.xlane v56, v32;
	vm8 =	vlt.f32 v3, v2  }
0x14a: {  	v58 =	vsel vm7, v55, v62;
	v2 =	vsel vm8, v3, v2;
	v3 =	vsel vm8, v59, v36  }
0x14b: {  	(xrf1) =	vsort.ascd.msk.f32 $0xffff, v0, v58;
	v0 =	vperm.xlane v57, v32;
	vm9 =	vlt.f32 v60, v1  }
0x14c: {  	v1 =	vsel vm9, v60, v1  }
0x14d: {  	v61, v62, _ =	vpop (xrf1);
	v0 =	vsel vm9, v0, v4  }
0x14e: {  	(xrf1) =	vsort.ascd.msk.f32 $0xffff, v2, v3;
	v2, v3, _ =	vpop (xrf1)  }
0x14f: {  	(xrf1) =	vsort.ascd.msk.f32 $0xffff, v1, v0;
	v2 =	vperm.xlane v2, v32  }
0x150: {  	v3 =	vperm.xlane v3, v32;
	v0, v1, _ =	vpop (xrf1)  }
0x151: {  	v4, v63, _ =	vpop (xrf1);
	vm10 =	vlt.f32 v2, v61  }
0x152: {  	v48, v38, _ =	vpop (xrf1);
	v4 =	vperm.xlane v4, v32;
	v3 =	vsel vm10, v3, v62  }
0x153: {  	v2 =	vsel vm10, v2, v61;
	v49, v52, _ =	vpop (xrf1)  }
0x154: {  	v53 =	vperm.xlane v63, v32;
	v55, v54, _ =	vpop (xrf1);
	vm11 =	vlt.f32 v4, v0;
	v56 =	vperm.xlane v49, v32  }
0x155: {  	(xrf1) =	vsort.ascd.msk.f32 $0xffff, v2, v3;
	v58, v57, _ =	vpop (xrf1);
	v0 =	vsel vm11, v4, v0;
	v4 =	vperm.xlane v52, v32  }
0x156: {  	v1 =	vsel vm11, v53, v1;
	v2, v3, _ =	vpop (xrf1);
	vm12 =	vlt.f32 v56, v48;
	v59 =	vperm.xlane v58, v32  }
0x157: {  	(xrf1) =	vsort.ascd.msk.f32 $0xffff, v0, v1;
	v1 =	vperm.xlane v57, v32;
	v61, v60, _ =	vpop (xrf1);
	v4 =	vsel vm12, v4, v38  }
0x158: {  	v0 =	vsel vm12, v56, v48;
	v35, v37, _ =	vpop (xrf1);
	vm13 =	vlt.f32 v59, v55  }
0x159: {  	v62 =	vperm.xlane v61, v32;
	v52 =	vperm.xlane v60, v32;
	v48, v63, _ =	vpop (xrf1);
	v1 =	vsel vm13, v1, v54  }
0x15a: {  	(xrf1) =	vsort.ascd.msk.f32 $0xffff, v0, v4;
	v0 =	vsel vm13, v59, v55;
	v4, v49, _ =	vpop (xrf1);
	v39 =	vperm.xlane v48, v32  }
0x15b: {  	vm14 =	vlt.f32 v62, v2;
	(xrf1) =	vsort.ascd.msk.f32 $0xffff, v0, v1;
	v55 =	vperm.xlane v63, v32;
	v54, v53, _ =	vpop (xrf1)  }
0x15c: {  	v0 =	vsel vm14, v62, v2;
	v3 =	vsel vm14, v52, v3;
	v1, v2, _ =	vpop (xrf1);
	vm15 =	vlt.f32 v39, v35  }
0x15d: {  	(xrf1) =	vsort.ascd.msk.f32 $0xffff, v0, v3;
	v3 =	vperm.xlane v54, v32;
	v59 =	vperm.xlane v53, v32;
	v56, v57, _ =	vpop (xrf1)  }
0x15e: {  	v0 =	vsel vm15, v39, v35;
	v58 =	vsel vm15, v55, v37;
	v60 =	vperm.xlane v56, v32  }
0x15f: {  	(xrf1) =	vsort.ascd.msk.f32 $0xffff, v0, v58;
	vm4 =	vlt.f32 v3, v4;
	v0 =	vperm.xlane v57, v32  }
0x160: {  	v3 =	vsel vm4, v3, v4;
	v4 =	vsel vm4, v59, v49;
	vm5 =	vlt.f32 v60, v1  }
0x161: {  	(xrf1) =	vsort.ascd.msk.f32 $0xffff, v3, v4;
	v1 =	vsel vm5, v60, v1;
	v0 =	vsel vm5, v0, v2  }
0x162: {  	(xrf1) =	vsort.ascd.msk.f32 $0xffff, v1, v0;
	_ =	sdelay $0x6  }
0x163: {  	v0, v1, _ =	vpop (xrf1)  }
0x164: {  	v2, v3, _ =	vpop (xrf1)  }
0x165: {  	v4, v33, _ =	vpop (xrf1);
	v2 =	vperm.xlane v2, v32  }
0x166: {  	v61, v62, _ =	vpop (xrf1)  }
0x167: {  	v3 =	vperm.xlane v3, v32;
	vm6 =	vlt.f32 v2, v0;
	v35 =	vperm.xlane v61, v32;
	v63, v38, _ =	vpop (xrf1)  }
0x168: {  	v0 =	vsel vm6, v2, v0;
	v48, v49, _ =	vpop (xrf1)  }
0x169: {  	v1 =	vsel vm6, v3, v1;
	v3 =	vperm.xlane v62, v32;
	vm7 =	vlt.f32 v35, v4;
	v2, v52, _ =	vpop (xrf1)  }
0x16a: {  	(xrf1) =	vsort.ascd.msk.f32 $0xffff, v0, v1;
	v0 =	vsel vm7, v35, v4;
	v1 =	vperm.xlane v48, v32;
	v54, v53, _ =	vpop (xrf1)  }
0x16b: {  	v3 =	vsel vm7, v3, v33;
	v4 =	vperm.xlane v49, v32;
	v55 =	vperm.xlane v54, v32  }
0x16c: {  	(xrf1) =	vsort.ascd.msk.f32 $0xffff, v0, v3;
	vm8 =	vlt.f32 v1, v63;
	v0 =	vperm.xlane v53, v32  }
0x16d: {  	v1 =	vsel vm8, v1, v63;
	v3 =	vsel vm8, v4, v38;
	vm9 =	vlt.f32 v55, v2  }
0x16e: {  	(xrf1) =	vsort.ascd.msk.f32 $0xffff, v1, v3;
	v1 =	vsel vm9, v55, v2;
	v0 =	vsel vm9, v0, v52  }
0x16f: {  	(xrf1) =	vsort.ascd.msk.f32 $0xffff, v1, v0;
	_ =	sdelay $0xa  }
0x170: {  	v0, v1, _ =	vpop (xrf1)  }
0x171: {  	v2, v3, _ =	vpop (xrf1)  }
0x172: {  	v4, v56, _ =	vpop (xrf1)  }
0x173: {  	v2 =	vperm.xlane v2, v32;
	v57, v58, _ =	vpop (xrf1)  }
0x174: {  	v3 =	vperm.xlane v3, v32;
	v35 =	vperm.xlane v57, v32  }
0x175: {  	vm10 =	vlt.f32 v2, v0;
	v36 =	vperm.xlane v58, v32  }
0x176: {  	v0 =	vsel vm10, v2, v0;
	v1 =	vsel vm10, v3, v1;
	vm11 =	vlt.f32 v35, v4  }
0x177: {  	(xrf1) =	vsort.ascd.msk.f32 $0xffff, v0, v1;
	v0 =	vsel vm11, v35, v4;
	v1 =	vsel vm11, v36, v56  }
0x178: {  	(xrf1) =	vsort.ascd.msk.f32 $0xffff, v0, v1;
	_ =	sdelay $0xc  }
0x179: {  	v0, v1, _ =	vpop (xrf1)  }
0x17a: {  	v2, v3, _ =	vpop (xrf1)  }
0x17b: {  	v2 =	vperm.xlane v2, v32  }
0x17c: {  	v3 =	vperm.xlane v3, v32  }
0x17d: {  	vm12 =	vlt.f32 v2, v0  }
0x17e: {  	v0 =	vsel vm12, v2, v0;
	v1 =	vsel vm12, v3, v1  }
0x17f: {  	(xrf1) =	vsort.ascd.msk.f32 $0xffff, v0, v1;
	_ =	sdelay $0xd  }
0x180: {  	v43 =	vimm.s32 $0x0;
	_, v0, _ =	vpop (xrf1)  }
0x181: {  	v44 =	vimm.s32 $0x1;
	v1 =	vperm.xlane v0, v43  }
0x182: {  	v45 =	vimm.s32 $0x2;
	v2 =	vperm.xlane v0, v44  }
0x183: {  	v46 =	vimm.s32 $0x3;
	v3 =	vperm.xlane v0, v45;
	v1 =	vadd.s32 v34, v1  }
0x184: {  	v4 =	vperm.xlane v0, v46;
	v2 =	vadd.s32 v34, v2  }
0x185: {  	v47 =	vimm.s32 $0x4;
	v3 =	vadd.s32 v34, v3  }
0x186: {  	v52 =	vimm.s32 $0x5;
	v59 =	vperm.xlane v0, v47;
	v4 =	vadd.s32 v34, v4  }
0x187: {  	v49 =	vimm.s32 $0x6;
	v35 =	vperm.xlane v0, v52  }
0x188: {  	v48 =	vimm.s32 $0x7;
	v36 =	vperm.xlane v0, v49;
	v33 =	vadd.s32 v34, v59;
	v53 =	vld.idx.msk [tilespmem:v1+s23+$0x0], $0xffff  }
0x189: {  	v45 =	vimm.s32 $0x8;
	v38 =	vperm.xlane v0, v48;
	v35 =	vadd.s32 v34, v35;
	v54 =	vld.idx.msk [tilespmem:v2+s23+$0x0], $0xffff  }
0x18a: {  	v63 =	vimm.s32 $0x9;
	v40 =	vperm.xlane v0, v45;
	v36 =	vadd.s32 v34, v36;
	v55 =	vld.idx.msk [tilespmem:v3+s23+$0x0], $0xffff  }
0x18b: {  	v62 =	vimm.s32 $0xA;
	v42 =	vperm.xlane v0, v63;
	v38 =	vadd.s32 v34, v38;
	v56 =	vld.idx.msk [tilespmem:v4+s23+$0x0], $0xffff  }
0x18c: {  	v61 =	vimm.s32 $0xB;
	v44 =	vperm.xlane v0, v62;
	v40 =	vadd.s32 v34, v40  }
0x18d: {  	v60 =	vimm.s32 $0xC;
	v46 =	vperm.xlane v0, v61;
	v42 =	vadd.s32 v34, v42;
	v57 =	vld.idx.msk [tilespmem:v33+s23+$0x0], $0xffff;
	(xrf1) =	vsort.ascd.msk.f32 $0xffff, v53, v1  }
0x18e: {  	v58 =	vadd.s32 v34, v44;
	v59 =	vperm.xlane v0, v60;
	v60 =	vimm.s32 $0xD;
	v1 =	vld.idx.msk [tilespmem:v35+s23+$0x0], $0xffff;
	(xrf1) =	vsort.ascd.msk.f32 $0xffff, v54, v2  }
0x18f: {  	v63 =	vimm.s32 $0xE;
	v61 =	vadd.s32 v34, v46;
	v62 =	vperm.xlane v0, v60;
	v2 =	vld.idx.msk [tilespmem:v36+s23+$0x0], $0xffff;
	(xrf1) =	vsort.ascd.msk.f32 $0xffff, v55, v3  }
0x190: {  	v49 =	vperm.xlane v0, v63;
	v48 =	vadd.s32 v34, v59;
	v53 =	vimm.s32 $0xF;
	v3 =	vld.idx.msk [tilespmem:v38+s23+$0x0], $0xffff;
	(xrf1) =	vsort.ascd.msk.f32 $0xffff, v56, v4  }
0x191: {  	v52 =	vadd.s32 v34, v62;
	v0 =	vperm.xlane v0, v53;
	v4 =	vld.idx.msk [tilespmem:v40+s23+$0x0], $0xffff  }
0x192: {  	v44 =	vadd.s32 v34, v49;
	v54 =	vld.idx.msk [tilespmem:v42+s23+$0x0], $0xffff;
	(xrf1) =	vsort.ascd.msk.f32 $0xffff, v57, v33  }
0x193: {  	v0 =	vadd.s32 v34, v0;
	(xrf1) =	vsort.ascd.msk.f32 $0xffff, v1, v35;
	v1 =	vld.idx.msk [tilespmem:v58+s23+$0x0], $0xffff  }
0x194: {  	(xrf1) =	vsort.ascd.msk.f32 $0xffff, v2, v36;
	v2 =	vld.idx.msk [tilespmem:v61+s23+$0x0], $0xffff  }
0x195: {  	(xrf1) =	vsort.ascd.msk.f32 $0xffff, v3, v38;
	v3 =	vld.idx.msk [tilespmem:v48+s23+$0x0], $0xffff  }
0x196: {  	(xrf1) =	vsort.ascd.msk.f32 $0xffff, v4, v40;
	v4 =	vld.idx.msk [tilespmem:v52+s23+$0x0], $0xffff  }
0x197: {  	v55 =	vld.idx.msk [tilespmem:v44+s23+$0x0], $0xffff;
	(xrf1) =	vsort.ascd.msk.f32 $0xffff, v54, v42  }
0x198: {  	(xrf1) =	vsort.ascd.msk.f32 $0xffff, v1, v58;
	v1 =	vld.idx.msk [tilespmem:v0+s23+$0x0], $0xffff  }
0x199: {  	(xrf1) =	vsort.ascd.msk.f32 $0xffff, v2, v61  }
0x19a: {  	(xrf1) =	vsort.ascd.msk.f32 $0xffff, v3, v48  }
0x19b: {  	(xrf1) =	vsort.ascd.msk.f32 $0xffff, v4, v52;
	v2, v3, _ =	vpop (xrf1)  }
0x19c: {  	(xrf1) =	vsort.ascd.msk.f32 $0xffff, v55, v44;
	v4, v56, _ =	vpop (xrf1)  }
0x19d: {  	(xrf1) =	vsort.ascd.msk.f32 $0xffff, v1, v0;
	v0, v1, _ =	vpop (xrf1);
	v4 =	vperm.xlane v4, v32  }
0x19e: {  	v33 =	vperm.xlane v56, v32;
	v57, v58, _ =	vpop (xrf1)  }
0x19f: {  	vm13 =	vlt.f32 v4, v2;
	v35 =	vperm.xlane v57, v32  }
0x1a0: {  	v2 =	vsel vm13, v4, v2;
	v4 =	vperm.xlane v58, v32;
	v3 =	vsel vm13, v33, v3  }
0x1a1: {  	v60, v59, _ =	vpop (xrf1);
	vm14 =	vlt.f32 v35, v0  }
0x1a2: {  	v62, v61, _ =	vpop (xrf1);
	v1 =	vsel vm14, v4, v1  }
0x1a3: {  	v44, v63, _ =	vpop (xrf1);
	v39 =	vperm.xlane v62, v32;
	v0 =	vsel vm14, v35, v0  }
0x1a4: {  	(xrf1) =	vsort.ascd.msk.f32 $0xffff, v2, v3;
	v40 =	vperm.xlane v61, v32;
	v2, v3, _ =	vpop (xrf1)  }
0x1a5: {  	vm15 =	vlt.f32 v39, v60;
	v4, v45, _ =	vpop (xrf1);
	v2 =	vperm.xlane v2, v32  }
0x1a6: {  	(xrf1) =	vsort.ascd.msk.f32 $0xffff, v0, v1;
	v38 =	vsel vm15, v40, v59;
	v3 =	vperm.xlane v3, v32;
	v0, v1, _ =	vpop (xrf1)  }
0x1a7: {  	v37 =	vsel vm15, v39, v60;
	vm4 =	vlt.f32 v2, v44;
	v0 =	vperm.xlane v0, v32  }
0x1a8: {  	v1 =	vperm.xlane v1, v32;
	v3 =	vsel vm4, v3, v63  }
0x1a9: {  	v46, v47, _ =	vpop (xrf1);
	v2 =	vsel vm4, v2, v44;
	vm5 =	vlt.f32 v0, v4  }
0x1aa: {  	(xrf1) =	vsort.ascd.msk.f32 $0xffff, v37, v38;
	v37, v38, _ =	vpop (xrf1);
	v1 =	vsel vm5, v1, v45  }
0x1ab: {  	v48, v49, _ =	vpop (xrf1);
	v37 =	vperm.xlane v37, v32;
	v0 =	vsel vm5, v0, v4  }
0x1ac: {  	(xrf1) =	vsort.ascd.msk.f32 $0xffff, v2, v3;
	v2, v3, _ =	vpop (xrf1)  }
0x1ad: {  	v38 =	vperm.xlane v38, v32;
	vm6 =	vlt.f32 v37, v46;
	v4, v52, _ =	vpop (xrf1)  }
0x1ae: {  	v37 =	vsel vm6, v37, v46;
	(xrf1) =	vsort.ascd.msk.f32 $0xffff, v0, v1;
	v2 =	vperm.xlane v2, v32;
	v0, v1, _ =	vpop (xrf1)  }
0x1af: {  	v38 =	vsel vm6, v38, v47;
	v3 =	vperm.xlane v3, v32;
	v0 =	vperm.xlane v0, v32  }
0x1b0: {  	(xrf1) =	vsort.ascd.msk.f32 $0xffff, v37, v38;
	vm7 =	vlt.f32 v2, v48;
	v1 =	vperm.xlane v1, v32  }
0x1b1: {  	v2 =	vsel vm7, v2, v48;
	v3 =	vsel vm7, v3, v49;
	vm8 =	vlt.f32 v0, v4  }
0x1b2: {  	(xrf1) =	vsort.ascd.msk.f32 $0xffff, v2, v3;
	v0 =	vsel vm8, v0, v4;
	v1 =	vsel vm8, v1, v52  }
0x1b3: {  	(xrf1) =	vsort.ascd.msk.f32 $0xffff, v0, v1;
	_ =	sdelay $0x5  }
0x1b4: {  	v0, v1, _ =	vpop (xrf1)  }
0x1b5: {  	v2, v3, _ =	vpop (xrf1)  }
0x1b6: {  	v2 =	vperm.xlane v2, v32;
	v3 =	vperm.xlane v3, v32  }
0x1b7: {  	v4, v53, _ =	vpop (xrf1)  }
0x1b8: {  	v55, v54, _ =	vpop (xrf1);
	vm9 =	vlt.f32 v2, v0  }
0x1b9: {  	v35 =	vperm.xlane v55, v32;
	v37, v38, _ =	vpop (xrf1);
	v1 =	vsel vm9, v3, v1  }
0x1ba: {  	v56, v57, _ =	vpop (xrf1)  }
0x1bb: {  	v36 =	vperm.xlane v54, v32;
	v0 =	vsel vm9, v2, v0;
	vm10 =	vlt.f32 v35, v4;
	v2, v3, _ =	vpop (xrf1)  }
0x1bc: {  	(xrf1) =	vsort.ascd.msk.f32 $0xffff, v0, v1;
	v0 =	vsel vm10, v35, v4;
	v58 =	vperm.xlane v56, v32;
	v1, v4, _ =	vpop (xrf1)  }
0x1bd: {  	v33 =	vsel vm10, v36, v53;
	v59 =	vperm.xlane v57, v32;
	v1 =	vperm.xlane v1, v32  }
0x1be: {  	(xrf1) =	vsort.ascd.msk.f32 $0xffff, v0, v33;
	vm11 =	vlt.f32 v58, v37;
	v0 =	vperm.xlane v4, v32  }
0x1bf: {  	v60 =	vsel vm11, v59, v38;
	v4 =	vsel vm11, v58, v37;
	vm12 =	vlt.f32 v1, v2  }
0x1c0: {  	(xrf1) =	vsort.ascd.msk.f32 $0xffff, v4, v60;
	v1 =	vsel vm12, v1, v2;
	v0 =	vsel vm12, v0, v3  }
0x1c1: {  	(xrf1) =	vsort.ascd.msk.f32 $0xffff, v1, v0;
	_ =	sdelay $0xa  }
0x1c2: {  	v0, v1, _ =	vpop (xrf1)  }
0x1c3: {  	v2, v3, _ =	vpop (xrf1)  }
0x1c4: {  	v4, v33, _ =	vpop (xrf1)  }
0x1c5: {  	v2 =	vperm.xlane v2, v32;
	v61, v62, _ =	vpop (xrf1)  }
0x1c6: {  	v3 =	vperm.xlane v3, v32;
	v35 =	vperm.xlane v61, v32  }
0x1c7: {  	vm13 =	vlt.f32 v2, v0;
	v36 =	vperm.xlane v62, v32  }
0x1c8: {  	v0 =	vsel vm13, v2, v0;
	v1 =	vsel vm13, v3, v1;
	vm14 =	vlt.f32 v35, v4  }
0x1c9: {  	(xrf1) =	vsort.ascd.msk.f32 $0xffff, v0, v1;
	v0 =	vsel vm14, v35, v4;
	v1 =	vsel vm14, v36, v33  }
0x1ca: {  	(xrf1) =	vsort.ascd.msk.f32 $0xffff, v0, v1;
	_ =	sdelay $0xc  }
0x1cb: {  	v0, v1, _ =	vpop (xrf1)  }
0x1cc: {  	v2, v3, _ =	vpop (xrf1)  }
0x1cd: {  	v2 =	vperm.xlane v2, v32  }
0x1ce: {  	v3 =	vperm.xlane v3, v32  }
0x1cf: {  	vm15 =	vlt.f32 v2, v0  }
0x1d0: {  	v0 =	vsel vm15, v2, v0;
	v1 =	vsel vm15, v3, v1  }
0x1d1: {  	(xrf1) =	vsort.ascd.msk.f32 $0xffff, v0, v1;
	_ =	sdelay $0xa  }
0x1d2: {  	v0 =	vmov s12;
	_ =	sdelay $0x2  }
0x1d3: {  	_, v1, _ =	vpop (xrf1)  }
0x1d4: {  	[tilespmem:v24+s11+$0x80 ss:$0x1] =	vst.idx.msk $0xffff, v1  }
0x1d5: {  	v2 =	vld.idx.msk [tilespmem:v0+s15+$0x0], $0xffff  }
0x1d6: {  	v3 =	vld.idx.msk [tilespmem:v0+s17+$0x0], $0xffff  }
0x1d7: {  	v0 =	vld.idx.msk [tilespmem:v0+s18+$0x0], $0xffff  }
0x1d8: {  	v4 =	vld.idx.msk [tilespmem:v1+s15+$0x0], $0xffff  }
0x1d9: {  	v63 =	vld.idx.msk [tilespmem:v1+s17+$0x0], $0xffff  }
0x1da: {  	v1 =	vld.idx.msk [tilespmem:v1+s18+$0x0], $0xffff  }
0x1db: {  	s10 =	sadd.s32 $0x400, s10  }
0x1dc: {  	p0 =	sne.s32 s10, $0x2000  }
.Ltmp0:
0x1dd: {  	v2 =	vsub.f32 v4, v2;
	(pc) =	sbr.rel @p0 .LBB2_3-.Ltmp0, $4  }
0x1de: {  	v23 =	vld [tilespmem:$0x1FFE0];
	v3 =	vsub.f32 v63, v3  }
0x1df: {  	v24 =	vld [tilespmem:$0x1FFF0];
	v0 =	vsub.f32 v1, v0;
	[tilespmem:v51+s11+$0x80 ss:$0x1] =	vst.idx.msk $0xffff, v2  }
0x1e0: {  	s8 =	sadd.s32 $0x20, s8;
	v4 =	vld [tilespmem:$0x1FFD0];
	[tilespmem:v51+s11+$0x90 ss:$0x1] =	vst.idx.msk $0xffff, v3  }
0x1e1: {  	s5 =	sadd.s32 $0x800, s5;
	s9 =	sadd.s32 $0x100, s9;
	s12 =	sadd.s32 $0x2, s12;
	v2 =	vld [tilespmem:$0x1FFC0];
	[tilespmem:v51+s11+$0xA0 ss:$0x1] =	vst.idx.msk $0xffff, v0;
	v0 =	vlaneseq.u32  }
0x1e2: {  	s26 =	sadd.s32 $0x1, s26  }
0x1e3: {  	p0 =	sne.s32 s26, $0x10  }
.Ltmp1:
0x1e4: {  	_ = 	snop;
	(pc) =	sbr.rel @p0 .LBB2_2-.Ltmp1, $3  }
0x1e5: {  	_ =	sdelay $0x1  }
0x1e6: {  	s25 =	sadd.s32 $0x10, s25;
	s13 =	sadd.s32 $0x4000, s13;
	s14 =	sadd.s32 $0x100, s14  }
0x1e7: {  	s31 =	sadd.s32 $0x800, s31;
	s30 =	sadd.s32 $0x800, s30;
	s29 =	sadd.s32 $0x800, s29  }
0x1e8: {  	s1 =	simm.s32 $0x0;
	s0 =	rddreg [dreg:$0x6];
	s2 =	simm.s32 $0xC000  }
0x1e9: {  	[hbm4b:s0+s1] =	stream.linear.scatter [tilespmem:s2], [sflag:$0x3], $0x8000, $0x38;
	[tilespmem:$0x1C000] =	vst v63  }
0x1ea: {  	_ =	swait.ge [sflag:s16], $0x8000  }
0x1eb: {  	[sflag:s16] =	ssyncset.done $0x0  }
0x1ec: {  	s29 =	simm.s32 $0x14000;
	s28 =	rddreg [dreg:$0x7];
	[sflag:s16] =	ssyncadd.s32 $0xFFFF8000  }
0x1ed: {  	[hbm4b:s28+s1] =	stream.linear.scatter [tilespmem:s29], [sflag:$0x3], $0x8000, $0x38;
	[tilespmem:$0x1C000] =	vst v63  }
0x1ee: {  	_ =	swait.ge [sflag:s16], $0x8000  }
0x1ef: {  	s30 =	rddreg [dreg:$0xc]  }
0x1f0: {  	s31 =	rddreg [dreg:$0x8];
	s2 =	sadd.s32 $0x1, s30  }
0x1f1: {  	p0 =	sne.s32 s2, s31  }
.Ltmp2:
0x1f2: {  	_ = 	snop;
	(pc) =	sbr.rel @p0 .LBB2_1-.Ltmp2, $3  }
0x1f3: {  	_ =	sdelay $0x1  }
0x1f4: {  	[sflag:s16] =	ssyncset.done $0x0  }
0x1f5: {  	[sflag:s16] =	ssyncadd.s32 $0xFFFF8000  }
0x1f6: {  	_ =	sfence.sel $0x180000  }
0x1f7: {  	[bflag:$0x0] =	sbarrier.arrive $0xFFFF  }
0x1f8: {  	_ =	strace $0x90000047  }
0x1f9: {  	s0 =	stileid.u32;
	[bflag:$0x2] =	sbarrier.arrive $0xFFFF  }
0x1fa: {  	p0 =	sne.s32 s0, $0x0;
	s0 =	rddreg [dreg:$0x2]  }
0x1fb: {  	s0 =	sadd.s32 @!p0 $0x100000, s0  }
0x1fc: {  	[sflag:s0] =	ssyncadd.tile.s32 @!p0 $0x1;
	_ =	shalt  }
.Lfunc_end2:
_tile_overlayer_lowered:
.L_overlay_start_2:
0x1fd: {  	(tag) =	ssettag $0x2  }
0x1fe: {  	s0 =	rddreg [dreg:$0x0];
	s2 =	stileid.u32  }
0x1ff: {  	s1 =	rddreg [dreg:$0x1];
	p0 =	sne.s32 s2, $0x0  }
0x200: {  	s3 =	rddreg [dreg:$0x2];
	[bflag:$0x3] =	sbarrier.arrive $0xFFFF;
	s2 =	simm.s32 @!p0 $0x1C03  }
0x201: {  	[timem:s3], [sflag:s2] =	dma.local @!p0 [hbm:s0], s1  }
0x202: {  	s0 =	simm.s32 @!p0 $0x3  }
0x203: {  	_ =	swait.ge @!p0 [sflag:s0], s1  }
0x204: {  	s1 =	ssub.s32 @!p0 $0x0, s1;
	[sflag:s0] =	ssyncset.done @!p0 $0x0  }
0x205: {  	[sflag:s0] =	ssyncadd.s32 @!p0 s1  }
0x206: {  	[bflag:$0x3] =	sbarrier.arrive $0xFFFF  }
0x207: {  	_ =	shalt  }

// kernel: kernel.9.cloned.1.call-start
scs
__scs_entry_jumppad:
0x0: {  	(pc) =	sbr.rel $0x88, $3  }
0x1: {  	(tag) =	ssettag $0x0;
	lr =	simm.s32 $0x1  }
0x2: {  	[smem:$0x3F98] =	sst lr;
	_ =	strace $0xD0000000  }
0x3: {  	_ = 	snop  }
0x4: {  	_ = 	snop  }
0x5: {  	_ = 	snop  }
0x6: {  	_ = 	snop  }
0x7: {  	_ = 	snop  }
__scs_overlays_trampoline_lowered:
0x8: {  	[smem:$0x3FA7] =	sst s0  }
0x9: {  	[smem:$0x3FA8] =	sst s1  }
0xa: {  	[smem:$0x3FA9] =	sst s2  }
0xb: {  	[smem:$0x3FAA] =	sst s3  }
0xc: {  	[smem:$0x3FAB] =	sst s4  }
0xd: {  	[smem:$0x3FAC] =	sst s5  }
0xe: {  	[smem:$0x3FAD] =	sst s6  }
0xf: {  	[smem:$0x3FAE] =	sst s7  }
0x10: {  	[smem:$0x3FAF] =	sst s8  }
0x11: {  	[smem:$0x3FB0] =	sst s9;
	s0 =	simm.s32 @!p0 $0x0  }
0x12: {  	s1 =	sld [smem:$0x3F96];
	s0 =	simm.s32 @p0 $0x1  }
0x13: {  	[smem:$0x3FB1] =	sst s0;
	s0 =	simm.s32 @!p1 $0x0  }
0x14: {  	s2 =	sld [smem:$0x3F95];
	s0 =	simm.s32 @p1 $0x1  }
0x15: {  	[smem:$0x3FB2] =	sst s0;
	s0 =	simm.s32 @!p2 $0x0  }
0x16: {  	s3 =	sld [smem:$0x3FDB];
	s0 =	simm.s32 @p2 $0x1  }
0x17: {  	s4 =	simm.s32 $0x1BF5;
	[smem:$0x3FB4] =	sst s0  }
0x18: {  	s0 =	sld [smem:$0x3F97];
	_ =	swait.ge [sflag:s4], $0x0  }
0x19: {  	s7 =	sld [smem:$0x3F98]  }
0x1a: {  	s8 =	sadd.s32 $0xFFFFE003, lr  }
0x1b: {  	s9 =	sadd.s32 $0xFFFFFEF7, lr;
	s5 =	simm.s32 $0xFFFFFFFF;
	p2 =	slt.u32 s8, $0xFFFFF086  }
0x1c: {  	p1 =	slt.u32 s9, $0xF7A;
	s5 =	simm.s32 @!p2 $0x0  }
0x1d: {  	s5 =	simm.s32 @p1 $0x1;
	p0 =	seq.s32 s7, s2  }
0x1e: {  	s7 =	smul.u32 @!p0 $0xF7A, s2;
	p2 =	seq.s32 @!p0 s5, $0x0  }
0x1f: {  	s9 =	smul.u32 $0xF7A, s1;
	s8 =	simm.s32 @!p0 $0x1BF5;
	p2 =	por !p2, p0  }
0x20: {  	[sflag:s8] =	ssyncset.s32 @!p0 $0xFFFFF086;
	s6 =	sadd.s32 @!p0 s3, s7;
	s7 =	simm.s32 @!p0 $0x108  }
0x21: {  	s3 =	sadd.s32 s3, s9;
	s6 =	sadd.s32 @!p0 $0x88, s6;
	s7 =	simm.s32 @p2 $0x1082  }
0x22: {  	[simem:s7], [sflag:s8] =	dma.local @!p0 [hbm:s6], $0xF7A  }
0x23: {  	s9 =	sor.u32 $0xD0000000, s2;
	s6 =	simm.s32 $0x108;
	_ =	swait.ge @!p0 [sflag:s8], $0x0  }
0x24: {  	s3 =	sadd.s32 $0x88, s3;
	s6 =	simm.s32 @!p1 $0x1082;
	[sflag:s4] =	ssyncset.s32 $0xFFFFF086  }
0x25: {  	[simem:s6], [sflag:s4] =	dma.local [hbm:s3], $0xF7A  }
0x26: {  	[smem:$0x3F98] =	sst s1;
	(tag) =	ssettag s2;
	_ =	strace s9  }
0x27: {  	s1 =	sld [smem:$0x3FA8]  }
0x28: {  	s2 =	sld [smem:$0x3FA9]  }
0x29: {  	s4 =	sld [smem:$0x3FAB]  }
0x2a: {  	p0 =	seq.s32 s5, $0x0;
	s5 =	sld [smem:$0x3FAC]  }
0x2b: {  	s6 =	sld [smem:$0x3FAD]  }
0x2c: {  	s7 =	sld [smem:$0x3FAE]  }
0x2d: {  	s3 =	simm.s32 $0x108;
	s8 =	sld [smem:$0x3FAF]  }
0x2e: {  	s3 =	simm.s32 @!p0 $0x1082;
	s9 =	sld [smem:$0x3FB0]  }
0x2f: {  	lr =	sadd.s32 s0, s3;
	s0 =	sld [smem:$0x3FA7]  }
0x30: {  	s3 =	sld [smem:$0x3FAA]  }
0x31: {  	[smem:$0x3FB3] =	sst s10  }
0x32: {  	s10 =	sld [smem:$0x3FB1];
	_ =	sdelay $0x3  }
0x33: {  	p0 =	seq.s32 s10, $0x1;
	s10 =	sld [smem:$0x3FB3];
	_ =	sdelay $0x3  }
0x34: {  	[smem:$0x3FB3] =	sst s10  }
0x35: {  	s10 =	sld [smem:$0x3FB2];
	_ =	sdelay $0x3  }
0x36: {  	p1 =	seq.s32 s10, $0x1;
	s10 =	sld [smem:$0x3FB3];
	_ =	sdelay $0x3  }
0x37: {  	[smem:$0x3FB3] =	sst s10  }
0x38: {  	s10 =	sld [smem:$0x3FB4]  }
0x39: {  	_ = 	snop;
	(pc) =	sbr.ind lr, $3  }
0x3a: {  	_ = 	snop  }
0x3b: {  	_ = 	snop  }
0x3c: {  	p2 =	seq.s32 s10, $0x1;
	s10 =	sld [smem:$0x3FB3]  }
0x3d: {  	_ =	shalt  }
0x3e: {  	_ =	shalt  }
0x3f: {  	_ =	shalt  }
0x40: {  	_ =	shalt  }
0x41: {  	_ =	shalt  }
0x42: {  	_ =	shalt  }
0x43: {  	_ =	shalt  }
0x44: {  	_ =	shalt  }
0x45: {  	_ =	shalt  }
0x46: {  	_ =	shalt  }
0x47: {  	_ =	shalt  }
0x48: {  	_ =	shalt  }
0x49: {  	_ =	shalt  }
0x4a: {  	_ =	shalt  }
0x4b: {  	_ =	shalt  }
0x4c: {  	_ =	shalt  }
0x4d: {  	_ =	shalt  }
0x4e: {  	_ =	shalt  }
0x4f: {  	_ =	shalt  }
0x50: {  	_ =	shalt  }
0x51: {  	_ =	shalt  }
0x52: {  	_ =	shalt  }
0x53: {  	_ =	shalt  }
0x54: {  	_ =	shalt  }
0x55: {  	_ =	shalt  }
0x56: {  	_ =	shalt  }
0x57: {  	_ =	shalt  }
0x58: {  	_ =	shalt  }
0x59: {  	_ =	shalt  }
0x5a: {  	_ =	shalt  }
0x5b: {  	_ =	shalt  }
0x5c: {  	_ =	shalt  }
0x5d: {  	_ =	shalt  }
0x5e: {  	_ =	shalt  }
0x5f: {  	_ =	shalt  }
0x60: {  	_ =	shalt  }
0x61: {  	_ =	shalt  }
0x62: {  	_ =	shalt  }
0x63: {  	_ =	shalt  }
0x64: {  	_ =	shalt  }
0x65: {  	_ =	shalt  }
0x66: {  	_ =	shalt  }
0x67: {  	_ =	shalt  }
0x68: {  	_ =	shalt  }
0x69: {  	_ =	shalt  }
0x6a: {  	_ =	shalt  }
0x6b: {  	_ =	shalt  }
0x6c: {  	_ =	shalt  }
0x6d: {  	_ =	shalt  }
0x6e: {  	_ =	shalt  }
0x6f: {  	_ =	shalt  }
0x70: {  	_ =	shalt  }
0x71: {  	_ =	shalt  }
0x72: {  	_ =	shalt  }
0x73: {  	_ =	shalt  }
0x74: {  	_ =	shalt  }
0x75: {  	_ =	shalt  }
0x76: {  	_ =	shalt  }
0x77: {  	_ =	shalt  }
0x78: {  	_ =	shalt  }
0x79: {  	_ =	shalt  }
0x7a: {  	_ =	shalt  }
0x7b: {  	_ =	shalt  }
0x7c: {  	_ =	shalt  }
0x7d: {  	_ =	shalt  }
0x7e: {  	_ =	shalt  }
0x7f: {  	_ =	shalt  }
0x80: {  	_ =	shalt  }
0x81: {  	_ =	shalt  }
0x82: {  	_ =	shalt  }
0x83: {  	_ =	shalt  }
0x84: {  	_ =	shalt  }
0x85: {  	_ =	shalt  }
0x86: {  	_ =	shalt  }
0x87: {  	_ =	shalt  }
.Lfunc_end0:
.L_simem_size_0:
called_computation.1_lowered:
.L_overlay_start_0:
0x88: {  	s2 =	sld [smem:$0x3FD9]  }
0x89: {  	s3 =	sld [smem:$0x3FFE];
	_ =	sdelay $0x1  }
0x8a: {  	s1 =	srdreg.scid  }
0x8b: {  	s0 =	sand.u32 $0x1, s1  }
0x8c: {  	s17 =	sshll.u32 s0, $0xA;
	s2 =	sadd.s32 s3, s2  }
0x8d: {  	s2 =	sadd.s32 s2, s17  }
0x8e: {  	[smem:$0x3FBF] =	sst s2  }
0x8f: {  	_ = 	snop  }
0x90: {  	s2 =	sld [smem:$0x3FC8];
	(tm) =	ssettm $0x1  }
0x91: {  	s18 =	sld [smem:$0x3FFB];
	_ =	sdelay $0x3  }
0x92: {  	_ =	strace s18  }
0x93: {  	s3 =	sld [smem:$0x3FFC];
	_ =	sdelay $0x3  }
0x94: {  	_ =	strace s3  }
0x95: {  	s3 =	sld [smem:$0x3FFD];
	_ =	sdelay $0x3  }
0x96: {  	_ =	strace s3  }
0x97: {  	_ =	strace $0x8FFFFFFF  }
0x98: {  	s19 =	sld [smem:$0x3FDB];
	_ =	sdelay $0x1  }
0x99: {  	s4 =	simm.s32 $_scs_section_size  }
0x9a: {  	s5 =	simm.s32 $_size__tile_overlayer_lowered;
	s6 =	simm.s32 $_tile_overlayer_lowered  }
0x9b: {  	s22 =	simm.s32 $0x1BFF;
	s21 =	sshll.u32 s6, $0x1;
	s3 =	sadd.s32 s4, s19  }
0x9c: {  	s7 =	simm.s32 $0x0;
	s20 =	sshll.u32 s5, $0x1;
	s5 =	sadd.s32 s21, s3  }
0x9d: {  	[timem:s7], [sflag:s22] =	dma.local [hbm:s5], s20  }
0x9e: {  	_ =	swait.ge [sflag:s22], s20  }
0x9f: {  	s4 =	ssub.s32 $0x0, s20;
	[sflag:s22] =	ssyncset.done $0x0  }
0xa0: {  	[sflag:s22] =	ssyncadd.s32 s4;
	_ =	sdelay $0x1  }
0xa1: {  	s23 =	simm.s32 $0x1B8B  }
0xa2: {  	_ =	swait.ge [sflag:s23], $0x1  }
0xa3: {  	[sflag:s23] =	ssyncset.done $0x0  }
0xa4: {  	s25 =	simm.s32 $0x1B8E;
	s24 =	sld [smem:$0x3FFE];
	[sflag:s23] =	ssyncadd.s32 $0xFFFFFFFF  }
0xa5: {  	s26 =	simm.s32 $execute0_lowered;
	[smem:$0x3FD2] =	sst s25  }
0xa6: {  	s5 =	sshll.u32 s26, $0x1;
	_ =	strace $0x80000049;
	[dreg:$0x1] =	wrdreg $0xFFFFFFFF  }
0xa7: {  	s28 =	simm.s32 $_size_execute0_lowered;
	s3 =	sadd.s32 s3, s5;
	[dreg:$0x0] =	wrdreg $0x0  }
0xa8: {  	s5 =	sshll.u32 s28, $0x1;
	[dreg:$0x2] =	wrdreg s3  }
0xa9: {  	[dreg:$0x3] =	wrdreg s5  }
0xaa: {  	[dreg:$0x4] =	wrdreg $0xC0  }
0xab: {  	_ =	task [dreg:s7], $0x5FFFF  }
0xac: {  	[dreg:$0x1] =	wrdreg $0xFFFFFFFF  }
0xad: {  	[dreg:$0x0] =	wrdreg $0x60  }
0xae: {  	[dreg:$0x2] =	wrdreg s2  }
0xaf: {  	[dreg:$0x3] =	wrdreg s24  }
0xb0: {  	[dreg:$0x4] =	wrdreg $0x9  }
0xb1: {  	_ =	task.clear_ibuf [dreg:s7], $0x5FFFF;
	_ =	strace $0x90000049  }
0xb2: {  	s29 =	simm.s32 $0x9;
	_ =	strace $0x80000052  }
0xb3: {  	_ =	swait.ge [sflag:s29], $0x1  }
0xb4: {  	[sflag:s29] =	ssyncadd.s32 $0xFFFFFFFF  }
0xb5: {  	_ =	strace $0x90000052  }
0xb6: {  	_ =	sfence  }
0xb7: {  	s30 =	sld [smem:$0x0];
	_ =	sdelay $0x2  }
0xb8: {  	s31 =	sshll.u32 s1, $0xD;
	s1 =	sshrl.u32 s1, $0x2  }
0xb9: {  	s3 =	sand.u32 $0x4000, s31;
	s1 =	sadd.s32 s1, s30  }
0xba: {  	s0 =	sor.u32 s3, s0;
	s1 =	sshll.u32 s1, $0x11  }
0xbb: {  	s0 =	sor.u32 s1, s0  }
0xbc: {  	s0 =	sadd.s32 $0x8F2B, s0  }
0xbd: {  	[sflag:s0] =	ssyncadd.remote.s32 $0x1  }
0xbe: {  	_ =	sfence.sel $0xFFFF  }
0xbf: {  	[dreg:$0x0] =	wrdreg $0xFFFFFFFF;
	(pc) =	sbr.abs _section_cstart, $3  }
0xc0: {  	[dreg:$0x1] =	wrdreg $0xFFFFFFFF  }
0xc1: {  	_ =	task.clear_ibuf [dreg:s7], $0x2FFFF;
	_ =	strace $0x9FFFFFFF  }
0xc2: {  	(tm) =	ssettm $0x7FFFFFFF  }
0xc3: {  	_ =	shalt  }
tec
execute0_lowered:
.L_overlay_start_1:
0x0: {  	(tag) =	ssettag $0x1  }
0x1: {  	s0 =	rddreg [dreg:$0x0]  }
0x2: {  	s4 =	rddreg [dreg:$0x1]  }
0x3: {  	s1 =	simm.s32 $0x0;
	[dreg:$0x3] =	wrdreg s0  }
0x4: {  	s2 =	srdreg.scid;
	s8 =	simm.s32 $0x80;
	s0 =	rddreg [dreg:$0x2]  }
0x5: {  	s9 =	simm.s32 $0x4;
	s10 =	simm.s32 $0x0;
	[smem:$0x7FF] =	sst s1  }
0x6: {  	s3 =	sadd.s32 $0x2C00, s4;
	s5 =	sand.u32 $0x1, s2;
	s4 =	sadd.s32 $0x6C00, s4  }
0x7: {  	s2 =	stileid.u32;
	_ =	strace $0x8000004A;
	[dreg:$0x5] =	wrdreg s4  }
0x8: {  	s6 =	ssub.s32 $0x2, s5;
	s5 =	sshll.u32 s5, $0x4;
	[dreg:$0x4] =	wrdreg s8  }
0x9: {  	s8 =	simm.s32 $0x5;
	s7 =	sshrl.u32 s6, $0x1;
	s5 =	sor.u32 s2, s5  }
0xa: {  	s6 =	ssub.s32 s6, s7;
	s31 =	sshll.u32 s5, $0x9;
	s4 =	sshll.u32 s5, $0x5  }
0xb: {  	s7 =	simm.s32 $0x1;
	s5 =	sadd.s32 s3, s31;
	s6 =	smax.u32 s6, $0x1  }
.LBB2_1:
0xc: {  	_ =	strace $0x8000004B;
	s11 =	simm.s32 $0x1;
	p0 =	por $0x0, $0x0  }
0xd: {  	[tilespmem:s1], [sflag:$0x1] =	stream.linear.gather [hbm4b:s5+s1], $0x80, $0x200038;
	[tilespmem:$0x8100] =	vst v63  }
0xe: {  	s11 =	simm.s32 @p0 $0x0  }
0xf: {  	p4 =	por $0x1, $0x1;
	s20 =	sand.u32 $0x1, s1;
	p1 =	sne.s32 s11, $0x0  }
0x10: {  	p2 =	por $0x1, $0x1;
	s18 =	simm.s32 $0x1E;
	p0 =	por !p4, !p1  }
0x11: {  	s16 =	simm.s32 $0x0;
	p5 =	por $0x0, $0x0;
	p0 =	por !p0, !p0  }
0x12: {  	s23 =	sadd.s32 $0x0, s4;
	s30 =	sadd.s32 $0x1, s20;
	s12 =	sadd.s32 @p0 s4, s11  }
0x13: {  	_ =	strace $0x9000004B;
	s13 =	sand.u32 @p0 $0x1, s7;
	s12 =	sshll.u32 @p0 s12, $0x4  }
0x14: {  	_ =	strace @p0 $0x8000004C;
	s15 =	simm.s32 @p0 $0x0;
	s12 =	sand.u32 @p0 $0x1FFFFFF0, s12  }
0x15: {  	s14 =	sshll.u32 @p0 s13, $0x7;
	s13 =	sadd.s32 @p0 $0x1, s13;
	s12 =	sadd.s32 @p0 s3, s12  }
0x16: {  	[tilespmem:s14], [sflag:s13] =	stream.linear.gather @p0 [hbm4b:s12+s15], $0x80, $0x200038;
	[tilespmem:$0x8100] =	vst v63  }
0x17: {  	p3 =	por p2, p2;
	s21 =	sshll.u32 s20, $0xE;
	_ =	strace @p0 $0x9000004C  }
0x18: {  	s16 =	sand.u32 $0x80, s16;
	p2 =	por p5, p5;
	_ =	strace $0x8000004D  }
0x19: {  	s17 =	sadd.s32 $0x1, s11;
	s22 =	sor.u32 $0x100, s21;
	_ =	swait.ge [sflag:s30], $0x80  }
0x1a: {  	s21 =	simm.s32 $0x1;
	p6 =	por p1, p1;
	[sflag:s30] =	ssyncset.done $0x0  }
0x1b: {  	p1 =	por p3, p3;
	p4 =	por $0x1, $0x1;
	[sflag:s30] =	ssyncadd.s32 $0xFFFFFF80  }
0x1c: {  	s12 =	simm.s32 $0x1F;
	s15 =	sand.u32 @!p3 $0x1, s1;
	_ =	strace $0x9000004D  }
0x1d: {  	s13 =	simm.s32 $0x1;
	p3 =	seq.s32 s17, $0x20;
	_ =	strace $0x8000004E  }
0x1e: {  	s13 =	simm.s32 @!p0 $0x0;
	s17 =	simm.s32 @p3 $0x0;
	s19 =	rddreg [dreg:$0x4]  }
0x1f: {  	p0 =	por $0x0, $0x0;
	s14 =	sadd.s32 $0x1, s13;
	s31 =	rddreg [dreg:$0x3]  }
0x20: {  	[tilespmem:s22], [sflag:$0x5] =	stream.indirect.gather [hbm4b:s31+s19], $0x80, s16, s19, $0x2000b8;
	[tilespmem:$0x8100] =	vst v63  }
0x21: {  	p3 =	sne.s32 s11, s17;
	s21 =	simm.s32 @!p0 $0x0;
	_ =	swait.ge [sflag:s8], $0x4000  }
0x22: {  	p5 =	por !p4, !p3;
	p4 =	por $0x0, $0x0;
	[sflag:s8] =	ssyncset.done $0x0  }
0x23: {  	s13 =	simm.s32 $0x0;
	p6 =	por p4, p6;
	[sflag:s8] =	ssyncadd.s32 $0xFFFFC000  }
0x24: {  	s16 =	simm.s32 $0x0;
	s19 =	simm.s32 $0x0;
	_ =	strace $0x9000004E  }
.LBB2_2:
0x25: {  	_ =	strace @p6 $0x8000004F;
	s13 =	sadd.s32 s21, s13;
	s21 =	smov.u32 s12  }
0x26: {  	s12 =	smov.u32 s18;
	s18 =	sadd.s32 $0xFFFFFFFF, s18;
	p0 =	por p3, p3  }
0x27: {  	s28 =	sshll.u32 @p6 s23, $0xB;
	s20 =	sadd.s32 @p6 $0x3, s20;
	s24 =	simm.s32 @!p0 $0x0  }
0x28: {  	s25 =	rddreg [dreg:$0x5];
	s28 =	sand.u32 @p6 $0x1FFFF800, s28;
	s24 =	simm.s32 @p0 $0x1  }
0x29: {  	s25 =	sadd.s32 @p6 s25, s28;
	s28 =	simm.s32 @p6 $0x0;
	p0 =	sne.s32 s18, $0x0  }
0x2a: {  	[hbm4b:s25+s28] =	stream.linear.scatter @p6 [tilespmem:s22], [sflag:s20], $0x4000, $0x200038;
	[tilespmem:$0x8100] =	vst v63  }
0x2b: {  	s20 =	sadd.s32 @!p1 $0x3, s15;
	s15 =	simm.s32 @!p0 $0x0  }
0x2c: {  	s26 =	simm.s32 $0x1;
	[smem:$0x7FC] =	sst s24;
	s15 =	simm.s32 @p0 $0x1  }
0x2d: {  	s26 =	simm.s32 @!p6 $0x0;
	_ =	strace @p6 $0x9000004F;
	[smem:$0x7FD] =	sst s15  }
0x2e: {  	p5 =	por !p5, !p5;
	s19 =	sadd.s32 s26, s19;
	_ =	strace @!p1 $0x80000050  }
0x2f: {  	s24 =	sand.u32 @!p2 $0x1, s13;
	s22 =	sand.u32 @p5 $0x1, s14;
	_ =	swait.ge @!p1 [sflag:s20], $0x4000  }
0x30: {  	s15 =	smov.u32 s24;
	s24 =	sadd.s32 @p5 s4, s17;
	[sflag:s20] =	ssyncset.done @!p1 $0x0  }
0x31: {  	s25 =	sshll.u32 @p5 s22, $0x7;
	s24 =	sshll.u32 @p5 s24, $0x4;
	[sflag:s20] =	ssyncadd.s32 @!p1 $0xFFFFC000  }
0x32: {  	s20 =	sadd.s32 @p5 $0x1, s22;
	s22 =	sand.u32 @p5 $0x1FFFFFF0, s24;
	_ =	strace @!p1 $0x90000050  }
0x33: {  	s24 =	simm.s32 @p5 $0x0;
	s22 =	sadd.s32 @p5 s3, s22;
	_ =	strace @p5 $0x8000004C  }
0x34: {  	[tilespmem:s25], [sflag:s20] =	stream.linear.gather @p5 [hbm4b:s22+s24], $0x80, $0x200038;
	[tilespmem:$0x8100] =	vst v63  }
0x35: {  	s16 =	sadd.s32 s26, s16;
	s26 =	sand.u32 $0x1, s19;
	_ =	strace @p5 $0x9000004C  }
0x36: {  	s24 =	sadd.s32 $0x1, s26;
	_ =	strace $0x8000004D  }
0x37: {  	_ =	swait.ge [sflag:s24], $0x80  }
0x38: {  	[sflag:s24] =	ssyncset.done $0x0  }
0x39: {  	s20 =	simm.s32 $0x1;
	[sflag:s24] =	ssyncadd.s32 $0xFFFFFF80  }
0x3a: {  	s20 =	simm.s32 @!p5 $0x0;
	_ =	strace $0x9000004D  }
0x3b: {  	s14 =	sadd.s32 s20, s14;
	s20 =	sand.u32 $0x1, s16;
	_ =	strace $0x8000004E  }
0x3c: {  	s29 =	sshll.u32 s19, $0x7;
	s25 =	sshll.u32 s20, $0xE;
	s26 =	rddreg [dreg:$0x4]  }
0x3d: {  	s29 =	sand.u32 $0x80, s29;
	s22 =	sor.u32 $0x100, s25;
	s30 =	rddreg [dreg:$0x3]  }
0x3e: {  	[tilespmem:s22], [sflag:$0x5] =	stream.indirect.gather [hbm4b:s30+s26], $0x80, s29, s26, $0x2000b8;
	[tilespmem:$0x8100] =	vst v63  }
0x3f: {  	_ =	swait.ge [sflag:s8], $0x4000  }
0x40: {  	s31 =	sadd.s32 $0x1, s17;
	[sflag:s8] =	ssyncset.done $0x0  }
0x41: {  	s23 =	sadd.s32 s4, s11;
	s11 =	smov.u32 s17;
	[sflag:s8] =	ssyncadd.s32 $0xFFFFC000  }
0x42: {  	p3 =	seq.s32 s31, $0x20;
	s17 =	smov.u32 s31;
	_ =	strace $0x9000004E  }
0x43: {  	s17 =	simm.s32 @p3 $0x0;
	s31 =	sld [smem:$0x7FD]  }
0x44: {  	p6 =	sne.s32 s12, $0x1;
	p0 =	sne.s32 s21, $0x20;
	p3 =	sne.s32 s11, s17  }
0x45: {  	p5 =	por !p6, !p3;
	p6 =	seq.s32 s21, $0x1;
	s21 =	simm.s32 $0x1  }
0x46: {  	s21 =	simm.s32 @!p0 $0x0;
	p0 =	seq.s32 s31, $0x1  }
.Ltmp0:
0x47: {  	s30 =	sld [smem:$0x7FC];
	(pc) =	sbr.rel @p0 .LBB2_2-.Ltmp0, $4  }
0x48: {  	_ = 	snop  }
0x49: {  	p4 =	seq.s32 s12, $0x20  }
0x4a: {  	p1 =	por p2, p2;
	p2 =	por p4, p4;
	p4 =	seq.s32 s30, $0x1  }
0x4b: {  	p6 =	por p6, p4  }
0x4c: {  	_ =	strace @p6 $0x8000004F;
	s23 =	sshll.u32 @p6 s23, $0xB  }
0x4d: {  	s18 =	rddreg [dreg:$0x5];
	s23 =	sand.u32 @p6 $0x1FFFF800, s23  }
0x4e: {  	s20 =	sadd.s32 @p6 $0x3, s20;
	s18 =	sadd.s32 @p6 s18, s23;
	s23 =	simm.s32 @p6 $0x0  }
0x4f: {  	[hbm4b:s18+s23] =	stream.linear.scatter @p6 [tilespmem:s22], [sflag:s20], $0x4000, $0x200038;
	[tilespmem:$0x8100] =	vst v63  }
0x50: {  	p0 =	por !p5, !p5;
	_ =	strace @p6 $0x9000004F  }
0x51: {  	s15 =	sadd.s32 @!p1 $0x3, s15;
	s17 =	sadd.s32 @p0 s4, s17;
	_ =	strace @!p1 $0x80000050  }
0x52: {  	s14 =	sand.u32 @p0 $0x1, s14;
	s17 =	sshll.u32 @p0 s17, $0x4;
	_ =	swait.ge @!p1 [sflag:s15], $0x4000  }
0x53: {  	s18 =	simm.s32 $0x1;
	s20 =	sshll.u32 @p0 s14, $0x7;
	[sflag:s15] =	ssyncset.done @!p1 $0x0  }
0x54: {  	s14 =	sadd.s32 @p0 $0x1, s14;
	s18 =	simm.s32 @!p6 $0x0;
	[sflag:s15] =	ssyncadd.s32 @!p1 $0xFFFFC000  }
0x55: {  	s19 =	sadd.s32 s18, s19;
	s15 =	sand.u32 @p0 $0x1FFFFFF0, s17;
	_ =	strace @!p1 $0x90000050  }
0x56: {  	s17 =	simm.s32 @p0 $0x0;
	s15 =	sadd.s32 @p0 s3, s15;
	_ =	strace @p0 $0x8000004C  }
0x57: {  	[tilespmem:s20], [sflag:s14] =	stream.linear.gather @p0 [hbm4b:s15+s17], $0x80, $0x200038;
	[tilespmem:$0x8100] =	vst v63  }
0x58: {  	s25 =	sand.u32 $0x1, s19;
	_ =	strace @p0 $0x9000004C  }
0x59: {  	s14 =	sadd.s32 $0x1, s25;
	_ =	strace $0x8000004D  }
0x5a: {  	_ =	swait.ge [sflag:s14], $0x80  }
0x5b: {  	[sflag:s14] =	ssyncset.done $0x0  }
0x5c: {  	[sflag:s14] =	ssyncadd.s32 $0xFFFFFF80  }
0x5d: {  	s26 =	sadd.s32 s18, s16;
	_ =	strace $0x9000004D  }
0x5e: {  	s14 =	sand.u32 $0x1, s26;
	_ =	strace $0x8000004E  }
0x5f: {  	s30 =	sshll.u32 s19, $0x7;
	s31 =	sshll.u32 s14, $0xE;
	s28 =	rddreg [dreg:$0x4]  }
0x60: {  	s17 =	sand.u32 $0x80, s30;
	s18 =	sor.u32 $0x100, s31;
	s29 =	rddreg [dreg:$0x3]  }
0x61: {  	[tilespmem:s18], [sflag:$0x5] =	stream.indirect.gather [hbm4b:s29+s28], $0x80, s17, s28, $0x2000b8;
	[tilespmem:$0x8100] =	vst v63  }
0x62: {  	_ =	swait.ge [sflag:s8], $0x4000  }
0x63: {  	[sflag:s8] =	ssyncset.done $0x0  }
0x64: {  	p5 =	por p3, p3;
	p6 =	seq.s32 s12, $0x1;
	[sflag:s8] =	ssyncadd.s32 $0xFFFFC000  }
0x65: {  	s11 =	sadd.s32 s4, s11;
	p0 =	por p6, p5;
	_ =	strace $0x9000004E  }
0x66: {  	s11 =	sshll.u32 @p0 s11, $0xB;
	_ =	strace @p0 $0x8000004F  }
0x67: {  	s13 =	sadd.s32 s21, s13;
	s11 =	sand.u32 @p0 $0x1FFFF800, s11;
	s12 =	rddreg [dreg:$0x5]  }
0x68: {  	s14 =	sadd.s32 @p0 $0x3, s14;
	s11 =	sadd.s32 @p0 s12, s11;
	s12 =	simm.s32 @p0 $0x0  }
0x69: {  	[hbm4b:s11+s12] =	stream.linear.scatter @p0 [tilespmem:s18], [sflag:s14], $0x4000, $0x200038;
	[tilespmem:$0x8100] =	vst v63  }
0x6a: {  	p1 =	por p2, p2;
	s11 =	sand.u32 @!p2 $0x1, s13;
	_ =	strace @p0 $0x9000004F  }
0x6b: {  	s11 =	sadd.s32 @!p1 $0x3, s11;
	_ =	strace @!p1 $0x80000050  }
0x6c: {  	_ =	swait.ge @!p1 [sflag:s11], $0x4000  }
0x6d: {  	[sflag:s11] =	ssyncset.done @!p1 $0x0  }
0x6e: {  	s10 =	sadd.s32 $0x1, s10;
	[sflag:s11] =	ssyncadd.s32 @!p1 $0xFFFFC000  }
0x6f: {  	p0 =	sne.s32 s10, s6;
	_ =	strace @!p1 $0x90000050  }
.Ltmp1:
0x70: {  	_ =	strace $0x80000051;
	(pc) =	sbr.rel @p0 .LBB2_1-.Ltmp1, $4  }
0x71: {  	_ =	swait.ge [sflag:s9], $0x4000  }
0x72: {  	[sflag:s9] =	ssyncset.done $0x0  }
0x73: {  	[sflag:s9] =	ssyncadd.s32 $0xFFFFC000  }
0x74: {  	_ =	strace $0x90000051  }
0x75: {  	_ =	sfence.sel $0x180000  }
0x76: {  	[bflag:$0x0] =	sbarrier.arrive $0xFFFF  }
0x77: {  	p0 =	sne.s32 s2, $0x0;
	_ =	strace $0x9000004A  }
0x78: {  	s0 =	sadd.s32 @!p0 $0x100000, s0;
	[bflag:$0x2] =	sbarrier.arrive $0xFFFF  }
0x79: {  	[sflag:s0] =	ssyncadd.tile.s32 @!p0 $0x1;
	_ =	shalt  }
.Lfunc_end2:
_tile_overlayer_lowered:
.L_overlay_start_2:
0x7a: {  	(tag) =	ssettag $0x2  }
0x7b: {  	s0 =	rddreg [dreg:$0x0];
	s2 =	stileid.u32  }
0x7c: {  	s1 =	rddreg [dreg:$0x1];
	p0 =	sne.s32 s2, $0x0  }
0x7d: {  	s3 =	rddreg [dreg:$0x2];
	[bflag:$0x3] =	sbarrier.arrive $0xFFFF;
	s2 =	simm.s32 @!p0 $0x1C01  }
0x7e: {  	[timem:s3], [sflag:s2] =	dma.local @!p0 [hbm:s0], s1  }
0x7f: {  	s0 =	simm.s32 @!p0 $0x1  }
0x80: {  	_ =	swait.ge @!p0 [sflag:s0], s1  }
0x81: {  	s1 =	ssub.s32 @!p0 $0x0, s1;
	[sflag:s0] =	ssyncset.done @!p0 $0x0  }
0x82: {  	[sflag:s0] =	ssyncadd.s32 @!p0 s1  }
0x83: {  	[bflag:$0x3] =	sbarrier.arrive $0xFFFF  }
0x84: {  	_ =	shalt  }

</sc_bundles>
